<compile_context>
chip_gen: v7x
topology: tpu7x:2x2x1
jax: 0.10.2.dev20260603
libtpu: 0.0.44.dev20260713+nightly
codegen_flags: <defaults>
</compile_context>

<pallas_src>
import jax
import jax.numpy as jnp
from jax import lax
from jax.experimental import pallas as pl
from jax.experimental.pallas import tpu as pltpu
from jax.experimental.pallas import tpu_sc as plsc

N_V = 1000
N_D = 64
BATCH = 4096
HIST = 200

NC = 2
NS = 16
NW = NC * NS
L = 16

B_TOTAL = BATCH * HIST
ROWS_PER_W = B_TOTAL // NW
GROUP = 256
N_GROUPS = ROWS_PER_W // GROUP
BLOCKS = GROUP // L
GROUP_WORDS = GROUP * N_D
CHUNKS_PER_GROUP = GROUP // 128

T_STRIDE = 8 * 32 * 8 * 128
CH_STRIDE = 32 * 8 * 128
BH_STRIDE = 8 * 128
SG_CH = CHUNKS_PER_GROUP * 8 * 128
SG_BH = 8 * 128


def _embed_body(idx_hbm, table_hbm, out_hbm, idx_v, table_v, rows_v, wsems):
  wid = lax.axis_index("s") * NC + lax.axis_index("c")
  p_base = wid * (ROWS_PER_W // 128)

  pltpu.sync_copy(table_hbm, table_v)
  pltpu.sync_copy(idx_hbm.at[pl.ds(wid * ROWS_PER_W, ROWS_PER_W)], idx_v)

  lanes = lax.iota(jnp.int32, L)
  diag = [(lanes + d) & (L - 1) for d in range(L)]
  sgoff = [((diag[d] >> 3) * SG_CH) + ((diag[d] & 7) * 128) + lanes
           for d in range(L)]

  def hbm_off(g, ch):
    p0 = p_base + g * CHUNKS_PER_GROUP
    t = p0 >> 5
    bh0 = p0 & 31
    return t * T_STRIDE + ch * CH_STRIDE + bh0 * BH_STRIDE

  def write_group(g, pg):
    for ch in range(8):
      pltpu.async_copy(
          rows_v.at[pl.ds(pg * GROUP_WORDS + ch * SG_CH, SG_CH)],
          out_hbm.at[pl.ds(hbm_off(g, ch), SG_CH)],
          wsems.at[pg])

  def wait_group(g, pg):
    for ch in range(8):
      pltpu.make_async_copy(
          rows_v.at[pl.ds(pg * GROUP_WORDS + ch * SG_CH, SG_CH)],
          out_hbm.at[pl.ds(hbm_off(g, ch), SG_CH)],
          wsems.at[pg]).wait()

  def expand_group(g, pg):
    pg_words = pg * GROUP_WORDS

    @plsc.parallel_loop(0, BLOCKS, unroll=8)
    def _(i):
      v = idx_v[pl.ds(g * GROUP + i * L, L)]
      src_base = v * N_D
      dst_base = pg_words + (i >> 3) * SG_BH + (i & 7) * L
      for bc in range(N_D // L):
        for d in range(L):
          col = plsc.load_gather(table_v, [src_base + (diag[d] + bc * L)])
          plsc.store_scatter(
              rows_v, [sgoff[d] + (dst_base + bc * 2 * SG_CH)], col)

  @pl.loop(0, N_GROUPS)
  def _(g):
    pg = lax.rem(g, 2)

    @pl.when(g >= 2)
    def _():
      wait_group(g - 2, pg)

    expand_group(g, pg)
    write_group(g, pg)

  for g in (N_GROUPS - 2, N_GROUPS - 1):
    wait_group(g, g % 2)


@jax.jit
def kernel(input_, W):
  idx_t = input_.T.reshape(B_TOTAL)
  table_flat = W.reshape(N_V * N_D)
  run = pl.kernel(
      _embed_body,
      out_type=jax.ShapeDtypeStruct((B_TOTAL * N_D,), jnp.float32),
      mesh=plsc.VectorSubcoreMesh(core_axis_name="c", subcore_axis_name="s"),
      scratch_types=[
          pltpu.VMEM((ROWS_PER_W,), jnp.int32),
          pltpu.VMEM((N_V * N_D,), jnp.float32),
          pltpu.VMEM((2 * GROUP_WORDS,), jnp.float32),
          pltpu.SemaphoreType.DMA((2,)),
      ],
      compiler_params=pltpu.CompilerParams(
          use_tc_tiling_on_sc=False, needs_layout_passes=False,
          disable_bounds_checks=True),
  )
  out = run(idx_t, table_flat)
  a = out.reshape(HIST, 8, 32, 8, 128)
  return a.transpose(2, 4, 0, 1, 3).reshape(BATCH, HIST, N_D)

# --- scband reference (transcript-rebuilt; emitter-appended) ---
"""Pipeline reference for scband-embed-61263413510343 (READ-ONLY COPY).

The authoritative reference and input builder live on the scoring server;
editing this copy changes nothing except your own understanding.
"""

import jax, jax.numpy as jnp
import numpy as np

N_V = 1000   # len(word2id)
N_D = 64     # n_d
PAD_ID = 1   # word2id['<pad>']
BATCH = 4096
HIST = 200


def setup_inputs(seed: int = 0) -> dict:
    key = jax.random.key(seed)
    k1, k2 = jax.random.split(key)
    # nn.Embedding weight: uniform_(-0.25, 0.25) applied to the FULL table
    # (this overwrites the zeroed padding row, matching the torch module).
    W = jax.random.uniform(k1, (N_V, N_D), dtype=jnp.float32, minval=-0.25, maxval=0.25)
    # normalize=True: divide each row by its L2 norm
    norms = jnp.sqrt(jnp.sum(W * W, axis=1, keepdims=True))
    W = W / norms
    input_ = jax.random.randint(k2, (BATCH, HIST), 0, N_V, dtype=jnp.int32)
    return {"input_": input_, "W": W}


def reference(input_, W):
    # forward: self.embedding(input_) -> row gather from the table
    return jnp.take(W, input_, axis=0)

if __name__ == "__main__":
    import jax
    _d = setup_inputs()
    print(jax.jit(kernel)(*tuple(_d.values())))

</pallas_src>

<mosaic_0001>
#map = affine_map<(d0, d1) -> (0)>
module attributes {stable_mosaic.version = 14 : i64} {
  func.func @_embed_body(%arg0: i32, %arg1: i32, %arg2: memref<819200xi32, #tpu.memory_space<hbm>>, %arg3: memref<64000xf32, #tpu.memory_space<hbm>>, %arg4: memref<52428800xf32, #tpu.memory_space<hbm>>, %arg5: memref<25600xi32, #tpu.memory_space<vmem>>, %arg6: memref<64000xf32, #tpu.memory_space<vmem>>, %arg7: memref<32768xf32, #tpu.memory_space<vmem>>, %arg8: memref<2x!tpu.dma_semaphore, #tpu.memory_space<semaphore_mem>>) attributes {dimension_semantics = [#tpu.dimension_semantics<core_parallel>, #tpu.dimension_semantics<subcore_parallel>], iteration_bounds = array<i64: 2, 16>, scalar_prefetch = 0 : i64, scratch_operands = 4 : i64, tpu.core_type = #tpu.core_type<sc_vector_subcore>, window_params = [{transform_indices = #map}, {transform_indices = #map}, {transform_indices = #map}]} {
    %mul3A = arith.constant 2 : i32
    %mul3A_0 = arith.muli %arg1, %mul3A : i32
    %add3A = arith.addi %mul3A_0, %arg0 : i32
    %mul3A_1 = arith.constant 200 : i32
    %mul3A_2 = arith.muli %add3A, %mul3A_1 : i32
    "tpu.region"() ({
      %run_scoped3A = tpu.sem_alloc : memref<!tpu.dma_semaphore, #tpu.memory_space<semaphore_mem>>
      tpu.enqueue_dma source(%arg3 : memref<64000xf32, #tpu.memory_space<hbm>>) target(%arg6 : memref<64000xf32, #tpu.memory_space<vmem>>) target_semaphore(%run_scoped3A : memref<!tpu.dma_semaphore, #tpu.memory_space<semaphore_mem>>)
      tpu.wait_dma2 semaphore(%run_scoped3A : memref<!tpu.dma_semaphore, #tpu.memory_space<semaphore_mem>>) src(%arg3 : memref<64000xf32, #tpu.memory_space<hbm>>) dst(%arg6 : memref<64000xf32, #tpu.memory_space<vmem>>)
      tpu.yield
    }) : () -> ()
    %mul3A_3 = arith.constant 25600 : i32
    %mul3A_4 = arith.muli %add3A, %mul3A_3 : i32
    "tpu.region"() ({
      %run_scoped3A = tpu.sem_alloc : memref<!tpu.dma_semaphore, #tpu.memory_space<semaphore_mem>>
      %dma_start3A = tpu.memref_slice %arg2[%mul3A_4] : memref<819200xi32, #tpu.memory_space<hbm>> -> memref<25600xi32, #tpu.memory_space<hbm>>
      %dma_start3A_678 = tpu.memref_slice %arg2[%mul3A_4] : memref<819200xi32, #tpu.memory_space<hbm>> -> memref<25600xi32, #tpu.memory_space<hbm>>
      tpu.enqueue_dma source(%dma_start3A_678 : memref<25600xi32, #tpu.memory_space<hbm>>) target(%arg5 : memref<25600xi32, #tpu.memory_space<vmem>>) target_semaphore(%run_scoped3A : memref<!tpu.dma_semaphore, #tpu.memory_space<semaphore_mem>>)
      %dma_wait3A_679 = tpu.memref_slice %arg2[%mul3A_4] : memref<819200xi32, #tpu.memory_space<hbm>> -> memref<25600xi32, #tpu.memory_space<hbm>>
      %dma_wait3A_680 = tpu.memref_slice %arg2[%mul3A_4] : memref<819200xi32, #tpu.memory_space<hbm>> -> memref<25600xi32, #tpu.memory_space<hbm>>
      tpu.wait_dma2 semaphore(%run_scoped3A : memref<!tpu.dma_semaphore, #tpu.memory_space<semaphore_mem>>) src(%dma_wait3A_680 : memref<25600xi32, #tpu.memory_space<hbm>>) dst(%arg5 : memref<25600xi32, #tpu.memory_space<vmem>>)
      tpu.yield
    }) : () -> ()
    %iota3A = tpu.iota {dimensions = array<i32: 0>} : vector<16xi32>
    %add3A_5 = arith.constant 0 : i32
    %add3A_6 = vector.broadcast %add3A_5 : i32 to vector<16xi32>
    %add3A_7 = arith.addi %iota3A, %add3A_6 : vector<16xi32>
    %and3A = arith.constant 15 : i32
    %and3A_8 = vector.broadcast %and3A : i32 to vector<16xi32>
    %and3A_9 = arith.andi %add3A_7, %and3A_8 : vector<16xi32>
    %add3A_10 = arith.constant 1 : i32
    %add3A_11 = vector.broadcast %add3A_10 : i32 to vector<16xi32>
    %add3A_12 = arith.addi %iota3A, %add3A_11 : vector<16xi32>
    %and3A_13 = arith.constant 15 : i32
    %and3A_14 = vector.broadcast %and3A_13 : i32 to vector<16xi32>
    %and3A_15 = arith.andi %add3A_12, %and3A_14 : vector<16xi32>
    %add3A_16 = arith.constant 2 : i32
    %add3A_17 = vector.broadcast %add3A_16 : i32 to vector<16xi32>
    %add3A_18 = arith.addi %iota3A, %add3A_17 : vector<16xi32>
    %and3A_19 = arith.constant 15 : i32
    %and3A_20 = vector.broadcast %and3A_19 : i32 to vector<16xi32>
    %and3A_21 = arith.andi %add3A_18, %and3A_20 : vector<16xi32>
    %add3A_22 = arith.constant 3 : i32
    %add3A_23 = vector.broadcast %add3A_22 : i32 to vector<16xi32>
    %add3A_24 = arith.addi %iota3A, %add3A_23 : vector<16xi32>
    %and3A_25 = arith.constant 15 : i32
    %and3A_26 = vector.broadcast %and3A_25 : i32 to vector<16xi32>
    %and3A_27 = arith.andi %add3A_24, %and3A_26 : vector<16xi32>
    %add3A_28 = arith.constant 4 : i32
    %add3A_29 = vector.broadcast %add3A_28 : i32 to vector<16xi32>
    %add3A_30 = arith.addi %iota3A, %add3A_29 : vector<16xi32>
    %and3A_31 = arith.constant 15 : i32
    %and3A_32 = vector.broadcast %and3A_31 : i32 to vector<16xi32>
    %and3A_33 = arith.andi %add3A_30, %and3A_32 : vector<16xi32>
    %add3A_34 = arith.constant 5 : i32
    %add3A_35 = vector.broadcast %add3A_34 : i32 to vector<16xi32>
    %add3A_36 = arith.addi %iota3A, %add3A_35 : vector<16xi32>
    %and3A_37 = arith.constant 15 : i32
    %and3A_38 = vector.broadcast %and3A_37 : i32 to vector<16xi32>
    %and3A_39 = arith.andi %add3A_36, %and3A_38 : vector<16xi32>
    %add3A_40 = arith.constant 6 : i32
    %add3A_41 = vector.broadcast %add3A_40 : i32 to vector<16xi32>
    %add3A_42 = arith.addi %iota3A, %add3A_41 : vector<16xi32>
    %and3A_43 = arith.constant 15 : i32
    %and3A_44 = vector.broadcast %and3A_43 : i32 to vector<16xi32>
    %and3A_45 = arith.andi %add3A_42, %and3A_44 : vector<16xi32>
    %add3A_46 = arith.constant 7 : i32
    %add3A_47 = vector.broadcast %add3A_46 : i32 to vector<16xi32>
    %add3A_48 = arith.addi %iota3A, %add3A_47 : vector<16xi32>
    %and3A_49 = arith.constant 15 : i32
    %and3A_50 = vector.broadcast %and3A_49 : i32 to vector<16xi32>
    %and3A_51 = arith.andi %add3A_48, %and3A_50 : vector<16xi32>
    %add3A_52 = arith.constant 8 : i32
    %add3A_53 = vector.broadcast %add3A_52 : i32 to vector<16xi32>
    %add3A_54 = arith.addi %iota3A, %add3A_53 : vector<16xi32>
    %and3A_55 = arith.constant 15 : i32
    %and3A_56 = vector.broadcast %and3A_55 : i32 to vector<16xi32>
    %and3A_57 = arith.andi %add3A_54, %and3A_56 : vector<16xi32>
    %add3A_58 = arith.constant 9 : i32
    %add3A_59 = vector.broadcast %add3A_58 : i32 to vector<16xi32>
    %add3A_60 = arith.addi %iota3A, %add3A_59 : vector<16xi32>
    %and3A_61 = arith.constant 15 : i32
    %and3A_62 = vector.broadcast %and3A_61 : i32 to vector<16xi32>
    %and3A_63 = arith.andi %add3A_60, %and3A_62 : vector<16xi32>
    %add3A_64 = arith.constant 10 : i32
    %add3A_65 = vector.broadcast %add3A_64 : i32 to vector<16xi32>
    %add3A_66 = arith.addi %iota3A, %add3A_65 : vector<16xi32>
    %and3A_67 = arith.constant 15 : i32
    %and3A_68 = vector.broadcast %and3A_67 : i32 to vector<16xi32>
    %and3A_69 = arith.andi %add3A_66, %and3A_68 : vector<16xi32>
    %add3A_70 = arith.constant 11 : i32
    %add3A_71 = vector.broadcast %add3A_70 : i32 to vector<16xi32>
    %add3A_72 = arith.addi %iota3A, %add3A_71 : vector<16xi32>
    %and3A_73 = arith.constant 15 : i32
    %and3A_74 = vector.broadcast %and3A_73 : i32 to vector<16xi32>
    %and3A_75 = arith.andi %add3A_72, %and3A_74 : vector<16xi32>
    %add3A_76 = arith.constant 12 : i32
    %add3A_77 = vector.broadcast %add3A_76 : i32 to vector<16xi32>
    %add3A_78 = arith.addi %iota3A, %add3A_77 : vector<16xi32>
    %and3A_79 = arith.constant 15 : i32
    %and3A_80 = vector.broadcast %and3A_79 : i32 to vector<16xi32>
    %and3A_81 = arith.andi %add3A_78, %and3A_80 : vector<16xi32>
    %add3A_82 = arith.constant 13 : i32
    %add3A_83 = vector.broadcast %add3A_82 : i32 to vector<16xi32>
    %add3A_84 = arith.addi %iota3A, %add3A_83 : vector<16xi32>
    %and3A_85 = arith.constant 15 : i32
    %and3A_86 = vector.broadcast %and3A_85 : i32 to vector<16xi32>
    %and3A_87 = arith.andi %add3A_84, %and3A_86 : vector<16xi32>
    %add3A_88 = arith.constant 14 : i32
    %add3A_89 = vector.broadcast %add3A_88 : i32 to vector<16xi32>
    %add3A_90 = arith.addi %iota3A, %add3A_89 : vector<16xi32>
    %and3A_91 = arith.constant 15 : i32
    %and3A_92 = vector.broadcast %and3A_91 : i32 to vector<16xi32>
    %and3A_93 = arith.andi %add3A_90, %and3A_92 : vector<16xi32>
    %add3A_94 = arith.constant 15 : i32
    %add3A_95 = vector.broadcast %add3A_94 : i32 to vector<16xi32>
    %add3A_96 = arith.addi %iota3A, %add3A_95 : vector<16xi32>
    %and3A_97 = arith.constant 15 : i32
    %and3A_98 = vector.broadcast %and3A_97 : i32 to vector<16xi32>
    %and3A_99 = arith.andi %add3A_96, %and3A_98 : vector<16xi32>
    %shift_right_arithmetic3A = arith.constant 3 : i32
    %shift_right_arithmetic3A_100 = vector.broadcast %shift_right_arithmetic3A : i32 to vector<16xi32>
    %shift_right_arithmetic3A_101 = arith.shrsi %and3A_9, %shift_right_arithmetic3A_100 : vector<16xi32>
    %mul3A_102 = arith.constant 2048 : i32
    %mul3A_103 = vector.broadcast %mul3A_102 : i32 to vector<16xi32>
    %mul3A_104 = arith.muli %shift_right_arithmetic3A_101, %mul3A_103 : vector<16xi32>
    %and3A_105 = arith.constant 7 : i32
    %and3A_106 = vector.broadcast %and3A_105 : i32 to vector<16xi32>
    %and3A_107 = arith.andi %and3A_9, %and3A_106 : vector<16xi32>
    %mul3A_108 = arith.constant 128 : i32
    %mul3A_109 = vector.broadcast %mul3A_108 : i32 to vector<16xi32>
    %mul3A_110 = arith.muli %and3A_107, %mul3A_109 : vector<16xi32>
    %add3A_111 = arith.addi %mul3A_104, %mul3A_110 : vector<16xi32>
    %add3A_112 = arith.addi %add3A_111, %iota3A : vector<16xi32>
    %shift_right_arithmetic3A_113 = arith.constant 3 : i32
    %shift_right_arithmetic3A_114 = vector.broadcast %shift_right_arithmetic3A_113 : i32 to vector<16xi32>
    %shift_right_arithmetic3A_115 = arith.shrsi %and3A_15, %shift_right_arithmetic3A_114 : vector<16xi32>
    %mul3A_116 = arith.constant 2048 : i32
    %mul3A_117 = vector.broadcast %mul3A_116 : i32 to vector<16xi32>
    %mul3A_118 = arith.muli %shift_right_arithmetic3A_115, %mul3A_117 : vector<16xi32>
    %and3A_119 = arith.constant 7 : i32
    %and3A_120 = vector.broadcast %and3A_119 : i32 to vector<16xi32>
    %and3A_121 = arith.andi %and3A_15, %and3A_120 : vector<16xi32>
    %mul3A_122 = arith.constant 128 : i32
    %mul3A_123 = vector.broadcast %mul3A_122 : i32 to vector<16xi32>
    %mul3A_124 = arith.muli %and3A_121, %mul3A_123 : vector<16xi32>
    %add3A_125 = arith.addi %mul3A_118, %mul3A_124 : vector<16xi32>
    %add3A_126 = arith.addi %add3A_125, %iota3A : vector<16xi32>
    %shift_right_arithmetic3A_127 = arith.constant 3 : i32
    %shift_right_arithmetic3A_128 = vector.broadcast %shift_right_arithmetic3A_127 : i32 to vector<16xi32>
    %shift_right_arithmetic3A_129 = arith.shrsi %and3A_21, %shift_right_arithmetic3A_128 : vector<16xi32>
    %mul3A_130 = arith.constant 2048 : i32
    %mul3A_131 = vector.broadcast %mul3A_130 : i32 to vector<16xi32>
    %mul3A_132 = arith.muli %shift_right_arithmetic3A_129, %mul3A_131 : vector<16xi32>
    %and3A_133 = arith.constant 7 : i32
    %and3A_134 = vector.broadcast %and3A_133 : i32 to vector<16xi32>
    %and3A_135 = arith.andi %and3A_21, %and3A_134 : vector<16xi32>
    %mul3A_136 = arith.constant 128 : i32
    %mul3A_137 = vector.broadcast %mul3A_136 : i32 to vector<16xi32>
    %mul3A_138 = arith.muli %and3A_135, %mul3A_137 : vector<16xi32>
    %add3A_139 = arith.addi %mul3A_132, %mul3A_138 : vector<16xi32>
    %add3A_140 = arith.addi %add3A_139, %iota3A : vector<16xi32>
    %shift_right_arithmetic3A_141 = arith.constant 3 : i32
    %shift_right_arithmetic3A_142 = vector.broadcast %shift_right_arithmetic3A_141 : i32 to vector<16xi32>
    %shift_right_arithmetic3A_143 = arith.shrsi %and3A_27, %shift_right_arithmetic3A_142 : vector<16xi32>
    %mul3A_144 = arith.constant 2048 : i32
    %mul3A_145 = vector.broadcast %mul3A_144 : i32 to vector<16xi32>
    %mul3A_146 = arith.muli %shift_right_arithmetic3A_143, %mul3A_145 : vector<16xi32>
    %and3A_147 = arith.constant 7 : i32
    %and3A_148 = vector.broadcast %and3A_147 : i32 to vector<16xi32>
    %and3A_149 = arith.andi %and3A_27, %and3A_148 : vector<16xi32>
    %mul3A_150 = arith.constant 128 : i32
    %mul3A_151 = vector.broadcast %mul3A_150 : i32 to vector<16xi32>
    %mul3A_152 = arith.muli %and3A_149, %mul3A_151 : vector<16xi32>
    %add3A_153 = arith.addi %mul3A_146, %mul3A_152 : vector<16xi32>
    %add3A_154 = arith.addi %add3A_153, %iota3A : vector<16xi32>
    %shift_right_arithmetic3A_155 = arith.constant 3 : i32
    %shift_right_arithmetic3A_156 = vector.broadcast %shift_right_arithmetic3A_155 : i32 to vector<16xi32>
    %shift_right_arithmetic3A_157 = arith.shrsi %and3A_33, %shift_right_arithmetic3A_156 : vector<16xi32>
    %mul3A_158 = arith.constant 2048 : i32
    %mul3A_159 = vector.broadcast %mul3A_158 : i32 to vector<16xi32>
    %mul3A_160 = arith.muli %shift_right_arithmetic3A_157, %mul3A_159 : vector<16xi32>
    %and3A_161 = arith.constant 7 : i32
    %and3A_162 = vector.broadcast %and3A_161 : i32 to vector<16xi32>
    %and3A_163 = arith.andi %and3A_33, %and3A_162 : vector<16xi32>
    %mul3A_164 = arith.constant 128 : i32
    %mul3A_165 = vector.broadcast %mul3A_164 : i32 to vector<16xi32>
    %mul3A_166 = arith.muli %and3A_163, %mul3A_165 : vector<16xi32>
    %add3A_167 = arith.addi %mul3A_160, %mul3A_166 : vector<16xi32>
    %add3A_168 = arith.addi %add3A_167, %iota3A : vector<16xi32>
    %shift_right_arithmetic3A_169 = arith.constant 3 : i32
    %shift_right_arithmetic3A_170 = vector.broadcast %shift_right_arithmetic3A_169 : i32 to vector<16xi32>
    %shift_right_arithmetic3A_171 = arith.shrsi %and3A_39, %shift_right_arithmetic3A_170 : vector<16xi32>
    %mul3A_172 = arith.constant 2048 : i32
    %mul3A_173 = vector.broadcast %mul3A_172 : i32 to vector<16xi32>
    %mul3A_174 = arith.muli %shift_right_arithmetic3A_171, %mul3A_173 : vector<16xi32>
    %and3A_175 = arith.constant 7 : i32
    %and3A_176 = vector.broadcast %and3A_175 : i32 to vector<16xi32>
    %and3A_177 = arith.andi %and3A_39, %and3A_176 : vector<16xi32>
    %mul3A_178 = arith.constant 128 : i32
    %mul3A_179 = vector.broadcast %mul3A_178 : i32 to vector<16xi32>
    %mul3A_180 = arith.muli %and3A_177, %mul3A_179 : vector<16xi32>
    %add3A_181 = arith.addi %mul3A_174, %mul3A_180 : vector<16xi32>
    %add3A_182 = arith.addi %add3A_181, %iota3A : vector<16xi32>
    %shift_right_arithmetic3A_183 = arith.constant 3 : i32
    %shift_right_arithmetic3A_184 = vector.broadcast %shift_right_arithmetic3A_183 : i32 to vector<16xi32>
    %shift_right_arithmetic3A_185 = arith.shrsi %and3A_45, %shift_right_arithmetic3A_184 : vector<16xi32>
    %mul3A_186 = arith.constant 2048 : i32
    %mul3A_187 = vector.broadcast %mul3A_186 : i32 to vector<16xi32>
    %mul3A_188 = arith.muli %shift_right_arithmetic3A_185, %mul3A_187 : vector<16xi32>
    %and3A_189 = arith.constant 7 : i32
    %and3A_190 = vector.broadcast %and3A_189 : i32 to vector<16xi32>
    %and3A_191 = arith.andi %and3A_45, %and3A_190 : vector<16xi32>
    %mul3A_192 = arith.constant 128 : i32
    %mul3A_193 = vector.broadcast %mul3A_192 : i32 to vector<16xi32>
    %mul3A_194 = arith.muli %and3A_191, %mul3A_193 : vector<16xi32>
    %add3A_195 = arith.addi %mul3A_188, %mul3A_194 : vector<16xi32>
    %add3A_196 = arith.addi %add3A_195, %iota3A : vector<16xi32>
    %shift_right_arithmetic3A_197 = arith.constant 3 : i32
    %shift_right_arithmetic3A_198 = vector.broadcast %shift_right_arithmetic3A_197 : i32 to vector<16xi32>
    %shift_right_arithmetic3A_199 = arith.shrsi %and3A_51, %shift_right_arithmetic3A_198 : vector<16xi32>
    %mul3A_200 = arith.constant 2048 : i32
    %mul3A_201 = vector.broadcast %mul3A_200 : i32 to vector<16xi32>
    %mul3A_202 = arith.muli %shift_right_arithmetic3A_199, %mul3A_201 : vector<16xi32>
    %and3A_203 = arith.constant 7 : i32
    %and3A_204 = vector.broadcast %and3A_203 : i32 to vector<16xi32>
    %and3A_205 = arith.andi %and3A_51, %and3A_204 : vector<16xi32>
    %mul3A_206 = arith.constant 128 : i32
    %mul3A_207 = vector.broadcast %mul3A_206 : i32 to vector<16xi32>
    %mul3A_208 = arith.muli %and3A_205, %mul3A_207 : vector<16xi32>
    %add3A_209 = arith.addi %mul3A_202, %mul3A_208 : vector<16xi32>
    %add3A_210 = arith.addi %add3A_209, %iota3A : vector<16xi32>
    %shift_right_arithmetic3A_211 = arith.constant 3 : i32
    %shift_right_arithmetic3A_212 = vector.broadcast %shift_right_arithmetic3A_211 : i32 to vector<16xi32>
    %shift_right_arithmetic3A_213 = arith.shrsi %and3A_57, %shift_right_arithmetic3A_212 : vector<16xi32>
    %mul3A_214 = arith.constant 2048 : i32
    %mul3A_215 = vector.broadcast %mul3A_214 : i32 to vector<16xi32>
    %mul3A_216 = arith.muli %shift_right_arithmetic3A_213, %mul3A_215 : vector<16xi32>
    %and3A_217 = arith.constant 7 : i32
    %and3A_218 = vector.broadcast %and3A_217 : i32 to vector<16xi32>
    %and3A_219 = arith.andi %and3A_57, %and3A_218 : vector<16xi32>
    %mul3A_220 = arith.constant 128 : i32
    %mul3A_221 = vector.broadcast %mul3A_220 : i32 to vector<16xi32>
    %mul3A_222 = arith.muli %and3A_219, %mul3A_221 : vector<16xi32>
    %add3A_223 = arith.addi %mul3A_216, %mul3A_222 : vector<16xi32>
    %add3A_224 = arith.addi %add3A_223, %iota3A : vector<16xi32>
    %shift_right_arithmetic3A_225 = arith.constant 3 : i32
    %shift_right_arithmetic3A_226 = vector.broadcast %shift_right_arithmetic3A_225 : i32 to vector<16xi32>
    %shift_right_arithmetic3A_227 = arith.shrsi %and3A_63, %shift_right_arithmetic3A_226 : vector<16xi32>
    %mul3A_228 = arith.constant 2048 : i32
    %mul3A_229 = vector.broadcast %mul3A_228 : i32 to vector<16xi32>
    %mul3A_230 = arith.muli %shift_right_arithmetic3A_227, %mul3A_229 : vector<16xi32>
    %and3A_231 = arith.constant 7 : i32
    %and3A_232 = vector.broadcast %and3A_231 : i32 to vector<16xi32>
    %and3A_233 = arith.andi %and3A_63, %and3A_232 : vector<16xi32>
    %mul3A_234 = arith.constant 128 : i32
    %mul3A_235 = vector.broadcast %mul3A_234 : i32 to vector<16xi32>
    %mul3A_236 = arith.muli %and3A_233, %mul3A_235 : vector<16xi32>
    %add3A_237 = arith.addi %mul3A_230, %mul3A_236 : vector<16xi32>
    %add3A_238 = arith.addi %add3A_237, %iota3A : vector<16xi32>
    %shift_right_arithmetic3A_239 = arith.constant 3 : i32
    %shift_right_arithmetic3A_240 = vector.broadcast %shift_right_arithmetic3A_239 : i32 to vector<16xi32>
    %shift_right_arithmetic3A_241 = arith.shrsi %and3A_69, %shift_right_arithmetic3A_240 : vector<16xi32>
    %mul3A_242 = arith.constant 2048 : i32
    %mul3A_243 = vector.broadcast %mul3A_242 : i32 to vector<16xi32>
    %mul3A_244 = arith.muli %shift_right_arithmetic3A_241, %mul3A_243 : vector<16xi32>
    %and3A_245 = arith.constant 7 : i32
    %and3A_246 = vector.broadcast %and3A_245 : i32 to vector<16xi32>
    %and3A_247 = arith.andi %and3A_69, %and3A_246 : vector<16xi32>
    %mul3A_248 = arith.constant 128 : i32
    %mul3A_249 = vector.broadcast %mul3A_248 : i32 to vector<16xi32>
    %mul3A_250 = arith.muli %and3A_247, %mul3A_249 : vector<16xi32>
    %add3A_251 = arith.addi %mul3A_244, %mul3A_250 : vector<16xi32>
    %add3A_252 = arith.addi %add3A_251, %iota3A : vector<16xi32>
    %shift_right_arithmetic3A_253 = arith.constant 3 : i32
    %shift_right_arithmetic3A_254 = vector.broadcast %shift_right_arithmetic3A_253 : i32 to vector<16xi32>
    %shift_right_arithmetic3A_255 = arith.shrsi %and3A_75, %shift_right_arithmetic3A_254 : vector<16xi32>
    %mul3A_256 = arith.constant 2048 : i32
    %mul3A_257 = vector.broadcast %mul3A_256 : i32 to vector<16xi32>
    %mul3A_258 = arith.muli %shift_right_arithmetic3A_255, %mul3A_257 : vector<16xi32>
    %and3A_259 = arith.constant 7 : i32
    %and3A_260 = vector.broadcast %and3A_259 : i32 to vector<16xi32>
    %and3A_261 = arith.andi %and3A_75, %and3A_260 : vector<16xi32>
    %mul3A_262 = arith.constant 128 : i32
    %mul3A_263 = vector.broadcast %mul3A_262 : i32 to vector<16xi32>
    %mul3A_264 = arith.muli %and3A_261, %mul3A_263 : vector<16xi32>
    %add3A_265 = arith.addi %mul3A_258, %mul3A_264 : vector<16xi32>
    %add3A_266 = arith.addi %add3A_265, %iota3A : vector<16xi32>
    %shift_right_arithmetic3A_267 = arith.constant 3 : i32
    %shift_right_arithmetic3A_268 = vector.broadcast %shift_right_arithmetic3A_267 : i32 to vector<16xi32>
    %shift_right_arithmetic3A_269 = arith.shrsi %and3A_81, %shift_right_arithmetic3A_268 : vector<16xi32>
    %mul3A_270 = arith.constant 2048 : i32
    %mul3A_271 = vector.broadcast %mul3A_270 : i32 to vector<16xi32>
    %mul3A_272 = arith.muli %shift_right_arithmetic3A_269, %mul3A_271 : vector<16xi32>
    %and3A_273 = arith.constant 7 : i32
    %and3A_274 = vector.broadcast %and3A_273 : i32 to vector<16xi32>
    %and3A_275 = arith.andi %and3A_81, %and3A_274 : vector<16xi32>
    %mul3A_276 = arith.constant 128 : i32
    %mul3A_277 = vector.broadcast %mul3A_276 : i32 to vector<16xi32>
    %mul3A_278 = arith.muli %and3A_275, %mul3A_277 : vector<16xi32>
    %add3A_279 = arith.addi %mul3A_272, %mul3A_278 : vector<16xi32>
    %add3A_280 = arith.addi %add3A_279, %iota3A : vector<16xi32>
    %shift_right_arithmetic3A_281 = arith.constant 3 : i32
    %shift_right_arithmetic3A_282 = vector.broadcast %shift_right_arithmetic3A_281 : i32 to vector<16xi32>
    %shift_right_arithmetic3A_283 = arith.shrsi %and3A_87, %shift_right_arithmetic3A_282 : vector<16xi32>
    %mul3A_284 = arith.constant 2048 : i32
    %mul3A_285 = vector.broadcast %mul3A_284 : i32 to vector<16xi32>
    %mul3A_286 = arith.muli %shift_right_arithmetic3A_283, %mul3A_285 : vector<16xi32>
    %and3A_287 = arith.constant 7 : i32
    %and3A_288 = vector.broadcast %and3A_287 : i32 to vector<16xi32>
    %and3A_289 = arith.andi %and3A_87, %and3A_288 : vector<16xi32>
    %mul3A_290 = arith.constant 128 : i32
    %mul3A_291 = vector.broadcast %mul3A_290 : i32 to vector<16xi32>
    %mul3A_292 = arith.muli %and3A_289, %mul3A_291 : vector<16xi32>
    %add3A_293 = arith.addi %mul3A_286, %mul3A_292 : vector<16xi32>
    %add3A_294 = arith.addi %add3A_293, %iota3A : vector<16xi32>
    %shift_right_arithmetic3A_295 = arith.constant 3 : i32
    %shift_right_arithmetic3A_296 = vector.broadcast %shift_right_arithmetic3A_295 : i32 to vector<16xi32>
    %shift_right_arithmetic3A_297 = arith.shrsi %and3A_93, %shift_right_arithmetic3A_296 : vector<16xi32>
    %mul3A_298 = arith.constant 2048 : i32
    %mul3A_299 = vector.broadcast %mul3A_298 : i32 to vector<16xi32>
    %mul3A_300 = arith.muli %shift_right_arithmetic3A_297, %mul3A_299 : vector<16xi32>
    %and3A_301 = arith.constant 7 : i32
    %and3A_302 = vector.broadcast %and3A_301 : i32 to vector<16xi32>
    %and3A_303 = arith.andi %and3A_93, %and3A_302 : vector<16xi32>
    %mul3A_304 = arith.constant 128 : i32
    %mul3A_305 = vector.broadcast %mul3A_304 : i32 to vector<16xi32>
    %mul3A_306 = arith.muli %and3A_303, %mul3A_305 : vector<16xi32>
    %add3A_307 = arith.addi %mul3A_300, %mul3A_306 : vector<16xi32>
    %add3A_308 = arith.addi %add3A_307, %iota3A : vector<16xi32>
    %shift_right_arithmetic3A_309 = arith.constant 3 : i32
    %shift_right_arithmetic3A_310 = vector.broadcast %shift_right_arithmetic3A_309 : i32 to vector<16xi32>
    %shift_right_arithmetic3A_311 = arith.shrsi %and3A_99, %shift_right_arithmetic3A_310 : vector<16xi32>
    %mul3A_312 = arith.constant 2048 : i32
    %mul3A_313 = vector.broadcast %mul3A_312 : i32 to vector<16xi32>
    %mul3A_314 = arith.muli %shift_right_arithmetic3A_311, %mul3A_313 : vector<16xi32>
    %and3A_315 = arith.constant 7 : i32
    %and3A_316 = vector.broadcast %and3A_315 : i32 to vector<16xi32>
    %and3A_317 = arith.andi %and3A_99, %and3A_316 : vector<16xi32>
    %mul3A_318 = arith.constant 128 : i32
    %mul3A_319 = vector.broadcast %mul3A_318 : i32 to vector<16xi32>
    %mul3A_320 = arith.muli %and3A_317, %mul3A_319 : vector<16xi32>
    %add3A_321 = arith.addi %mul3A_314, %mul3A_320 : vector<16xi32>
    %add3A_322 = arith.addi %add3A_321, %iota3A : vector<16xi32>
    %scan3A = arith.constant 0 : i32
    %scan3A_323 = arith.constant 100 : i32
    %scan3A_324 = arith.addi %scan3A, %scan3A_323 : i32
    %scan3A_325 = arith.constant 1 : i32
    scf.for %scan3A_678 = %scan3A to %scan3A_324 step %scan3A_325  : i32 {
      %mul3A_679 = arith.constant 1 : i32
      %mul3A_680 = arith.muli %scan3A_678, %mul3A_679 : i32
      %add3A_681 = arith.constant 0 : i32
      %add3A_682 = arith.addi %add3A_681, %mul3A_680 : i32
      %rem3A = arith.constant 2 : i32
      %rem3A_683 = arith.remsi %add3A_682, %rem3A : i32
      %ge3A = arith.constant 2 : i32
      %ge3A_684 = arith.cmpi sge, %add3A_682, %ge3A : i32
      %convert_element_type3A = arith.extui %ge3A_684 : i1 to i32
      %cond3A = arith.constant 0 : i32
      %cond3A_685 = arith.cmpi ne, %convert_element_type3A, %cond3A : i32
      scf.if %cond3A_685 {
        %sub3A = arith.constant 2 : i32
        %sub3A_881 = arith.subi %add3A_682, %sub3A : i32
        %mul3A_882 = arith.constant 16384 : i32
        %mul3A_883 = arith.muli %rem3A_683, %mul3A_882 : i32
        %add3A_884 = arith.constant 0 : i32
        %add3A_885 = arith.addi %mul3A_883, %add3A_884 : i32
        %mul3A_886 = arith.constant 2 : i32
        %mul3A_887 = arith.muli %sub3A_881, %mul3A_886 : i32
        %add3A_888 = arith.addi %mul3A_2, %mul3A_887 : i32
        %shift_right_arithmetic3A_889 = arith.constant 5 : i32
        %shift_right_arithmetic3A_890 = arith.shrsi %add3A_888, %shift_right_arithmetic3A_889 : i32
        %and3A_891 = arith.constant 31 : i32
        %and3A_892 = arith.andi %add3A_888, %and3A_891 : i32
        %mul3A_893 = arith.constant 262144 : i32
        %mul3A_894 = arith.muli %shift_right_arithmetic3A_890, %mul3A_893 : i32
        %add3A_895 = arith.constant 0 : i32
        %add3A_896 = arith.addi %mul3A_894, %add3A_895 : i32
        %mul3A_897 = arith.constant 1024 : i32
        %mul3A_898 = arith.muli %and3A_892, %mul3A_897 : i32
        %add3A_899 = arith.addi %add3A_896, %mul3A_898 : i32
        %dma_wait3A_900 = tpu.memref_slice %arg7[%add3A_885] : memref<32768xf32, #tpu.memory_space<vmem>> -> memref<2048xf32, #tpu.memory_space<vmem>>
        %dma_wait3A_901 = tpu.memref_slice %arg4[%add3A_899] : memref<52428800xf32, #tpu.memory_space<hbm>> -> memref<2048xf32, #tpu.memory_space<hbm>>
        %dma_wait3A_902 = tpu.memref_slice %arg8[%rem3A_683] : memref<2x!tpu.dma_semaphore, #tpu.memory_space<semaphore_mem>> -> memref<1x!tpu.dma_semaphore, #tpu.memory_space<semaphore_mem>>
        %dma_wait3A_903 = tpu.memref_squeeze %dma_wait3A_902 : memref<1x!tpu.dma_semaphore, #tpu.memory_space<semaphore_mem>> -> memref<!tpu.dma_semaphore, #tpu.memory_space<semaphore_mem>>
        %dma_wait3A_904 = tpu.memref_slice %arg4[%add3A_899] : memref<52428800xf32, #tpu.memory_space<hbm>> -> memref<2048xf32, #tpu.memory_space<hbm>>
        %dma_wait3A_905 = tpu.memref_slice %arg7[%add3A_885] : memref<32768xf32, #tpu.memory_space<vmem>> -> memref<2048xf32, #tpu.memory_space<vmem>>
        tpu.wait_dma2 semaphore(%dma_wait3A_903 : memref<!tpu.dma_semaphore, #tpu.memory_space<semaphore_mem>>) src(%dma_wait3A_905 : memref<2048xf32, #tpu.memory_space<vmem>>) dst(%dma_wait3A_904 : memref<2048xf32, #tpu.memory_space<hbm>>)
        %mul3A_906 = arith.constant 16384 : i32
        %mul3A_907 = arith.muli %rem3A_683, %mul3A_906 : i32
        %add3A_908 = arith.constant 2048 : i32
        %add3A_909 = arith.addi %mul3A_907, %add3A_908 : i32
        %mul3A_910 = arith.constant 2 : i32
        %mul3A_911 = arith.muli %sub3A_881, %mul3A_910 : i32
        %add3A_912 = arith.addi %mul3A_2, %mul3A_911 : i32
        %shift_right_arithmetic3A_913 = arith.constant 5 : i32
        %shift_right_arithmetic3A_914 = arith.shrsi %add3A_912, %shift_right_arithmetic3A_913 : i32
        %and3A_915 = arith.constant 31 : i32
        %and3A_916 = arith.andi %add3A_912, %and3A_915 : i32
        %mul3A_917 = arith.constant 262144 : i32
        %mul3A_918 = arith.muli %shift_right_arithmetic3A_914, %mul3A_917 : i32
        %add3A_919 = arith.constant 32768 : i32
        %add3A_920 = arith.addi %mul3A_918, %add3A_919 : i32
        %mul3A_921 = arith.constant 1024 : i32
        %mul3A_922 = arith.muli %and3A_916, %mul3A_921 : i32
        %add3A_923 = arith.addi %add3A_920, %mul3A_922 : i32
        %dma_wait3A_924 = tpu.memref_slice %arg7[%add3A_909] : memref<32768xf32, #tpu.memory_space<vmem>> -> memref<2048xf32, #tpu.memory_space<vmem>>
        %dma_wait3A_925 = tpu.memref_slice %arg4[%add3A_923] : memref<52428800xf32, #tpu.memory_space<hbm>> -> memref<2048xf32, #tpu.memory_space<hbm>>
        %dma_wait3A_926 = tpu.memref_slice %arg8[%rem3A_683] : memref<2x!tpu.dma_semaphore, #tpu.memory_space<semaphore_mem>> -> memref<1x!tpu.dma_semaphore, #tpu.memory_space<semaphore_mem>>
        %dma_wait3A_927 = tpu.memref_squeeze %dma_wait3A_926 : memref<1x!tpu.dma_semaphore, #tpu.memory_space<semaphore_mem>> -> memref<!tpu.dma_semaphore, #tpu.memory_space<semaphore_mem>>
        %dma_wait3A_928 = tpu.memref_slice %arg4[%add3A_923] : memref<52428800xf32, #tpu.memory_space<hbm>> -> memref<2048xf32, #tpu.memory_space<hbm>>
        %dma_wait3A_929 = tpu.memref_slice %arg7[%add3A_909] : memref<32768xf32, #tpu.memory_space<vmem>> -> memref<2048xf32, #tpu.memory_space<vmem>>
        tpu.wait_dma2 semaphore(%dma_wait3A_927 : memref<!tpu.dma_semaphore, #tpu.memory_space<semaphore_mem>>) src(%dma_wait3A_929 : memref<2048xf32, #tpu.memory_space<vmem>>) dst(%dma_wait3A_928 : memref<2048xf32, #tpu.memory_space<hbm>>)
        %mul3A_930 = arith.constant 16384 : i32
        %mul3A_931 = arith.muli %rem3A_683, %mul3A_930 : i32
        %add3A_932 = arith.constant 4096 : i32
        %add3A_933 = arith.addi %mul3A_931, %add3A_932 : i32
        %mul3A_934 = arith.constant 2 : i32
        %mul3A_935 = arith.muli %sub3A_881, %mul3A_934 : i32
        %add3A_936 = arith.addi %mul3A_2, %mul3A_935 : i32
        %shift_right_arithmetic3A_937 = arith.constant 5 : i32
        %shift_right_arithmetic3A_938 = arith.shrsi %add3A_936, %shift_right_arithmetic3A_937 : i32
        %and3A_939 = arith.constant 31 : i32
        %and3A_940 = arith.andi %add3A_936, %and3A_939 : i32
        %mul3A_941 = arith.constant 262144 : i32
        %mul3A_942 = arith.muli %shift_right_arithmetic3A_938, %mul3A_941 : i32
        %add3A_943 = arith.constant 65536 : i32
        %add3A_944 = arith.addi %mul3A_942, %add3A_943 : i32
        %mul3A_945 = arith.constant 1024 : i32
        %mul3A_946 = arith.muli %and3A_940, %mul3A_945 : i32
        %add3A_947 = arith.addi %add3A_944, %mul3A_946 : i32
        %dma_wait3A_948 = tpu.memref_slice %arg7[%add3A_933] : memref<32768xf32, #tpu.memory_space<vmem>> -> memref<2048xf32, #tpu.memory_space<vmem>>
        %dma_wait3A_949 = tpu.memref_slice %arg4[%add3A_947] : memref<52428800xf32, #tpu.memory_space<hbm>> -> memref<2048xf32, #tpu.memory_space<hbm>>
        %dma_wait3A_950 = tpu.memref_slice %arg8[%rem3A_683] : memref<2x!tpu.dma_semaphore, #tpu.memory_space<semaphore_mem>> -> memref<1x!tpu.dma_semaphore, #tpu.memory_space<semaphore_mem>>
        %dma_wait3A_951 = tpu.memref_squeeze %dma_wait3A_950 : memref<1x!tpu.dma_semaphore, #tpu.memory_space<semaphore_mem>> -> memref<!tpu.dma_semaphore, #tpu.memory_space<semaphore_mem>>
        %dma_wait3A_952 = tpu.memref_slice %arg4[%add3A_947] : memref<52428800xf32, #tpu.memory_space<hbm>> -> memref<2048xf32, #tpu.memory_space<hbm>>
        %dma_wait3A_953 = tpu.memref_slice %arg7[%add3A_933] : memref<32768xf32, #tpu.memory_space<vmem>> -> memref<2048xf32, #tpu.memory_space<vmem>>
        tpu.wait_dma2 semaphore(%dma_wait3A_951 : memref<!tpu.dma_semaphore, #tpu.memory_space<semaphore_mem>>) src(%dma_wait3A_953 : memref<2048xf32, #tpu.memory_space<vmem>>) dst(%dma_wait3A_952 : memref<2048xf32, #tpu.memory_space<hbm>>)
        %mul3A_954 = arith.constant 16384 : i32
        %mul3A_955 = arith.muli %rem3A_683, %mul3A_954 : i32
        %add3A_956 = arith.constant 6144 : i32
        %add3A_957 = arith.addi %mul3A_955, %add3A_956 : i32
        %mul3A_958 = arith.constant 2 : i32
        %mul3A_959 = arith.muli %sub3A_881, %mul3A_958 : i32
        %add3A_960 = arith.addi %mul3A_2, %mul3A_959 : i32
        %shift_right_arithmetic3A_961 = arith.constant 5 : i32
        %shift_right_arithmetic3A_962 = arith.shrsi %add3A_960, %shift_right_arithmetic3A_961 : i32
        %and3A_963 = arith.constant 31 : i32
        %and3A_964 = arith.andi %add3A_960, %and3A_963 : i32
        %mul3A_965 = arith.constant 262144 : i32
        %mul3A_966 = arith.muli %shift_right_arithmetic3A_962, %mul3A_965 : i32
        %add3A_967 = arith.constant 98304 : i32
        %add3A_968 = arith.addi %mul3A_966, %add3A_967 : i32
        %mul3A_969 = arith.constant 1024 : i32
        %mul3A_970 = arith.muli %and3A_964, %mul3A_969 : i32
        %add3A_971 = arith.addi %add3A_968, %mul3A_970 : i32
        %dma_wait3A_972 = tpu.memref_slice %arg7[%add3A_957] : memref<32768xf32, #tpu.memory_space<vmem>> -> memref<2048xf32, #tpu.memory_space<vmem>>
        %dma_wait3A_973 = tpu.memref_slice %arg4[%add3A_971] : memref<52428800xf32, #tpu.memory_space<hbm>> -> memref<2048xf32, #tpu.memory_space<hbm>>
        %dma_wait3A_974 = tpu.memref_slice %arg8[%rem3A_683] : memref<2x!tpu.dma_semaphore, #tpu.memory_space<semaphore_mem>> -> memref<1x!tpu.dma_semaphore, #tpu.memory_space<semaphore_mem>>
        %dma_wait3A_975 = tpu.memref_squeeze %dma_wait3A_974 : memref<1x!tpu.dma_semaphore, #tpu.memory_space<semaphore_mem>> -> memref<!tpu.dma_semaphore, #tpu.memory_space<semaphore_mem>>
        %dma_wait3A_976 = tpu.memref_slice %arg4[%add3A_971] : memref<52428800xf32, #tpu.memory_space<hbm>> -> memref<2048xf32, #tpu.memory_space<hbm>>
        %dma_wait3A_977 = tpu.memref_slice %arg7[%add3A_957] : memref<32768xf32, #tpu.memory_space<vmem>> -> memref<2048xf32, #tpu.memory_space<vmem>>
        tpu.wait_dma2 semaphore(%dma_wait3A_975 : memref<!tpu.dma_semaphore, #tpu.memory_space<semaphore_mem>>) src(%dma_wait3A_977 : memref<2048xf32, #tpu.memory_space<vmem>>) dst(%dma_wait3A_976 : memref<2048xf32, #tpu.memory_space<hbm>>)
        %mul3A_978 = arith.constant 16384 : i32
        %mul3A_979 = arith.muli %rem3A_683, %mul3A_978 : i32
        %add3A_980 = arith.constant 8192 : i32
        %add3A_981 = arith.addi %mul3A_979, %add3A_980 : i32
        %mul3A_982 = arith.constant 2 : i32
        %mul3A_983 = arith.muli %sub3A_881, %mul3A_982 : i32
        %add3A_984 = arith.addi %mul3A_2, %mul3A_983 : i32
        %shift_right_arithmetic3A_985 = arith.constant 5 : i32
        %shift_right_arithmetic3A_986 = arith.shrsi %add3A_984, %shift_right_arithmetic3A_985 : i32
        %and3A_987 = arith.constant 31 : i32
        %and3A_988 = arith.andi %add3A_984, %and3A_987 : i32
        %mul3A_989 = arith.constant 262144 : i32
        %mul3A_990 = arith.muli %shift_right_arithmetic3A_986, %mul3A_989 : i32
        %add3A_991 = arith.constant 131072 : i32
        %add3A_992 = arith.addi %mul3A_990, %add3A_991 : i32
        %mul3A_993 = arith.constant 1024 : i32
        %mul3A_994 = arith.muli %and3A_988, %mul3A_993 : i32
        %add3A_995 = arith.addi %add3A_992, %mul3A_994 : i32
        %dma_wait3A_996 = tpu.memref_slice %arg7[%add3A_981] : memref<32768xf32, #tpu.memory_space<vmem>> -> memref<2048xf32, #tpu.memory_space<vmem>>
        %dma_wait3A_997 = tpu.memref_slice %arg4[%add3A_995] : memref<52428800xf32, #tpu.memory_space<hbm>> -> memref<2048xf32, #tpu.memory_space<hbm>>
        %dma_wait3A_998 = tpu.memref_slice %arg8[%rem3A_683] : memref<2x!tpu.dma_semaphore, #tpu.memory_space<semaphore_mem>> -> memref<1x!tpu.dma_semaphore, #tpu.memory_space<semaphore_mem>>
        %dma_wait3A_999 = tpu.memref_squeeze %dma_wait3A_998 : memref<1x!tpu.dma_semaphore, #tpu.memory_space<semaphore_mem>> -> memref<!tpu.dma_semaphore, #tpu.memory_space<semaphore_mem>>
        %dma_wait3A_1000 = tpu.memref_slice %arg4[%add3A_995] : memref<52428800xf32, #tpu.memory_space<hbm>> -> memref<2048xf32, #tpu.memory_space<hbm>>
        %dma_wait3A_1001 = tpu.memref_slice %arg7[%add3A_981] : memref<32768xf32, #tpu.memory_space<vmem>> -> memref<2048xf32, #tpu.memory_space<vmem>>
        tpu.wait_dma2 semaphore(%dma_wait3A_999 : memref<!tpu.dma_semaphore, #tpu.memory_space<semaphore_mem>>) src(%dma_wait3A_1001 : memref<2048xf32, #tpu.memory_space<vmem>>) dst(%dma_wait3A_1000 : memref<2048xf32, #tpu.memory_space<hbm>>)
        %mul3A_1002 = arith.constant 16384 : i32
        %mul3A_1003 = arith.muli %rem3A_683, %mul3A_1002 : i32
        %add3A_1004 = arith.constant 10240 : i32
        %add3A_1005 = arith.addi %mul3A_1003, %add3A_1004 : i32
        %mul3A_1006 = arith.constant 2 : i32
        %mul3A_1007 = arith.muli %sub3A_881, %mul3A_1006 : i32
        %add3A_1008 = arith.addi %mul3A_2, %mul3A_1007 : i32
        %shift_right_arithmetic3A_1009 = arith.constant 5 : i32
        %shift_right_arithmetic3A_1010 = arith.shrsi %add3A_1008, %shift_right_arithmetic3A_1009 : i32
        %and3A_1011 = arith.constant 31 : i32
        %and3A_1012 = arith.andi %add3A_1008, %and3A_1011 : i32
        %mul3A_1013 = arith.constant 262144 : i32
        %mul3A_1014 = arith.muli %shift_right_arithmetic3A_1010, %mul3A_1013 : i32
        %add3A_1015 = arith.constant 163840 : i32
        %add3A_1016 = arith.addi %mul3A_1014, %add3A_1015 : i32
        %mul3A_1017 = arith.constant 1024 : i32
        %mul3A_1018 = arith.muli %and3A_1012, %mul3A_1017 : i32
        %add3A_1019 = arith.addi %add3A_1016, %mul3A_1018 : i32
        %dma_wait3A_1020 = tpu.memref_slice %arg7[%add3A_1005] : memref<32768xf32, #tpu.memory_space<vmem>> -> memref<2048xf32, #tpu.memory_space<vmem>>
        %dma_wait3A_1021 = tpu.memref_slice %arg4[%add3A_1019] : memref<52428800xf32, #tpu.memory_space<hbm>> -> memref<2048xf32, #tpu.memory_space<hbm>>
        %dma_wait3A_1022 = tpu.memref_slice %arg8[%rem3A_683] : memref<2x!tpu.dma_semaphore, #tpu.memory_space<semaphore_mem>> -> memref<1x!tpu.dma_semaphore, #tpu.memory_space<semaphore_mem>>
        %dma_wait3A_1023 = tpu.memref_squeeze %dma_wait3A_1022 : memref<1x!tpu.dma_semaphore, #tpu.memory_space<semaphore_mem>> -> memref<!tpu.dma_semaphore, #tpu.memory_space<semaphore_mem>>
        %dma_wait3A_1024 = tpu.memref_slice %arg4[%add3A_1019] : memref<52428800xf32, #tpu.memory_space<hbm>> -> memref<2048xf32, #tpu.memory_space<hbm>>
        %dma_wait3A_1025 = tpu.memref_slice %arg7[%add3A_1005] : memref<32768xf32, #tpu.memory_space<vmem>> -> memref<2048xf32, #tpu.memory_space<vmem>>
        tpu.wait_dma2 semaphore(%dma_wait3A_1023 : memref<!tpu.dma_semaphore, #tpu.memory_space<semaphore_mem>>) src(%dma_wait3A_1025 : memref<2048xf32, #tpu.memory_space<vmem>>) dst(%dma_wait3A_1024 : memref<2048xf32, #tpu.memory_space<hbm>>)
        %mul3A_1026 = arith.constant 16384 : i32
        %mul3A_1027 = arith.muli %rem3A_683, %mul3A_1026 : i32
        %add3A_1028 = arith.constant 12288 : i32
        %add3A_1029 = arith.addi %mul3A_1027, %add3A_1028 : i32
        %mul3A_1030 = arith.constant 2 : i32
        %mul3A_1031 = arith.muli %sub3A_881, %mul3A_1030 : i32
        %add3A_1032 = arith.addi %mul3A_2, %mul3A_1031 : i32
        %shift_right_arithmetic3A_1033 = arith.constant 5 : i32
        %shift_right_arithmetic3A_1034 = arith.shrsi %add3A_1032, %shift_right_arithmetic3A_1033 : i32
        %and3A_1035 = arith.constant 31 : i32
        %and3A_1036 = arith.andi %add3A_1032, %and3A_1035 : i32
        %mul3A_1037 = arith.constant 262144 : i32
        %mul3A_1038 = arith.muli %shift_right_arithmetic3A_1034, %mul3A_1037 : i32
        %add3A_1039 = arith.constant 196608 : i32
        %add3A_1040 = arith.addi %mul3A_1038, %add3A_1039 : i32
        %mul3A_1041 = arith.constant 1024 : i32
        %mul3A_1042 = arith.muli %and3A_1036, %mul3A_1041 : i32
        %add3A_1043 = arith.addi %add3A_1040, %mul3A_1042 : i32
        %dma_wait3A_1044 = tpu.memref_slice %arg7[%add3A_1029] : memref<32768xf32, #tpu.memory_space<vmem>> -> memref<2048xf32, #tpu.memory_space<vmem>>
        %dma_wait3A_1045 = tpu.memref_slice %arg4[%add3A_1043] : memref<52428800xf32, #tpu.memory_space<hbm>> -> memref<2048xf32, #tpu.memory_space<hbm>>
        %dma_wait3A_1046 = tpu.memref_slice %arg8[%rem3A_683] : memref<2x!tpu.dma_semaphore, #tpu.memory_space<semaphore_mem>> -> memref<1x!tpu.dma_semaphore, #tpu.memory_space<semaphore_mem>>
        %dma_wait3A_1047 = tpu.memref_squeeze %dma_wait3A_1046 : memref<1x!tpu.dma_semaphore, #tpu.memory_space<semaphore_mem>> -> memref<!tpu.dma_semaphore, #tpu.memory_space<semaphore_mem>>
        %dma_wait3A_1048 = tpu.memref_slice %arg4[%add3A_1043] : memref<52428800xf32, #tpu.memory_space<hbm>> -> memref<2048xf32, #tpu.memory_space<hbm>>
        %dma_wait3A_1049 = tpu.memref_slice %arg7[%add3A_1029] : memref<32768xf32, #tpu.memory_space<vmem>> -> memref<2048xf32, #tpu.memory_space<vmem>>
        tpu.wait_dma2 semaphore(%dma_wait3A_1047 : memref<!tpu.dma_semaphore, #tpu.memory_space<semaphore_mem>>) src(%dma_wait3A_1049 : memref<2048xf32, #tpu.memory_space<vmem>>) dst(%dma_wait3A_1048 : memref<2048xf32, #tpu.memory_space<hbm>>)
        %mul3A_1050 = arith.constant 16384 : i32
        %mul3A_1051 = arith.muli %rem3A_683, %mul3A_1050 : i32
        %add3A_1052 = arith.constant 14336 : i32
        %add3A_1053 = arith.addi %mul3A_1051, %add3A_1052 : i32
        %mul3A_1054 = arith.constant 2 : i32
        %mul3A_1055 = arith.muli %sub3A_881, %mul3A_1054 : i32
        %add3A_1056 = arith.addi %mul3A_2, %mul3A_1055 : i32
        %shift_right_arithmetic3A_1057 = arith.constant 5 : i32
        %shift_right_arithmetic3A_1058 = arith.shrsi %add3A_1056, %shift_right_arithmetic3A_1057 : i32
        %and3A_1059 = arith.constant 31 : i32
        %and3A_1060 = arith.andi %add3A_1056, %and3A_1059 : i32
        %mul3A_1061 = arith.constant 262144 : i32
        %mul3A_1062 = arith.muli %shift_right_arithmetic3A_1058, %mul3A_1061 : i32
        %add3A_1063 = arith.constant 229376 : i32
        %add3A_1064 = arith.addi %mul3A_1062, %add3A_1063 : i32
        %mul3A_1065 = arith.constant 1024 : i32
        %mul3A_1066 = arith.muli %and3A_1060, %mul3A_1065 : i32
        %add3A_1067 = arith.addi %add3A_1064, %mul3A_1066 : i32
        %dma_wait3A_1068 = tpu.memref_slice %arg7[%add3A_1053] : memref<32768xf32, #tpu.memory_space<vmem>> -> memref<2048xf32, #tpu.memory_space<vmem>>
        %dma_wait3A_1069 = tpu.memref_slice %arg4[%add3A_1067] : memref<52428800xf32, #tpu.memory_space<hbm>> -> memref<2048xf32, #tpu.memory_space<hbm>>
        %dma_wait3A_1070 = tpu.memref_slice %arg8[%rem3A_683] : memref<2x!tpu.dma_semaphore, #tpu.memory_space<semaphore_mem>> -> memref<1x!tpu.dma_semaphore, #tpu.memory_space<semaphore_mem>>
        %dma_wait3A_1071 = tpu.memref_squeeze %dma_wait3A_1070 : memref<1x!tpu.dma_semaphore, #tpu.memory_space<semaphore_mem>> -> memref<!tpu.dma_semaphore, #tpu.memory_space<semaphore_mem>>
        %dma_wait3A_1072 = tpu.memref_slice %arg4[%add3A_1067] : memref<52428800xf32, #tpu.memory_space<hbm>> -> memref<2048xf32, #tpu.memory_space<hbm>>
        %dma_wait3A_1073 = tpu.memref_slice %arg7[%add3A_1053] : memref<32768xf32, #tpu.memory_space<vmem>> -> memref<2048xf32, #tpu.memory_space<vmem>>
        tpu.wait_dma2 semaphore(%dma_wait3A_1071 : memref<!tpu.dma_semaphore, #tpu.memory_space<semaphore_mem>>) src(%dma_wait3A_1073 : memref<2048xf32, #tpu.memory_space<vmem>>) dst(%dma_wait3A_1072 : memref<2048xf32, #tpu.memory_space<hbm>>)
      } else {
      }
      %mul3A_686 = arith.constant 16384 : i32
      %mul3A_687 = arith.muli %rem3A_683, %mul3A_686 : i32
      %parallel_loop3A = arith.constant 0 : i32
      %parallel_loop3A_688 = arith.constant 16 : i32
      %parallel_loop3A_689 = arith.constant 1 : i32
      scf.for %parallel_loop3A_881 = %parallel_loop3A to %parallel_loop3A_688 step %parallel_loop3A_689  : i32 {
        %parallel_loop3A_882 = arith.constant 256 : i32
        %parallel_loop3A_883 = arith.muli %add3A_682, %parallel_loop3A_882 : i32
        %parallel_loop3A_884 = arith.constant 16 : i32
        %parallel_loop3A_885 = arith.muli %parallel_loop3A_881, %parallel_loop3A_884 : i32
        %parallel_loop3A_886 = arith.addi %parallel_loop3A_883, %parallel_loop3A_885 : i32
        %parallel_loop3A_887 = arith.index_cast %parallel_loop3A_886 : i32 to index
        %parallel_loop3A_888 = tpu.vector_load %arg5[%parallel_loop3A_887] {strides = array<i32>} : memref<25600xi32, #tpu.memory_space<vmem>>, vector<16xi32>,
        %parallel_loop3A_889 = arith.constant 64 : i32
        %parallel_loop3A_890 = vector.broadcast %parallel_loop3A_889 : i32 to vector<16xi32>
        %parallel_loop3A_891 = arith.muli %parallel_loop3A_888, %parallel_loop3A_890 : vector<16xi32>
        %parallel_loop3A_892 = arith.constant 3 : i32
        %parallel_loop3A_893 = arith.shrsi %parallel_loop3A_881, %parallel_loop3A_892 : i32
        %parallel_loop3A_894 = arith.constant 1024 : i32
        %parallel_loop3A_895 = arith.muli %parallel_loop3A_893, %parallel_loop3A_894 : i32
        %parallel_loop3A_896 = arith.addi %mul3A_687, %parallel_loop3A_895 : i32
        %parallel_loop3A_897 = arith.constant 7 : i32
        %parallel_loop3A_898 = arith.andi %parallel_loop3A_881, %parallel_loop3A_897 : i32
        %parallel_loop3A_899 = arith.constant 16 : i32
        %parallel_loop3A_900 = arith.muli %parallel_loop3A_898, %parallel_loop3A_899 : i32
        %parallel_loop3A_901 = arith.addi %parallel_loop3A_896, %parallel_loop3A_900 : i32
        %parallel_loop3A_902 = arith.constant 0 : i32
        %parallel_loop3A_903 = vector.broadcast %parallel_loop3A_902 : i32 to vector<16xi32>
        %parallel_loop3A_904 = arith.addi %and3A_9, %parallel_loop3A_903 : vector<16xi32>
        %parallel_loop3A_905 = arith.addi %parallel_loop3A_891, %parallel_loop3A_904 : vector<16xi32>
        %parallel_loop3A_906 = tpu.vector_load_idx %arg6[%parallel_loop3A_905] : memref<64000xf32, #tpu.memory_space<vmem>>[vector<16xi32>], vector<16xf32>,
        %parallel_loop3A_907 = arith.constant 0 : i32
        %parallel_loop3A_908 = arith.addi %parallel_loop3A_901, %parallel_loop3A_907 : i32
        %parallel_loop3A_909 = vector.broadcast %parallel_loop3A_908 : i32 to vector<16xi32>
        %parallel_loop3A_910 = arith.addi %add3A_112, %parallel_loop3A_909 : vector<16xi32>
        tpu.vector_store_idx %arg7[%parallel_loop3A_910], %parallel_loop3A_906 : memref<32768xf32, #tpu.memory_space<vmem>>[vector<16xi32>], vector<16xf32>,
        %parallel_loop3A_911 = arith.constant 0 : i32
        %parallel_loop3A_912 = vector.broadcast %parallel_loop3A_911 : i32 to vector<16xi32>
        %parallel_loop3A_913 = arith.addi %and3A_15, %parallel_loop3A_912 : vector<16xi32>
        %parallel_loop3A_914 = arith.addi %parallel_loop3A_891, %parallel_loop3A_913 : vector<16xi32>
        %parallel_loop3A_915 = tpu.vector_load_idx %arg6[%parallel_loop3A_914] : memref<64000xf32, #tpu.memory_space<vmem>>[vector<16xi32>], vector<16xf32>,
        %parallel_loop3A_916 = arith.constant 0 : i32
        %parallel_loop3A_917 = arith.addi %parallel_loop3A_901, %parallel_loop3A_916 : i32
        %parallel_loop3A_918 = vector.broadcast %parallel_loop3A_917 : i32 to vector<16xi32>
        %parallel_loop3A_919 = arith.addi %add3A_126, %parallel_loop3A_918 : vector<16xi32>
        tpu.vector_store_idx %arg7[%parallel_loop3A_919], %parallel_loop3A_915 : memref<32768xf32, #tpu.memory_space<vmem>>[vector<16xi32>], vector<16xf32>,
        %parallel_loop3A_920 = arith.constant 0 : i32
        %parallel_loop3A_921 = vector.broadcast %parallel_loop3A_920 : i32 to vector<16xi32>
        %parallel_loop3A_922 = arith.addi %and3A_21, %parallel_loop3A_921 : vector<16xi32>
        %parallel_loop3A_923 = arith.addi %parallel_loop3A_891, %parallel_loop3A_922 : vector<16xi32>
        %parallel_loop3A_924 = tpu.vector_load_idx %arg6[%parallel_loop3A_923] : memref<64000xf32, #tpu.memory_space<vmem>>[vector<16xi32>], vector<16xf32>,
        %parallel_loop3A_925 = arith.constant 0 : i32
        %parallel_loop3A_926 = arith.addi %parallel_loop3A_901, %parallel_loop3A_925 : i32
        %parallel_loop3A_927 = vector.broadcast %parallel_loop3A_926 : i32 to vector<16xi32>
        %parallel_loop3A_928 = arith.addi %add3A_140, %parallel_loop3A_927 : vector<16xi32>
        tpu.vector_store_idx %arg7[%parallel_loop3A_928], %parallel_loop3A_924 : memref<32768xf32, #tpu.memory_space<vmem>>[vector<16xi32>], vector<16xf32>,
        %parallel_loop3A_929 = arith.constant 0 : i32
        %parallel_loop3A_930 = vector.broadcast %parallel_loop3A_929 : i32 to vector<16xi32>
        %parallel_loop3A_931 = arith.addi %and3A_27, %parallel_loop3A_930 : vector<16xi32>
        %parallel_loop3A_932 = arith.addi %parallel_loop3A_891, %parallel_loop3A_931 : vector<16xi32>
        %parallel_loop3A_933 = tpu.vector_load_idx %arg6[%parallel_loop3A_932] : memref<64000xf32, #tpu.memory_space<vmem>>[vector<16xi32>], vector<16xf32>,
        %parallel_loop3A_934 = arith.constant 0 : i32
        %parallel_loop3A_935 = arith.addi %parallel_loop3A_901, %parallel_loop3A_934 : i32
        %parallel_loop3A_936 = vector.broadcast %parallel_loop3A_935 : i32 to vector<16xi32>
        %parallel_loop3A_937 = arith.addi %add3A_154, %parallel_loop3A_936 : vector<16xi32>
        tpu.vector_store_idx %arg7[%parallel_loop3A_937], %parallel_loop3A_933 : memref<32768xf32, #tpu.memory_space<vmem>>[vector<16xi32>], vector<16xf32>,
        %parallel_loop3A_938 = arith.constant 0 : i32
        %parallel_loop3A_939 = vector.broadcast %parallel_loop3A_938 : i32 to vector<16xi32>
        %parallel_loop3A_940 = arith.addi %and3A_33, %parallel_loop3A_939 : vector<16xi32>
        %parallel_loop3A_941 = arith.addi %parallel_loop3A_891, %parallel_loop3A_940 : vector<16xi32>
        %parallel_loop3A_942 = tpu.vector_load_idx %arg6[%parallel_loop3A_941] : memref<64000xf32, #tpu.memory_space<vmem>>[vector<16xi32>], vector<16xf32>,
        %parallel_loop3A_943 = arith.constant 0 : i32
        %parallel_loop3A_944 = arith.addi %parallel_loop3A_901, %parallel_loop3A_943 : i32
        %parallel_loop3A_945 = vector.broadcast %parallel_loop3A_944 : i32 to vector<16xi32>
        %parallel_loop3A_946 = arith.addi %add3A_168, %parallel_loop3A_945 : vector<16xi32>
        tpu.vector_store_idx %arg7[%parallel_loop3A_946], %parallel_loop3A_942 : memref<32768xf32, #tpu.memory_space<vmem>>[vector<16xi32>], vector<16xf32>,
        %parallel_loop3A_947 = arith.constant 0 : i32
        %parallel_loop3A_948 = vector.broadcast %parallel_loop3A_947 : i32 to vector<16xi32>
        %parallel_loop3A_949 = arith.addi %and3A_39, %parallel_loop3A_948 : vector<16xi32>
        %parallel_loop3A_950 = arith.addi %parallel_loop3A_891, %parallel_loop3A_949 : vector<16xi32>
        %parallel_loop3A_951 = tpu.vector_load_idx %arg6[%parallel_loop3A_950] : memref<64000xf32, #tpu.memory_space<vmem>>[vector<16xi32>], vector<16xf32>,
        %parallel_loop3A_952 = arith.constant 0 : i32
        %parallel_loop3A_953 = arith.addi %parallel_loop3A_901, %parallel_loop3A_952 : i32
        %parallel_loop3A_954 = vector.broadcast %parallel_loop3A_953 : i32 to vector<16xi32>
        %parallel_loop3A_955 = arith.addi %add3A_182, %parallel_loop3A_954 : vector<16xi32>
        tpu.vector_store_idx %arg7[%parallel_loop3A_955], %parallel_loop3A_951 : memref<32768xf32, #tpu.memory_space<vmem>>[vector<16xi32>], vector<16xf32>,
        %parallel_loop3A_956 = arith.constant 0 : i32
        %parallel_loop3A_957 = vector.broadcast %parallel_loop3A_956 : i32 to vector<16xi32>
        %parallel_loop3A_958 = arith.addi %and3A_45, %parallel_loop3A_957 : vector<16xi32>
        %parallel_loop3A_959 = arith.addi %parallel_loop3A_891, %parallel_loop3A_958 : vector<16xi32>
        %parallel_loop3A_960 = tpu.vector_load_idx %arg6[%parallel_loop3A_959] : memref<64000xf32, #tpu.memory_space<vmem>>[vector<16xi32>], vector<16xf32>,
        %parallel_loop3A_961 = arith.constant 0 : i32
        %parallel_loop3A_962 = arith.addi %parallel_loop3A_901, %parallel_loop3A_961 : i32
        %parallel_loop3A_963 = vector.broadcast %parallel_loop3A_962 : i32 to vector<16xi32>
        %parallel_loop3A_964 = arith.addi %add3A_196, %parallel_loop3A_963 : vector<16xi32>
        tpu.vector_store_idx %arg7[%parallel_loop3A_964], %parallel_loop3A_960 : memref<32768xf32, #tpu.memory_space<vmem>>[vector<16xi32>], vector<16xf32>,
        %parallel_loop3A_965 = arith.constant 0 : i32
        %parallel_loop3A_966 = vector.broadcast %parallel_loop3A_965 : i32 to vector<16xi32>
        %parallel_loop3A_967 = arith.addi %and3A_51, %parallel_loop3A_966 : vector<16xi32>
        %parallel_loop3A_968 = arith.addi %parallel_loop3A_891, %parallel_loop3A_967 : vector<16xi32>
        %parallel_loop3A_969 = tpu.vector_load_idx %arg6[%parallel_loop3A_968] : memref<64000xf32, #tpu.memory_space<vmem>>[vector<16xi32>], vector<16xf32>,
        %parallel_loop3A_970 = arith.constant 0 : i32
        %parallel_loop3A_971 = arith.addi %parallel_loop3A_901, %parallel_loop3A_970 : i32
        %parallel_loop3A_972 = vector.broadcast %parallel_loop3A_971 : i32 to vector<16xi32>
        %parallel_loop3A_973 = arith.addi %add3A_210, %parallel_loop3A_972 : vector<16xi32>
        tpu.vector_store_idx %arg7[%parallel_loop3A_973], %parallel_loop3A_969 : memref<32768xf32, #tpu.memory_space<vmem>>[vector<16xi32>], vector<16xf32>,
        %parallel_loop3A_974 = arith.constant 0 : i32
        %parallel_loop3A_975 = vector.broadcast %parallel_loop3A_974 : i32 to vector<16xi32>
        %parallel_loop3A_976 = arith.addi %and3A_57, %parallel_loop3A_975 : vector<16xi32>
        %parallel_loop3A_977 = arith.addi %parallel_loop3A_891, %parallel_loop3A_976 : vector<16xi32>
        %parallel_loop3A_978 = tpu.vector_load_idx %arg6[%parallel_loop3A_977] : memref<64000xf32, #tpu.memory_space<vmem>>[vector<16xi32>], vector<16xf32>,
        %parallel_loop3A_979 = arith.constant 0 : i32
        %parallel_loop3A_980 = arith.addi %parallel_loop3A_901, %parallel_loop3A_979 : i32
        %parallel_loop3A_981 = vector.broadcast %parallel_loop3A_980 : i32 to vector<16xi32>
        %parallel_loop3A_982 = arith.addi %add3A_224, %parallel_loop3A_981 : vector<16xi32>
        tpu.vector_store_idx %arg7[%parallel_loop3A_982], %parallel_loop3A_978 : memref<32768xf32, #tpu.memory_space<vmem>>[vector<16xi32>], vector<16xf32>,
        %parallel_loop3A_983 = arith.constant 0 : i32
        %parallel_loop3A_984 = vector.broadcast %parallel_loop3A_983 : i32 to vector<16xi32>
        %parallel_loop3A_985 = arith.addi %and3A_63, %parallel_loop3A_984 : vector<16xi32>
        %parallel_loop3A_986 = arith.addi %parallel_loop3A_891, %parallel_loop3A_985 : vector<16xi32>
        %parallel_loop3A_987 = tpu.vector_load_idx %arg6[%parallel_loop3A_986] : memref<64000xf32, #tpu.memory_space<vmem>>[vector<16xi32>], vector<16xf32>,
        %parallel_loop3A_988 = arith.constant 0 : i32
        %parallel_loop3A_989 = arith.addi %parallel_loop3A_901, %parallel_loop3A_988 : i32
        %parallel_loop3A_990 = vector.broadcast %parallel_loop3A_989 : i32 to vector<16xi32>
        %parallel_loop3A_991 = arith.addi %add3A_238, %parallel_loop3A_990 : vector<16xi32>
        tpu.vector_store_idx %arg7[%parallel_loop3A_991], %parallel_loop3A_987 : memref<32768xf32, #tpu.memory_space<vmem>>[vector<16xi32>], vector<16xf32>,
        %parallel_loop3A_992 = arith.constant 0 : i32
        %parallel_loop3A_993 = vector.broadcast %parallel_loop3A_992 : i32 to vector<16xi32>
        %parallel_loop3A_994 = arith.addi %and3A_69, %parallel_loop3A_993 : vector<16xi32>
        %parallel_loop3A_995 = arith.addi %parallel_loop3A_891, %parallel_loop3A_994 : vector<16xi32>
        %parallel_loop3A_996 = tpu.vector_load_idx %arg6[%parallel_loop3A_995] : memref<64000xf32, #tpu.memory_space<vmem>>[vector<16xi32>], vector<16xf32>,
        %parallel_loop3A_997 = arith.constant 0 : i32
        %parallel_loop3A_998 = arith.addi %parallel_loop3A_901, %parallel_loop3A_997 : i32
        %parallel_loop3A_999 = vector.broadcast %parallel_loop3A_998 : i32 to vector<16xi32>
        %parallel_loop3A_1000 = arith.addi %add3A_252, %parallel_loop3A_999 : vector<16xi32>
        tpu.vector_store_idx %arg7[%parallel_loop3A_1000], %parallel_loop3A_996 : memref<32768xf32, #tpu.memory_space<vmem>>[vector<16xi32>], vector<16xf32>,
        %parallel_loop3A_1001 = arith.constant 0 : i32
        %parallel_loop3A_1002 = vector.broadcast %parallel_loop3A_1001 : i32 to vector<16xi32>
        %parallel_loop3A_1003 = arith.addi %and3A_75, %parallel_loop3A_1002 : vector<16xi32>
        %parallel_loop3A_1004 = arith.addi %parallel_loop3A_891, %parallel_loop3A_1003 : vector<16xi32>
        %parallel_loop3A_1005 = tpu.vector_load_idx %arg6[%parallel_loop3A_1004] : memref<64000xf32, #tpu.memory_space<vmem>>[vector<16xi32>], vector<16xf32>,
        %parallel_loop3A_1006 = arith.constant 0 : i32
        %parallel_loop3A_1007 = arith.addi %parallel_loop3A_901, %parallel_loop3A_1006 : i32
        %parallel_loop3A_1008 = vector.broadcast %parallel_loop3A_1007 : i32 to vector<16xi32>
        %parallel_loop3A_1009 = arith.addi %add3A_266, %parallel_loop3A_1008 : vector<16xi32>
        tpu.vector_store_idx %arg7[%parallel_loop3A_1009], %parallel_loop3A_1005 : memref<32768xf32, #tpu.memory_space<vmem>>[vector<16xi32>], vector<16xf32>,
        %parallel_loop3A_1010 = arith.constant 0 : i32
        %parallel_loop3A_1011 = vector.broadcast %parallel_loop3A_1010 : i32 to vector<16xi32>
        %parallel_loop3A_1012 = arith.addi %and3A_81, %parallel_loop3A_1011 : vector<16xi32>
        %parallel_loop3A_1013 = arith.addi %parallel_loop3A_891, %parallel_loop3A_1012 : vector<16xi32>
        %parallel_loop3A_1014 = tpu.vector_load_idx %arg6[%parallel_loop3A_1013] : memref<64000xf32, #tpu.memory_space<vmem>>[vector<16xi32>], vector<16xf32>,
        %parallel_loop3A_1015 = arith.constant 0 : i32
        %parallel_loop3A_1016 = arith.addi %parallel_loop3A_901, %parallel_loop3A_1015 : i32
        %parallel_loop3A_1017 = vector.broadcast %parallel_loop3A_1016 : i32 to vector<16xi32>
        %parallel_loop3A_1018 = arith.addi %add3A_280, %parallel_loop3A_1017 : vector<16xi32>
        tpu.vector_store_idx %arg7[%parallel_loop3A_1018], %parallel_loop3A_1014 : memref<32768xf32, #tpu.memory_space<vmem>>[vector<16xi32>], vector<16xf32>,
        %parallel_loop3A_1019 = arith.constant 0 : i32
        %parallel_loop3A_1020 = vector.broadcast %parallel_loop3A_1019 : i32 to vector<16xi32>
        %parallel_loop3A_1021 = arith.addi %and3A_87, %parallel_loop3A_1020 : vector<16xi32>
        %parallel_loop3A_1022 = arith.addi %parallel_loop3A_891, %parallel_loop3A_1021 : vector<16xi32>
        %parallel_loop3A_1023 = tpu.vector_load_idx %arg6[%parallel_loop3A_1022] : memref<64000xf32, #tpu.memory_space<vmem>>[vector<16xi32>], vector<16xf32>,
        %parallel_loop3A_1024 = arith.constant 0 : i32
        %parallel_loop3A_1025 = arith.addi %parallel_loop3A_901, %parallel_loop3A_1024 : i32
        %parallel_loop3A_1026 = vector.broadcast %parallel_loop3A_1025 : i32 to vector<16xi32>
        %parallel_loop3A_1027 = arith.addi %add3A_294, %parallel_loop3A_1026 : vector<16xi32>
        tpu.vector_store_idx %arg7[%parallel_loop3A_1027], %parallel_loop3A_1023 : memref<32768xf32, #tpu.memory_space<vmem>>[vector<16xi32>], vector<16xf32>,
        %parallel_loop3A_1028 = arith.constant 0 : i32
        %parallel_loop3A_1029 = vector.broadcast %parallel_loop3A_1028 : i32 to vector<16xi32>
        %parallel_loop3A_1030 = arith.addi %and3A_93, %parallel_loop3A_1029 : vector<16xi32>
        %parallel_loop3A_1031 = arith.addi %parallel_loop3A_891, %parallel_loop3A_1030 : vector<16xi32>
        %parallel_loop3A_1032 = tpu.vector_load_idx %arg6[%parallel_loop3A_1031] : memref<64000xf32, #tpu.memory_space<vmem>>[vector<16xi32>], vector<16xf32>,
        %parallel_loop3A_1033 = arith.constant 0 : i32
        %parallel_loop3A_1034 = arith.addi %parallel_loop3A_901, %parallel_loop3A_1033 : i32
        %parallel_loop3A_1035 = vector.broadcast %parallel_loop3A_1034 : i32 to vector<16xi32>
        %parallel_loop3A_1036 = arith.addi %add3A_308, %parallel_loop3A_1035 : vector<16xi32>
        tpu.vector_store_idx %arg7[%parallel_loop3A_1036], %parallel_loop3A_1032 : memref<32768xf32, #tpu.memory_space<vmem>>[vector<16xi32>], vector<16xf32>,
        %parallel_loop3A_1037 = arith.constant 0 : i32
        %parallel_loop3A_1038 = vector.broadcast %parallel_loop3A_1037 : i32 to vector<16xi32>
        %parallel_loop3A_1039 = arith.addi %and3A_99, %parallel_loop3A_1038 : vector<16xi32>
        %parallel_loop3A_1040 = arith.addi %parallel_loop3A_891, %parallel_loop3A_1039 : vector<16xi32>
        %parallel_loop3A_1041 = tpu.vector_load_idx %arg6[%parallel_loop3A_1040] : memref<64000xf32, #tpu.memory_space<vmem>>[vector<16xi32>], vector<16xf32>,
        %parallel_loop3A_1042 = arith.constant 0 : i32
        %parallel_loop3A_1043 = arith.addi %parallel_loop3A_901, %parallel_loop3A_1042 : i32
        %parallel_loop3A_1044 = vector.broadcast %parallel_loop3A_1043 : i32 to vector<16xi32>
        %parallel_loop3A_1045 = arith.addi %add3A_322, %parallel_loop3A_1044 : vector<16xi32>
        tpu.vector_store_idx %arg7[%parallel_loop3A_1045], %parallel_loop3A_1041 : memref<32768xf32, #tpu.memory_space<vmem>>[vector<16xi32>], vector<16xf32>,
        %parallel_loop3A_1046 = arith.constant 16 : i32
        %parallel_loop3A_1047 = vector.broadcast %parallel_loop3A_1046 : i32 to vector<16xi32>
        %parallel_loop3A_1048 = arith.addi %and3A_9, %parallel_loop3A_1047 : vector<16xi32>
        %parallel_loop3A_1049 = arith.addi %parallel_loop3A_891, %parallel_loop3A_1048 : vector<16xi32>
        %parallel_loop3A_1050 = tpu.vector_load_idx %arg6[%parallel_loop3A_1049] : memref<64000xf32, #tpu.memory_space<vmem>>[vector<16xi32>], vector<16xf32>,
        %parallel_loop3A_1051 = arith.constant 4096 : i32
        %parallel_loop3A_1052 = arith.addi %parallel_loop3A_901, %parallel_loop3A_1051 : i32
        %parallel_loop3A_1053 = vector.broadcast %parallel_loop3A_1052 : i32 to vector<16xi32>
        %parallel_loop3A_1054 = arith.addi %add3A_112, %parallel_loop3A_1053 : vector<16xi32>
        tpu.vector_store_idx %arg7[%parallel_loop3A_1054], %parallel_loop3A_1050 : memref<32768xf32, #tpu.memory_space<vmem>>[vector<16xi32>], vector<16xf32>,
        %parallel_loop3A_1055 = arith.constant 16 : i32
        %parallel_loop3A_1056 = vector.broadcast %parallel_loop3A_1055 : i32 to vector<16xi32>
        %parallel_loop3A_1057 = arith.addi %and3A_15, %parallel_loop3A_1056 : vector<16xi32>
        %parallel_loop3A_1058 = arith.addi %parallel_loop3A_891, %parallel_loop3A_1057 : vector<16xi32>
        %parallel_loop3A_1059 = tpu.vector_load_idx %arg6[%parallel_loop3A_1058] : memref<64000xf32, #tpu.memory_space<vmem>>[vector<16xi32>], vector<16xf32>,
        %parallel_loop3A_1060 = arith.constant 4096 : i32
        %parallel_loop3A_1061 = arith.addi %parallel_loop3A_901, %parallel_loop3A_1060 : i32
        %parallel_loop3A_1062 = vector.broadcast %parallel_loop3A_1061 : i32 to vector<16xi32>
        %parallel_loop3A_1063 = arith.addi %add3A_126, %parallel_loop3A_1062 : vector<16xi32>
        tpu.vector_store_idx %arg7[%parallel_loop3A_1063], %parallel_loop3A_1059 : memref<32768xf32, #tpu.memory_space<vmem>>[vector<16xi32>], vector<16xf32>,
        %parallel_loop3A_1064 = arith.constant 16 : i32
        %parallel_loop3A_1065 = vector.broadcast %parallel_loop3A_1064 : i32 to vector<16xi32>
        %parallel_loop3A_1066 = arith.addi %and3A_21, %parallel_loop3A_1065 : vector<16xi32>
        %parallel_loop3A_1067 = arith.addi %parallel_loop3A_891, %parallel_loop3A_1066 : vector<16xi32>
        %parallel_loop3A_1068 = tpu.vector_load_idx %arg6[%parallel_loop3A_1067] : memref<64000xf32, #tpu.memory_space<vmem>>[vector<16xi32>], vector<16xf32>,
        %parallel_loop3A_1069 = arith.constant 4096 : i32
        %parallel_loop3A_1070 = arith.addi %parallel_loop3A_901, %parallel_loop3A_1069 : i32
        %parallel_loop3A_1071 = vector.broadcast %parallel_loop3A_1070 : i32 to vector<16xi32>
        %parallel_loop3A_1072 = arith.addi %add3A_140, %parallel_loop3A_1071 : vector<16xi32>
        tpu.vector_store_idx %arg7[%parallel_loop3A_1072], %parallel_loop3A_1068 : memref<32768xf32, #tpu.memory_space<vmem>>[vector<16xi32>], vector<16xf32>,
        %parallel_loop3A_1073 = arith.constant 16 : i32
        %parallel_loop3A_1074 = vector.broadcast %parallel_loop3A_1073 : i32 to vector<16xi32>
        %parallel_loop3A_1075 = arith.addi %and3A_27, %parallel_loop3A_1074 : vector<16xi32>
        %parallel_loop3A_1076 = arith.addi %parallel_loop3A_891, %parallel_loop3A_1075 : vector<16xi32>
        %parallel_loop3A_1077 = tpu.vector_load_idx %arg6[%parallel_loop3A_1076] : memref<64000xf32, #tpu.memory_space<vmem>>[vector<16xi32>], vector<16xf32>,
        %parallel_loop3A_1078 = arith.constant 4096 : i32
        %parallel_loop3A_1079 = arith.addi %parallel_loop3A_901, %parallel_loop3A_1078 : i32
        %parallel_loop3A_1080 = vector.broadcast %parallel_loop3A_1079 : i32 to vector<16xi32>
        %parallel_loop3A_1081 = arith.addi %add3A_154, %parallel_loop3A_1080 : vector<16xi32>
        tpu.vector_store_idx %arg7[%parallel_loop3A_1081], %parallel_loop3A_1077 : memref<32768xf32, #tpu.memory_space<vmem>>[vector<16xi32>], vector<16xf32>,
        %parallel_loop3A_1082 = arith.constant 16 : i32
        %parallel_loop3A_1083 = vector.broadcast %parallel_loop3A_1082 : i32 to vector<16xi32>
        %parallel_loop3A_1084 = arith.addi %and3A_33, %parallel_loop3A_1083 : vector<16xi32>
        %parallel_loop3A_1085 = arith.addi %parallel_loop3A_891, %parallel_loop3A_1084 : vector<16xi32>
        %parallel_loop3A_1086 = tpu.vector_load_idx %arg6[%parallel_loop3A_1085] : memref<64000xf32, #tpu.memory_space<vmem>>[vector<16xi32>], vector<16xf32>,
        %parallel_loop3A_1087 = arith.constant 4096 : i32
        %parallel_loop3A_1088 = arith.addi %parallel_loop3A_901, %parallel_loop3A_1087 : i32
        %parallel_loop3A_1089 = vector.broadcast %parallel_loop3A_1088 : i32 to vector<16xi32>
        %parallel_loop3A_1090 = arith.addi %add3A_168, %parallel_loop3A_1089 : vector<16xi32>
        tpu.vector_store_idx %arg7[%parallel_loop3A_1090], %parallel_loop3A_1086 : memref<32768xf32, #tpu.memory_space<vmem>>[vector<16xi32>], vector<16xf32>,
        %parallel_loop3A_1091 = arith.constant 16 : i32
        %parallel_loop3A_1092 = vector.broadcast %parallel_loop3A_1091 : i32 to vector<16xi32>
        %parallel_loop3A_1093 = arith.addi %and3A_39, %parallel_loop3A_1092 : vector<16xi32>
        %parallel_loop3A_1094 = arith.addi %parallel_loop3A_891, %parallel_loop3A_1093 : vector<16xi32>
        %parallel_loop3A_1095 = tpu.vector_load_idx %arg6[%parallel_loop3A_1094] : memref<64000xf32, #tpu.memory_space<vmem>>[vector<16xi32>], vector<16xf32>,
        %parallel_loop3A_1096 = arith.constant 4096 : i32
        %parallel_loop3A_1097 = arith.addi %parallel_loop3A_901, %parallel_loop3A_1096 : i32
        %parallel_loop3A_1098 = vector.broadcast %parallel_loop3A_1097 : i32 to vector<16xi32>
        %parallel_loop3A_1099 = arith.addi %add3A_182, %parallel_loop3A_1098 : vector<16xi32>
        tpu.vector_store_idx %arg7[%parallel_loop3A_1099], %parallel_loop3A_1095 : memref<32768xf32, #tpu.memory_space<vmem>>[vector<16xi32>], vector<16xf32>,
        %parallel_loop3A_1100 = arith.constant 16 : i32
        %parallel_loop3A_1101 = vector.broadcast %parallel_loop3A_1100 : i32 to vector<16xi32>
        %parallel_loop3A_1102 = arith.addi %and3A_45, %parallel_loop3A_1101 : vector<16xi32>
        %parallel_loop3A_1103 = arith.addi %parallel_loop3A_891, %parallel_loop3A_1102 : vector<16xi32>
        %parallel_loop3A_1104 = tpu.vector_load_idx %arg6[%parallel_loop3A_1103] : memref<64000xf32, #tpu.memory_space<vmem>>[vector<16xi32>], vector<16xf32>,
        %parallel_loop3A_1105 = arith.constant 4096 : i32
        %parallel_loop3A_1106 = arith.addi %parallel_loop3A_901, %parallel_loop3A_1105 : i32
        %parallel_loop3A_1107 = vector.broadcast %parallel_loop3A_1106 : i32 to vector<16xi32>
        %parallel_loop3A_1108 = arith.addi %add3A_196, %parallel_loop3A_1107 : vector<16xi32>
        tpu.vector_store_idx %arg7[%parallel_loop3A_1108], %parallel_loop3A_1104 : memref<32768xf32, #tpu.memory_space<vmem>>[vector<16xi32>], vector<16xf32>,
        %parallel_loop3A_1109 = arith.constant 16 : i32
        %parallel_loop3A_1110 = vector.broadcast %parallel_loop3A_1109 : i32 to vector<16xi32>
        %parallel_loop3A_1111 = arith.addi %and3A_51, %parallel_loop3A_1110 : vector<16xi32>
        %parallel_loop3A_1112 = arith.addi %parallel_loop3A_891, %parallel_loop3A_1111 : vector<16xi32>
        %parallel_loop3A_1113 = tpu.vector_load_idx %arg6[%parallel_loop3A_1112] : memref<64000xf32, #tpu.memory_space<vmem>>[vector<16xi32>], vector<16xf32>,
        %parallel_loop3A_1114 = arith.constant 4096 : i32
        %parallel_loop3A_1115 = arith.addi %parallel_loop3A_901, %parallel_loop3A_1114 : i32
        %parallel_loop3A_1116 = vector.broadcast %parallel_loop3A_1115 : i32 to vector<16xi32>
        %parallel_loop3A_1117 = arith.addi %add3A_210, %parallel_loop3A_1116 : vector<16xi32>
        tpu.vector_store_idx %arg7[%parallel_loop3A_1117], %parallel_loop3A_1113 : memref<32768xf32, #tpu.memory_space<vmem>>[vector<16xi32>], vector<16xf32>,
        %parallel_loop3A_1118 = arith.constant 16 : i32
        %parallel_loop3A_1119 = vector.broadcast %parallel_loop3A_1118 : i32 to vector<16xi32>
        %parallel_loop3A_1120 = arith.addi %and3A_57, %parallel_loop3A_1119 : vector<16xi32>
        %parallel_loop3A_1121 = arith.addi %parallel_loop3A_891, %parallel_loop3A_1120 : vector<16xi32>
        %parallel_loop3A_1122 = tpu.vector_load_idx %arg6[%parallel_loop3A_1121] : memref<64000xf32, #tpu.memory_space<vmem>>[vector<16xi32>], vector<16xf32>,
        %parallel_loop3A_1123 = arith.constant 4096 : i32
        %parallel_loop3A_1124 = arith.addi %parallel_loop3A_901, %parallel_loop3A_1123 : i32
        %parallel_loop3A_1125 = vector.broadcast %parallel_loop3A_1124 : i32 to vector<16xi32>
        %parallel_loop3A_1126 = arith.addi %add3A_224, %parallel_loop3A_1125 : vector<16xi32>
        tpu.vector_store_idx %arg7[%parallel_loop3A_1126], %parallel_loop3A_1122 : memref<32768xf32, #tpu.memory_space<vmem>>[vector<16xi32>], vector<16xf32>,
        %parallel_loop3A_1127 = arith.constant 16 : i32
        %parallel_loop3A_1128 = vector.broadcast %parallel_loop3A_1127 : i32 to vector<16xi32>
        %parallel_loop3A_1129 = arith.addi %and3A_63, %parallel_loop3A_1128 : vector<16xi32>
        %parallel_loop3A_1130 = arith.addi %parallel_loop3A_891, %parallel_loop3A_1129 : vector<16xi32>
        %parallel_loop3A_1131 = tpu.vector_load_idx %arg6[%parallel_loop3A_1130] : memref<64000xf32, #tpu.memory_space<vmem>>[vector<16xi32>], vector<16xf32>,
        %parallel_loop3A_1132 = arith.constant 4096 : i32
        %parallel_loop3A_1133 = arith.addi %parallel_loop3A_901, %parallel_loop3A_1132 : i32
        %parallel_loop3A_1134 = vector.broadcast %parallel_loop3A_1133 : i32 to vector<16xi32>
        %parallel_loop3A_1135 = arith.addi %add3A_238, %parallel_loop3A_1134 : vector<16xi32>
        tpu.vector_store_idx %arg7[%parallel_loop3A_1135], %parallel_loop3A_1131 : memref<32768xf32, #tpu.memory_space<vmem>>[vector<16xi32>], vector<16xf32>,
        %parallel_loop3A_1136 = arith.constant 16 : i32
        %parallel_loop3A_1137 = vector.broadcast %parallel_loop3A_1136 : i32 to vector<16xi32>
        %parallel_loop3A_1138 = arith.addi %and3A_69, %parallel_loop3A_1137 : vector<16xi32>
        %parallel_loop3A_1139 = arith.addi %parallel_loop3A_891, %parallel_loop3A_1138 : vector<16xi32>
        %parallel_loop3A_1140 = tpu.vector_load_idx %arg6[%parallel_loop3A_1139] : memref<64000xf32, #tpu.memory_space<vmem>>[vector<16xi32>], vector<16xf32>,
        %parallel_loop3A_1141 = arith.constant 4096 : i32
        %parallel_loop3A_1142 = arith.addi %parallel_loop3A_901, %parallel_loop3A_1141 : i32
        %parallel_loop3A_1143 = vector.broadcast %parallel_loop3A_1142 : i32 to vector<16xi32>
        %parallel_loop3A_1144 = arith.addi %add3A_252, %parallel_loop3A_1143 : vector<16xi32>
        tpu.vector_store_idx %arg7[%parallel_loop3A_1144], %parallel_loop3A_1140 : memref<32768xf32, #tpu.memory_space<vmem>>[vector<16xi32>], vector<16xf32>,
        %parallel_loop3A_1145 = arith.constant 16 : i32
        %parallel_loop3A_1146 = vector.broadcast %parallel_loop3A_1145 : i32 to vector<16xi32>
        %parallel_loop3A_1147 = arith.addi %and3A_75, %parallel_loop3A_1146 : vector<16xi32>
        %parallel_loop3A_1148 = arith.addi %parallel_loop3A_891, %parallel_loop3A_1147 : vector<16xi32>
        %parallel_loop3A_1149 = tpu.vector_load_idx %arg6[%parallel_loop3A_1148] : memref<64000xf32, #tpu.memory_space<vmem>>[vector<16xi32>], vector<16xf32>,
        %parallel_loop3A_1150 = arith.constant 4096 : i32
        %parallel_loop3A_1151 = arith.addi %parallel_loop3A_901, %parallel_loop3A_1150 : i32
        %parallel_loop3A_1152 = vector.broadcast %parallel_loop3A_1151 : i32 to vector<16xi32>
        %parallel_loop3A_1153 = arith.addi %add3A_266, %parallel_loop3A_1152 : vector<16xi32>
        tpu.vector_store_idx %arg7[%parallel_loop3A_1153], %parallel_loop3A_1149 : memref<32768xf32, #tpu.memory_space<vmem>>[vector<16xi32>], vector<16xf32>,
        %parallel_loop3A_1154 = arith.constant 16 : i32
        %parallel_loop3A_1155 = vector.broadcast %parallel_loop3A_1154 : i32 to vector<16xi32>
        %parallel_loop3A_1156 = arith.addi %and3A_81, %parallel_loop3A_1155 : vector<16xi32>
        %parallel_loop3A_1157 = arith.addi %parallel_loop3A_891, %parallel_loop3A_1156 : vector<16xi32>
        %parallel_loop3A_1158 = tpu.vector_load_idx %arg6[%parallel_loop3A_1157] : memref<64000xf32, #tpu.memory_space<vmem>>[vector<16xi32>], vector<16xf32>,
        %parallel_loop3A_1159 = arith.constant 4096 : i32
        %parallel_loop3A_1160 = arith.addi %parallel_loop3A_901, %parallel_loop3A_1159 : i32
        %parallel_loop3A_1161 = vector.broadcast %parallel_loop3A_1160 : i32 to vector<16xi32>
        %parallel_loop3A_1162 = arith.addi %add3A_280, %parallel_loop3A_1161 : vector<16xi32>
        tpu.vector_store_idx %arg7[%parallel_loop3A_1162], %parallel_loop3A_1158 : memref<32768xf32, #tpu.memory_space<vmem>>[vector<16xi32>], vector<16xf32>,
        %parallel_loop3A_1163 = arith.constant 16 : i32
        %parallel_loop3A_1164 = vector.broadcast %parallel_loop3A_1163 : i32 to vector<16xi32>
        %parallel_loop3A_1165 = arith.addi %and3A_87, %parallel_loop3A_1164 : vector<16xi32>
        %parallel_loop3A_1166 = arith.addi %parallel_loop3A_891, %parallel_loop3A_1165 : vector<16xi32>
        %parallel_loop3A_1167 = tpu.vector_load_idx %arg6[%parallel_loop3A_1166] : memref<64000xf32, #tpu.memory_space<vmem>>[vector<16xi32>], vector<16xf32>,
        %parallel_loop3A_1168 = arith.constant 4096 : i32
        %parallel_loop3A_1169 = arith.addi %parallel_loop3A_901, %parallel_loop3A_1168 : i32
        %parallel_loop3A_1170 = vector.broadcast %parallel_loop3A_1169 : i32 to vector<16xi32>
        %parallel_loop3A_1171 = arith.addi %add3A_294, %parallel_loop3A_1170 : vector<16xi32>
        tpu.vector_store_idx %arg7[%parallel_loop3A_1171], %parallel_loop3A_1167 : memref<32768xf32, #tpu.memory_space<vmem>>[vector<16xi32>], vector<16xf32>,
        %parallel_loop3A_1172 = arith.constant 16 : i32
        %parallel_loop3A_1173 = vector.broadcast %parallel_loop3A_1172 : i32 to vector<16xi32>
        %parallel_loop3A_1174 = arith.addi %and3A_93, %parallel_loop3A_1173 : vector<16xi32>
        %parallel_loop3A_1175 = arith.addi %parallel_loop3A_891, %parallel_loop3A_1174 : vector<16xi32>
        %parallel_loop3A_1176 = tpu.vector_load_idx %arg6[%parallel_loop3A_1175] : memref<64000xf32, #tpu.memory_space<vmem>>[vector<16xi32>], vector<16xf32>,
        %parallel_loop3A_1177 = arith.constant 4096 : i32
        %parallel_loop3A_1178 = arith.addi %parallel_loop3A_901, %parallel_loop3A_1177 : i32
        %parallel_loop3A_1179 = vector.broadcast %parallel_loop3A_1178 : i32 to vector<16xi32>
        %parallel_loop3A_1180 = arith.addi %add3A_308, %parallel_loop3A_1179 : vector<16xi32>
        tpu.vector_store_idx %arg7[%parallel_loop3A_1180], %parallel_loop3A_1176 : memref<32768xf32, #tpu.memory_space<vmem>>[vector<16xi32>], vector<16xf32>,
        %parallel_loop3A_1181 = arith.constant 16 : i32
        %parallel_loop3A_1182 = vector.broadcast %parallel_loop3A_1181 : i32 to vector<16xi32>
        %parallel_loop3A_1183 = arith.addi %and3A_99, %parallel_loop3A_1182 : vector<16xi32>
        %parallel_loop3A_1184 = arith.addi %parallel_loop3A_891, %parallel_loop3A_1183 : vector<16xi32>
        %parallel_loop3A_1185 = tpu.vector_load_idx %arg6[%parallel_loop3A_1184] : memref<64000xf32, #tpu.memory_space<vmem>>[vector<16xi32>], vector<16xf32>,
        %parallel_loop3A_1186 = arith.constant 4096 : i32
        %parallel_loop3A_1187 = arith.addi %parallel_loop3A_901, %parallel_loop3A_1186 : i32
        %parallel_loop3A_1188 = vector.broadcast %parallel_loop3A_1187 : i32 to vector<16xi32>
        %parallel_loop3A_1189 = arith.addi %add3A_322, %parallel_loop3A_1188 : vector<16xi32>
        tpu.vector_store_idx %arg7[%parallel_loop3A_1189], %parallel_loop3A_1185 : memref<32768xf32, #tpu.memory_space<vmem>>[vector<16xi32>], vector<16xf32>,
        %parallel_loop3A_1190 = arith.constant 32 : i32
        %parallel_loop3A_1191 = vector.broadcast %parallel_loop3A_1190 : i32 to vector<16xi32>
        %parallel_loop3A_1192 = arith.addi %and3A_9, %parallel_loop3A_1191 : vector<16xi32>
        %parallel_loop3A_1193 = arith.addi %parallel_loop3A_891, %parallel_loop3A_1192 : vector<16xi32>
        %parallel_loop3A_1194 = tpu.vector_load_idx %arg6[%parallel_loop3A_1193] : memref<64000xf32, #tpu.memory_space<vmem>>[vector<16xi32>], vector<16xf32>,
        %parallel_loop3A_1195 = arith.constant 8192 : i32
        %parallel_loop3A_1196 = arith.addi %parallel_loop3A_901, %parallel_loop3A_1195 : i32
        %parallel_loop3A_1197 = vector.broadcast %parallel_loop3A_1196 : i32 to vector<16xi32>
        %parallel_loop3A_1198 = arith.addi %add3A_112, %parallel_loop3A_1197 : vector<16xi32>
        tpu.vector_store_idx %arg7[%parallel_loop3A_1198], %parallel_loop3A_1194 : memref<32768xf32, #tpu.memory_space<vmem>>[vector<16xi32>], vector<16xf32>,
        %parallel_loop3A_1199 = arith.constant 32 : i32
        %parallel_loop3A_1200 = vector.broadcast %parallel_loop3A_1199 : i32 to vector<16xi32>
        %parallel_loop3A_1201 = arith.addi %and3A_15, %parallel_loop3A_1200 : vector<16xi32>
        %parallel_loop3A_1202 = arith.addi %parallel_loop3A_891, %parallel_loop3A_1201 : vector<16xi32>
        %parallel_loop3A_1203 = tpu.vector_load_idx %arg6[%parallel_loop3A_1202] : memref<64000xf32, #tpu.memory_space<vmem>>[vector<16xi32>], vector<16xf32>,
        %parallel_loop3A_1204 = arith.constant 8192 : i32
        %parallel_loop3A_1205 = arith.addi %parallel_loop3A_901, %parallel_loop3A_1204 : i32
        %parallel_loop3A_1206 = vector.broadcast %parallel_loop3A_1205 : i32 to vector<16xi32>
        %parallel_loop3A_1207 = arith.addi %add3A_126, %parallel_loop3A_1206 : vector<16xi32>
        tpu.vector_store_idx %arg7[%parallel_loop3A_1207], %parallel_loop3A_1203 : memref<32768xf32, #tpu.memory_space<vmem>>[vector<16xi32>], vector<16xf32>,
        %parallel_loop3A_1208 = arith.constant 32 : i32
        %parallel_loop3A_1209 = vector.broadcast %parallel_loop3A_1208 : i32 to vector<16xi32>
        %parallel_loop3A_1210 = arith.addi %and3A_21, %parallel_loop3A_1209 : vector<16xi32>
        %parallel_loop3A_1211 = arith.addi %parallel_loop3A_891, %parallel_loop3A_1210 : vector<16xi32>
        %parallel_loop3A_1212 = tpu.vector_load_idx %arg6[%parallel_loop3A_1211] : memref<64000xf32, #tpu.memory_space<vmem>>[vector<16xi32>], vector<16xf32>,
        %parallel_loop3A_1213 = arith.constant 8192 : i32
        %parallel_loop3A_1214 = arith.addi %parallel_loop3A_901, %parallel_loop3A_1213 : i32
        %parallel_loop3A_1215 = vector.broadcast %parallel_loop3A_1214 : i32 to vector<16xi32>
        %parallel_loop3A_1216 = arith.addi %add3A_140, %parallel_loop3A_1215 : vector<16xi32>
        tpu.vector_store_idx %arg7[%parallel_loop3A_1216], %parallel_loop3A_1212 : memref<32768xf32, #tpu.memory_space<vmem>>[vector<16xi32>], vector<16xf32>,
        %parallel_loop3A_1217 = arith.constant 32 : i32
        %parallel_loop3A_1218 = vector.broadcast %parallel_loop3A_1217 : i32 to vector<16xi32>
        %parallel_loop3A_1219 = arith.addi %and3A_27, %parallel_loop3A_1218 : vector<16xi32>
        %parallel_loop3A_1220 = arith.addi %parallel_loop3A_891, %parallel_loop3A_1219 : vector<16xi32>
        %parallel_loop3A_1221 = tpu.vector_load_idx %arg6[%parallel_loop3A_1220] : memref<64000xf32, #tpu.memory_space<vmem>>[vector<16xi32>], vector<16xf32>,
        %parallel_loop3A_1222 = arith.constant 8192 : i32
        %parallel_loop3A_1223 = arith.addi %parallel_loop3A_901, %parallel_loop3A_1222 : i32
        %parallel_loop3A_1224 = vector.broadcast %parallel_loop3A_1223 : i32 to vector<16xi32>
        %parallel_loop3A_1225 = arith.addi %add3A_154, %parallel_loop3A_1224 : vector<16xi32>
        tpu.vector_store_idx %arg7[%parallel_loop3A_1225], %parallel_loop3A_1221 : memref<32768xf32, #tpu.memory_space<vmem>>[vector<16xi32>], vector<16xf32>,
        %parallel_loop3A_1226 = arith.constant 32 : i32
        %parallel_loop3A_1227 = vector.broadcast %parallel_loop3A_1226 : i32 to vector<16xi32>
        %parallel_loop3A_1228 = arith.addi %and3A_33, %parallel_loop3A_1227 : vector<16xi32>
        %parallel_loop3A_1229 = arith.addi %parallel_loop3A_891, %parallel_loop3A_1228 : vector<16xi32>
        %parallel_loop3A_1230 = tpu.vector_load_idx %arg6[%parallel_loop3A_1229] : memref<64000xf32, #tpu.memory_space<vmem>>[vector<16xi32>], vector<16xf32>,
        %parallel_loop3A_1231 = arith.constant 8192 : i32
        %parallel_loop3A_1232 = arith.addi %parallel_loop3A_901, %parallel_loop3A_1231 : i32
        %parallel_loop3A_1233 = vector.broadcast %parallel_loop3A_1232 : i32 to vector<16xi32>
        %parallel_loop3A_1234 = arith.addi %add3A_168, %parallel_loop3A_1233 : vector<16xi32>
        tpu.vector_store_idx %arg7[%parallel_loop3A_1234], %parallel_loop3A_1230 : memref<32768xf32, #tpu.memory_space<vmem>>[vector<16xi32>], vector<16xf32>,
        %parallel_loop3A_1235 = arith.constant 32 : i32
        %parallel_loop3A_1236 = vector.broadcast %parallel_loop3A_1235 : i32 to vector<16xi32>
        %parallel_loop3A_1237 = arith.addi %and3A_39, %parallel_loop3A_1236 : vector<16xi32>
        %parallel_loop3A_1238 = arith.addi %parallel_loop3A_891, %parallel_loop3A_1237 : vector<16xi32>
        %parallel_loop3A_1239 = tpu.vector_load_idx %arg6[%parallel_loop3A_1238] : memref<64000xf32, #tpu.memory_space<vmem>>[vector<16xi32>], vector<16xf32>,
        %parallel_loop3A_1240 = arith.constant 8192 : i32
        %parallel_loop3A_1241 = arith.addi %parallel_loop3A_901, %parallel_loop3A_1240 : i32
        %parallel_loop3A_1242 = vector.broadcast %parallel_loop3A_1241 : i32 to vector<16xi32>
        %parallel_loop3A_1243 = arith.addi %add3A_182, %parallel_loop3A_1242 : vector<16xi32>
        tpu.vector_store_idx %arg7[%parallel_loop3A_1243], %parallel_loop3A_1239 : memref<32768xf32, #tpu.memory_space<vmem>>[vector<16xi32>], vector<16xf32>,
        %parallel_loop3A_1244 = arith.constant 32 : i32
        %parallel_loop3A_1245 = vector.broadcast %parallel_loop3A_1244 : i32 to vector<16xi32>
        %parallel_loop3A_1246 = arith.addi %and3A_45, %parallel_loop3A_1245 : vector<16xi32>
        %parallel_loop3A_1247 = arith.addi %parallel_loop3A_891, %parallel_loop3A_1246 : vector<16xi32>
        %parallel_loop3A_1248 = tpu.vector_load_idx %arg6[%parallel_loop3A_1247] : memref<64000xf32, #tpu.memory_space<vmem>>[vector<16xi32>], vector<16xf32>,
        %parallel_loop3A_1249 = arith.constant 8192 : i32
        %parallel_loop3A_1250 = arith.addi %parallel_loop3A_901, %parallel_loop3A_1249 : i32
        %parallel_loop3A_1251 = vector.broadcast %parallel_loop3A_1250 : i32 to vector<16xi32>
        %parallel_loop3A_1252 = arith.addi %add3A_196, %parallel_loop3A_1251 : vector<16xi32>
        tpu.vector_store_idx %arg7[%parallel_loop3A_1252], %parallel_loop3A_1248 : memref<32768xf32, #tpu.memory_space<vmem>>[vector<16xi32>], vector<16xf32>,
        %parallel_loop3A_1253 = arith.constant 32 : i32
        %parallel_loop3A_1254 = vector.broadcast %parallel_loop3A_1253 : i32 to vector<16xi32>
        %parallel_loop3A_1255 = arith.addi %and3A_51, %parallel_loop3A_1254 : vector<16xi32>
        %parallel_loop3A_1256 = arith.addi %parallel_loop3A_891, %parallel_loop3A_1255 : vector<16xi32>
        %parallel_loop3A_1257 = tpu.vector_load_idx %arg6[%parallel_loop3A_1256] : memref<64000xf32, #tpu.memory_space<vmem>>[vector<16xi32>], vector<16xf32>,
        %parallel_loop3A_1258 = arith.constant 8192 : i32
        %parallel_loop3A_1259 = arith.addi %parallel_loop3A_901, %parallel_loop3A_1258 : i32
        %parallel_loop3A_1260 = vector.broadcast %parallel_loop3A_1259 : i32 to vector<16xi32>
        %parallel_loop3A_1261 = arith.addi %add3A_210, %parallel_loop3A_1260 : vector<16xi32>
        tpu.vector_store_idx %arg7[%parallel_loop3A_1261], %parallel_loop3A_1257 : memref<32768xf32, #tpu.memory_space<vmem>>[vector<16xi32>], vector<16xf32>,
        %parallel_loop3A_1262 = arith.constant 32 : i32
        %parallel_loop3A_1263 = vector.broadcast %parallel_loop3A_1262 : i32 to vector<16xi32>
        %parallel_loop3A_1264 = arith.addi %and3A_57, %parallel_loop3A_1263 : vector<16xi32>
        %parallel_loop3A_1265 = arith.addi %parallel_loop3A_891, %parallel_loop3A_1264 : vector<16xi32>
        %parallel_loop3A_1266 = tpu.vector_load_idx %arg6[%parallel_loop3A_1265] : memref<64000xf32, #tpu.memory_space<vmem>>[vector<16xi32>], vector<16xf32>,
        %parallel_loop3A_1267 = arith.constant 8192 : i32
        %parallel_loop3A_1268 = arith.addi %parallel_loop3A_901, %parallel_loop3A_1267 : i32
        %parallel_loop3A_1269 = vector.broadcast %parallel_loop3A_1268 : i32 to vector<16xi32>
        %parallel_loop3A_1270 = arith.addi %add3A_224, %parallel_loop3A_1269 : vector<16xi32>
        tpu.vector_store_idx %arg7[%parallel_loop3A_1270], %parallel_loop3A_1266 : memref<32768xf32, #tpu.memory_space<vmem>>[vector<16xi32>], vector<16xf32>,
        %parallel_loop3A_1271 = arith.constant 32 : i32
        %parallel_loop3A_1272 = vector.broadcast %parallel_loop3A_1271 : i32 to vector<16xi32>
        %parallel_loop3A_1273 = arith.addi %and3A_63, %parallel_loop3A_1272 : vector<16xi32>
        %parallel_loop3A_1274 = arith.addi %parallel_loop3A_891, %parallel_loop3A_1273 : vector<16xi32>
        %parallel_loop3A_1275 = tpu.vector_load_idx %arg6[%parallel_loop3A_1274] : memref<64000xf32, #tpu.memory_space<vmem>>[vector<16xi32>], vector<16xf32>,
        %parallel_loop3A_1276 = arith.constant 8192 : i32
        %parallel_loop3A_1277 = arith.addi %parallel_loop3A_901, %parallel_loop3A_1276 : i32
        %parallel_loop3A_1278 = vector.broadcast %parallel_loop3A_1277 : i32 to vector<16xi32>
        %parallel_loop3A_1279 = arith.addi %add3A_238, %parallel_loop3A_1278 : vector<16xi32>
        tpu.vector_store_idx %arg7[%parallel_loop3A_1279], %parallel_loop3A_1275 : memref<32768xf32, #tpu.memory_space<vmem>>[vector<16xi32>], vector<16xf32>,
        %parallel_loop3A_1280 = arith.constant 32 : i32
        %parallel_loop3A_1281 = vector.broadcast %parallel_loop3A_1280 : i32 to vector<16xi32>
        %parallel_loop3A_1282 = arith.addi %and3A_69, %parallel_loop3A_1281 : vector<16xi32>
        %parallel_loop3A_1283 = arith.addi %parallel_loop3A_891, %parallel_loop3A_1282 : vector<16xi32>
        %parallel_loop3A_1284 = tpu.vector_load_idx %arg6[%parallel_loop3A_1283] : memref<64000xf32, #tpu.memory_space<vmem>>[vector<16xi32>], vector<16xf32>,
        %parallel_loop3A_1285 = arith.constant 8192 : i32
        %parallel_loop3A_1286 = arith.addi %parallel_loop3A_901, %parallel_loop3A_1285 : i32
        %parallel_loop3A_1287 = vector.broadcast %parallel_loop3A_1286 : i32 to vector<16xi32>
        %parallel_loop3A_1288 = arith.addi %add3A_252, %parallel_loop3A_1287 : vector<16xi32>
        tpu.vector_store_idx %arg7[%parallel_loop3A_1288], %parallel_loop3A_1284 : memref<32768xf32, #tpu.memory_space<vmem>>[vector<16xi32>], vector<16xf32>,
        %parallel_loop3A_1289 = arith.constant 32 : i32
        %parallel_loop3A_1290 = vector.broadcast %parallel_loop3A_1289 : i32 to vector<16xi32>
        %parallel_loop3A_1291 = arith.addi %and3A_75, %parallel_loop3A_1290 : vector<16xi32>
        %parallel_loop3A_1292 = arith.addi %parallel_loop3A_891, %parallel_loop3A_1291 : vector<16xi32>
        %parallel_loop3A_1293 = tpu.vector_load_idx %arg6[%parallel_loop3A_1292] : memref<64000xf32, #tpu.memory_space<vmem>>[vector<16xi32>], vector<16xf32>,
        %parallel_loop3A_1294 = arith.constant 8192 : i32
        %parallel_loop3A_1295 = arith.addi %parallel_loop3A_901, %parallel_loop3A_1294 : i32
        %parallel_loop3A_1296 = vector.broadcast %parallel_loop3A_1295 : i32 to vector<16xi32>
        %parallel_loop3A_1297 = arith.addi %add3A_266, %parallel_loop3A_1296 : vector<16xi32>
        tpu.vector_store_idx %arg7[%parallel_loop3A_1297], %parallel_loop3A_1293 : memref<32768xf32, #tpu.memory_space<vmem>>[vector<16xi32>], vector<16xf32>,
        %parallel_loop3A_1298 = arith.constant 32 : i32
        %parallel_loop3A_1299 = vector.broadcast %parallel_loop3A_1298 : i32 to vector<16xi32>
        %parallel_loop3A_1300 = arith.addi %and3A_81, %parallel_loop3A_1299 : vector<16xi32>
        %parallel_loop3A_1301 = arith.addi %parallel_loop3A_891, %parallel_loop3A_1300 : vector<16xi32>
        %parallel_loop3A_1302 = tpu.vector_load_idx %arg6[%parallel_loop3A_1301] : memref<64000xf32, #tpu.memory_space<vmem>>[vector<16xi32>], vector<16xf32>,
        %parallel_loop3A_1303 = arith.constant 8192 : i32
        %parallel_loop3A_1304 = arith.addi %parallel_loop3A_901, %parallel_loop3A_1303 : i32
        %parallel_loop3A_1305 = vector.broadcast %parallel_loop3A_1304 : i32 to vector<16xi32>
        %parallel_loop3A_1306 = arith.addi %add3A_280, %parallel_loop3A_1305 : vector<16xi32>
        tpu.vector_store_idx %arg7[%parallel_loop3A_1306], %parallel_loop3A_1302 : memref<32768xf32, #tpu.memory_space<vmem>>[vector<16xi32>], vector<16xf32>,
        %parallel_loop3A_1307 = arith.constant 32 : i32
        %parallel_loop3A_1308 = vector.broadcast %parallel_loop3A_1307 : i32 to vector<16xi32>
        %parallel_loop3A_1309 = arith.addi %and3A_87, %parallel_loop3A_1308 : vector<16xi32>
        %parallel_loop3A_1310 = arith.addi %parallel_loop3A_891, %parallel_loop3A_1309 : vector<16xi32>
        %parallel_loop3A_1311 = tpu.vector_load_idx %arg6[%parallel_loop3A_1310] : memref<64000xf32, #tpu.memory_space<vmem>>[vector<16xi32>], vector<16xf32>,
        %parallel_loop3A_1312 = arith.constant 8192 : i32
        %parallel_loop3A_1313 = arith.addi %parallel_loop3A_901, %parallel_loop3A_1312 : i32
        %parallel_loop3A_1314 = vector.broadcast %parallel_loop3A_1313 : i32 to vector<16xi32>
        %parallel_loop3A_1315 = arith.addi %add3A_294, %parallel_loop3A_1314 : vector<16xi32>
        tpu.vector_store_idx %arg7[%parallel_loop3A_1315], %parallel_loop3A_1311 : memref<32768xf32, #tpu.memory_space<vmem>>[vector<16xi32>], vector<16xf32>,
        %parallel_loop3A_1316 = arith.constant 32 : i32
        %parallel_loop3A_1317 = vector.broadcast %parallel_loop3A_1316 : i32 to vector<16xi32>
        %parallel_loop3A_1318 = arith.addi %and3A_93, %parallel_loop3A_1317 : vector<16xi32>
        %parallel_loop3A_1319 = arith.addi %parallel_loop3A_891, %parallel_loop3A_1318 : vector<16xi32>
        %parallel_loop3A_1320 = tpu.vector_load_idx %arg6[%parallel_loop3A_1319] : memref<64000xf32, #tpu.memory_space<vmem>>[vector<16xi32>], vector<16xf32>,
        %parallel_loop3A_1321 = arith.constant 8192 : i32
        %parallel_loop3A_1322 = arith.addi %parallel_loop3A_901, %parallel_loop3A_1321 : i32
        %parallel_loop3A_1323 = vector.broadcast %parallel_loop3A_1322 : i32 to vector<16xi32>
        %parallel_loop3A_1324 = arith.addi %add3A_308, %parallel_loop3A_1323 : vector<16xi32>
        tpu.vector_store_idx %arg7[%parallel_loop3A_1324], %parallel_loop3A_1320 : memref<32768xf32, #tpu.memory_space<vmem>>[vector<16xi32>], vector<16xf32>,
        %parallel_loop3A_1325 = arith.constant 32 : i32
        %parallel_loop3A_1326 = vector.broadcast %parallel_loop3A_1325 : i32 to vector<16xi32>
        %parallel_loop3A_1327 = arith.addi %and3A_99, %parallel_loop3A_1326 : vector<16xi32>
        %parallel_loop3A_1328 = arith.addi %parallel_loop3A_891, %parallel_loop3A_1327 : vector<16xi32>
        %parallel_loop3A_1329 = tpu.vector_load_idx %arg6[%parallel_loop3A_1328] : memref<64000xf32, #tpu.memory_space<vmem>>[vector<16xi32>], vector<16xf32>,
        %parallel_loop3A_1330 = arith.constant 8192 : i32
        %parallel_loop3A_1331 = arith.addi %parallel_loop3A_901, %parallel_loop3A_1330 : i32
        %parallel_loop3A_1332 = vector.broadcast %parallel_loop3A_1331 : i32 to vector<16xi32>
        %parallel_loop3A_1333 = arith.addi %add3A_322, %parallel_loop3A_1332 : vector<16xi32>
        tpu.vector_store_idx %arg7[%parallel_loop3A_1333], %parallel_loop3A_1329 : memref<32768xf32, #tpu.memory_space<vmem>>[vector<16xi32>], vector<16xf32>,
        %parallel_loop3A_1334 = arith.constant 48 : i32
        %parallel_loop3A_1335 = vector.broadcast %parallel_loop3A_1334 : i32 to vector<16xi32>
        %parallel_loop3A_1336 = arith.addi %and3A_9, %parallel_loop3A_1335 : vector<16xi32>
        %parallel_loop3A_1337 = arith.addi %parallel_loop3A_891, %parallel_loop3A_1336 : vector<16xi32>
        %parallel_loop3A_1338 = tpu.vector_load_idx %arg6[%parallel_loop3A_1337] : memref<64000xf32, #tpu.memory_space<vmem>>[vector<16xi32>], vector<16xf32>,
        %parallel_loop3A_1339 = arith.constant 12288 : i32
        %parallel_loop3A_1340 = arith.addi %parallel_loop3A_901, %parallel_loop3A_1339 : i32
        %parallel_loop3A_1341 = vector.broadcast %parallel_loop3A_1340 : i32 to vector<16xi32>
        %parallel_loop3A_1342 = arith.addi %add3A_112, %parallel_loop3A_1341 : vector<16xi32>
        tpu.vector_store_idx %arg7[%parallel_loop3A_1342], %parallel_loop3A_1338 : memref<32768xf32, #tpu.memory_space<vmem>>[vector<16xi32>], vector<16xf32>,
        %parallel_loop3A_1343 = arith.constant 48 : i32
        %parallel_loop3A_1344 = vector.broadcast %parallel_loop3A_1343 : i32 to vector<16xi32>
        %parallel_loop3A_1345 = arith.addi %and3A_15, %parallel_loop3A_1344 : vector<16xi32>
        %parallel_loop3A_1346 = arith.addi %parallel_loop3A_891, %parallel_loop3A_1345 : vector<16xi32>
        %parallel_loop3A_1347 = tpu.vector_load_idx %arg6[%parallel_loop3A_1346] : memref<64000xf32, #tpu.memory_space<vmem>>[vector<16xi32>], vector<16xf32>,
        %parallel_loop3A_1348 = arith.constant 12288 : i32
        %parallel_loop3A_1349 = arith.addi %parallel_loop3A_901, %parallel_loop3A_1348 : i32
        %parallel_loop3A_1350 = vector.broadcast %parallel_loop3A_1349 : i32 to vector<16xi32>
        %parallel_loop3A_1351 = arith.addi %add3A_126, %parallel_loop3A_1350 : vector<16xi32>
        tpu.vector_store_idx %arg7[%parallel_loop3A_1351], %parallel_loop3A_1347 : memref<32768xf32, #tpu.memory_space<vmem>>[vector<16xi32>], vector<16xf32>,
        %parallel_loop3A_1352 = arith.constant 48 : i32
        %parallel_loop3A_1353 = vector.broadcast %parallel_loop3A_1352 : i32 to vector<16xi32>
        %parallel_loop3A_1354 = arith.addi %and3A_21, %parallel_loop3A_1353 : vector<16xi32>
        %parallel_loop3A_1355 = arith.addi %parallel_loop3A_891, %parallel_loop3A_1354 : vector<16xi32>
        %parallel_loop3A_1356 = tpu.vector_load_idx %arg6[%parallel_loop3A_1355] : memref<64000xf32, #tpu.memory_space<vmem>>[vector<16xi32>], vector<16xf32>,
        %parallel_loop3A_1357 = arith.constant 12288 : i32
        %parallel_loop3A_1358 = arith.addi %parallel_loop3A_901, %parallel_loop3A_1357 : i32
        %parallel_loop3A_1359 = vector.broadcast %parallel_loop3A_1358 : i32 to vector<16xi32>
        %parallel_loop3A_1360 = arith.addi %add3A_140, %parallel_loop3A_1359 : vector<16xi32>
        tpu.vector_store_idx %arg7[%parallel_loop3A_1360], %parallel_loop3A_1356 : memref<32768xf32, #tpu.memory_space<vmem>>[vector<16xi32>], vector<16xf32>,
        %parallel_loop3A_1361 = arith.constant 48 : i32
        %parallel_loop3A_1362 = vector.broadcast %parallel_loop3A_1361 : i32 to vector<16xi32>
        %parallel_loop3A_1363 = arith.addi %and3A_27, %parallel_loop3A_1362 : vector<16xi32>
        %parallel_loop3A_1364 = arith.addi %parallel_loop3A_891, %parallel_loop3A_1363 : vector<16xi32>
        %parallel_loop3A_1365 = tpu.vector_load_idx %arg6[%parallel_loop3A_1364] : memref<64000xf32, #tpu.memory_space<vmem>>[vector<16xi32>], vector<16xf32>,
        %parallel_loop3A_1366 = arith.constant 12288 : i32
        %parallel_loop3A_1367 = arith.addi %parallel_loop3A_901, %parallel_loop3A_1366 : i32
        %parallel_loop3A_1368 = vector.broadcast %parallel_loop3A_1367 : i32 to vector<16xi32>
        %parallel_loop3A_1369 = arith.addi %add3A_154, %parallel_loop3A_1368 : vector<16xi32>
        tpu.vector_store_idx %arg7[%parallel_loop3A_1369], %parallel_loop3A_1365 : memref<32768xf32, #tpu.memory_space<vmem>>[vector<16xi32>], vector<16xf32>,
        %parallel_loop3A_1370 = arith.constant 48 : i32
        %parallel_loop3A_1371 = vector.broadcast %parallel_loop3A_1370 : i32 to vector<16xi32>
        %parallel_loop3A_1372 = arith.addi %and3A_33, %parallel_loop3A_1371 : vector<16xi32>
        %parallel_loop3A_1373 = arith.addi %parallel_loop3A_891, %parallel_loop3A_1372 : vector<16xi32>
        %parallel_loop3A_1374 = tpu.vector_load_idx %arg6[%parallel_loop3A_1373] : memref<64000xf32, #tpu.memory_space<vmem>>[vector<16xi32>], vector<16xf32>,
        %parallel_loop3A_1375 = arith.constant 12288 : i32
        %parallel_loop3A_1376 = arith.addi %parallel_loop3A_901, %parallel_loop3A_1375 : i32
        %parallel_loop3A_1377 = vector.broadcast %parallel_loop3A_1376 : i32 to vector<16xi32>
        %parallel_loop3A_1378 = arith.addi %add3A_168, %parallel_loop3A_1377 : vector<16xi32>
        tpu.vector_store_idx %arg7[%parallel_loop3A_1378], %parallel_loop3A_1374 : memref<32768xf32, #tpu.memory_space<vmem>>[vector<16xi32>], vector<16xf32>,
        %parallel_loop3A_1379 = arith.constant 48 : i32
        %parallel_loop3A_1380 = vector.broadcast %parallel_loop3A_1379 : i32 to vector<16xi32>
        %parallel_loop3A_1381 = arith.addi %and3A_39, %parallel_loop3A_1380 : vector<16xi32>
        %parallel_loop3A_1382 = arith.addi %parallel_loop3A_891, %parallel_loop3A_1381 : vector<16xi32>
        %parallel_loop3A_1383 = tpu.vector_load_idx %arg6[%parallel_loop3A_1382] : memref<64000xf32, #tpu.memory_space<vmem>>[vector<16xi32>], vector<16xf32>,
        %parallel_loop3A_1384 = arith.constant 12288 : i32
        %parallel_loop3A_1385 = arith.addi %parallel_loop3A_901, %parallel_loop3A_1384 : i32
        %parallel_loop3A_1386 = vector.broadcast %parallel_loop3A_1385 : i32 to vector<16xi32>
        %parallel_loop3A_1387 = arith.addi %add3A_182, %parallel_loop3A_1386 : vector<16xi32>
        tpu.vector_store_idx %arg7[%parallel_loop3A_1387], %parallel_loop3A_1383 : memref<32768xf32, #tpu.memory_space<vmem>>[vector<16xi32>], vector<16xf32>,
        %parallel_loop3A_1388 = arith.constant 48 : i32
        %parallel_loop3A_1389 = vector.broadcast %parallel_loop3A_1388 : i32 to vector<16xi32>
        %parallel_loop3A_1390 = arith.addi %and3A_45, %parallel_loop3A_1389 : vector<16xi32>
        %parallel_loop3A_1391 = arith.addi %parallel_loop3A_891, %parallel_loop3A_1390 : vector<16xi32>
        %parallel_loop3A_1392 = tpu.vector_load_idx %arg6[%parallel_loop3A_1391] : memref<64000xf32, #tpu.memory_space<vmem>>[vector<16xi32>], vector<16xf32>,
        %parallel_loop3A_1393 = arith.constant 12288 : i32
        %parallel_loop3A_1394 = arith.addi %parallel_loop3A_901, %parallel_loop3A_1393 : i32
        %parallel_loop3A_1395 = vector.broadcast %parallel_loop3A_1394 : i32 to vector<16xi32>
        %parallel_loop3A_1396 = arith.addi %add3A_196, %parallel_loop3A_1395 : vector<16xi32>
        tpu.vector_store_idx %arg7[%parallel_loop3A_1396], %parallel_loop3A_1392 : memref<32768xf32, #tpu.memory_space<vmem>>[vector<16xi32>], vector<16xf32>,
        %parallel_loop3A_1397 = arith.constant 48 : i32
        %parallel_loop3A_1398 = vector.broadcast %parallel_loop3A_1397 : i32 to vector<16xi32>
        %parallel_loop3A_1399 = arith.addi %and3A_51, %parallel_loop3A_1398 : vector<16xi32>
        %parallel_loop3A_1400 = arith.addi %parallel_loop3A_891, %parallel_loop3A_1399 : vector<16xi32>
        %parallel_loop3A_1401 = tpu.vector_load_idx %arg6[%parallel_loop3A_1400] : memref<64000xf32, #tpu.memory_space<vmem>>[vector<16xi32>], vector<16xf32>,
        %parallel_loop3A_1402 = arith.constant 12288 : i32
        %parallel_loop3A_1403 = arith.addi %parallel_loop3A_901, %parallel_loop3A_1402 : i32
        %parallel_loop3A_1404 = vector.broadcast %parallel_loop3A_1403 : i32 to vector<16xi32>
        %parallel_loop3A_1405 = arith.addi %add3A_210, %parallel_loop3A_1404 : vector<16xi32>
        tpu.vector_store_idx %arg7[%parallel_loop3A_1405], %parallel_loop3A_1401 : memref<32768xf32, #tpu.memory_space<vmem>>[vector<16xi32>], vector<16xf32>,
        %parallel_loop3A_1406 = arith.constant 48 : i32
        %parallel_loop3A_1407 = vector.broadcast %parallel_loop3A_1406 : i32 to vector<16xi32>
        %parallel_loop3A_1408 = arith.addi %and3A_57, %parallel_loop3A_1407 : vector<16xi32>
        %parallel_loop3A_1409 = arith.addi %parallel_loop3A_891, %parallel_loop3A_1408 : vector<16xi32>
        %parallel_loop3A_1410 = tpu.vector_load_idx %arg6[%parallel_loop3A_1409] : memref<64000xf32, #tpu.memory_space<vmem>>[vector<16xi32>], vector<16xf32>,
        %parallel_loop3A_1411 = arith.constant 12288 : i32
        %parallel_loop3A_1412 = arith.addi %parallel_loop3A_901, %parallel_loop3A_1411 : i32
        %parallel_loop3A_1413 = vector.broadcast %parallel_loop3A_1412 : i32 to vector<16xi32>
        %parallel_loop3A_1414 = arith.addi %add3A_224, %parallel_loop3A_1413 : vector<16xi32>
        tpu.vector_store_idx %arg7[%parallel_loop3A_1414], %parallel_loop3A_1410 : memref<32768xf32, #tpu.memory_space<vmem>>[vector<16xi32>], vector<16xf32>,
        %parallel_loop3A_1415 = arith.constant 48 : i32
        %parallel_loop3A_1416 = vector.broadcast %parallel_loop3A_1415 : i32 to vector<16xi32>
        %parallel_loop3A_1417 = arith.addi %and3A_63, %parallel_loop3A_1416 : vector<16xi32>
        %parallel_loop3A_1418 = arith.addi %parallel_loop3A_891, %parallel_loop3A_1417 : vector<16xi32>
        %parallel_loop3A_1419 = tpu.vector_load_idx %arg6[%parallel_loop3A_1418] : memref<64000xf32, #tpu.memory_space<vmem>>[vector<16xi32>], vector<16xf32>,
        %parallel_loop3A_1420 = arith.constant 12288 : i32
        %parallel_loop3A_1421 = arith.addi %parallel_loop3A_901, %parallel_loop3A_1420 : i32
        %parallel_loop3A_1422 = vector.broadcast %parallel_loop3A_1421 : i32 to vector<16xi32>
        %parallel_loop3A_1423 = arith.addi %add3A_238, %parallel_loop3A_1422 : vector<16xi32>
        tpu.vector_store_idx %arg7[%parallel_loop3A_1423], %parallel_loop3A_1419 : memref<32768xf32, #tpu.memory_space<vmem>>[vector<16xi32>], vector<16xf32>,
        %parallel_loop3A_1424 = arith.constant 48 : i32
        %parallel_loop3A_1425 = vector.broadcast %parallel_loop3A_1424 : i32 to vector<16xi32>
        %parallel_loop3A_1426 = arith.addi %and3A_69, %parallel_loop3A_1425 : vector<16xi32>
        %parallel_loop3A_1427 = arith.addi %parallel_loop3A_891, %parallel_loop3A_1426 : vector<16xi32>
        %parallel_loop3A_1428 = tpu.vector_load_idx %arg6[%parallel_loop3A_1427] : memref<64000xf32, #tpu.memory_space<vmem>>[vector<16xi32>], vector<16xf32>,
        %parallel_loop3A_1429 = arith.constant 12288 : i32
        %parallel_loop3A_1430 = arith.addi %parallel_loop3A_901, %parallel_loop3A_1429 : i32
        %parallel_loop3A_1431 = vector.broadcast %parallel_loop3A_1430 : i32 to vector<16xi32>
        %parallel_loop3A_1432 = arith.addi %add3A_252, %parallel_loop3A_1431 : vector<16xi32>
        tpu.vector_store_idx %arg7[%parallel_loop3A_1432], %parallel_loop3A_1428 : memref<32768xf32, #tpu.memory_space<vmem>>[vector<16xi32>], vector<16xf32>,
        %parallel_loop3A_1433 = arith.constant 48 : i32
        %parallel_loop3A_1434 = vector.broadcast %parallel_loop3A_1433 : i32 to vector<16xi32>
        %parallel_loop3A_1435 = arith.addi %and3A_75, %parallel_loop3A_1434 : vector<16xi32>
        %parallel_loop3A_1436 = arith.addi %parallel_loop3A_891, %parallel_loop3A_1435 : vector<16xi32>
        %parallel_loop3A_1437 = tpu.vector_load_idx %arg6[%parallel_loop3A_1436] : memref<64000xf32, #tpu.memory_space<vmem>>[vector<16xi32>], vector<16xf32>,
        %parallel_loop3A_1438 = arith.constant 12288 : i32
        %parallel_loop3A_1439 = arith.addi %parallel_loop3A_901, %parallel_loop3A_1438 : i32
        %parallel_loop3A_1440 = vector.broadcast %parallel_loop3A_1439 : i32 to vector<16xi32>
        %parallel_loop3A_1441 = arith.addi %add3A_266, %parallel_loop3A_1440 : vector<16xi32>
        tpu.vector_store_idx %arg7[%parallel_loop3A_1441], %parallel_loop3A_1437 : memref<32768xf32, #tpu.memory_space<vmem>>[vector<16xi32>], vector<16xf32>,
        %parallel_loop3A_1442 = arith.constant 48 : i32
        %parallel_loop3A_1443 = vector.broadcast %parallel_loop3A_1442 : i32 to vector<16xi32>
        %parallel_loop3A_1444 = arith.addi %and3A_81, %parallel_loop3A_1443 : vector<16xi32>
        %parallel_loop3A_1445 = arith.addi %parallel_loop3A_891, %parallel_loop3A_1444 : vector<16xi32>
        %parallel_loop3A_1446 = tpu.vector_load_idx %arg6[%parallel_loop3A_1445] : memref<64000xf32, #tpu.memory_space<vmem>>[vector<16xi32>], vector<16xf32>,
        %parallel_loop3A_1447 = arith.constant 12288 : i32
        %parallel_loop3A_1448 = arith.addi %parallel_loop3A_901, %parallel_loop3A_1447 : i32
        %parallel_loop3A_1449 = vector.broadcast %parallel_loop3A_1448 : i32 to vector<16xi32>
        %parallel_loop3A_1450 = arith.addi %add3A_280, %parallel_loop3A_1449 : vector<16xi32>
        tpu.vector_store_idx %arg7[%parallel_loop3A_1450], %parallel_loop3A_1446 : memref<32768xf32, #tpu.memory_space<vmem>>[vector<16xi32>], vector<16xf32>,
        %parallel_loop3A_1451 = arith.constant 48 : i32
        %parallel_loop3A_1452 = vector.broadcast %parallel_loop3A_1451 : i32 to vector<16xi32>
        %parallel_loop3A_1453 = arith.addi %and3A_87, %parallel_loop3A_1452 : vector<16xi32>
        %parallel_loop3A_1454 = arith.addi %parallel_loop3A_891, %parallel_loop3A_1453 : vector<16xi32>
        %parallel_loop3A_1455 = tpu.vector_load_idx %arg6[%parallel_loop3A_1454] : memref<64000xf32, #tpu.memory_space<vmem>>[vector<16xi32>], vector<16xf32>,
        %parallel_loop3A_1456 = arith.constant 12288 : i32
        %parallel_loop3A_1457 = arith.addi %parallel_loop3A_901, %parallel_loop3A_1456 : i32
        %parallel_loop3A_1458 = vector.broadcast %parallel_loop3A_1457 : i32 to vector<16xi32>
        %parallel_loop3A_1459 = arith.addi %add3A_294, %parallel_loop3A_1458 : vector<16xi32>
        tpu.vector_store_idx %arg7[%parallel_loop3A_1459], %parallel_loop3A_1455 : memref<32768xf32, #tpu.memory_space<vmem>>[vector<16xi32>], vector<16xf32>,
        %parallel_loop3A_1460 = arith.constant 48 : i32
        %parallel_loop3A_1461 = vector.broadcast %parallel_loop3A_1460 : i32 to vector<16xi32>
        %parallel_loop3A_1462 = arith.addi %and3A_93, %parallel_loop3A_1461 : vector<16xi32>
        %parallel_loop3A_1463 = arith.addi %parallel_loop3A_891, %parallel_loop3A_1462 : vector<16xi32>
        %parallel_loop3A_1464 = tpu.vector_load_idx %arg6[%parallel_loop3A_1463] : memref<64000xf32, #tpu.memory_space<vmem>>[vector<16xi32>], vector<16xf32>,
        %parallel_loop3A_1465 = arith.constant 12288 : i32
        %parallel_loop3A_1466 = arith.addi %parallel_loop3A_901, %parallel_loop3A_1465 : i32
        %parallel_loop3A_1467 = vector.broadcast %parallel_loop3A_1466 : i32 to vector<16xi32>
        %parallel_loop3A_1468 = arith.addi %add3A_308, %parallel_loop3A_1467 : vector<16xi32>
        tpu.vector_store_idx %arg7[%parallel_loop3A_1468], %parallel_loop3A_1464 : memref<32768xf32, #tpu.memory_space<vmem>>[vector<16xi32>], vector<16xf32>,
        %parallel_loop3A_1469 = arith.constant 48 : i32
        %parallel_loop3A_1470 = vector.broadcast %parallel_loop3A_1469 : i32 to vector<16xi32>
        %parallel_loop3A_1471 = arith.addi %and3A_99, %parallel_loop3A_1470 : vector<16xi32>
        %parallel_loop3A_1472 = arith.addi %parallel_loop3A_891, %parallel_loop3A_1471 : vector<16xi32>
        %parallel_loop3A_1473 = tpu.vector_load_idx %arg6[%parallel_loop3A_1472] : memref<64000xf32, #tpu.memory_space<vmem>>[vector<16xi32>], vector<16xf32>,
        %parallel_loop3A_1474 = arith.constant 12288 : i32
        %parallel_loop3A_1475 = arith.addi %parallel_loop3A_901, %parallel_loop3A_1474 : i32
        %parallel_loop3A_1476 = vector.broadcast %parallel_loop3A_1475 : i32 to vector<16xi32>
        %parallel_loop3A_1477 = arith.addi %add3A_322, %parallel_loop3A_1476 : vector<16xi32>
        tpu.vector_store_idx %arg7[%parallel_loop3A_1477], %parallel_loop3A_1473 : memref<32768xf32, #tpu.memory_space<vmem>>[vector<16xi32>], vector<16xf32>,
      } {sc.loop_unroll_factor = 8 : i64, sc.parallel_access}
      %mul3A_690 = arith.constant 16384 : i32
      %mul3A_691 = arith.muli %rem3A_683, %mul3A_690 : i32
      %add3A_692 = arith.constant 0 : i32
      %add3A_693 = arith.addi %mul3A_691, %add3A_692 : i32
      %mul3A_694 = arith.constant 2 : i32
      %mul3A_695 = arith.muli %add3A_682, %mul3A_694 : i32
      %add3A_696 = arith.addi %mul3A_2, %mul3A_695 : i32
      %shift_right_arithmetic3A_697 = arith.constant 5 : i32
      %shift_right_arithmetic3A_698 = arith.shrsi %add3A_696, %shift_right_arithmetic3A_697 : i32
      %and3A_699 = arith.constant 31 : i32
      %and3A_700 = arith.andi %add3A_696, %and3A_699 : i32
      %mul3A_701 = arith.constant 262144 : i32
      %mul3A_702 = arith.muli %shift_right_arithmetic3A_698, %mul3A_701 : i32
      %add3A_703 = arith.constant 0 : i32
      %add3A_704 = arith.addi %mul3A_702, %add3A_703 : i32
      %mul3A_705 = arith.constant 1024 : i32
      %mul3A_706 = arith.muli %and3A_700, %mul3A_705 : i32
      %add3A_707 = arith.addi %add3A_704, %mul3A_706 : i32
      %dma_start3A = tpu.memref_slice %arg7[%add3A_693] : memref<32768xf32, #tpu.memory_space<vmem>> -> memref<2048xf32, #tpu.memory_space<vmem>>
      %dma_start3A_708 = tpu.memref_slice %arg4[%add3A_707] : memref<52428800xf32, #tpu.memory_space<hbm>> -> memref<2048xf32, #tpu.memory_space<hbm>>
      %dma_start3A_709 = tpu.memref_slice %arg8[%rem3A_683] : memref<2x!tpu.dma_semaphore, #tpu.memory_space<semaphore_mem>> -> memref<1x!tpu.dma_semaphore, #tpu.memory_space<semaphore_mem>>
      %dma_start3A_710 = tpu.memref_squeeze %dma_start3A_709 : memref<1x!tpu.dma_semaphore, #tpu.memory_space<semaphore_mem>> -> memref<!tpu.dma_semaphore, #tpu.memory_space<semaphore_mem>>
      %dma_start3A_711 = tpu.memref_slice %arg4[%add3A_707] : memref<52428800xf32, #tpu.memory_space<hbm>> -> memref<2048xf32, #tpu.memory_space<hbm>>
      %dma_start3A_712 = tpu.memref_slice %arg7[%add3A_693] : memref<32768xf32, #tpu.memory_space<vmem>> -> memref<2048xf32, #tpu.memory_space<vmem>>
      tpu.enqueue_dma source(%dma_start3A_712 : memref<2048xf32, #tpu.memory_space<vmem>>) target(%dma_start3A_711 : memref<2048xf32, #tpu.memory_space<hbm>>) target_semaphore(%dma_start3A_710 : memref<!tpu.dma_semaphore, #tpu.memory_space<semaphore_mem>>)
      %mul3A_713 = arith.constant 16384 : i32
      %mul3A_714 = arith.muli %rem3A_683, %mul3A_713 : i32
      %add3A_715 = arith.constant 2048 : i32
      %add3A_716 = arith.addi %mul3A_714, %add3A_715 : i32
      %mul3A_717 = arith.constant 2 : i32
      %mul3A_718 = arith.muli %add3A_682, %mul3A_717 : i32
      %add3A_719 = arith.addi %mul3A_2, %mul3A_718 : i32
      %shift_right_arithmetic3A_720 = arith.constant 5 : i32
      %shift_right_arithmetic3A_721 = arith.shrsi %add3A_719, %shift_right_arithmetic3A_720 : i32
      %and3A_722 = arith.constant 31 : i32
      %and3A_723 = arith.andi %add3A_719, %and3A_722 : i32
      %mul3A_724 = arith.constant 262144 : i32
      %mul3A_725 = arith.muli %shift_right_arithmetic3A_721, %mul3A_724 : i32
      %add3A_726 = arith.constant 32768 : i32
      %add3A_727 = arith.addi %mul3A_725, %add3A_726 : i32
      %mul3A_728 = arith.constant 1024 : i32
      %mul3A_729 = arith.muli %and3A_723, %mul3A_728 : i32
      %add3A_730 = arith.addi %add3A_727, %mul3A_729 : i32
      %dma_start3A_731 = tpu.memref_slice %arg7[%add3A_716] : memref<32768xf32, #tpu.memory_space<vmem>> -> memref<2048xf32, #tpu.memory_space<vmem>>
      %dma_start3A_732 = tpu.memref_slice %arg4[%add3A_730] : memref<52428800xf32, #tpu.memory_space<hbm>> -> memref<2048xf32, #tpu.memory_space<hbm>>
      %dma_start3A_733 = tpu.memref_slice %arg8[%rem3A_683] : memref<2x!tpu.dma_semaphore, #tpu.memory_space<semaphore_mem>> -> memref<1x!tpu.dma_semaphore, #tpu.memory_space<semaphore_mem>>
      %dma_start3A_734 = tpu.memref_squeeze %dma_start3A_733 : memref<1x!tpu.dma_semaphore, #tpu.memory_space<semaphore_mem>> -> memref<!tpu.dma_semaphore, #tpu.memory_space<semaphore_mem>>
      %dma_start3A_735 = tpu.memref_slice %arg4[%add3A_730] : memref<52428800xf32, #tpu.memory_space<hbm>> -> memref<2048xf32, #tpu.memory_space<hbm>>
      %dma_start3A_736 = tpu.memref_slice %arg7[%add3A_716] : memref<32768xf32, #tpu.memory_space<vmem>> -> memref<2048xf32, #tpu.memory_space<vmem>>
      tpu.enqueue_dma source(%dma_start3A_736 : memref<2048xf32, #tpu.memory_space<vmem>>) target(%dma_start3A_735 : memref<2048xf32, #tpu.memory_space<hbm>>) target_semaphore(%dma_start3A_734 : memref<!tpu.dma_semaphore, #tpu.memory_space<semaphore_mem>>)
      %mul3A_737 = arith.constant 16384 : i32
      %mul3A_738 = arith.muli %rem3A_683, %mul3A_737 : i32
      %add3A_739 = arith.constant 4096 : i32
      %add3A_740 = arith.addi %mul3A_738, %add3A_739 : i32
      %mul3A_741 = arith.constant 2 : i32
      %mul3A_742 = arith.muli %add3A_682, %mul3A_741 : i32
      %add3A_743 = arith.addi %mul3A_2, %mul3A_742 : i32
      %shift_right_arithmetic3A_744 = arith.constant 5 : i32
      %shift_right_arithmetic3A_745 = arith.shrsi %add3A_743, %shift_right_arithmetic3A_744 : i32
      %and3A_746 = arith.constant 31 : i32
      %and3A_747 = arith.andi %add3A_743, %and3A_746 : i32
      %mul3A_748 = arith.constant 262144 : i32
      %mul3A_749 = arith.muli %shift_right_arithmetic3A_745, %mul3A_748 : i32
      %add3A_750 = arith.constant 65536 : i32
      %add3A_751 = arith.addi %mul3A_749, %add3A_750 : i32
      %mul3A_752 = arith.constant 1024 : i32
      %mul3A_753 = arith.muli %and3A_747, %mul3A_752 : i32
      %add3A_754 = arith.addi %add3A_751, %mul3A_753 : i32
      %dma_start3A_755 = tpu.memref_slice %arg7[%add3A_740] : memref<32768xf32, #tpu.memory_space<vmem>> -> memref<2048xf32, #tpu.memory_space<vmem>>
      %dma_start3A_756 = tpu.memref_slice %arg4[%add3A_754] : memref<52428800xf32, #tpu.memory_space<hbm>> -> memref<2048xf32, #tpu.memory_space<hbm>>
      %dma_start3A_757 = tpu.memref_slice %arg8[%rem3A_683] : memref<2x!tpu.dma_semaphore, #tpu.memory_space<semaphore_mem>> -> memref<1x!tpu.dma_semaphore, #tpu.memory_space<semaphore_mem>>
      %dma_start3A_758 = tpu.memref_squeeze %dma_start3A_757 : memref<1x!tpu.dma_semaphore, #tpu.memory_space<semaphore_mem>> -> memref<!tpu.dma_semaphore, #tpu.memory_space<semaphore_mem>>
      %dma_start3A_759 = tpu.memref_slice %arg4[%add3A_754] : memref<52428800xf32, #tpu.memory_space<hbm>> -> memref<2048xf32, #tpu.memory_space<hbm>>
      %dma_start3A_760 = tpu.memref_slice %arg7[%add3A_740] : memref<32768xf32, #tpu.memory_space<vmem>> -> memref<2048xf32, #tpu.memory_space<vmem>>
      tpu.enqueue_dma source(%dma_start3A_760 : memref<2048xf32, #tpu.memory_space<vmem>>) target(%dma_start3A_759 : memref<2048xf32, #tpu.memory_space<hbm>>) target_semaphore(%dma_start3A_758 : memref<!tpu.dma_semaphore, #tpu.memory_space<semaphore_mem>>)
      %mul3A_761 = arith.constant 16384 : i32
      %mul3A_762 = arith.muli %rem3A_683, %mul3A_761 : i32
      %add3A_763 = arith.constant 6144 : i32
      %add3A_764 = arith.addi %mul3A_762, %add3A_763 : i32
      %mul3A_765 = arith.constant 2 : i32
      %mul3A_766 = arith.muli %add3A_682, %mul3A_765 : i32
      %add3A_767 = arith.addi %mul3A_2, %mul3A_766 : i32
      %shift_right_arithmetic3A_768 = arith.constant 5 : i32
      %shift_right_arithmetic3A_769 = arith.shrsi %add3A_767, %shift_right_arithmetic3A_768 : i32
      %and3A_770 = arith.constant 31 : i32
      %and3A_771 = arith.andi %add3A_767, %and3A_770 : i32
      %mul3A_772 = arith.constant 262144 : i32
      %mul3A_773 = arith.muli %shift_right_arithmetic3A_769, %mul3A_772 : i32
      %add3A_774 = arith.constant 98304 : i32
      %add3A_775 = arith.addi %mul3A_773, %add3A_774 : i32
      %mul3A_776 = arith.constant 1024 : i32
      %mul3A_777 = arith.muli %and3A_771, %mul3A_776 : i32
      %add3A_778 = arith.addi %add3A_775, %mul3A_777 : i32
      %dma_start3A_779 = tpu.memref_slice %arg7[%add3A_764] : memref<32768xf32, #tpu.memory_space<vmem>> -> memref<2048xf32, #tpu.memory_space<vmem>>
      %dma_start3A_780 = tpu.memref_slice %arg4[%add3A_778] : memref<52428800xf32, #tpu.memory_space<hbm>> -> memref<2048xf32, #tpu.memory_space<hbm>>
      %dma_start3A_781 = tpu.memref_slice %arg8[%rem3A_683] : memref<2x!tpu.dma_semaphore, #tpu.memory_space<semaphore_mem>> -> memref<1x!tpu.dma_semaphore, #tpu.memory_space<semaphore_mem>>
      %dma_start3A_782 = tpu.memref_squeeze %dma_start3A_781 : memref<1x!tpu.dma_semaphore, #tpu.memory_space<semaphore_mem>> -> memref<!tpu.dma_semaphore, #tpu.memory_space<semaphore_mem>>
      %dma_start3A_783 = tpu.memref_slice %arg4[%add3A_778] : memref<52428800xf32, #tpu.memory_space<hbm>> -> memref<2048xf32, #tpu.memory_space<hbm>>
      %dma_start3A_784 = tpu.memref_slice %arg7[%add3A_764] : memref<32768xf32, #tpu.memory_space<vmem>> -> memref<2048xf32, #tpu.memory_space<vmem>>
      tpu.enqueue_dma source(%dma_start3A_784 : memref<2048xf32, #tpu.memory_space<vmem>>) target(%dma_start3A_783 : memref<2048xf32, #tpu.memory_space<hbm>>) target_semaphore(%dma_start3A_782 : memref<!tpu.dma_semaphore, #tpu.memory_space<semaphore_mem>>)
      %mul3A_785 = arith.constant 16384 : i32
      %mul3A_786 = arith.muli %rem3A_683, %mul3A_785 : i32
      %add3A_787 = arith.constant 8192 : i32
      %add3A_788 = arith.addi %mul3A_786, %add3A_787 : i32
      %mul3A_789 = arith.constant 2 : i32
      %mul3A_790 = arith.muli %add3A_682, %mul3A_789 : i32
      %add3A_791 = arith.addi %mul3A_2, %mul3A_790 : i32
      %shift_right_arithmetic3A_792 = arith.constant 5 : i32
      %shift_right_arithmetic3A_793 = arith.shrsi %add3A_791, %shift_right_arithmetic3A_792 : i32
      %and3A_794 = arith.constant 31 : i32
      %and3A_795 = arith.andi %add3A_791, %and3A_794 : i32
      %mul3A_796 = arith.constant 262144 : i32
      %mul3A_797 = arith.muli %shift_right_arithmetic3A_793, %mul3A_796 : i32
      %add3A_798 = arith.constant 131072 : i32
      %add3A_799 = arith.addi %mul3A_797, %add3A_798 : i32
      %mul3A_800 = arith.constant 1024 : i32
      %mul3A_801 = arith.muli %and3A_795, %mul3A_800 : i32
      %add3A_802 = arith.addi %add3A_799, %mul3A_801 : i32
      %dma_start3A_803 = tpu.memref_slice %arg7[%add3A_788] : memref<32768xf32, #tpu.memory_space<vmem>> -> memref<2048xf32, #tpu.memory_space<vmem>>
      %dma_start3A_804 = tpu.memref_slice %arg4[%add3A_802] : memref<52428800xf32, #tpu.memory_space<hbm>> -> memref<2048xf32, #tpu.memory_space<hbm>>
      %dma_start3A_805 = tpu.memref_slice %arg8[%rem3A_683] : memref<2x!tpu.dma_semaphore, #tpu.memory_space<semaphore_mem>> -> memref<1x!tpu.dma_semaphore, #tpu.memory_space<semaphore_mem>>
      %dma_start3A_806 = tpu.memref_squeeze %dma_start3A_805 : memref<1x!tpu.dma_semaphore, #tpu.memory_space<semaphore_mem>> -> memref<!tpu.dma_semaphore, #tpu.memory_space<semaphore_mem>>
      %dma_start3A_807 = tpu.memref_slice %arg4[%add3A_802] : memref<52428800xf32, #tpu.memory_space<hbm>> -> memref<2048xf32, #tpu.memory_space<hbm>>
      %dma_start3A_808 = tpu.memref_slice %arg7[%add3A_788] : memref<32768xf32, #tpu.memory_space<vmem>> -> memref<2048xf32, #tpu.memory_space<vmem>>
      tpu.enqueue_dma source(%dma_start3A_808 : memref<2048xf32, #tpu.memory_space<vmem>>) target(%dma_start3A_807 : memref<2048xf32, #tpu.memory_space<hbm>>) target_semaphore(%dma_start3A_806 : memref<!tpu.dma_semaphore, #tpu.memory_space<semaphore_mem>>)
      %mul3A_809 = arith.constant 16384 : i32
      %mul3A_810 = arith.muli %rem3A_683, %mul3A_809 : i32
      %add3A_811 = arith.constant 10240 : i32
      %add3A_812 = arith.addi %mul3A_810, %add3A_811 : i32
      %mul3A_813 = arith.constant 2 : i32
      %mul3A_814 = arith.muli %add3A_682, %mul3A_813 : i32
      %add3A_815 = arith.addi %mul3A_2, %mul3A_814 : i32
      %shift_right_arithmetic3A_816 = arith.constant 5 : i32
      %shift_right_arithmetic3A_817 = arith.shrsi %add3A_815, %shift_right_arithmetic3A_816 : i32
      %and3A_818 = arith.constant 31 : i32
      %and3A_819 = arith.andi %add3A_815, %and3A_818 : i32
      %mul3A_820 = arith.constant 262144 : i32
      %mul3A_821 = arith.muli %shift_right_arithmetic3A_817, %mul3A_820 : i32
      %add3A_822 = arith.constant 163840 : i32
      %add3A_823 = arith.addi %mul3A_821, %add3A_822 : i32
      %mul3A_824 = arith.constant 1024 : i32
      %mul3A_825 = arith.muli %and3A_819, %mul3A_824 : i32
      %add3A_826 = arith.addi %add3A_823, %mul3A_825 : i32
      %dma_start3A_827 = tpu.memref_slice %arg7[%add3A_812] : memref<32768xf32, #tpu.memory_space<vmem>> -> memref<2048xf32, #tpu.memory_space<vmem>>
      %dma_start3A_828 = tpu.memref_slice %arg4[%add3A_826] : memref<52428800xf32, #tpu.memory_space<hbm>> -> memref<2048xf32, #tpu.memory_space<hbm>>
      %dma_start3A_829 = tpu.memref_slice %arg8[%rem3A_683] : memref<2x!tpu.dma_semaphore, #tpu.memory_space<semaphore_mem>> -> memref<1x!tpu.dma_semaphore, #tpu.memory_space<semaphore_mem>>
      %dma_start3A_830 = tpu.memref_squeeze %dma_start3A_829 : memref<1x!tpu.dma_semaphore, #tpu.memory_space<semaphore_mem>> -> memref<!tpu.dma_semaphore, #tpu.memory_space<semaphore_mem>>
      %dma_start3A_831 = tpu.memref_slice %arg4[%add3A_826] : memref<52428800xf32, #tpu.memory_space<hbm>> -> memref<2048xf32, #tpu.memory_space<hbm>>
      %dma_start3A_832 = tpu.memref_slice %arg7[%add3A_812] : memref<32768xf32, #tpu.memory_space<vmem>> -> memref<2048xf32, #tpu.memory_space<vmem>>
      tpu.enqueue_dma source(%dma_start3A_832 : memref<2048xf32, #tpu.memory_space<vmem>>) target(%dma_start3A_831 : memref<2048xf32, #tpu.memory_space<hbm>>) target_semaphore(%dma_start3A_830 : memref<!tpu.dma_semaphore, #tpu.memory_space<semaphore_mem>>)
      %mul3A_833 = arith.constant 16384 : i32
      %mul3A_834 = arith.muli %rem3A_683, %mul3A_833 : i32
      %add3A_835 = arith.constant 12288 : i32
      %add3A_836 = arith.addi %mul3A_834, %add3A_835 : i32
      %mul3A_837 = arith.constant 2 : i32
      %mul3A_838 = arith.muli %add3A_682, %mul3A_837 : i32
      %add3A_839 = arith.addi %mul3A_2, %mul3A_838 : i32
      %shift_right_arithmetic3A_840 = arith.constant 5 : i32
      %shift_right_arithmetic3A_841 = arith.shrsi %add3A_839, %shift_right_arithmetic3A_840 : i32
      %and3A_842 = arith.constant 31 : i32
      %and3A_843 = arith.andi %add3A_839, %and3A_842 : i32
      %mul3A_844 = arith.constant 262144 : i32
      %mul3A_845 = arith.muli %shift_right_arithmetic3A_841, %mul3A_844 : i32
      %add3A_846 = arith.constant 196608 : i32
      %add3A_847 = arith.addi %mul3A_845, %add3A_846 : i32
      %mul3A_848 = arith.constant 1024 : i32
      %mul3A_849 = arith.muli %and3A_843, %mul3A_848 : i32
      %add3A_850 = arith.addi %add3A_847, %mul3A_849 : i32
      %dma_start3A_851 = tpu.memref_slice %arg7[%add3A_836] : memref<32768xf32, #tpu.memory_space<vmem>> -> memref<2048xf32, #tpu.memory_space<vmem>>
      %dma_start3A_852 = tpu.memref_slice %arg4[%add3A_850] : memref<52428800xf32, #tpu.memory_space<hbm>> -> memref<2048xf32, #tpu.memory_space<hbm>>
      %dma_start3A_853 = tpu.memref_slice %arg8[%rem3A_683] : memref<2x!tpu.dma_semaphore, #tpu.memory_space<semaphore_mem>> -> memref<1x!tpu.dma_semaphore, #tpu.memory_space<semaphore_mem>>
      %dma_start3A_854 = tpu.memref_squeeze %dma_start3A_853 : memref<1x!tpu.dma_semaphore, #tpu.memory_space<semaphore_mem>> -> memref<!tpu.dma_semaphore, #tpu.memory_space<semaphore_mem>>
      %dma_start3A_855 = tpu.memref_slice %arg4[%add3A_850] : memref<52428800xf32, #tpu.memory_space<hbm>> -> memref<2048xf32, #tpu.memory_space<hbm>>
      %dma_start3A_856 = tpu.memref_slice %arg7[%add3A_836] : memref<32768xf32, #tpu.memory_space<vmem>> -> memref<2048xf32, #tpu.memory_space<vmem>>
      tpu.enqueue_dma source(%dma_start3A_856 : memref<2048xf32, #tpu.memory_space<vmem>>) target(%dma_start3A_855 : memref<2048xf32, #tpu.memory_space<hbm>>) target_semaphore(%dma_start3A_854 : memref<!tpu.dma_semaphore, #tpu.memory_space<semaphore_mem>>)
      %mul3A_857 = arith.constant 16384 : i32
      %mul3A_858 = arith.muli %rem3A_683, %mul3A_857 : i32
      %add3A_859 = arith.constant 14336 : i32
      %add3A_860 = arith.addi %mul3A_858, %add3A_859 : i32
      %mul3A_861 = arith.constant 2 : i32
      %mul3A_862 = arith.muli %add3A_682, %mul3A_861 : i32
      %add3A_863 = arith.addi %mul3A_2, %mul3A_862 : i32
      %shift_right_arithmetic3A_864 = arith.constant 5 : i32
      %shift_right_arithmetic3A_865 = arith.shrsi %add3A_863, %shift_right_arithmetic3A_864 : i32
      %and3A_866 = arith.constant 31 : i32
      %and3A_867 = arith.andi %add3A_863, %and3A_866 : i32
      %mul3A_868 = arith.constant 262144 : i32
      %mul3A_869 = arith.muli %shift_right_arithmetic3A_865, %mul3A_868 : i32
      %add3A_870 = arith.constant 229376 : i32
      %add3A_871 = arith.addi %mul3A_869, %add3A_870 : i32
      %mul3A_872 = arith.constant 1024 : i32
      %mul3A_873 = arith.muli %and3A_867, %mul3A_872 : i32
      %add3A_874 = arith.addi %add3A_871, %mul3A_873 : i32
      %dma_start3A_875 = tpu.memref_slice %arg7[%add3A_860] : memref<32768xf32, #tpu.memory_space<vmem>> -> memref<2048xf32, #tpu.memory_space<vmem>>
      %dma_start3A_876 = tpu.memref_slice %arg4[%add3A_874] : memref<52428800xf32, #tpu.memory_space<hbm>> -> memref<2048xf32, #tpu.memory_space<hbm>>
      %dma_start3A_877 = tpu.memref_slice %arg8[%rem3A_683] : memref<2x!tpu.dma_semaphore, #tpu.memory_space<semaphore_mem>> -> memref<1x!tpu.dma_semaphore, #tpu.memory_space<semaphore_mem>>
      %dma_start3A_878 = tpu.memref_squeeze %dma_start3A_877 : memref<1x!tpu.dma_semaphore, #tpu.memory_space<semaphore_mem>> -> memref<!tpu.dma_semaphore, #tpu.memory_space<semaphore_mem>>
      %dma_start3A_879 = tpu.memref_slice %arg4[%add3A_874] : memref<52428800xf32, #tpu.memory_space<hbm>> -> memref<2048xf32, #tpu.memory_space<hbm>>
      %dma_start3A_880 = tpu.memref_slice %arg7[%add3A_860] : memref<32768xf32, #tpu.memory_space<vmem>> -> memref<2048xf32, #tpu.memory_space<vmem>>
      tpu.enqueue_dma source(%dma_start3A_880 : memref<2048xf32, #tpu.memory_space<vmem>>) target(%dma_start3A_879 : memref<2048xf32, #tpu.memory_space<hbm>>) target_semaphore(%dma_start3A_878 : memref<!tpu.dma_semaphore, #tpu.memory_space<semaphore_mem>>)
    }
    %scan3A_326 = arith.constant 100 : i32
    %add3A_327 = arith.constant 196 : i32
    %add3A_328 = arith.addi %mul3A_2, %add3A_327 : i32
    %shift_right_arithmetic3A_329 = arith.constant 5 : i32
    %shift_right_arithmetic3A_330 = arith.shrsi %add3A_328, %shift_right_arithmetic3A_329 : i32
    %and3A_331 = arith.constant 31 : i32
    %and3A_332 = arith.andi %add3A_328, %and3A_331 : i32
    %mul3A_333 = arith.constant 262144 : i32
    %mul3A_334 = arith.muli %shift_right_arithmetic3A_330, %mul3A_333 : i32
    %add3A_335 = arith.constant 0 : i32
    %add3A_336 = arith.addi %mul3A_334, %add3A_335 : i32
    %mul3A_337 = arith.constant 1024 : i32
    %mul3A_338 = arith.muli %and3A_332, %mul3A_337 : i32
    %add3A_339 = arith.addi %add3A_336, %mul3A_338 : i32
    %dma_wait3A = arith.constant 0 : i32
    %dma_wait3A_340 = arith.constant 0 : i32
    %dma_wait3A_341 = tpu.memref_slice %arg7[%dma_wait3A_340] : memref<32768xf32, #tpu.memory_space<vmem>> -> memref<2048xf32, #tpu.memory_space<vmem>>
    %dma_wait3A_342 = tpu.memref_slice %arg4[%add3A_339] : memref<52428800xf32, #tpu.memory_space<hbm>> -> memref<2048xf32, #tpu.memory_space<hbm>>
    %dma_wait3A_343 = tpu.memref_slice %arg8[%dma_wait3A] : memref<2x!tpu.dma_semaphore, #tpu.memory_space<semaphore_mem>> -> memref<1x!tpu.dma_semaphore, #tpu.memory_space<semaphore_mem>>
    %dma_wait3A_344 = tpu.memref_squeeze %dma_wait3A_343 : memref<1x!tpu.dma_semaphore, #tpu.memory_space<semaphore_mem>> -> memref<!tpu.dma_semaphore, #tpu.memory_space<semaphore_mem>>
    %dma_wait3A_345 = tpu.memref_slice %arg4[%add3A_339] : memref<52428800xf32, #tpu.memory_space<hbm>> -> memref<2048xf32, #tpu.memory_space<hbm>>
    %dma_wait3A_346 = arith.constant 0 : i32
    %dma_wait3A_347 = tpu.memref_slice %arg7[%dma_wait3A_346] : memref<32768xf32, #tpu.memory_space<vmem>> -> memref<2048xf32, #tpu.memory_space<vmem>>
    tpu.wait_dma2 semaphore(%dma_wait3A_344 : memref<!tpu.dma_semaphore, #tpu.memory_space<semaphore_mem>>) src(%dma_wait3A_347 : memref<2048xf32, #tpu.memory_space<vmem>>) dst(%dma_wait3A_345 : memref<2048xf32, #tpu.memory_space<hbm>>)
    %add3A_348 = arith.constant 196 : i32
    %add3A_349 = arith.addi %mul3A_2, %add3A_348 : i32
    %shift_right_arithmetic3A_350 = arith.constant 5 : i32
    %shift_right_arithmetic3A_351 = arith.shrsi %add3A_349, %shift_right_arithmetic3A_350 : i32
    %and3A_352 = arith.constant 31 : i32
    %and3A_353 = arith.andi %add3A_349, %and3A_352 : i32
    %mul3A_354 = arith.constant 262144 : i32
    %mul3A_355 = arith.muli %shift_right_arithmetic3A_351, %mul3A_354 : i32
    %add3A_356 = arith.constant 32768 : i32
    %add3A_357 = arith.addi %mul3A_355, %add3A_356 : i32
    %mul3A_358 = arith.constant 1024 : i32
    %mul3A_359 = arith.muli %and3A_353, %mul3A_358 : i32
    %add3A_360 = arith.addi %add3A_357, %mul3A_359 : i32
    %dma_wait3A_361 = arith.constant 0 : i32
    %dma_wait3A_362 = arith.constant 2048 : i32
    %dma_wait3A_363 = tpu.memref_slice %arg7[%dma_wait3A_362] : memref<32768xf32, #tpu.memory_space<vmem>> -> memref<2048xf32, #tpu.memory_space<vmem>>
    %dma_wait3A_364 = tpu.memref_slice %arg4[%add3A_360] : memref<52428800xf32, #tpu.memory_space<hbm>> -> memref<2048xf32, #tpu.memory_space<hbm>>
    %dma_wait3A_365 = tpu.memref_slice %arg8[%dma_wait3A_361] : memref<2x!tpu.dma_semaphore, #tpu.memory_space<semaphore_mem>> -> memref<1x!tpu.dma_semaphore, #tpu.memory_space<semaphore_mem>>
    %dma_wait3A_366 = tpu.memref_squeeze %dma_wait3A_365 : memref<1x!tpu.dma_semaphore, #tpu.memory_space<semaphore_mem>> -> memref<!tpu.dma_semaphore, #tpu.memory_space<semaphore_mem>>
    %dma_wait3A_367 = tpu.memref_slice %arg4[%add3A_360] : memref<52428800xf32, #tpu.memory_space<hbm>> -> memref<2048xf32, #tpu.memory_space<hbm>>
    %dma_wait3A_368 = arith.constant 2048 : i32
    %dma_wait3A_369 = tpu.memref_slice %arg7[%dma_wait3A_368] : memref<32768xf32, #tpu.memory_space<vmem>> -> memref<2048xf32, #tpu.memory_space<vmem>>
    tpu.wait_dma2 semaphore(%dma_wait3A_366 : memref<!tpu.dma_semaphore, #tpu.memory_space<semaphore_mem>>) src(%dma_wait3A_369 : memref<2048xf32, #tpu.memory_space<vmem>>) dst(%dma_wait3A_367 : memref<2048xf32, #tpu.memory_space<hbm>>)
    %add3A_370 = arith.constant 196 : i32
    %add3A_371 = arith.addi %mul3A_2, %add3A_370 : i32
    %shift_right_arithmetic3A_372 = arith.constant 5 : i32
    %shift_right_arithmetic3A_373 = arith.shrsi %add3A_371, %shift_right_arithmetic3A_372 : i32
    %and3A_374 = arith.constant 31 : i32
    %and3A_375 = arith.andi %add3A_371, %and3A_374 : i32
    %mul3A_376 = arith.constant 262144 : i32
    %mul3A_377 = arith.muli %shift_right_arithmetic3A_373, %mul3A_376 : i32
    %add3A_378 = arith.constant 65536 : i32
    %add3A_379 = arith.addi %mul3A_377, %add3A_378 : i32
    %mul3A_380 = arith.constant 1024 : i32
    %mul3A_381 = arith.muli %and3A_375, %mul3A_380 : i32
    %add3A_382 = arith.addi %add3A_379, %mul3A_381 : i32
    %dma_wait3A_383 = arith.constant 0 : i32
    %dma_wait3A_384 = arith.constant 4096 : i32
    %dma_wait3A_385 = tpu.memref_slice %arg7[%dma_wait3A_384] : memref<32768xf32, #tpu.memory_space<vmem>> -> memref<2048xf32, #tpu.memory_space<vmem>>
    %dma_wait3A_386 = tpu.memref_slice %arg4[%add3A_382] : memref<52428800xf32, #tpu.memory_space<hbm>> -> memref<2048xf32, #tpu.memory_space<hbm>>
    %dma_wait3A_387 = tpu.memref_slice %arg8[%dma_wait3A_383] : memref<2x!tpu.dma_semaphore, #tpu.memory_space<semaphore_mem>> -> memref<1x!tpu.dma_semaphore, #tpu.memory_space<semaphore_mem>>
    %dma_wait3A_388 = tpu.memref_squeeze %dma_wait3A_387 : memref<1x!tpu.dma_semaphore, #tpu.memory_space<semaphore_mem>> -> memref<!tpu.dma_semaphore, #tpu.memory_space<semaphore_mem>>
    %dma_wait3A_389 = tpu.memref_slice %arg4[%add3A_382] : memref<52428800xf32, #tpu.memory_space<hbm>> -> memref<2048xf32, #tpu.memory_space<hbm>>
    %dma_wait3A_390 = arith.constant 4096 : i32
    %dma_wait3A_391 = tpu.memref_slice %arg7[%dma_wait3A_390] : memref<32768xf32, #tpu.memory_space<vmem>> -> memref<2048xf32, #tpu.memory_space<vmem>>
    tpu.wait_dma2 semaphore(%dma_wait3A_388 : memref<!tpu.dma_semaphore, #tpu.memory_space<semaphore_mem>>) src(%dma_wait3A_391 : memref<2048xf32, #tpu.memory_space<vmem>>) dst(%dma_wait3A_389 : memref<2048xf32, #tpu.memory_space<hbm>>)
    %add3A_392 = arith.constant 196 : i32
    %add3A_393 = arith.addi %mul3A_2, %add3A_392 : i32
    %shift_right_arithmetic3A_394 = arith.constant 5 : i32
    %shift_right_arithmetic3A_395 = arith.shrsi %add3A_393, %shift_right_arithmetic3A_394 : i32
    %and3A_396 = arith.constant 31 : i32
    %and3A_397 = arith.andi %add3A_393, %and3A_396 : i32
    %mul3A_398 = arith.constant 262144 : i32
    %mul3A_399 = arith.muli %shift_right_arithmetic3A_395, %mul3A_398 : i32
    %add3A_400 = arith.constant 98304 : i32
    %add3A_401 = arith.addi %mul3A_399, %add3A_400 : i32
    %mul3A_402 = arith.constant 1024 : i32
    %mul3A_403 = arith.muli %and3A_397, %mul3A_402 : i32
    %add3A_404 = arith.addi %add3A_401, %mul3A_403 : i32
    %dma_wait3A_405 = arith.constant 0 : i32
    %dma_wait3A_406 = arith.constant 6144 : i32
    %dma_wait3A_407 = tpu.memref_slice %arg7[%dma_wait3A_406] : memref<32768xf32, #tpu.memory_space<vmem>> -> memref<2048xf32, #tpu.memory_space<vmem>>
    %dma_wait3A_408 = tpu.memref_slice %arg4[%add3A_404] : memref<52428800xf32, #tpu.memory_space<hbm>> -> memref<2048xf32, #tpu.memory_space<hbm>>
    %dma_wait3A_409 = tpu.memref_slice %arg8[%dma_wait3A_405] : memref<2x!tpu.dma_semaphore, #tpu.memory_space<semaphore_mem>> -> memref<1x!tpu.dma_semaphore, #tpu.memory_space<semaphore_mem>>
    %dma_wait3A_410 = tpu.memref_squeeze %dma_wait3A_409 : memref<1x!tpu.dma_semaphore, #tpu.memory_space<semaphore_mem>> -> memref<!tpu.dma_semaphore, #tpu.memory_space<semaphore_mem>>
    %dma_wait3A_411 = tpu.memref_slice %arg4[%add3A_404] : memref<52428800xf32, #tpu.memory_space<hbm>> -> memref<2048xf32, #tpu.memory_space<hbm>>
    %dma_wait3A_412 = arith.constant 6144 : i32
    %dma_wait3A_413 = tpu.memref_slice %arg7[%dma_wait3A_412] : memref<32768xf32, #tpu.memory_space<vmem>> -> memref<2048xf32, #tpu.memory_space<vmem>>
    tpu.wait_dma2 semaphore(%dma_wait3A_410 : memref<!tpu.dma_semaphore, #tpu.memory_space<semaphore_mem>>) src(%dma_wait3A_413 : memref<2048xf32, #tpu.memory_space<vmem>>) dst(%dma_wait3A_411 : memref<2048xf32, #tpu.memory_space<hbm>>)
    %add3A_414 = arith.constant 196 : i32
    %add3A_415 = arith.addi %mul3A_2, %add3A_414 : i32
    %shift_right_arithmetic3A_416 = arith.constant 5 : i32
    %shift_right_arithmetic3A_417 = arith.shrsi %add3A_415, %shift_right_arithmetic3A_416 : i32
    %and3A_418 = arith.constant 31 : i32
    %and3A_419 = arith.andi %add3A_415, %and3A_418 : i32
    %mul3A_420 = arith.constant 262144 : i32
    %mul3A_421 = arith.muli %shift_right_arithmetic3A_417, %mul3A_420 : i32
    %add3A_422 = arith.constant 131072 : i32
    %add3A_423 = arith.addi %mul3A_421, %add3A_422 : i32
    %mul3A_424 = arith.constant 1024 : i32
    %mul3A_425 = arith.muli %and3A_419, %mul3A_424 : i32
    %add3A_426 = arith.addi %add3A_423, %mul3A_425 : i32
    %dma_wait3A_427 = arith.constant 0 : i32
    %dma_wait3A_428 = arith.constant 8192 : i32
    %dma_wait3A_429 = tpu.memref_slice %arg7[%dma_wait3A_428] : memref<32768xf32, #tpu.memory_space<vmem>> -> memref<2048xf32, #tpu.memory_space<vmem>>
    %dma_wait3A_430 = tpu.memref_slice %arg4[%add3A_426] : memref<52428800xf32, #tpu.memory_space<hbm>> -> memref<2048xf32, #tpu.memory_space<hbm>>
    %dma_wait3A_431 = tpu.memref_slice %arg8[%dma_wait3A_427] : memref<2x!tpu.dma_semaphore, #tpu.memory_space<semaphore_mem>> -> memref<1x!tpu.dma_semaphore, #tpu.memory_space<semaphore_mem>>
    %dma_wait3A_432 = tpu.memref_squeeze %dma_wait3A_431 : memref<1x!tpu.dma_semaphore, #tpu.memory_space<semaphore_mem>> -> memref<!tpu.dma_semaphore, #tpu.memory_space<semaphore_mem>>
    %dma_wait3A_433 = tpu.memref_slice %arg4[%add3A_426] : memref<52428800xf32, #tpu.memory_space<hbm>> -> memref<2048xf32, #tpu.memory_space<hbm>>
    %dma_wait3A_434 = arith.constant 8192 : i32
    %dma_wait3A_435 = tpu.memref_slice %arg7[%dma_wait3A_434] : memref<32768xf32, #tpu.memory_space<vmem>> -> memref<2048xf32, #tpu.memory_space<vmem>>
    tpu.wait_dma2 semaphore(%dma_wait3A_432 : memref<!tpu.dma_semaphore, #tpu.memory_space<semaphore_mem>>) src(%dma_wait3A_435 : memref<2048xf32, #tpu.memory_space<vmem>>) dst(%dma_wait3A_433 : memref<2048xf32, #tpu.memory_space<hbm>>)
    %add3A_436 = arith.constant 196 : i32
    %add3A_437 = arith.addi %mul3A_2, %add3A_436 : i32
    %shift_right_arithmetic3A_438 = arith.constant 5 : i32
    %shift_right_arithmetic3A_439 = arith.shrsi %add3A_437, %shift_right_arithmetic3A_438 : i32
    %and3A_440 = arith.constant 31 : i32
    %and3A_441 = arith.andi %add3A_437, %and3A_440 : i32
    %mul3A_442 = arith.constant 262144 : i32
    %mul3A_443 = arith.muli %shift_right_arithmetic3A_439, %mul3A_442 : i32
    %add3A_444 = arith.constant 163840 : i32
    %add3A_445 = arith.addi %mul3A_443, %add3A_444 : i32
    %mul3A_446 = arith.constant 1024 : i32
    %mul3A_447 = arith.muli %and3A_441, %mul3A_446 : i32
    %add3A_448 = arith.addi %add3A_445, %mul3A_447 : i32
    %dma_wait3A_449 = arith.constant 0 : i32
    %dma_wait3A_450 = arith.constant 10240 : i32
    %dma_wait3A_451 = tpu.memref_slice %arg7[%dma_wait3A_450] : memref<32768xf32, #tpu.memory_space<vmem>> -> memref<2048xf32, #tpu.memory_space<vmem>>
    %dma_wait3A_452 = tpu.memref_slice %arg4[%add3A_448] : memref<52428800xf32, #tpu.memory_space<hbm>> -> memref<2048xf32, #tpu.memory_space<hbm>>
    %dma_wait3A_453 = tpu.memref_slice %arg8[%dma_wait3A_449] : memref<2x!tpu.dma_semaphore, #tpu.memory_space<semaphore_mem>> -> memref<1x!tpu.dma_semaphore, #tpu.memory_space<semaphore_mem>>
    %dma_wait3A_454 = tpu.memref_squeeze %dma_wait3A_453 : memref<1x!tpu.dma_semaphore, #tpu.memory_space<semaphore_mem>> -> memref<!tpu.dma_semaphore, #tpu.memory_space<semaphore_mem>>
    %dma_wait3A_455 = tpu.memref_slice %arg4[%add3A_448] : memref<52428800xf32, #tpu.memory_space<hbm>> -> memref<2048xf32, #tpu.memory_space<hbm>>
    %dma_wait3A_456 = arith.constant 10240 : i32
    %dma_wait3A_457 = tpu.memref_slice %arg7[%dma_wait3A_456] : memref<32768xf32, #tpu.memory_space<vmem>> -> memref<2048xf32, #tpu.memory_space<vmem>>
    tpu.wait_dma2 semaphore(%dma_wait3A_454 : memref<!tpu.dma_semaphore, #tpu.memory_space<semaphore_mem>>) src(%dma_wait3A_457 : memref<2048xf32, #tpu.memory_space<vmem>>) dst(%dma_wait3A_455 : memref<2048xf32, #tpu.memory_space<hbm>>)
    %add3A_458 = arith.constant 196 : i32
    %add3A_459 = arith.addi %mul3A_2, %add3A_458 : i32
    %shift_right_arithmetic3A_460 = arith.constant 5 : i32
    %shift_right_arithmetic3A_461 = arith.shrsi %add3A_459, %shift_right_arithmetic3A_460 : i32
    %and3A_462 = arith.constant 31 : i32
    %and3A_463 = arith.andi %add3A_459, %and3A_462 : i32
    %mul3A_464 = arith.constant 262144 : i32
    %mul3A_465 = arith.muli %shift_right_arithmetic3A_461, %mul3A_464 : i32
    %add3A_466 = arith.constant 196608 : i32
    %add3A_467 = arith.addi %mul3A_465, %add3A_466 : i32
    %mul3A_468 = arith.constant 1024 : i32
    %mul3A_469 = arith.muli %and3A_463, %mul3A_468 : i32
    %add3A_470 = arith.addi %add3A_467, %mul3A_469 : i32
    %dma_wait3A_471 = arith.constant 0 : i32
    %dma_wait3A_472 = arith.constant 12288 : i32
    %dma_wait3A_473 = tpu.memref_slice %arg7[%dma_wait3A_472] : memref<32768xf32, #tpu.memory_space<vmem>> -> memref<2048xf32, #tpu.memory_space<vmem>>
    %dma_wait3A_474 = tpu.memref_slice %arg4[%add3A_470] : memref<52428800xf32, #tpu.memory_space<hbm>> -> memref<2048xf32, #tpu.memory_space<hbm>>
    %dma_wait3A_475 = tpu.memref_slice %arg8[%dma_wait3A_471] : memref<2x!tpu.dma_semaphore, #tpu.memory_space<semaphore_mem>> -> memref<1x!tpu.dma_semaphore, #tpu.memory_space<semaphore_mem>>
    %dma_wait3A_476 = tpu.memref_squeeze %dma_wait3A_475 : memref<1x!tpu.dma_semaphore, #tpu.memory_space<semaphore_mem>> -> memref<!tpu.dma_semaphore, #tpu.memory_space<semaphore_mem>>
    %dma_wait3A_477 = tpu.memref_slice %arg4[%add3A_470] : memref<52428800xf32, #tpu.memory_space<hbm>> -> memref<2048xf32, #tpu.memory_space<hbm>>
    %dma_wait3A_478 = arith.constant 12288 : i32
    %dma_wait3A_479 = tpu.memref_slice %arg7[%dma_wait3A_478] : memref<32768xf32, #tpu.memory_space<vmem>> -> memref<2048xf32, #tpu.memory_space<vmem>>
    tpu.wait_dma2 semaphore(%dma_wait3A_476 : memref<!tpu.dma_semaphore, #tpu.memory_space<semaphore_mem>>) src(%dma_wait3A_479 : memref<2048xf32, #tpu.memory_space<vmem>>) dst(%dma_wait3A_477 : memref<2048xf32, #tpu.memory_space<hbm>>)
    %add3A_480 = arith.constant 196 : i32
    %add3A_481 = arith.addi %mul3A_2, %add3A_480 : i32
    %shift_right_arithmetic3A_482 = arith.constant 5 : i32
    %shift_right_arithmetic3A_483 = arith.shrsi %add3A_481, %shift_right_arithmetic3A_482 : i32
    %and3A_484 = arith.constant 31 : i32
    %and3A_485 = arith.andi %add3A_481, %and3A_484 : i32
    %mul3A_486 = arith.constant 262144 : i32
    %mul3A_487 = arith.muli %shift_right_arithmetic3A_483, %mul3A_486 : i32
    %add3A_488 = arith.constant 229376 : i32
    %add3A_489 = arith.addi %mul3A_487, %add3A_488 : i32
    %mul3A_490 = arith.constant 1024 : i32
    %mul3A_491 = arith.muli %and3A_485, %mul3A_490 : i32
    %add3A_492 = arith.addi %add3A_489, %mul3A_491 : i32
    %dma_wait3A_493 = arith.constant 0 : i32
    %dma_wait3A_494 = arith.constant 14336 : i32
    %dma_wait3A_495 = tpu.memref_slice %arg7[%dma_wait3A_494] : memref<32768xf32, #tpu.memory_space<vmem>> -> memref<2048xf32, #tpu.memory_space<vmem>>
    %dma_wait3A_496 = tpu.memref_slice %arg4[%add3A_492] : memref<52428800xf32, #tpu.memory_space<hbm>> -> memref<2048xf32, #tpu.memory_space<hbm>>
    %dma_wait3A_497 = tpu.memref_slice %arg8[%dma_wait3A_493] : memref<2x!tpu.dma_semaphore, #tpu.memory_space<semaphore_mem>> -> memref<1x!tpu.dma_semaphore, #tpu.memory_space<semaphore_mem>>
    %dma_wait3A_498 = tpu.memref_squeeze %dma_wait3A_497 : memref<1x!tpu.dma_semaphore, #tpu.memory_space<semaphore_mem>> -> memref<!tpu.dma_semaphore, #tpu.memory_space<semaphore_mem>>
    %dma_wait3A_499 = tpu.memref_slice %arg4[%add3A_492] : memref<52428800xf32, #tpu.memory_space<hbm>> -> memref<2048xf32, #tpu.memory_space<hbm>>
    %dma_wait3A_500 = arith.constant 14336 : i32
    %dma_wait3A_501 = tpu.memref_slice %arg7[%dma_wait3A_500] : memref<32768xf32, #tpu.memory_space<vmem>> -> memref<2048xf32, #tpu.memory_space<vmem>>
    tpu.wait_dma2 semaphore(%dma_wait3A_498 : memref<!tpu.dma_semaphore, #tpu.memory_space<semaphore_mem>>) src(%dma_wait3A_501 : memref<2048xf32, #tpu.memory_space<vmem>>) dst(%dma_wait3A_499 : memref<2048xf32, #tpu.memory_space<hbm>>)
    %add3A_502 = arith.constant 198 : i32
    %add3A_503 = arith.addi %mul3A_2, %add3A_502 : i32
    %shift_right_arithmetic3A_504 = arith.constant 5 : i32
    %shift_right_arithmetic3A_505 = arith.shrsi %add3A_503, %shift_right_arithmetic3A_504 : i32
    %and3A_506 = arith.constant 31 : i32
    %and3A_507 = arith.andi %add3A_503, %and3A_506 : i32
    %mul3A_508 = arith.constant 262144 : i32
    %mul3A_509 = arith.muli %shift_right_arithmetic3A_505, %mul3A_508 : i32
    %add3A_510 = arith.constant 0 : i32
    %add3A_511 = arith.addi %mul3A_509, %add3A_510 : i32
    %mul3A_512 = arith.constant 1024 : i32
    %mul3A_513 = arith.muli %and3A_507, %mul3A_512 : i32
    %add3A_514 = arith.addi %add3A_511, %mul3A_513 : i32
    %dma_wait3A_515 = arith.constant 1 : i32
    %dma_wait3A_516 = arith.constant 16384 : i32
    %dma_wait3A_517 = tpu.memref_slice %arg7[%dma_wait3A_516] : memref<32768xf32, #tpu.memory_space<vmem>> -> memref<2048xf32, #tpu.memory_space<vmem>>
    %dma_wait3A_518 = tpu.memref_slice %arg4[%add3A_514] : memref<52428800xf32, #tpu.memory_space<hbm>> -> memref<2048xf32, #tpu.memory_space<hbm>>
    %dma_wait3A_519 = tpu.memref_slice %arg8[%dma_wait3A_515] : memref<2x!tpu.dma_semaphore, #tpu.memory_space<semaphore_mem>> -> memref<1x!tpu.dma_semaphore, #tpu.memory_space<semaphore_mem>>
    %dma_wait3A_520 = tpu.memref_squeeze %dma_wait3A_519 : memref<1x!tpu.dma_semaphore, #tpu.memory_space<semaphore_mem>> -> memref<!tpu.dma_semaphore, #tpu.memory_space<semaphore_mem>>
    %dma_wait3A_521 = tpu.memref_slice %arg4[%add3A_514] : memref<52428800xf32, #tpu.memory_space<hbm>> -> memref<2048xf32, #tpu.memory_space<hbm>>
    %dma_wait3A_522 = arith.constant 16384 : i32
    %dma_wait3A_523 = tpu.memref_slice %arg7[%dma_wait3A_522] : memref<32768xf32, #tpu.memory_space<vmem>> -> memref<2048xf32, #tpu.memory_space<vmem>>
    tpu.wait_dma2 semaphore(%dma_wait3A_520 : memref<!tpu.dma_semaphore, #tpu.memory_space<semaphore_mem>>) src(%dma_wait3A_523 : memref<2048xf32, #tpu.memory_space<vmem>>) dst(%dma_wait3A_521 : memref<2048xf32, #tpu.memory_space<hbm>>)
    %add3A_524 = arith.constant 198 : i32
    %add3A_525 = arith.addi %mul3A_2, %add3A_524 : i32
    %shift_right_arithmetic3A_526 = arith.constant 5 : i32
    %shift_right_arithmetic3A_527 = arith.shrsi %add3A_525, %shift_right_arithmetic3A_526 : i32
    %and3A_528 = arith.constant 31 : i32
    %and3A_529 = arith.andi %add3A_525, %and3A_528 : i32
    %mul3A_530 = arith.constant 262144 : i32
    %mul3A_531 = arith.muli %shift_right_arithmetic3A_527, %mul3A_530 : i32
    %add3A_532 = arith.constant 32768 : i32
    %add3A_533 = arith.addi %mul3A_531, %add3A_532 : i32
    %mul3A_534 = arith.constant 1024 : i32
    %mul3A_535 = arith.muli %and3A_529, %mul3A_534 : i32
    %add3A_536 = arith.addi %add3A_533, %mul3A_535 : i32
    %dma_wait3A_537 = arith.constant 1 : i32
    %dma_wait3A_538 = arith.constant 18432 : i32
    %dma_wait3A_539 = tpu.memref_slice %arg7[%dma_wait3A_538] : memref<32768xf32, #tpu.memory_space<vmem>> -> memref<2048xf32, #tpu.memory_space<vmem>>
    %dma_wait3A_540 = tpu.memref_slice %arg4[%add3A_536] : memref<52428800xf32, #tpu.memory_space<hbm>> -> memref<2048xf32, #tpu.memory_space<hbm>>
    %dma_wait3A_541 = tpu.memref_slice %arg8[%dma_wait3A_537] : memref<2x!tpu.dma_semaphore, #tpu.memory_space<semaphore_mem>> -> memref<1x!tpu.dma_semaphore, #tpu.memory_space<semaphore_mem>>
    %dma_wait3A_542 = tpu.memref_squeeze %dma_wait3A_541 : memref<1x!tpu.dma_semaphore, #tpu.memory_space<semaphore_mem>> -> memref<!tpu.dma_semaphore, #tpu.memory_space<semaphore_mem>>
    %dma_wait3A_543 = tpu.memref_slice %arg4[%add3A_536] : memref<52428800xf32, #tpu.memory_space<hbm>> -> memref<2048xf32, #tpu.memory_space<hbm>>
    %dma_wait3A_544 = arith.constant 18432 : i32
    %dma_wait3A_545 = tpu.memref_slice %arg7[%dma_wait3A_544] : memref<32768xf32, #tpu.memory_space<vmem>> -> memref<2048xf32, #tpu.memory_space<vmem>>
    tpu.wait_dma2 semaphore(%dma_wait3A_542 : memref<!tpu.dma_semaphore, #tpu.memory_space<semaphore_mem>>) src(%dma_wait3A_545 : memref<2048xf32, #tpu.memory_space<vmem>>) dst(%dma_wait3A_543 : memref<2048xf32, #tpu.memory_space<hbm>>)
    %add3A_546 = arith.constant 198 : i32
    %add3A_547 = arith.addi %mul3A_2, %add3A_546 : i32
    %shift_right_arithmetic3A_548 = arith.constant 5 : i32
    %shift_right_arithmetic3A_549 = arith.shrsi %add3A_547, %shift_right_arithmetic3A_548 : i32
    %and3A_550 = arith.constant 31 : i32
    %and3A_551 = arith.andi %add3A_547, %and3A_550 : i32
    %mul3A_552 = arith.constant 262144 : i32
    %mul3A_553 = arith.muli %shift_right_arithmetic3A_549, %mul3A_552 : i32
    %add3A_554 = arith.constant 65536 : i32
    %add3A_555 = arith.addi %mul3A_553, %add3A_554 : i32
    %mul3A_556 = arith.constant 1024 : i32
    %mul3A_557 = arith.muli %and3A_551, %mul3A_556 : i32
    %add3A_558 = arith.addi %add3A_555, %mul3A_557 : i32
    %dma_wait3A_559 = arith.constant 1 : i32
    %dma_wait3A_560 = arith.constant 20480 : i32
    %dma_wait3A_561 = tpu.memref_slice %arg7[%dma_wait3A_560] : memref<32768xf32, #tpu.memory_space<vmem>> -> memref<2048xf32, #tpu.memory_space<vmem>>
    %dma_wait3A_562 = tpu.memref_slice %arg4[%add3A_558] : memref<52428800xf32, #tpu.memory_space<hbm>> -> memref<2048xf32, #tpu.memory_space<hbm>>
    %dma_wait3A_563 = tpu.memref_slice %arg8[%dma_wait3A_559] : memref<2x!tpu.dma_semaphore, #tpu.memory_space<semaphore_mem>> -> memref<1x!tpu.dma_semaphore, #tpu.memory_space<semaphore_mem>>
    %dma_wait3A_564 = tpu.memref_squeeze %dma_wait3A_563 : memref<1x!tpu.dma_semaphore, #tpu.memory_space<semaphore_mem>> -> memref<!tpu.dma_semaphore, #tpu.memory_space<semaphore_mem>>
    %dma_wait3A_565 = tpu.memref_slice %arg4[%add3A_558] : memref<52428800xf32, #tpu.memory_space<hbm>> -> memref<2048xf32, #tpu.memory_space<hbm>>
    %dma_wait3A_566 = arith.constant 20480 : i32
    %dma_wait3A_567 = tpu.memref_slice %arg7[%dma_wait3A_566] : memref<32768xf32, #tpu.memory_space<vmem>> -> memref<2048xf32, #tpu.memory_space<vmem>>
    tpu.wait_dma2 semaphore(%dma_wait3A_564 : memref<!tpu.dma_semaphore, #tpu.memory_space<semaphore_mem>>) src(%dma_wait3A_567 : memref<2048xf32, #tpu.memory_space<vmem>>) dst(%dma_wait3A_565 : memref<2048xf32, #tpu.memory_space<hbm>>)
    %add3A_568 = arith.constant 198 : i32
    %add3A_569 = arith.addi %mul3A_2, %add3A_568 : i32
    %shift_right_arithmetic3A_570 = arith.constant 5 : i32
    %shift_right_arithmetic3A_571 = arith.shrsi %add3A_569, %shift_right_arithmetic3A_570 : i32
    %and3A_572 = arith.constant 31 : i32
    %and3A_573 = arith.andi %add3A_569, %and3A_572 : i32
    %mul3A_574 = arith.constant 262144 : i32
    %mul3A_575 = arith.muli %shift_right_arithmetic3A_571, %mul3A_574 : i32
    %add3A_576 = arith.constant 98304 : i32
    %add3A_577 = arith.addi %mul3A_575, %add3A_576 : i32
    %mul3A_578 = arith.constant 1024 : i32
    %mul3A_579 = arith.muli %and3A_573, %mul3A_578 : i32
    %add3A_580 = arith.addi %add3A_577, %mul3A_579 : i32
    %dma_wait3A_581 = arith.constant 1 : i32
    %dma_wait3A_582 = arith.constant 22528 : i32
    %dma_wait3A_583 = tpu.memref_slice %arg7[%dma_wait3A_582] : memref<32768xf32, #tpu.memory_space<vmem>> -> memref<2048xf32, #tpu.memory_space<vmem>>
    %dma_wait3A_584 = tpu.memref_slice %arg4[%add3A_580] : memref<52428800xf32, #tpu.memory_space<hbm>> -> memref<2048xf32, #tpu.memory_space<hbm>>
    %dma_wait3A_585 = tpu.memref_slice %arg8[%dma_wait3A_581] : memref<2x!tpu.dma_semaphore, #tpu.memory_space<semaphore_mem>> -> memref<1x!tpu.dma_semaphore, #tpu.memory_space<semaphore_mem>>
    %dma_wait3A_586 = tpu.memref_squeeze %dma_wait3A_585 : memref<1x!tpu.dma_semaphore, #tpu.memory_space<semaphore_mem>> -> memref<!tpu.dma_semaphore, #tpu.memory_space<semaphore_mem>>
    %dma_wait3A_587 = tpu.memref_slice %arg4[%add3A_580] : memref<52428800xf32, #tpu.memory_space<hbm>> -> memref<2048xf32, #tpu.memory_space<hbm>>
    %dma_wait3A_588 = arith.constant 22528 : i32
    %dma_wait3A_589 = tpu.memref_slice %arg7[%dma_wait3A_588] : memref<32768xf32, #tpu.memory_space<vmem>> -> memref<2048xf32, #tpu.memory_space<vmem>>
    tpu.wait_dma2 semaphore(%dma_wait3A_586 : memref<!tpu.dma_semaphore, #tpu.memory_space<semaphore_mem>>) src(%dma_wait3A_589 : memref<2048xf32, #tpu.memory_space<vmem>>) dst(%dma_wait3A_587 : memref<2048xf32, #tpu.memory_space<hbm>>)
    %add3A_590 = arith.constant 198 : i32
    %add3A_591 = arith.addi %mul3A_2, %add3A_590 : i32
    %shift_right_arithmetic3A_592 = arith.constant 5 : i32
    %shift_right_arithmetic3A_593 = arith.shrsi %add3A_591, %shift_right_arithmetic3A_592 : i32
    %and3A_594 = arith.constant 31 : i32
    %and3A_595 = arith.andi %add3A_591, %and3A_594 : i32
    %mul3A_596 = arith.constant 262144 : i32
    %mul3A_597 = arith.muli %shift_right_arithmetic3A_593, %mul3A_596 : i32
    %add3A_598 = arith.constant 131072 : i32
    %add3A_599 = arith.addi %mul3A_597, %add3A_598 : i32
    %mul3A_600 = arith.constant 1024 : i32
    %mul3A_601 = arith.muli %and3A_595, %mul3A_600 : i32
    %add3A_602 = arith.addi %add3A_599, %mul3A_601 : i32
    %dma_wait3A_603 = arith.constant 1 : i32
    %dma_wait3A_604 = arith.constant 24576 : i32
    %dma_wait3A_605 = tpu.memref_slice %arg7[%dma_wait3A_604] : memref<32768xf32, #tpu.memory_space<vmem>> -> memref<2048xf32, #tpu.memory_space<vmem>>
    %dma_wait3A_606 = tpu.memref_slice %arg4[%add3A_602] : memref<52428800xf32, #tpu.memory_space<hbm>> -> memref<2048xf32, #tpu.memory_space<hbm>>
    %dma_wait3A_607 = tpu.memref_slice %arg8[%dma_wait3A_603] : memref<2x!tpu.dma_semaphore, #tpu.memory_space<semaphore_mem>> -> memref<1x!tpu.dma_semaphore, #tpu.memory_space<semaphore_mem>>
    %dma_wait3A_608 = tpu.memref_squeeze %dma_wait3A_607 : memref<1x!tpu.dma_semaphore, #tpu.memory_space<semaphore_mem>> -> memref<!tpu.dma_semaphore, #tpu.memory_space<semaphore_mem>>
    %dma_wait3A_609 = tpu.memref_slice %arg4[%add3A_602] : memref<52428800xf32, #tpu.memory_space<hbm>> -> memref<2048xf32, #tpu.memory_space<hbm>>
    %dma_wait3A_610 = arith.constant 24576 : i32
    %dma_wait3A_611 = tpu.memref_slice %arg7[%dma_wait3A_610] : memref<32768xf32, #tpu.memory_space<vmem>> -> memref<2048xf32, #tpu.memory_space<vmem>>
    tpu.wait_dma2 semaphore(%dma_wait3A_608 : memref<!tpu.dma_semaphore, #tpu.memory_space<semaphore_mem>>) src(%dma_wait3A_611 : memref<2048xf32, #tpu.memory_space<vmem>>) dst(%dma_wait3A_609 : memref<2048xf32, #tpu.memory_space<hbm>>)
    %add3A_612 = arith.constant 198 : i32
    %add3A_613 = arith.addi %mul3A_2, %add3A_612 : i32
    %shift_right_arithmetic3A_614 = arith.constant 5 : i32
    %shift_right_arithmetic3A_615 = arith.shrsi %add3A_613, %shift_right_arithmetic3A_614 : i32
    %and3A_616 = arith.constant 31 : i32
    %and3A_617 = arith.andi %add3A_613, %and3A_616 : i32
    %mul3A_618 = arith.constant 262144 : i32
    %mul3A_619 = arith.muli %shift_right_arithmetic3A_615, %mul3A_618 : i32
    %add3A_620 = arith.constant 163840 : i32
    %add3A_621 = arith.addi %mul3A_619, %add3A_620 : i32
    %mul3A_622 = arith.constant 1024 : i32
    %mul3A_623 = arith.muli %and3A_617, %mul3A_622 : i32
    %add3A_624 = arith.addi %add3A_621, %mul3A_623 : i32
    %dma_wait3A_625 = arith.constant 1 : i32
    %dma_wait3A_626 = arith.constant 26624 : i32
    %dma_wait3A_627 = tpu.memref_slice %arg7[%dma_wait3A_626] : memref<32768xf32, #tpu.memory_space<vmem>> -> memref<2048xf32, #tpu.memory_space<vmem>>
    %dma_wait3A_628 = tpu.memref_slice %arg4[%add3A_624] : memref<52428800xf32, #tpu.memory_space<hbm>> -> memref<2048xf32, #tpu.memory_space<hbm>>
    %dma_wait3A_629 = tpu.memref_slice %arg8[%dma_wait3A_625] : memref<2x!tpu.dma_semaphore, #tpu.memory_space<semaphore_mem>> -> memref<1x!tpu.dma_semaphore, #tpu.memory_space<semaphore_mem>>
    %dma_wait3A_630 = tpu.memref_squeeze %dma_wait3A_629 : memref<1x!tpu.dma_semaphore, #tpu.memory_space<semaphore_mem>> -> memref<!tpu.dma_semaphore, #tpu.memory_space<semaphore_mem>>
    %dma_wait3A_631 = tpu.memref_slice %arg4[%add3A_624] : memref<52428800xf32, #tpu.memory_space<hbm>> -> memref<2048xf32, #tpu.memory_space<hbm>>
    %dma_wait3A_632 = arith.constant 26624 : i32
    %dma_wait3A_633 = tpu.memref_slice %arg7[%dma_wait3A_632] : memref<32768xf32, #tpu.memory_space<vmem>> -> memref<2048xf32, #tpu.memory_space<vmem>>
    tpu.wait_dma2 semaphore(%dma_wait3A_630 : memref<!tpu.dma_semaphore, #tpu.memory_space<semaphore_mem>>) src(%dma_wait3A_633 : memref<2048xf32, #tpu.memory_space<vmem>>) dst(%dma_wait3A_631 : memref<2048xf32, #tpu.memory_space<hbm>>)
    %add3A_634 = arith.constant 198 : i32
    %add3A_635 = arith.addi %mul3A_2, %add3A_634 : i32
    %shift_right_arithmetic3A_636 = arith.constant 5 : i32
    %shift_right_arithmetic3A_637 = arith.shrsi %add3A_635, %shift_right_arithmetic3A_636 : i32
    %and3A_638 = arith.constant 31 : i32
    %and3A_639 = arith.andi %add3A_635, %and3A_638 : i32
    %mul3A_640 = arith.constant 262144 : i32
    %mul3A_641 = arith.muli %shift_right_arithmetic3A_637, %mul3A_640 : i32
    %add3A_642 = arith.constant 196608 : i32
    %add3A_643 = arith.addi %mul3A_641, %add3A_642 : i32
    %mul3A_644 = arith.constant 1024 : i32
    %mul3A_645 = arith.muli %and3A_639, %mul3A_644 : i32
    %add3A_646 = arith.addi %add3A_643, %mul3A_645 : i32
    %dma_wait3A_647 = arith.constant 1 : i32
    %dma_wait3A_648 = arith.constant 28672 : i32
    %dma_wait3A_649 = tpu.memref_slice %arg7[%dma_wait3A_648] : memref<32768xf32, #tpu.memory_space<vmem>> -> memref<2048xf32, #tpu.memory_space<vmem>>
    %dma_wait3A_650 = tpu.memref_slice %arg4[%add3A_646] : memref<52428800xf32, #tpu.memory_space<hbm>> -> memref<2048xf32, #tpu.memory_space<hbm>>
    %dma_wait3A_651 = tpu.memref_slice %arg8[%dma_wait3A_647] : memref<2x!tpu.dma_semaphore, #tpu.memory_space<semaphore_mem>> -> memref<1x!tpu.dma_semaphore, #tpu.memory_space<semaphore_mem>>
    %dma_wait3A_652 = tpu.memref_squeeze %dma_wait3A_651 : memref<1x!tpu.dma_semaphore, #tpu.memory_space<semaphore_mem>> -> memref<!tpu.dma_semaphore, #tpu.memory_space<semaphore_mem>>
    %dma_wait3A_653 = tpu.memref_slice %arg4[%add3A_646] : memref<52428800xf32, #tpu.memory_space<hbm>> -> memref<2048xf32, #tpu.memory_space<hbm>>
    %dma_wait3A_654 = arith.constant 28672 : i32
    %dma_wait3A_655 = tpu.memref_slice %arg7[%dma_wait3A_654] : memref<32768xf32, #tpu.memory_space<vmem>> -> memref<2048xf32, #tpu.memory_space<vmem>>
    tpu.wait_dma2 semaphore(%dma_wait3A_652 : memref<!tpu.dma_semaphore, #tpu.memory_space<semaphore_mem>>) src(%dma_wait3A_655 : memref<2048xf32, #tpu.memory_space<vmem>>) dst(%dma_wait3A_653 : memref<2048xf32, #tpu.memory_space<hbm>>)
    %add3A_656 = arith.constant 198 : i32
    %add3A_657 = arith.addi %mul3A_2, %add3A_656 : i32
    %shift_right_arithmetic3A_658 = arith.constant 5 : i32
    %shift_right_arithmetic3A_659 = arith.shrsi %add3A_657, %shift_right_arithmetic3A_658 : i32
    %and3A_660 = arith.constant 31 : i32
    %and3A_661 = arith.andi %add3A_657, %and3A_660 : i32
    %mul3A_662 = arith.constant 262144 : i32
    %mul3A_663 = arith.muli %shift_right_arithmetic3A_659, %mul3A_662 : i32
    %add3A_664 = arith.constant 229376 : i32
    %add3A_665 = arith.addi %mul3A_663, %add3A_664 : i32
    %mul3A_666 = arith.constant 1024 : i32
    %mul3A_667 = arith.muli %and3A_661, %mul3A_666 : i32
    %add3A_668 = arith.addi %add3A_665, %mul3A_667 : i32
    %dma_wait3A_669 = arith.constant 1 : i32
    %dma_wait3A_670 = arith.constant 30720 : i32
    %dma_wait3A_671 = tpu.memref_slice %arg7[%dma_wait3A_670] : memref<32768xf32, #tpu.memory_space<vmem>> -> memref<2048xf32, #tpu.memory_space<vmem>>
    %dma_wait3A_672 = tpu.memref_slice %arg4[%add3A_668] : memref<52428800xf32, #tpu.memory_space<hbm>> -> memref<2048xf32, #tpu.memory_space<hbm>>
    %dma_wait3A_673 = tpu.memref_slice %arg8[%dma_wait3A_669] : memref<2x!tpu.dma_semaphore, #tpu.memory_space<semaphore_mem>> -> memref<1x!tpu.dma_semaphore, #tpu.memory_space<semaphore_mem>>
    %dma_wait3A_674 = tpu.memref_squeeze %dma_wait3A_673 : memref<1x!tpu.dma_semaphore, #tpu.memory_space<semaphore_mem>> -> memref<!tpu.dma_semaphore, #tpu.memory_space<semaphore_mem>>
    %dma_wait3A_675 = tpu.memref_slice %arg4[%add3A_668] : memref<52428800xf32, #tpu.memory_space<hbm>> -> memref<2048xf32, #tpu.memory_space<hbm>>
    %dma_wait3A_676 = arith.constant 30720 : i32
    %dma_wait3A_677 = tpu.memref_slice %arg7[%dma_wait3A_676] : memref<32768xf32, #tpu.memory_space<vmem>> -> memref<2048xf32, #tpu.memory_space<vmem>>
    tpu.wait_dma2 semaphore(%dma_wait3A_674 : memref<!tpu.dma_semaphore, #tpu.memory_space<semaphore_mem>>) src(%dma_wait3A_677 : memref<2048xf32, #tpu.memory_space<vmem>>) dst(%dma_wait3A_675 : memref<2048xf32, #tpu.memory_space<hbm>>)
    return
  }
}

</mosaic_0001>

<sc_bundles>
// kernel: kernel.3.cloned.1.call-start
scs
__scs_entry_jumppad:
0x0: {  	(pc) =	sbr.rel $0x88, $3  }
0x1: {  	(tag) =	ssettag $0x0;
	lr =	simm.s32 $0x1  }
0x2: {  	[smem:$0x3F9F] =	sst lr;
	_ =	strace $0xD0000000  }
0x3: {  	_ = 	snop  }
0x4: {  	_ = 	snop  }
0x5: {  	_ = 	snop  }
0x6: {  	_ = 	snop  }
0x7: {  	_ = 	snop  }
__scs_overlays_trampoline_lowered:
0x8: {  	[smem:$0x3FAE] =	sst s0  }
0x9: {  	[smem:$0x3FAF] =	sst s1  }
0xa: {  	[smem:$0x3FB0] =	sst s2  }
0xb: {  	[smem:$0x3FB1] =	sst s3  }
0xc: {  	[smem:$0x3FB2] =	sst s4  }
0xd: {  	[smem:$0x3FB3] =	sst s5  }
0xe: {  	[smem:$0x3FB4] =	sst s6  }
0xf: {  	[smem:$0x3FB5] =	sst s7  }
0x10: {  	[smem:$0x3FB6] =	sst s8  }
0x11: {  	[smem:$0x3FB7] =	sst s9;
	s0 =	simm.s32 @!p0 $0x0  }
0x12: {  	s1 =	sld [smem:$0x3F9D];
	s0 =	simm.s32 @p0 $0x1  }
0x13: {  	[smem:$0x3FB8] =	sst s0;
	s0 =	simm.s32 @!p1 $0x0  }
0x14: {  	s2 =	sld [smem:$0x3F9C];
	s0 =	simm.s32 @p1 $0x1  }
0x15: {  	[smem:$0x3FB9] =	sst s0;
	s0 =	simm.s32 @!p2 $0x0  }
0x16: {  	s3 =	sld [smem:$0x3FDB];
	s0 =	simm.s32 @p2 $0x1  }
0x17: {  	s4 =	simm.s32 $0x1BF5;
	[smem:$0x3FBB] =	sst s0  }
0x18: {  	s0 =	sld [smem:$0x3F9E];
	_ =	swait.ge [sflag:s4], $0x0  }
0x19: {  	s7 =	sld [smem:$0x3F9F]  }
0x1a: {  	s8 =	sadd.s32 $0xFFFFE003, lr  }
0x1b: {  	s9 =	sadd.s32 $0xFFFFFEF7, lr;
	s5 =	simm.s32 $0xFFFFFFFF;
	p2 =	slt.u32 s8, $0xFFFFF086  }
0x1c: {  	p1 =	slt.u32 s9, $0xF7A;
	s5 =	simm.s32 @!p2 $0x0  }
0x1d: {  	s5 =	simm.s32 @p1 $0x1;
	p0 =	seq.s32 s7, s2  }
0x1e: {  	s7 =	smul.u32 @!p0 $0xF7A, s2;
	p2 =	seq.s32 @!p0 s5, $0x0  }
0x1f: {  	s9 =	smul.u32 $0xF7A, s1;
	s8 =	simm.s32 @!p0 $0x1BF5;
	p2 =	por !p2, p0  }
0x20: {  	[sflag:s8] =	ssyncset.s32 @!p0 $0xFFFFF086;
	s6 =	sadd.s32 @!p0 s3, s7;
	s7 =	simm.s32 @!p0 $0x108  }
0x21: {  	s3 =	sadd.s32 s3, s9;
	s6 =	sadd.s32 @!p0 $0x88, s6;
	s7 =	simm.s32 @p2 $0x1082  }
0x22: {  	[simem:s7], [sflag:s8] =	dma.local @!p0 [hbm:s6], $0xF7A  }
0x23: {  	s9 =	sor.u32 $0xD0000000, s2;
	s6 =	simm.s32 $0x108;
	_ =	swait.ge @!p0 [sflag:s8], $0x0  }
0x24: {  	s3 =	sadd.s32 $0x88, s3;
	s6 =	simm.s32 @!p1 $0x1082;
	[sflag:s4] =	ssyncset.s32 $0xFFFFF086  }
0x25: {  	[simem:s6], [sflag:s4] =	dma.local [hbm:s3], $0xF7A  }
0x26: {  	[smem:$0x3F9F] =	sst s1;
	(tag) =	ssettag s2;
	_ =	strace s9  }
0x27: {  	s1 =	sld [smem:$0x3FAF]  }
0x28: {  	s2 =	sld [smem:$0x3FB0]  }
0x29: {  	s4 =	sld [smem:$0x3FB2]  }
0x2a: {  	p0 =	seq.s32 s5, $0x0;
	s5 =	sld [smem:$0x3FB3]  }
0x2b: {  	s6 =	sld [smem:$0x3FB4]  }
0x2c: {  	s7 =	sld [smem:$0x3FB5]  }
0x2d: {  	s3 =	simm.s32 $0x108;
	s8 =	sld [smem:$0x3FB6]  }
0x2e: {  	s3 =	simm.s32 @!p0 $0x1082;
	s9 =	sld [smem:$0x3FB7]  }
0x2f: {  	lr =	sadd.s32 s0, s3;
	s0 =	sld [smem:$0x3FAE]  }
0x30: {  	s3 =	sld [smem:$0x3FB1]  }
0x31: {  	[smem:$0x3FBA] =	sst s10  }
0x32: {  	s10 =	sld [smem:$0x3FB8];
	_ =	sdelay $0x3  }
0x33: {  	p0 =	seq.s32 s10, $0x1;
	s10 =	sld [smem:$0x3FBA];
	_ =	sdelay $0x3  }
0x34: {  	[smem:$0x3FBA] =	sst s10  }
0x35: {  	s10 =	sld [smem:$0x3FB9];
	_ =	sdelay $0x3  }
0x36: {  	p1 =	seq.s32 s10, $0x1;
	s10 =	sld [smem:$0x3FBA];
	_ =	sdelay $0x3  }
0x37: {  	[smem:$0x3FBA] =	sst s10  }
0x38: {  	s10 =	sld [smem:$0x3FBB]  }
0x39: {  	_ = 	snop;
	(pc) =	sbr.ind lr, $3  }
0x3a: {  	_ = 	snop  }
0x3b: {  	_ = 	snop  }
0x3c: {  	p2 =	seq.s32 s10, $0x1;
	s10 =	sld [smem:$0x3FBA]  }
0x3d: {  	_ =	shalt  }
0x3e: {  	_ =	shalt  }
0x3f: {  	_ =	shalt  }
0x40: {  	_ =	shalt  }
0x41: {  	_ =	shalt  }
0x42: {  	_ =	shalt  }
0x43: {  	_ =	shalt  }
0x44: {  	_ =	shalt  }
0x45: {  	_ =	shalt  }
0x46: {  	_ =	shalt  }
0x47: {  	_ =	shalt  }
0x48: {  	_ =	shalt  }
0x49: {  	_ =	shalt  }
0x4a: {  	_ =	shalt  }
0x4b: {  	_ =	shalt  }
0x4c: {  	_ =	shalt  }
0x4d: {  	_ =	shalt  }
0x4e: {  	_ =	shalt  }
0x4f: {  	_ =	shalt  }
0x50: {  	_ =	shalt  }
0x51: {  	_ =	shalt  }
0x52: {  	_ =	shalt  }
0x53: {  	_ =	shalt  }
0x54: {  	_ =	shalt  }
0x55: {  	_ =	shalt  }
0x56: {  	_ =	shalt  }
0x57: {  	_ =	shalt  }
0x58: {  	_ =	shalt  }
0x59: {  	_ =	shalt  }
0x5a: {  	_ =	shalt  }
0x5b: {  	_ =	shalt  }
0x5c: {  	_ =	shalt  }
0x5d: {  	_ =	shalt  }
0x5e: {  	_ =	shalt  }
0x5f: {  	_ =	shalt  }
0x60: {  	_ =	shalt  }
0x61: {  	_ =	shalt  }
0x62: {  	_ =	shalt  }
0x63: {  	_ =	shalt  }
0x64: {  	_ =	shalt  }
0x65: {  	_ =	shalt  }
0x66: {  	_ =	shalt  }
0x67: {  	_ =	shalt  }
0x68: {  	_ =	shalt  }
0x69: {  	_ =	shalt  }
0x6a: {  	_ =	shalt  }
0x6b: {  	_ =	shalt  }
0x6c: {  	_ =	shalt  }
0x6d: {  	_ =	shalt  }
0x6e: {  	_ =	shalt  }
0x6f: {  	_ =	shalt  }
0x70: {  	_ =	shalt  }
0x71: {  	_ =	shalt  }
0x72: {  	_ =	shalt  }
0x73: {  	_ =	shalt  }
0x74: {  	_ =	shalt  }
0x75: {  	_ =	shalt  }
0x76: {  	_ =	shalt  }
0x77: {  	_ =	shalt  }
0x78: {  	_ =	shalt  }
0x79: {  	_ =	shalt  }
0x7a: {  	_ =	shalt  }
0x7b: {  	_ =	shalt  }
0x7c: {  	_ =	shalt  }
0x7d: {  	_ =	shalt  }
0x7e: {  	_ =	shalt  }
0x7f: {  	_ =	shalt  }
0x80: {  	_ =	shalt  }
0x81: {  	_ =	shalt  }
0x82: {  	_ =	shalt  }
0x83: {  	_ =	shalt  }
0x84: {  	_ =	shalt  }
0x85: {  	_ =	shalt  }
0x86: {  	_ =	shalt  }
0x87: {  	_ =	shalt  }
.Lfunc_end0:
.L_simem_size_0:
called_computation_lowered:
.L_overlay_start_0:
0x88: {  	s2 =	sld [smem:$0x3FD9]  }
0x89: {  	s3 =	sld [smem:$0x3FFE];
	_ =	sdelay $0x1  }
0x8a: {  	s1 =	srdreg.scid  }
0x8b: {  	s0 =	sand.u32 $0x1, s1  }
0x8c: {  	s17 =	sshll.u32 s0, $0xA;
	s2 =	sadd.s32 s3, s2  }
0x8d: {  	s2 =	sadd.s32 s2, s17  }
0x8e: {  	[smem:$0x3FC6] =	sst s2  }
0x8f: {  	_ = 	snop  }
0x90: {  	s2 =	sld [smem:$0x3FD0];
	(tm) =	ssettm $0x1  }
0x91: {  	s18 =	sld [smem:$0x3FFB];
	_ =	sdelay $0x3  }
0x92: {  	_ =	strace s18  }
0x93: {  	s3 =	sld [smem:$0x3FFC];
	_ =	sdelay $0x3  }
0x94: {  	_ =	strace s3  }
0x95: {  	s3 =	sld [smem:$0x3FFD];
	_ =	sdelay $0x3  }
0x96: {  	_ =	strace s3  }
0x97: {  	_ =	strace $0x8FFFFFFF  }
0x98: {  	s19 =	sld [smem:$0x3FDB];
	_ =	sdelay $0x1  }
0x99: {  	s4 =	simm.s32 $_scs_section_size  }
0x9a: {  	s5 =	simm.s32 $_size__tile_overlayer_lowered;
	s6 =	simm.s32 $_tile_overlayer_lowered  }
0x9b: {  	s22 =	simm.s32 $0x1BFF;
	s21 =	sshll.u32 s6, $0x1;
	s3 =	sadd.s32 s4, s19  }
0x9c: {  	s7 =	simm.s32 $0x0;
	s20 =	sshll.u32 s5, $0x1;
	s5 =	sadd.s32 s21, s3  }
0x9d: {  	[timem:s7], [sflag:s22] =	dma.local [hbm:s5], s20  }
0x9e: {  	_ =	swait.ge [sflag:s22], s20  }
0x9f: {  	s4 =	ssub.s32 $0x0, s20;
	[sflag:s22] =	ssyncset.done $0x0  }
0xa0: {  	[sflag:s22] =	ssyncadd.s32 s4;
	_ =	sdelay $0x1  }
0xa1: {  	s23 =	simm.s32 $0x1B8B  }
0xa2: {  	_ =	swait.ge [sflag:s23], $0x1  }
0xa3: {  	[sflag:s23] =	ssyncset.done $0x0  }
0xa4: {  	s25 =	simm.s32 $0x1B8E;
	s24 =	sld [smem:$0x3FFE];
	[sflag:s23] =	ssyncadd.s32 $0xFFFFFFFF  }
0xa5: {  	s26 =	simm.s32 $execute0_lowered;
	[smem:$0x3FD2] =	sst s25  }
0xa6: {  	s5 =	sshll.u32 s26, $0x1;
	_ =	strace $0x80000046;
	[dreg:$0x1] =	wrdreg $0xFFFFFFFF  }
0xa7: {  	s28 =	simm.s32 $_size_execute0_lowered;
	s3 =	sadd.s32 s3, s5;
	[dreg:$0x0] =	wrdreg $0x0  }
0xa8: {  	s5 =	sshll.u32 s28, $0x1;
	[dreg:$0x2] =	wrdreg s3  }
0xa9: {  	[dreg:$0x3] =	wrdreg s5  }
0xaa: {  	[dreg:$0x4] =	wrdreg $0xC0  }
0xab: {  	_ =	task [dreg:s7], $0x5FFFF  }
0xac: {  	[dreg:$0x1] =	wrdreg $0xFFFFFFFF  }
0xad: {  	[dreg:$0x0] =	wrdreg $0x60  }
0xae: {  	[dreg:$0x2] =	wrdreg s24  }
0xaf: {  	[dreg:$0x3] =	wrdreg s2  }
0xb0: {  	[dreg:$0x4] =	wrdreg $0x9  }
0xb1: {  	_ =	task.clear_ibuf [dreg:s7], $0x5FFFF;
	_ =	strace $0x90000046  }
0xb2: {  	s29 =	simm.s32 $0x9;
	_ =	strace $0x80000048  }
0xb3: {  	_ =	swait.ge [sflag:s29], $0x1  }
0xb4: {  	[sflag:s29] =	ssyncadd.s32 $0xFFFFFFFF  }
0xb5: {  	_ =	strace $0x90000048  }
0xb6: {  	_ =	sfence  }
0xb7: {  	s30 =	sld [smem:$0x0];
	_ =	sdelay $0x2  }
0xb8: {  	s31 =	sshll.u32 s1, $0xD;
	s1 =	sshrl.u32 s1, $0x2  }
0xb9: {  	s3 =	sand.u32 $0x4000, s31;
	s1 =	sadd.s32 s1, s30  }
0xba: {  	s0 =	sor.u32 s3, s0;
	s1 =	sshll.u32 s1, $0x11  }
0xbb: {  	s0 =	sor.u32 s1, s0  }
0xbc: {  	s0 =	sadd.s32 $0x8F2B, s0  }
0xbd: {  	[sflag:s0] =	ssyncadd.remote.s32 $0x1  }
0xbe: {  	_ =	sfence.sel $0xFFFF  }
0xbf: {  	[dreg:$0x0] =	wrdreg $0xFFFFFFFF;
	(pc) =	sbr.abs _section_cstart, $3  }
0xc0: {  	[dreg:$0x1] =	wrdreg $0xFFFFFFFF  }
0xc1: {  	_ =	task.clear_ibuf [dreg:s7], $0x2FFFF;
	_ =	strace $0x9FFFFFFF  }
0xc2: {  	(tm) =	ssettm $0x7FFFFFFF  }
0xc3: {  	_ =	shalt  }
tec
execute0_lowered:
.L_overlay_start_1:
0x0: {  	(tag) =	ssettag $0x1  }
0x1: {  	v0 =	vimm.s32 $0xB8F;
	vm13 =	vcmask $0x300  }
0x2: {  	vm12 =	vcmask $0x704;
	vm11 =	vcmask $0xB08;
	vm10 =	vcmask $0xF0C  }
0x3: {  	vm9 =	vcmask $0x1310;
	vm8 =	vcmask $0x1714;
	vm7 =	vcmask $0x1B18  }
0x4: {  	vm6 =	vcmask $0x1F1C;
	vm4 =	vcmask $0x2320;
	vm0 =	vcmask $0x2724  }
0x5: {  	v1 =	vimm.s32 $0xF;
	vm1 =	vcmask $0x2B28;
	vm2 =	vcmask $0x2F2C  }
0x6: {  	vm3 =	vcmask $0x3330;
	vm5 =	vcmask $0x3734;
	v0 =	vsel vm13, $0x0, v0  }
0x7: {  	v2 =	vimm.s32 $0xFEDCBA9;
	v3 =	vimm.s32 $0x87654321;
	v0 =	vsel vm12, $0x81, v0  }
0x8: {  	v4 =	vimm.s32 $0x8F;
	v1 =	vsel vm13, $0x80, v1;
	v0 =	vsel vm11, $0x102, v0  }
0x9: {  	vm14 =	vcmask $0x3B38;
	v1 =	vsel vm12, $0x101, v1;
	v0 =	vsel vm10, $0x183, v0  }
0xa: {  	v2 =	vunpack.c.l.s4.s8 v2;
	v1 =	vsel vm11, $0x182, v1;
	v0 =	vsel vm9, $0x204, v0  }
0xb: {  	v3 =	vunpack.c.l.s4.s8 v3;
	v1 =	vsel vm10, $0x203, v1;
	v0 =	vsel vm8, $0x285, v0  }
0xc: {  	v4 =	vsel vm13, $0x100, v4;
	v1 =	vsel vm9, $0x284, v1;
	v0 =	vsel vm7, $0x306, v0  }
0xd: {  	v5 =	vunpack.c.0.s8.s32 v2;
	v1 =	vsel vm8, $0x305, v1;
	v0 =	vsel vm6, $0x387, v0  }
0xe: {  	v2 =	vsel vm12, $0x181, v4;
	v1 =	vsel vm7, $0x386, v1;
	v0 =	vsel vm4, $0x808, v0  }
0xf: {  	v7 =	vunpack.c.0.s8.s32 v3;
	v1 =	vsel vm6, $0x807, v1;
	v0 =	vsel vm0, $0x889, v0  }
0x10: {  	v2 =	vsel vm11, $0x202, v2;
	v1 =	vsel vm4, $0x888, v1;
	v0 =	vsel vm1, $0x90A, v0  }
0x11: {  	v2 =	vsel vm10, $0x283, v2;
	v1 =	vsel vm0, $0x909, v1;
	v0 =	vsel vm2, $0x98B, v0  }
0x12: {  	v3 =	vcombine.low v7, v5;
	v1 =	vsel vm1, $0x98A, v1;
	v0 =	vsel vm3, $0xA0C, v0  }
0x13: {  	v2 =	vsel vm9, $0x304, v2;
	v1 =	vsel vm2, $0xA0B, v1;
	v0 =	vsel vm5, $0xA8D, v0  }
0x14: {  	v25 =	vsel vm14, $0xB0E, v0;
	v0 =	vsel vm3, $0xA8C, v1;
	v1 =	vsel vm8, $0x385, v2  }
0x15: {  	v2 =	vand.u32 $0xF, v3;
	v0 =	vsel vm5, $0xB0D, v0;
	v1 =	vsel vm7, $0x806, v1  }
0x16: {  	v31 =	vsel vm14, $0xB8E, v0;
	v0 =	vimm.s32 $0x10FEDCBA;
	v1 =	vsel vm6, $0x887, v1  }
0x17: {  	v3 =	vimm.s32 $0x98765432;
	v0 =	vunpack.c.l.s4.s8 v0;
	v1 =	vsel vm4, $0x908, v1  }
0x18: {  	v4 =	vimm.s32 $0x10F;
	v3 =	vunpack.c.l.s4.s8 v3;
	v1 =	vsel vm0, $0x989, v1  }
0x19: {  	v13 =	vunpack.c.0.s8.s32 v0;
	v0 =	vsel vm1, $0xA0A, v1;
	v1 =	vsel vm13, $0x180, v4  }
0x1a: {  	v17 =	vunpack.c.0.s8.s32 v3;
	v3 =	vimm.s32 $0x210FEDCB;
	v1 =	vsel vm12, $0x201, v1  }
0x1b: {  	v3 =	vunpack.c.l.s4.s8 v3;
	v4 =	vimm.s32 $0xA9876543;
	v1 =	vsel vm11, $0x282, v1  }
0x1c: {  	v0 =	vsel vm2, $0xA8B, v0;
	v4 =	vunpack.c.l.s4.s8 v4;
	v1 =	vsel vm10, $0x303, v1  }
0x1d: {  	v6 =	vcombine.low v17, v13;
	v0 =	vsel vm3, $0xB0C, v0;
	v8 =	vsel vm9, $0x384, v1  }
0x1e: {  	v1 =	vunpack.c.0.s8.s32 v3;
	v3 =	vunpack.c.0.s8.s32 v4;
	v4 =	vsel vm8, $0x805, v8  }
0x1f: {  	v9 =	vimm.s32 $0x18F;
	v0 =	vsel vm5, $0xB8D, v0;
	v4 =	vsel vm7, $0x886, v4  }
0x20: {  	[tilespmem:$0x1FAF0] =	vst v2;
	v2 =	vand.u32 $0xF, v6;
	v6 =	vcombine.low v3, v1;
	v8 =	vsel vm6, $0x907, v4  }
0x21: {  	v32 =	vsel vm14, $0xE, v0;
	v0 =	vsel vm4, $0x988, v8;
	v8 =	vsel vm13, $0x200, v9  }
0x22: {  	[tilespmem:$0x1FB00] =	vst v2;
	v2 =	vand.u32 $0xF, v6;
	v9 =	vimm.s32 $0xBA987654;
	v0 =	vsel vm0, $0xA09, v0  }
0x23: {  	v6 =	vsel vm12, $0x281, v8;
	v8 =	vimm.s32 $0x3210FEDC;
	v10 =	vunpack.c.l.s4.s8 v9  }
0x24: {  	v0 =	vsel vm1, $0xA8A, v0;
	v6 =	vsel vm11, $0x302, v6;
	v8 =	vunpack.c.l.s4.s8 v8  }
0x25: {  	v6 =	vsel vm10, $0x383, v6;
	v0 =	vsel vm2, $0xB0B, v0;
	v11 =	vunpack.c.0.s8.s32 v10  }
0x26: {  	v6 =	vsel vm9, $0x804, v6;
	v0 =	vsel vm3, $0xB8C, v0;
	v9 =	vunpack.c.0.s8.s32 v8  }
0x27: {  	v8 =	vimm.s32 $0x20F;
	v6 =	vsel vm8, $0x885, v6;
	v0 =	vsel vm5, $0xD, v0  }
0x28: {  	v8 =	vsel vm13, $0x280, v8;
	v6 =	vsel vm7, $0x906, v6;
	v10 =	vcombine.low v11, v9  }
0x29: {  	v8 =	vsel vm12, $0x301, v8;
	v26 =	vsel vm14, $0x8E, v0;
	v6 =	vsel vm6, $0x987, v6  }
0x2a: {  	[tilespmem:$0x1FB10] =	vst v2;
	v8 =	vsel vm11, $0x382, v8;
	v12 =	vsel vm4, $0xA08, v6;
	v2 =	vand.u32 $0xF, v10  }
0x2b: {  	v8 =	vsel vm10, $0x803, v8;
	v10 =	vimm.s32 $0x43210FED;
	v0 =	vsel vm0, $0xA89, v12  }
0x2c: {  	v8 =	vsel vm9, $0x884, v8;
	v10 =	vunpack.c.l.s4.s8 v10;
	v12 =	vimm.s32 $0xCBA98765  }
0x2d: {  	v0 =	vsel vm1, $0xB0A, v0;
	v8 =	vsel vm8, $0x905, v8;
	v12 =	vunpack.c.l.s4.s8 v12  }
0x2e: {  	v0 =	vsel vm2, $0xB8B, v0;
	v8 =	vsel vm7, $0x986, v8;
	v23 =	vunpack.c.0.s8.s32 v10  }
0x2f: {  	v10 =	vimm.s32 $0x28F;
	v0 =	vsel vm3, $0xC, v0;
	v8 =	vsel vm6, $0xA07, v8  }
0x30: {  	v24 =	vunpack.c.0.s8.s32 v12;
	v10 =	vsel vm13, $0x300, v10;
	v8 =	vsel vm4, $0xA88, v8  }
0x31: {  	v0 =	vsel vm5, $0x8D, v0;
	v10 =	vsel vm12, $0x381, v10;
	v8 =	vsel vm0, $0xB09, v8  }
0x32: {  	v12 =	vcombine.low v24, v23;
	v10 =	vsel vm11, $0x802, v10;
	v14 =	vsel vm1, $0xB8A, v8  }
0x33: {  	v28 =	vsel vm14, $0x10E, v0;
	v10 =	vsel vm10, $0x883, v10;
	v0 =	vsel vm2, $0xB, v14  }
0x34: {  	[tilespmem:$0x1FB20] =	vst v2;
	v2 =	vand.u32 $0xF, v12;
	v10 =	vsel vm9, $0x904, v10;
	v0 =	vsel vm3, $0x8C, v0  }
0x35: {  	v12 =	vimm.s32 $0x543210FE;
	v14 =	vsel vm8, $0x985, v10;
	v0 =	vsel vm5, $0x10D, v0  }
0x36: {  	v30 =	vsel vm14, $0x18E, v0;
	v0 =	vunpack.c.l.s4.s8 v12;
	v12 =	vsel vm7, $0xA06, v14  }
0x37: {  	v15 =	vimm.s32 $0x30F;
	v14 =	vimm.s32 $0xDCBA9876;
	v12 =	vsel vm6, $0xA87, v12  }
0x38: {  	v16 =	vsel vm13, $0x380, v15;
	v14 =	vunpack.c.l.s4.s8 v14;
	v12 =	vsel vm4, $0xB08, v12  }
0x39: {  	v15 =	vunpack.c.0.s8.s32 v0;
	v0 =	vsel vm0, $0xB89, v12;
	v12 =	vsel vm12, $0x801, v16  }
0x3a: {  	v19 =	vunpack.c.0.s8.s32 v14;
	v14 =	vimm.s32 $0x6543210F;
	v12 =	vsel vm11, $0x882, v12  }
0x3b: {  	v16 =	vimm.s32 $0xEDCBA987;
	v0 =	vsel vm1, $0xA, v0;
	v12 =	vsel vm10, $0x903, v12  }
0x3c: {  	v14 =	vunpack.c.l.s4.s8 v14;
	v16 =	vunpack.c.l.s4.s8 v16;
	v12 =	vsel vm9, $0x984, v12  }
0x3d: {  	v18 =	vcombine.low v19, v15;
	v20 =	vsel vm2, $0x8B, v0;
	v12 =	vsel vm8, $0xA05, v12  }
0x3e: {  	v0 =	vunpack.c.0.s8.s32 v14;
	v21 =	vunpack.c.0.s8.s32 v16;
	v12 =	vsel vm7, $0xA86, v12  }
0x3f: {  	[tilespmem:$0x1FB30] =	vst v2;
	v14 =	vsel vm3, $0x10C, v20;
	v2 =	vand.u32 $0xF, v18;
	v12 =	vsel vm6, $0xB07, v12  }
0x40: {  	v14 =	vsel vm5, $0x18D, v14;
	v16 =	vcombine.low v21, v0;
	v18 =	vsel vm4, $0xB88, v12  }
0x41: {  	v33 =	vsel vm14, $0x20E, v14;
	v14 =	vsel vm0, $0x9, v18;
	v18 =	vimm.s32 $0x38F  }
0x42: {  	[tilespmem:$0x1FB40] =	vst v2;
	v2 =	vand.u32 $0xF, v16;
	v16 =	vsel vm13, $0x800, v18;
	v18 =	vimm.s32 $0x80F  }
0x43: {  	v18 =	vsel vm13, $0x880, v18  }
0x44: {  	v18 =	vsel vm12, $0x901, v18  }
0x45: {  	v22 =	vimm.s32 $0xFEDCBA98;
	v18 =	vsel vm11, $0x982, v18  }
0x46: {  	v22 =	vunpack.c.l.s4.s8 v22;
	v18 =	vsel vm10, $0xA03, v18  }
0x47: {  	v18 =	vsel vm9, $0xA84, v18  }
0x48: {  	v22 =	vunpack.c.0.s8.s32 v22;
	v18 =	vsel vm8, $0xB05, v18  }
0x49: {  	v13 =	vcombine.low v13, v17;
	v20 =	vimm.s32 $0x76543210;
	v18 =	vsel vm7, $0xB86, v18  }
0x4a: {  	v22 =	vand.u32 $0xF, v22;
	v20 =	vunpack.c.l.s4.s8 v20;
	v18 =	vsel vm6, $0x7, v18  }
0x4b: {  	v5 =	vcombine.low v5, v7;
	v8 =	vand.u32 $0xF, v13;
	v18 =	vsel vm4, $0x88, v18  }
0x4c: {  	v13 =	vimm.s32 $0x98F;
	v20 =	vunpack.c.0.s8.s32 v20;
	v18 =	vsel vm0, $0x109, v18  }
0x4d: {  	v17 =	vimm.s32 $0x90F;
	v13 =	vsel vm13, $0xA00, v13;
	v18 =	vsel vm1, $0x18A, v18  }
0x4e: {  	v13 =	vsel vm12, $0xA81, v13;
	[tilespmem:$0x1FB50] =	vst v2;
	v2 =	vcombine.low v22, v20;
	v7 =	vsel vm2, $0x20B, v18  }
0x4f: {  	v13 =	vsel vm11, $0xB02, v13;
	v18 =	vimm.s32 $0x88F;
	v7 =	vsel vm3, $0x28C, v7  }
0x50: {  	[tilespmem:$0x1FB60] =	vst v2;
	v2 =	vand.u32 $0xF, v5;
	v5 =	vsel vm5, $0x30D, v7;
	v7 =	vsel vm13, $0x900, v18  }
0x51: {  	v1 =	vcombine.low v1, v3;
	v13 =	vsel vm10, $0xB83, v13;
	v7 =	vsel vm12, $0x981, v7  }
0x52: {  	v18 =	vsel vm14, $0x38E, v5;
	v5 =	vsel vm11, $0xA02, v7;
	v7 =	vsel vm13, $0x980, v17  }
0x53: {  	v10 =	vand.u32 $0xF, v1;
	v13 =	vsel vm9, $0x4, v13;
	v7 =	vsel vm12, $0xA01, v7  }
0x54: {  	v13 =	vsel vm8, $0x85, v13;
	v5 =	vsel vm10, $0xA83, v5;
	v7 =	vsel vm11, $0xA82, v7  }
0x55: {  	v13 =	vsel vm7, $0x106, v13;
	v5 =	vsel vm9, $0xB04, v5;
	v7 =	vsel vm10, $0xB03, v7  }
0x56: {  	v13 =	vsel vm6, $0x187, v13;
	v5 =	vsel vm8, $0xB85, v5;
	v7 =	vsel vm9, $0xB84, v7  }
0x57: {  	v13 =	vsel vm4, $0x208, v13;
	v5 =	vsel vm7, $0x6, v5;
	v7 =	vsel vm8, $0x5, v7  }
0x58: {  	v0 =	vcombine.low v0, v21;
	v5 =	vsel vm6, $0x87, v5;
	v7 =	vsel vm7, $0x86, v7  }
0x59: {  	v14 =	vsel vm1, $0x8A, v14;
	v5 =	vsel vm4, $0x108, v5;
	v7 =	vsel vm6, $0x107, v7  }
0x5a: {  	v14 =	vsel vm2, $0x10B, v14;
	v5 =	vsel vm0, $0x189, v5;
	v7 =	vsel vm4, $0x188, v7  }
0x5b: {  	v14 =	vsel vm3, $0x18C, v14;
	v5 =	vsel vm1, $0x20A, v5;
	v7 =	vsel vm0, $0x209, v7  }
0x5c: {  	v14 =	vsel vm5, $0x20D, v14;
	v5 =	vsel vm2, $0x28B, v5;
	v7 =	vsel vm1, $0x28A, v7  }
0x5d: {  	v34 =	vsel vm14, $0x28E, v14;
	v5 =	vsel vm3, $0x30C, v5;
	v7 =	vsel vm2, $0x30B, v7  }
0x5e: {  	v5 =	vsel vm5, $0x38D, v5;
	v3 =	vsel vm3, $0x38C, v7;
	v7 =	vsel vm0, $0x289, v13  }
0x5f: {  	v17 =	vsel vm14, $0x80E, v5;
	v3 =	vsel vm5, $0x80D, v3;
	v5 =	vsel vm1, $0x30A, v7  }
0x60: {  	v7 =	vcombine.low v23, v24;
	v14 =	vsel vm14, $0x88E, v3;
	v1 =	vsel vm2, $0x38B, v5  }
0x61: {  	v3 =	vcombine.low v9, v11;
	v5 =	vimm.s32 $0xA0F;
	v11 =	vand.u32 $0xF, v0  }
0x62: {  	v0 =	vimm.s32 $0x1C1B1A19;
	v1 =	vsel vm3, $0x80C, v1;
	v5 =	vsel vm13, $0xA80, v5  }
0x63: {  	v20 =	vunpack.c.0.s8.s32 v0;
	v0 =	vimm.s32 $0x101F1E1D;
	v1 =	vsel vm5, $0x88D, v1  }
0x64: {  	v9 =	vand.u32 $0xF, v3;
	v3 =	vimm.s32 $0xA8F;
	v60 =	vunpack.c.0.s8.s32 v0  }
0x65: {  	v0 =	vimm.s32 $0x14131211;
	v22 =	vsel vm14, $0x90E, v1;
	v1 =	vsel vm12, $0xB01, v5  }
0x66: {  	v3 =	vsel vm13, $0xB00, v3;
	v5 =	vimm.s32 $0xB0F;
	v36 =	vunpack.c.0.s8.s32 v0  }
0x67: {  	v0 =	vimm.s32 $0x1D1C1B1A;
	v1 =	vsel vm11, $0xB82, v1;
	v3 =	vsel vm12, $0xB81, v3  }
0x68: {  	v5 =	vsel vm13, $0xB80, v5;
	v47 =	vunpack.c.0.s8.s32 v0;
	v0 =	vimm.s32 $0x11101F1E  }
0x69: {  	v1 =	vsel vm10, $0x3, v1;
	v3 =	vsel vm11, $0x2, v3;
	v5 =	vsel vm12, $0x1, v5  }
0x6a: {  	v4 =	vunpack.c.0.s8.s32 v0;
	v0 =	vimm.s32 $0x19181716;
	v1 =	vsel vm9, $0x84, v1  }
0x6b: {  	v3 =	vsel vm10, $0x83, v3;
	v5 =	vsel vm11, $0x82, v5;
	v6 =	vunpack.c.0.s8.s32 v0  }
0x6c: {  	v0 =	vimm.s32 $0x1E1D1C1B;
	v1 =	vsel vm8, $0x105, v1;
	v3 =	vsel vm9, $0x104, v3  }
0x6d: {  	v5 =	vsel vm10, $0x103, v5;
	v23 =	vunpack.c.0.s8.s32 v0;
	v0 =	vimm.s32 $0x16151413  }
0x6e: {  	v1 =	vsel vm7, $0x186, v1;
	v3 =	vsel vm8, $0x185, v3;
	v5 =	vsel vm9, $0x184, v5  }
0x6f: {  	v37 =	vunpack.c.0.s8.s32 v0;
	v0 =	vimm.s32 $0x1A191817;
	v1 =	vsel vm6, $0x207, v1  }
0x70: {  	v3 =	vsel vm7, $0x206, v3;
	v5 =	vsel vm8, $0x205, v5;
	v59 =	vunpack.c.0.s8.s32 v0  }
0x71: {  	v0 =	vimm.s32 $0x13121110;
	v1 =	vsel vm4, $0x288, v1;
	v3 =	vsel vm6, $0x287, v3  }
0x72: {  	v5 =	vsel vm7, $0x286, v5;
	v0 =	vunpack.c.0.s8.s32 v0;
	v1 =	vsel vm0, $0x309, v1  }
0x73: {  	v3 =	vsel vm4, $0x308, v3;
	v5 =	vsel vm6, $0x307, v5;
	v1 =	vsel vm1, $0x38A, v1  }
0x74: {  	v3 =	vsel vm0, $0x389, v3;
	v5 =	vsel vm4, $0x388, v5;
	[tilespmem:$0x1FB70] =	vst v0;
	v0 =	vimm.s32 $0x17161514  }
0x75: {  	v1 =	vsel vm2, $0x80B, v1;
	v3 =	vsel vm1, $0x80A, v3;
	v5 =	vsel vm0, $0x809, v5  }
0x76: {  	v48 =	vunpack.c.0.s8.s32 v0;
	v0 =	vimm.s32 $0x2C2B2A29;
	v1 =	vsel vm3, $0x88C, v1  }
0x77: {  	v38 =	vunpack.c.0.s8.s32 v0;
	v0 =	vimm.s32 $0x202F2E2D;
	v1 =	vsel vm5, $0x90D, v1  }
0x78: {  	v13 =	vsel vm14, $0x98E, v1;
	v1 =	vsel vm2, $0x88B, v3;
	v3 =	vsel vm1, $0x88A, v5  }
0x79: {  	v51 =	vunpack.c.0.s8.s32 v0;
	v1 =	vsel vm3, $0x90C, v1;
	v3 =	vsel vm2, $0x90B, v3  }
0x7a: {  	v0 =	vimm.s32 $0x28272625;
	v1 =	vsel vm5, $0x98D, v1;
	v3 =	vsel vm3, $0x98C, v3  }
0x7b: {  	v5 =	vcombine.low v15, v19;
	v12 =	vsel vm14, $0xA0E, v1;
	v1 =	vsel vm5, $0xA0D, v3  }
0x7c: {  	v62 =	vunpack.c.0.s8.s32 v0;
	v15 =	vsel vm14, $0xA8E, v1;
	v1 =	vimm.s32 $0x18171615  }
0x7d: {  	v0 =	vimm.s32 $0x2D2C2B2A;
	v43 =	vunpack.c.0.s8.s32 v1;
	v1 =	vimm.s32 $0x15141312  }
0x7e: {  	v27 =	vunpack.c.0.s8.s32 v0;
	v45 =	vunpack.c.0.s8.s32 v1;
	v1 =	vimm.s32 $0x1211101F  }
0x7f: {  	v0 =	vimm.s32 $0x25242322;
	v21 =	vunpack.c.0.s8.s32 v1;
	v1 =	vimm.s32 $0x1F1E1D1C  }
0x80: {  	v56 =	vunpack.c.0.s8.s32 v0;
	v55 =	vunpack.c.0.s8.s32 v1;
	v1 =	vimm.s32 $0x1B1A1918  }
0x81: {  	v0 =	vimm.s32 $0x29282726;
	v49 =	vunpack.c.0.s8.s32 v1;
	v1 =	vimm.s32 $0x24232221  }
0x82: {  	v0 =	vunpack.c.0.s8.s32 v0;
	v52 =	vunpack.c.0.s8.s32 v1;
	v1 =	vimm.s32 $0x21202F2E  }
0x83: {  	v50 =	vunpack.c.0.s8.s32 v1;
	v1 =	vimm.s32 $0x2E2D2C2B  }
0x84: {  	[tilespmem:$0x1FB80] =	vst v0;
	v0 =	vunpack.c.0.s8.s32 v1;
	_ =	sdelay $0x1  }
0x85: {  	[tilespmem:$0x1FB90] =	vst v0;
	v0 =	vimm.s32 $0x2221202F  }
0x86: {  	v0 =	vunpack.c.0.s8.s32 v0;
	_ =	sdelay $0x1  }
0x87: {  	[tilespmem:$0x1FBA0] =	vst v0;
	v0 =	vimm.s32 $0x26252423  }
0x88: {  	v0 =	vunpack.c.0.s8.s32 v0  }
0x89: {  	v1 =	vimm.s32 $0x2A292827  }
0x8a: {  	[tilespmem:$0x1FBB0] =	vst v0;
	v0 =	vunpack.c.0.s8.s32 v1;
	_ =	sdelay $0x1  }
0x8b: {  	[tilespmem:$0x1FBC0] =	vst v0;
	v0 =	vimm.s32 $0x2F2E2D2C  }
0x8c: {  	v0 =	vunpack.c.0.s8.s32 v0;
	_ =	sdelay $0x1  }
0x8d: {  	[tilespmem:$0x1FBD0] =	vst v0;
	v0 =	vimm.s32 $0x23222120  }
0x8e: {  	v0 =	vunpack.c.0.s8.s32 v0  }
0x8f: {  	v1 =	vimm.s32 $0x27262524  }
0x90: {  	[tilespmem:$0x1FBE0] =	vst v0;
	v0 =	vunpack.c.0.s8.s32 v1;
	_ =	sdelay $0x1  }
0x91: {  	[tilespmem:$0x1FBF0] =	vst v0;
	v0 =	vimm.s32 $0x2B2A2928  }
0x92: {  	v0 =	vunpack.c.0.s8.s32 v0;
	_ =	sdelay $0x1  }
0x93: {  	[tilespmem:$0x1FC00] =	vst v0;
	v0 =	vimm.s32 $0x3C3B3A39  }
0x94: {  	v0 =	vunpack.c.0.s8.s32 v0  }
0x95: {  	v1 =	vimm.s32 $0x303F3E3D  }
0x96: {  	[tilespmem:$0x1FC10] =	vst v0;
	v0 =	vunpack.c.0.s8.s32 v1;
	_ =	sdelay $0x1  }
0x97: {  	[tilespmem:$0x1FC20] =	vst v0;
	v0 =	vimm.s32 $0x34333231  }
0x98: {  	v0 =	vunpack.c.0.s8.s32 v0;
	_ =	sdelay $0x1  }
0x99: {  	[tilespmem:$0x1FC30] =	vst v0;
	v0 =	vimm.s32 $0x38373635  }
0x9a: {  	v0 =	vunpack.c.0.s8.s32 v0  }
0x9b: {  	v1 =	vimm.s32 $0x3D3C3B3A  }
0x9c: {  	[tilespmem:$0x1FC40] =	vst v0;
	v0 =	vunpack.c.0.s8.s32 v1;
	_ =	sdelay $0x1  }
0x9d: {  	[tilespmem:$0x1FC50] =	vst v0;
	v0 =	vimm.s32 $0x31303F3E  }
0x9e: {  	v0 =	vunpack.c.0.s8.s32 v0  }
0x9f: {  	v16 =	vsel vm12, $0x881, v16  }
0xa0: {  	v16 =	vsel vm11, $0x902, v16;
	[tilespmem:$0x1FC60] =	vst v0;
	v0 =	vimm.s32 $0x35343332  }
0xa1: {  	v16 =	vsel vm10, $0x983, v16;
	v0 =	vunpack.c.0.s8.s32 v0  }
0xa2: {  	v16 =	vsel vm9, $0xA04, v16;
	v1 =	vimm.s32 $0x39383736  }
0xa3: {  	v16 =	vsel vm8, $0xA85, v16;
	[tilespmem:$0x1FC70] =	vst v0;
	v0 =	vunpack.c.0.s8.s32 v1  }
0xa4: {  	v16 =	vsel vm7, $0xB06, v16  }
0xa5: {  	v16 =	vsel vm6, $0xB87, v16;
	[tilespmem:$0x1FC80] =	vst v0;
	v0 =	vimm.s32 $0x3E3D3C3B  }
0xa6: {  	s4 =	rddreg [dreg:$0x0];
	v16 =	vsel vm4, $0x8, v16;
	v0 =	vunpack.c.0.s8.s32 v0  }
0xa7: {  	s2 =	rddreg [dreg:$0x1];
	s3 =	simm.s32 $0x0;
	v16 =	vsel vm0, $0x89, v16;
	vm0 =	vcmask $0x1F10  }
0xa8: {  	s1 =	srdreg.scid;
	[smem:$0x7FF] =	sst s3;
	v3 =	vsel vm0, v43, v36;
	[tilespmem:$0x1FC90] =	vst v0  }
0xa9: {  	s5 =	sand.u32 $0x1, s1;
	s1 =	rddreg [dreg:$0x2];
	v61 =	vmov v4;
	v4 =	vsel vm0, v4, v47;
	_ =	strace $0x80000047;
	[tilespmem:$0x1FD20] =	vst v3  }
0xaa: {  	v39 =	vmov v6;
	v6 =	vsel vm0, v6, v45;
	[tilespmem:$0x1FD30] =	vst v4  }
0xab: {  	[tilespmem:$0x1FD40] =	vst v6  }
0xac: {  	[tilespmem:$0x1FD60] =	vst v31  }
0xad: {  	[tilespmem:$0x1FD70] =	vst v32  }
0xae: {  	[tilespmem:$0x1FD80] =	vst v2  }
0xaf: {  	[tilespmem:$0x1FD90] =	vst v8  }
0xb0: {  	[tilespmem:$0x1FDA0] =	vst v25  }
0xb1: {  	[tilespmem:$0x1FDB0] =	vst v10  }
0xb2: {  	[tilespmem:$0x1FDC0] =	vst v9  }
0xb3: {  	v7 =	vand.u32 $0xF, v7;
	[tilespmem:$0x1FDD0] =	vst v17  }
0xb4: {  	[tilespmem:$0x1FDE0] =	vst v7  }
0xb5: {  	v5 =	vand.u32 $0xF, v5;
	[tilespmem:$0x1FDF0] =	vst v13  }
0xb6: {  	[tilespmem:$0x1FE00] =	vst v5  }
0xb7: {  	[tilespmem:$0x1FE10] =	vst v34  }
0xb8: {  	[tilespmem:$0x1FE20] =	vst v11  }
0xb9: {  	[tilespmem:$0x1FE30] =	vst v15  }
0xba: {  	[tilespmem:$0x1FE40] =	vst v20  }
0xbb: {  	[tilespmem:$0x1FE50] =	vst v60  }
0xbc: {  	[tilespmem:$0x1FE60] =	vst v36  }
0xbd: {  	[tilespmem:$0x1FE70] =	vst v43  }
0xbe: {  	[tilespmem:$0x1FE80] =	vst v47  }
0xbf: {  	[tilespmem:$0x1FE90] =	vst v61  }
0xc0: {  	[tilespmem:$0x1FEA0] =	vst v45  }
0xc1: {  	[tilespmem:$0x1FEB0] =	vst v39  }
0xc2: {  	[tilespmem:$0x1FEC0] =	vst v23  }
0xc3: {  	[tilespmem:$0x1FED0] =	vst v21  }
0xc4: {  	[tilespmem:$0x1FEE0] =	vst v37  }
0xc5: {  	[tilespmem:$0x1FEF0] =	vst v59  }
0xc6: {  	[tilespmem:$0x1FF00] =	vst v55  }
0xc7: {  	[tilespmem:$0x1FF10] =	vst v48  }
0xc8: {  	v0 =	vimm.s32 $0x3231303F;
	[tilespmem:$0x1FF20] =	vst v49  }
0xc9: {  	v0 =	vunpack.c.0.s8.s32 v0;
	[tilespmem:$0x1FF30] =	vst v38  }
0xca: {  	v1 =	vimm.s32 $0x36353433;
	[tilespmem:$0x1FF40] =	vst v51  }
0xcb: {  	[tilespmem:$0x1FCA0] =	vst v0;
	v0 =	vunpack.c.0.s8.s32 v1  }
0xcc: {  	[tilespmem:$0x1FF50] =	vst v52  }
0xcd: {  	[tilespmem:$0x1FCB0] =	vst v0;
	v0 =	vimm.s32 $0x3A393837  }
0xce: {  	[tilespmem:$0x1FF60] =	vst v62;
	v0 =	vunpack.c.0.s8.s32 v0  }
0xcf: {  	[tilespmem:$0x1FF70] =	vst v27  }
0xd0: {  	[tilespmem:$0x1FCC0] =	vst v0;
	v0 =	vimm.s32 $0x3F3E3D3C  }
0xd1: {  	v16 =	vsel vm1, $0x10A, v16;
	[tilespmem:$0x1FF80] =	vst v50;
	v0 =	vunpack.c.0.s8.s32 v0  }
0xd2: {  	v16 =	vsel vm2, $0x18B, v16;
	v29 =	vcombine.low v6, v4;
	[tilespmem:$0x1FF90] =	vst v56;
	v1 =	vimm.s32 $0x33323130  }
0xd3: {  	v16 =	vsel vm3, $0x20C, v16;
	[tilespmem:$0x1FCD0] =	vst v0;
	v0 =	vunpack.c.0.s8.s32 v1  }
0xd4: {  	v16 =	vsel vm5, $0x28D, v16;
	[tilespmem:$0x1FFC0] =	vst v29  }
0xd5: {  	v16 =	vsel vm14, $0x30E, v16;
	[tilespmem:$0x1FCE0] =	vst v0;
	v0 =	vimm.s32 $0x37363534  }
0xd6: {  	s0 =	stileid.u32;
	[tilespmem:$0x1FFD0] =	vst v16;
	v0 =	vunpack.c.0.s8.s32 v0  }
0xd7: {  	s15 =	simm.s32 $0x6400;
	s16 =	simm.s32 $0x3;
	s17 =	simm.s32 $0x15E00;
	[tilespmem:$0x1FFE0] =	vst v14  }
0xd8: {  	s18 =	simm.s32 $0x1;
	s19 =	simm.s32 $0x2;
	s20 =	simm.s32 $0x0;
	v1 =	vlaneseq.u32;
	[tilespmem:$0x1FCF0] =	vst v0;
	v0 =	vimm.s32 $0x3B3A3938  }
0xd9: {  	s31 =	sshll.u32 s0, $0x1;
	s9 =	sadd.s32 $0x3000, s2;
	s10 =	sadd.s32 $0x4000, s2;
	[tilespmem:$0x1FFF0] =	vst v18;
	v19 =	vor.u32 $0x10, v1;
	v0 =	vunpack.c.0.s8.s32 v0  }
0xda: {  	s11 =	sadd.s32 $0x5000, s2;
	s6 =	sor.u32 s5, s31;
	s5 =	ssub.s32 $0x2, s5;
	[tilespmem:$0x1FFA0] =	vst v19  }
0xdb: {  	s12 =	sadd.s32 $0x6000, s2;
	s7 =	smul.u32 $0xC80, s6;
	s8 =	sshrl.u32 s5, $0x1;
	[tilespmem:$0x1FD00] =	vst v0;
	v0 =	vsel vm0, v60, v20  }
0xdc: {  	s13 =	sadd.s32 $0x7000, s2;
	s14 =	ssub.s32 s5, s8;
	s5 =	smul.u32 $0xC8, s6;
	[tilespmem:$0x1FD10] =	vst v0;
	v24 =	vcombine.low v3, v0;
	v0 =	vsel vm0, v21, v23  }
0xdd: {  	s8 =	sadd.s32 $0x2000, s2;
	s7 =	sadd.s32 s7, s4;
	s4 =	sadd.s32 $0x400, s4;
	[tilespmem:$0x1FD50] =	vst v0  }
0xde: {  	s14 =	smax.u32 s14, $0x1;
	s6 =	sadd.s32 $0x2400, s7;
	s7 =	sadd.s32 $0x1000, s2;
	v58 =	vmov v23;
	v54 =	vmov v21;
	[tilespmem:$0x1FFB0] =	vst v24  }
.LBB2_1:
0xdf: {  	[tilespmem:s15], [sflag:$0x3] =	stream.linear.gather [hbm4b:s4+s3], $0xFA00, $0x38;
	[tilespmem:$0x1DE00] =	vst v63  }
0xe0: {  	_ =	swait.ge [sflag:s16], $0xFA00  }
0xe1: {  	[sflag:s16] =	ssyncset.done $0x0  }
0xe2: {  	[sflag:s16] =	ssyncadd.s32 $0xFFFF0600  }
0xe3: {  	[tilespmem:s3], [sflag:$0x3] =	stream.linear.gather [hbm4b:s6+s3], $0x6400, $0x38;
	[tilespmem:$0x1DE00] =	vst v63  }
0xe4: {  	_ =	swait.ge [sflag:s16], $0x6400  }
0xe5: {  	[sflag:s16] =	ssyncset.done $0x0  }
0xe6: {  	s21 =	simm.s32 $0x0;
	[sflag:s16] =	ssyncadd.s32 $0xFFFF9C00  }
.LBB2_2:
0xe7: {  	s22 =	sand.u32 $0x1, s21;
	p0 =	slt.u32 s21, $0x2  }
0xe8: {  	s23 =	sadd.s32 @!p0 $0x1, s22  }
0xe9: {  	_ =	swait.ge @!p0 [sflag:s23], $0x800  }
0xea: {  	[sflag:s23] =	ssyncset.done @!p0 $0x0  }
0xeb: {  	[sflag:s23] =	ssyncadd.s32 @!p0 $0xFFFFF800  }
0xec: {  	_ =	swait.ge @!p0 [sflag:s23], $0x800  }
0xed: {  	[sflag:s23] =	ssyncset.done @!p0 $0x0  }
0xee: {  	[sflag:s23] =	ssyncadd.s32 @!p0 $0xFFFFF800  }
0xef: {  	_ =	swait.ge @!p0 [sflag:s23], $0x800  }
0xf0: {  	[sflag:s23] =	ssyncset.done @!p0 $0x0  }
0xf1: {  	[sflag:s23] =	ssyncadd.s32 @!p0 $0xFFFFF800  }
0xf2: {  	_ =	swait.ge @!p0 [sflag:s23], $0x800  }
0xf3: {  	[sflag:s23] =	ssyncset.done @!p0 $0x0  }
0xf4: {  	[sflag:s23] =	ssyncadd.s32 @!p0 $0xFFFFF800  }
0xf5: {  	_ =	swait.ge @!p0 [sflag:s23], $0x800  }
0xf6: {  	[sflag:s23] =	ssyncset.done @!p0 $0x0  }
0xf7: {  	[sflag:s23] =	ssyncadd.s32 @!p0 $0xFFFFF800  }
0xf8: {  	_ =	swait.ge @!p0 [sflag:s23], $0x800  }
0xf9: {  	[sflag:s23] =	ssyncset.done @!p0 $0x0  }
0xfa: {  	[sflag:s23] =	ssyncadd.s32 @!p0 $0xFFFFF800  }
0xfb: {  	_ =	swait.ge @!p0 [sflag:s23], $0x800  }
0xfc: {  	[sflag:s23] =	ssyncset.done @!p0 $0x0  }
0xfd: {  	s24 =	sshll.u32 s21, $0x8;
	[sflag:s23] =	ssyncadd.s32 @!p0 $0xFFFFF800  }
0xfe: {  	s25 =	sand.u32 $0x3FFFFF00, s24;
	_ =	swait.ge @!p0 [sflag:s23], $0x800  }
0xff: {  	s24 =	simm.s32 $0x0;
	v0 =	vmov s25;
	[sflag:s23] =	ssyncset.done @!p0 $0x0  }
0x100: {  	[tilespmem:$0x1FAE0] =	vst v0;
	[sflag:s23] =	ssyncadd.s32 @!p0 $0xFFFFF800;
	s23 =	sshll.u32 s22, $0xE;
	p0 =	por $0x1, $0x1  }
.LBB2_3:
0x101: {  	v21 =	vld [tilespmem:$0x1FAE0];
	_ =	sdelay $0x5  }
0x102: {  	s25 =	sshll.u32 s24, $0x4  }
0x103: {  	s25 =	sand.u32 $0x3FFFFFF0, s25  }
0x104: {  	v0 =	vld.idx.msk [tilespmem:v21+s25+$0x0 ss:$0x1], $0xffff;
	_ =	sdelay $0x4  }
0x105: {  	v46 =	vmov v38;
	v38 =	vmov v58;
	v58 =	vshll.u32 v0, $0x6  }
0x106: {  	v0 =	vor.u32 v1, v58  }
0x107: {  	v53 =	vld [tilespmem:$0x1FAF0];
	_ =	sdelay $0x1  }
0x108: {  	s30 =	sshll.u32 s24, $0x7  }
0x109: {  	s24 =	sor.u32 s23, s30  }
0x10a: {  	v1 =	vor.u32 s24, v25;
	v0 =	vld.idx.msk [tilespmem:v0+s15+$0x0], $0xffff  }
0x10b: {  	v3 =	vor.u32 v53, v58  }
0x10c: {  	v35 =	vld [tilespmem:$0x1FB00];
	_ =	sdelay $0x2  }
0x10d: {  	[tilespmem:v1+s17+$0x0] =	vst.idx.msk $0xffff, v0  }
0x10e: {  	v1 =	vor.u32 s24, v31;
	v0 =	vld.idx.msk [tilespmem:v3+s15+$0x0], $0xffff  }
0x10f: {  	v3 =	vor.u32 v35, v58  }
0x110: {  	v40 =	vmov v39;
	v39 =	vld [tilespmem:$0x1FB10];
	_ =	sdelay $0x2  }
0x111: {  	[tilespmem:v1+s17+$0x0] =	vst.idx.msk $0xffff, v0  }
0x112: {  	v1 =	vor.u32 s24, v32;
	v0 =	vld.idx.msk [tilespmem:v3+s15+$0x0], $0xffff  }
0x113: {  	v3 =	vor.u32 v39, v58  }
0x114: {  	v63 =	vld [tilespmem:$0x1FB20];
	_ =	sdelay $0x2  }
0x115: {  	[tilespmem:v1+s17+$0x0] =	vst.idx.msk $0xffff, v0  }
0x116: {  	v1 =	vor.u32 s24, v26;
	v0 =	vld.idx.msk [tilespmem:v3+s15+$0x0], $0xffff  }
0x117: {  	v3 =	vor.u32 v63, v58  }
0x118: {  	v4 =	vmov v59;
	v59 =	vld [tilespmem:$0x1FB30];
	_ =	sdelay $0x2  }
0x119: {  	[tilespmem:v1+s17+$0x0] =	vst.idx.msk $0xffff, v0  }
0x11a: {  	v1 =	vor.u32 s24, v28;
	v0 =	vld.idx.msk [tilespmem:v3+s15+$0x0], $0xffff  }
0x11b: {  	v3 =	vor.u32 v59, v58  }
0x11c: {  	v57 =	vld [tilespmem:$0x1FB40];
	_ =	sdelay $0x2  }
0x11d: {  	[tilespmem:v1+s17+$0x0] =	vst.idx.msk $0xffff, v0  }
0x11e: {  	v1 =	vor.u32 s24, v30;
	v0 =	vld.idx.msk [tilespmem:v3+s15+$0x0], $0xffff  }
0x11f: {  	v3 =	vor.u32 v57, v58  }
0x120: {  	v42 =	vmov v61;
	v61 =	vld [tilespmem:$0x1FB50];
	_ =	sdelay $0x2  }
0x121: {  	[tilespmem:v1+s17+$0x0] =	vst.idx.msk $0xffff, v0  }
0x122: {  	v1 =	vor.u32 s24, v33;
	v0 =	vld.idx.msk [tilespmem:v3+s15+$0x0], $0xffff  }
0x123: {  	v3 =	vor.u32 v61, v58  }
0x124: {  	v6 =	vld [tilespmem:$0x1FB60];
	_ =	sdelay $0x2  }
0x125: {  	[tilespmem:v1+s17+$0x0] =	vst.idx.msk $0xffff, v0  }
0x126: {  	v1 =	vor.u32 s24, v34;
	v0 =	vld.idx.msk [tilespmem:v3+s15+$0x0], $0xffff  }
0x127: {  	v3 =	vor.u32 v6, v58;
	_ =	sdelay $0x3  }
0x128: {  	[tilespmem:v1+s17+$0x0] =	vst.idx.msk $0xffff, v0  }
0x129: {  	v1 =	vor.u32 s24, v16;
	v0 =	vld.idx.msk [tilespmem:v3+s15+$0x0], $0xffff  }
0x12a: {  	v3 =	vor.u32 v2, v58;
	_ =	sdelay $0x3  }
0x12b: {  	[tilespmem:v1+s17+$0x0] =	vst.idx.msk $0xffff, v0  }
0x12c: {  	v1 =	vor.u32 s24, v18;
	v0 =	vld.idx.msk [tilespmem:v3+s15+$0x0], $0xffff  }
0x12d: {  	v3 =	vor.u32 v8, v58;
	_ =	sdelay $0x3  }
0x12e: {  	[tilespmem:v1+s17+$0x0] =	vst.idx.msk $0xffff, v0  }
0x12f: {  	v1 =	vor.u32 s24, v17;
	v0 =	vld.idx.msk [tilespmem:v3+s15+$0x0], $0xffff  }
0x130: {  	v3 =	vor.u32 v10, v58;
	_ =	sdelay $0x3  }
0x131: {  	[tilespmem:v1+s17+$0x0] =	vst.idx.msk $0xffff, v0  }
0x132: {  	v1 =	vor.u32 s24, v14;
	v0 =	vld.idx.msk [tilespmem:v3+s15+$0x0], $0xffff  }
0x133: {  	v3 =	vor.u32 v9, v58;
	_ =	sdelay $0x3  }
0x134: {  	[tilespmem:v1+s17+$0x0] =	vst.idx.msk $0xffff, v0  }
0x135: {  	v1 =	vor.u32 s24, v22;
	v0 =	vld.idx.msk [tilespmem:v3+s15+$0x0], $0xffff  }
0x136: {  	v3 =	vor.u32 v7, v58;
	_ =	sdelay $0x3  }
0x137: {  	[tilespmem:v1+s17+$0x0] =	vst.idx.msk $0xffff, v0  }
0x138: {  	v1 =	vor.u32 s24, v13;
	v0 =	vld.idx.msk [tilespmem:v3+s15+$0x0], $0xffff  }
0x139: {  	v3 =	vor.u32 v5, v58;
	_ =	sdelay $0x3  }
0x13a: {  	[tilespmem:v1+s17+$0x0] =	vst.idx.msk $0xffff, v0  }
0x13b: {  	v1 =	vor.u32 s24, v12;
	v0 =	vld.idx.msk [tilespmem:v3+s15+$0x0], $0xffff  }
0x13c: {  	v3 =	vor.u32 v11, v58;
	_ =	sdelay $0x3  }
0x13d: {  	[tilespmem:v1+s17+$0x0] =	vst.idx.msk $0xffff, v0  }
0x13e: {  	v1 =	vor.u32 s24, v15;
	v0 =	vld.idx.msk [tilespmem:v3+s15+$0x0], $0xffff;
	_ =	sdelay $0x4  }
0x13f: {  	[tilespmem:v1+s17+$0x0] =	vst.idx.msk $0xffff, v0;
	v0 =	vld.idx.msk [tilespmem:v21+s25+$0x10 ss:$0x1], $0xffff;
	_ =	sdelay $0x1  }
0x140: {  	v1 =	vld.idx.msk [tilespmem:v21+s25+$0x20 ss:$0x1], $0xffff;
	_ =	sdelay $0x1  }
0x141: {  	v3 =	vld.idx.msk [tilespmem:v21+s25+$0x30 ss:$0x1], $0xffff  }
0x142: {  	v27 =	vshll.u32 v0, $0x6;
	v0 =	vlaneseq.u32  }
0x143: {  	v0 =	vor.u32 v0, v27  }
0x144: {  	v23 =	vshll.u32 v1, $0x6;
	v1 =	vlaneseq.u32  }
0x145: {  	v1 =	vor.u32 v1, v23  }
0x146: {  	v21 =	vshll.u32 v3, $0x6;
	v3 =	vlaneseq.u32  }
0x147: {  	s29 =	sor.u32 $0x10, s24;
	v3 =	vor.u32 v3, v21  }
0x148: {  	v5 =	vor.u32 s29, v25;
	v0 =	vld.idx.msk [tilespmem:v0+s15+$0x0], $0xffff  }
0x149: {  	s26 =	sor.u32 $0x20, s24;
	v7 =	vor.u32 v53, v27  }
0x14a: {  	v9 =	vor.u32 s26, v25;
	v1 =	vld.idx.msk [tilespmem:v1+s15+$0x0], $0xffff  }
0x14b: {  	s28 =	sor.u32 $0x30, s24;
	v11 =	vor.u32 v53, v23  }
0x14c: {  	v13 =	vor.u32 s28, v25;
	v3 =	vld.idx.msk [tilespmem:v3+s15+$0x0], $0xffff  }
0x14d: {  	[tilespmem:v5+s17+$0x0] =	vst.idx.msk $0xffff, v0  }
0x14e: {  	v5 =	vor.u32 s29, v31;
	v0 =	vld.idx.msk [tilespmem:v7+s15+$0x0], $0xffff  }
0x14f: {  	[tilespmem:v9+s17+$0x0] =	vst.idx.msk $0xffff, v1;
	v1 =	vor.u32 v35, v27  }
0x150: {  	v9 =	vor.u32 s26, v31;
	v7 =	vld.idx.msk [tilespmem:v11+s15+$0x0], $0xffff  }
0x151: {  	[tilespmem:v13+s17+$0x0] =	vst.idx.msk $0xffff, v3;
	v3 =	vor.u32 v35, v23;
	_ =	sdelay $0x1  }
0x152: {  	v15 =	vor.u32 v53, v21;
	[tilespmem:v5+s17+$0x0] =	vst.idx.msk $0xffff, v0  }
0x153: {  	v0 =	vld.idx.msk [tilespmem:v1+s15+$0x0], $0xffff;
	v1 =	vor.u32 s29, v32  }
0x154: {  	[tilespmem:v9+s17+$0x0] =	vst.idx.msk $0xffff, v7;
	v5 =	vor.u32 v39, v27  }
0x155: {  	v7 =	vor.u32 s26, v32;
	v3 =	vld.idx.msk [tilespmem:v3+s15+$0x0], $0xffff;
	_ =	sdelay $0x1  }
0x156: {  	v13 =	vor.u32 s28, v31;
	v11 =	vld.idx.msk [tilespmem:v15+s15+$0x0], $0xffff  }
0x157: {  	v15 =	vor.u32 v35, v21;
	[tilespmem:v1+s17+$0x0] =	vst.idx.msk $0xffff, v0  }
0x158: {  	v9 =	vor.u32 v39, v23;
	v1 =	vor.u32 s29, v26;
	v0 =	vld.idx.msk [tilespmem:v5+s15+$0x0], $0xffff  }
0x159: {  	[tilespmem:v7+s17+$0x0] =	vst.idx.msk $0xffff, v3;
	v3 =	vor.u32 v63, v27;
	_ =	sdelay $0x1  }
0x15a: {  	[tilespmem:v13+s17+$0x0] =	vst.idx.msk $0xffff, v11  }
0x15b: {  	v13 =	vor.u32 s28, v32;
	v11 =	vld.idx.msk [tilespmem:v15+s15+$0x0], $0xffff  }
0x15c: {  	v15 =	vor.u32 v39, v21;
	v7 =	vor.u32 s26, v26;
	v5 =	vld.idx.msk [tilespmem:v9+s15+$0x0], $0xffff;
	[tilespmem:v1+s17+$0x0] =	vst.idx.msk $0xffff, v0  }
0x15d: {  	v9 =	vor.u32 v63, v23;
	v1 =	vor.u32 s29, v28;
	v0 =	vld.idx.msk [tilespmem:v3+s15+$0x0], $0xffff  }
0x15e: {  	v3 =	vor.u32 v59, v27;
	_ =	sdelay $0x1  }
0x15f: {  	[tilespmem:v13+s17+$0x0] =	vst.idx.msk $0xffff, v11  }
0x160: {  	v13 =	vor.u32 s28, v26;
	v11 =	vld.idx.msk [tilespmem:v15+s15+$0x0], $0xffff;
	[tilespmem:v7+s17+$0x0] =	vst.idx.msk $0xffff, v5  }
0x161: {  	v15 =	vor.u32 v63, v21;
	v7 =	vor.u32 s26, v28;
	v5 =	vld.idx.msk [tilespmem:v9+s15+$0x0], $0xffff;
	[tilespmem:v1+s17+$0x0] =	vst.idx.msk $0xffff, v0  }
0x162: {  	v9 =	vor.u32 v59, v23;
	v1 =	vor.u32 s29, v30;
	v0 =	vld.idx.msk [tilespmem:v3+s15+$0x0], $0xffff  }
0x163: {  	v3 =	vor.u32 v57, v27;
	_ =	sdelay $0x1  }
0x164: {  	[tilespmem:v13+s17+$0x0] =	vst.idx.msk $0xffff, v11  }
0x165: {  	v13 =	vor.u32 s28, v28;
	v11 =	vld.idx.msk [tilespmem:v15+s15+$0x0], $0xffff;
	[tilespmem:v7+s17+$0x0] =	vst.idx.msk $0xffff, v5  }
0x166: {  	v15 =	vor.u32 v59, v21;
	v7 =	vor.u32 s26, v30;
	v5 =	vld.idx.msk [tilespmem:v9+s15+$0x0], $0xffff;
	[tilespmem:v1+s17+$0x0] =	vst.idx.msk $0xffff, v0  }
0x167: {  	v9 =	vor.u32 v57, v23;
	v1 =	vor.u32 s29, v33;
	v0 =	vld.idx.msk [tilespmem:v3+s15+$0x0], $0xffff  }
0x168: {  	v3 =	vor.u32 v61, v27;
	_ =	sdelay $0x1  }
0x169: {  	[tilespmem:v13+s17+$0x0] =	vst.idx.msk $0xffff, v11  }
0x16a: {  	v13 =	vor.u32 s28, v30;
	v11 =	vld.idx.msk [tilespmem:v15+s15+$0x0], $0xffff;
	[tilespmem:v7+s17+$0x0] =	vst.idx.msk $0xffff, v5  }
0x16b: {  	v15 =	vor.u32 v57, v21;
	v7 =	vor.u32 s26, v33;
	v5 =	vld.idx.msk [tilespmem:v9+s15+$0x0], $0xffff;
	[tilespmem:v1+s17+$0x0] =	vst.idx.msk $0xffff, v0  }
0x16c: {  	v9 =	vor.u32 v61, v23;
	v1 =	vor.u32 s29, v34;
	v0 =	vld.idx.msk [tilespmem:v3+s15+$0x0], $0xffff  }
0x16d: {  	v3 =	vor.u32 v6, v27;
	_ =	sdelay $0x1  }
0x16e: {  	[tilespmem:v13+s17+$0x0] =	vst.idx.msk $0xffff, v11  }
0x16f: {  	v13 =	vor.u32 s28, v33;
	v11 =	vld.idx.msk [tilespmem:v15+s15+$0x0], $0xffff;
	[tilespmem:v7+s17+$0x0] =	vst.idx.msk $0xffff, v5  }
0x170: {  	v15 =	vor.u32 v61, v21;
	v7 =	vor.u32 s26, v34;
	v5 =	vld.idx.msk [tilespmem:v9+s15+$0x0], $0xffff;
	[tilespmem:v1+s17+$0x0] =	vst.idx.msk $0xffff, v0  }
0x171: {  	v9 =	vor.u32 v6, v23;
	v1 =	vor.u32 s29, v16;
	v0 =	vld.idx.msk [tilespmem:v3+s15+$0x0], $0xffff  }
0x172: {  	v3 =	vor.u32 v2, v27;
	_ =	sdelay $0x1  }
0x173: {  	[tilespmem:v13+s17+$0x0] =	vst.idx.msk $0xffff, v11  }
0x174: {  	v13 =	vor.u32 s28, v34;
	v11 =	vld.idx.msk [tilespmem:v15+s15+$0x0], $0xffff;
	[tilespmem:v7+s17+$0x0] =	vst.idx.msk $0xffff, v5  }
0x175: {  	v15 =	vor.u32 v6, v21;
	v7 =	vor.u32 s26, v16;
	v5 =	vld.idx.msk [tilespmem:v9+s15+$0x0], $0xffff;
	[tilespmem:v1+s17+$0x0] =	vst.idx.msk $0xffff, v0  }
0x176: {  	v9 =	vor.u32 v2, v23;
	v1 =	vor.u32 s29, v18;
	v0 =	vld.idx.msk [tilespmem:v3+s15+$0x0], $0xffff  }
0x177: {  	v3 =	vor.u32 v8, v27;
	_ =	sdelay $0x1  }
0x178: {  	[tilespmem:v13+s17+$0x0] =	vst.idx.msk $0xffff, v11  }
0x179: {  	v13 =	vor.u32 s28, v16;
	v11 =	vld.idx.msk [tilespmem:v15+s15+$0x0], $0xffff;
	[tilespmem:v7+s17+$0x0] =	vst.idx.msk $0xffff, v5  }
0x17a: {  	v15 =	vor.u32 v2, v21;
	v7 =	vor.u32 s26, v18;
	v5 =	vld.idx.msk [tilespmem:v9+s15+$0x0], $0xffff;
	[tilespmem:v1+s17+$0x0] =	vst.idx.msk $0xffff, v0  }
0x17b: {  	v9 =	vor.u32 v8, v23;
	v1 =	vor.u32 s29, v17;
	v0 =	vld.idx.msk [tilespmem:v3+s15+$0x0], $0xffff  }
0x17c: {  	v3 =	vor.u32 v10, v27  }
0x17d: {  	v2 =	vld [tilespmem:$0x1FDC0]  }
0x17e: {  	[tilespmem:v13+s17+$0x0] =	vst.idx.msk $0xffff, v11  }
0x17f: {  	v13 =	vor.u32 s28, v18;
	v11 =	vld.idx.msk [tilespmem:v15+s15+$0x0], $0xffff;
	[tilespmem:v7+s17+$0x0] =	vst.idx.msk $0xffff, v5  }
0x180: {  	v15 =	vor.u32 v8, v21;
	v7 =	vor.u32 s26, v17;
	v5 =	vld.idx.msk [tilespmem:v9+s15+$0x0], $0xffff;
	[tilespmem:v1+s17+$0x0] =	vst.idx.msk $0xffff, v0  }
0x181: {  	v9 =	vor.u32 v10, v23;
	v0 =	vld.idx.msk [tilespmem:v3+s15+$0x0], $0xffff  }
0x182: {  	v3 =	vor.u32 v2, v27;
	v2 =	vld [tilespmem:$0x1FDC0];
	_ =	sdelay $0x1  }
0x183: {  	[tilespmem:v13+s17+$0x0] =	vst.idx.msk $0xffff, v11  }
0x184: {  	v13 =	vor.u32 s28, v17;
	v11 =	vld.idx.msk [tilespmem:v15+s15+$0x0], $0xffff;
	[tilespmem:v7+s17+$0x0] =	vst.idx.msk $0xffff, v5  }
0x185: {  	v15 =	vor.u32 v10, v21;
	v5 =	vld.idx.msk [tilespmem:v9+s15+$0x0], $0xffff  }
0x186: {  	v9 =	vor.u32 v2, v23;
	v2 =	vld [tilespmem:$0x1FDC0];
	_ =	sdelay $0x2  }
0x187: {  	v1 =	vor.u32 s29, v14;
	[tilespmem:v13+s17+$0x0] =	vst.idx.msk $0xffff, v11  }
0x188: {  	v11 =	vld.idx.msk [tilespmem:v15+s15+$0x0], $0xffff  }
0x189: {  	v15 =	vor.u32 v2, v21;
	v2 =	vld [tilespmem:$0x1FDE0];
	_ =	sdelay $0x2  }
0x18a: {  	v7 =	vor.u32 s26, v14;
	[tilespmem:v1+s17+$0x0] =	vst.idx.msk $0xffff, v0  }
0x18b: {  	v0 =	vld.idx.msk [tilespmem:v3+s15+$0x0], $0xffff  }
0x18c: {  	v3 =	vor.u32 v2, v27;
	v2 =	vld [tilespmem:$0x1FDE0];
	_ =	sdelay $0x2  }
0x18d: {  	v13 =	vor.u32 s28, v14;
	[tilespmem:v7+s17+$0x0] =	vst.idx.msk $0xffff, v5  }
0x18e: {  	v5 =	vld.idx.msk [tilespmem:v9+s15+$0x0], $0xffff  }
0x18f: {  	v9 =	vor.u32 v2, v23;
	v2 =	vld [tilespmem:$0x1FDE0];
	_ =	sdelay $0x2  }
0x190: {  	v1 =	vor.u32 s29, v22;
	[tilespmem:v13+s17+$0x0] =	vst.idx.msk $0xffff, v11  }
0x191: {  	v11 =	vld.idx.msk [tilespmem:v15+s15+$0x0], $0xffff  }
0x192: {  	v15 =	vor.u32 v2, v21;
	v2 =	vld [tilespmem:$0x1FE00];
	_ =	sdelay $0x2  }
0x193: {  	[tilespmem:v1+s17+$0x0] =	vst.idx.msk $0xffff, v0  }
0x194: {  	v0 =	vld.idx.msk [tilespmem:v3+s15+$0x0], $0xffff  }
0x195: {  	v7 =	vor.u32 s26, v22;
	v3 =	vor.u32 v2, v27;
	v2 =	vld [tilespmem:$0x1FDF0];
	_ =	sdelay $0x4  }
0x196: {  	[tilespmem:v7+s17+$0x0] =	vst.idx.msk $0xffff, v5;
	v7 =	vor.u32 s26, v2;
	v2 =	vld [tilespmem:$0x1FE00];
	_ =	sdelay $0x3  }
0x197: {  	v5 =	vld.idx.msk [tilespmem:v9+s15+$0x0], $0xffff  }
0x198: {  	v13 =	vor.u32 s28, v22;
	v9 =	vor.u32 v2, v23;
	v2 =	vld [tilespmem:$0x1FDF0];
	_ =	sdelay $0x2  }
0x199: {  	v1 =	vld [tilespmem:$0x1FDF0];
	_ =	sdelay $0x1  }
0x19a: {  	[tilespmem:v13+s17+$0x0] =	vst.idx.msk $0xffff, v11;
	v13 =	vor.u32 s28, v2;
	v2 =	vld [tilespmem:$0x1FE00];
	_ =	sdelay $0x2  }
0x19b: {  	v1 =	vor.u32 s29, v1  }
0x19c: {  	v11 =	vld.idx.msk [tilespmem:v15+s15+$0x0], $0xffff  }
0x19d: {  	v15 =	vor.u32 v2, v21;
	v2 =	vld [tilespmem:$0x1FE20];
	_ =	sdelay $0x2  }
0x19e: {  	[tilespmem:v1+s17+$0x0] =	vst.idx.msk $0xffff, v0  }
0x19f: {  	v0 =	vld.idx.msk [tilespmem:v3+s15+$0x0], $0xffff  }
0x1a0: {  	v3 =	vor.u32 v2, v27;
	v2 =	vld [tilespmem:$0x1FE20];
	_ =	sdelay $0x2  }
0x1a1: {  	[tilespmem:v7+s17+$0x0] =	vst.idx.msk $0xffff, v5  }
0x1a2: {  	v5 =	vld.idx.msk [tilespmem:v9+s15+$0x0], $0xffff  }
0x1a3: {  	v9 =	vor.u32 v2, v23;
	v2 =	vld [tilespmem:$0x1FE20];
	_ =	sdelay $0x2  }
0x1a4: {  	v1 =	vor.u32 s29, v12;
	[tilespmem:v13+s17+$0x0] =	vst.idx.msk $0xffff, v11  }
0x1a5: {  	v11 =	vld.idx.msk [tilespmem:v15+s15+$0x0], $0xffff  }
0x1a6: {  	v15 =	vor.u32 v2, v21;
	v2 =	vld [tilespmem:$0x1FE30];
	_ =	sdelay $0x2  }
0x1a7: {  	v7 =	vor.u32 s26, v12;
	[tilespmem:v1+s17+$0x0] =	vst.idx.msk $0xffff, v0  }
0x1a8: {  	v1 =	vld.idx.msk [tilespmem:v3+s15+$0x0], $0xffff  }
0x1a9: {  	v3 =	vor.u32 s29, v2;
	v2 =	vld [tilespmem:$0x1FE30];
	_ =	sdelay $0x2  }
0x1aa: {  	[tilespmem:v7+s17+$0x0] =	vst.idx.msk $0xffff, v5  }
0x1ab: {  	v13 =	vor.u32 s28, v12;
	v7 =	vld.idx.msk [tilespmem:v9+s15+$0x0], $0xffff  }
0x1ac: {  	v9 =	vor.u32 s26, v2;
	v2 =	vld [tilespmem:$0x1FE30]  }
0x1ad: {  	v0 =	vor.u32 v19, v58;
	_ =	sdelay $0x1  }
0x1ae: {  	v5 =	vor.u32 v19, v27  }
0x1af: {  	[tilespmem:v13+s17+$0x0] =	vst.idx.msk $0xffff, v11;
	v11 =	vor.u32 v19, v23  }
0x1b0: {  	v13 =	vld.idx.msk [tilespmem:v15+s15+$0x0], $0xffff;
	v15 =	vor.u32 s28, v2;
	s28 =	sor.u32 $0x1000, s24  }
0x1b1: {  	v17 =	vor.u32 v19, v21;
	v0 =	vld.idx.msk [tilespmem:v0+s15+$0x0], $0xffff;
	v19 =	vor.u32 s28, v25  }
0x1b2: {  	v8 =	vld [tilespmem:$0x1FD50];
	[tilespmem:v3+s17+$0x0] =	vst.idx.msk $0xffff, v1;
	s26 =	sor.u32 $0x1010, s24;
	v1 =	vor.u32 v24, v58  }
0x1b3: {  	s31 =	sor.u32 $0x1020, s24;
	v3 =	vld.idx.msk [tilespmem:v5+s15+$0x0], $0xffff;
	v5 =	vor.u32 s26, v25;
	[tilespmem:v9+s17+$0x0] =	vst.idx.msk $0xffff, v7  }
0x1b4: {  	v7 =	vor.u32 v24, v27;
	v9 =	vld.idx.msk [tilespmem:v11+s15+$0x0], $0xffff;
	v11 =	vor.u32 s31, v25  }
0x1b5: {  	s30 =	sor.u32 $0x1030, s24;
	v2 =	vld [tilespmem:$0x1FFC0];
	[tilespmem:v15+s17+$0x0] =	vst.idx.msk $0xffff, v13;
	v13 =	vor.u32 v24, v23  }
0x1b6: {  	v15 =	vld.idx.msk [tilespmem:v17+s15+$0x0], $0xffff;
	v17 =	vor.u32 s30, v25;
	[tilespmem:v19+s17+$0x0] =	vst.idx.msk $0xffff, v0  }
0x1b7: {  	v25 =	vor.u32 v24, v21;
	v19 =	vor.u32 s28, v31;
	v1 =	vld.idx.msk [tilespmem:v1+s15+$0x0], $0xffff  }
0x1b8: {  	v41 =	vld [tilespmem:$0x1FB70];
	[tilespmem:v5+s17+$0x0] =	vst.idx.msk $0xffff, v3;
	v3 =	vor.u32 v29, v58  }
0x1b9: {  	v44 =	vmov v37;
	v5 =	vld.idx.msk [tilespmem:v7+s15+$0x0], $0xffff;
	v7 =	vor.u32 s26, v31;
	[tilespmem:v11+s17+$0x0] =	vst.idx.msk $0xffff, v9  }
0x1ba: {  	v9 =	vor.u32 v29, v27;
	v0 =	vsel vm0, v4, v44;
	v11 =	vld.idx.msk [tilespmem:v13+s15+$0x0], $0xffff;
	v13 =	vor.u32 s31, v31  }
0x1bb: {  	[tilespmem:v17+s17+$0x0] =	vst.idx.msk $0xffff, v15;
	v15 =	vor.u32 v29, v23;
	v29 =	vor.u32 v2, v21  }
0x1bc: {  	v2 =	vcombine.low v0, v8;
	v17 =	vld.idx.msk [tilespmem:v25+s15+$0x0], $0xffff;
	v25 =	vor.u32 s30, v31;
	[tilespmem:v19+s17+$0x0] =	vst.idx.msk $0xffff, v1  }
0x1bd: {  	v31 =	vor.u32 s28, v32;
	v19 =	vld.idx.msk [tilespmem:v3+s15+$0x0], $0xffff  }
0x1be: {  	[tilespmem:v7+s17+$0x0] =	vst.idx.msk $0xffff, v5;
	v5 =	vor.u32 v2, v58  }
0x1bf: {  	v7 =	vld.idx.msk [tilespmem:v9+s15+$0x0], $0xffff;
	v9 =	vor.u32 s26, v32;
	v1 =	vsel vm0, v41, v55;
	[tilespmem:v13+s17+$0x0] =	vst.idx.msk $0xffff, v11  }
0x1c0: {  	[tilespmem:$0x1F920] =	vst v2;
	v3 =	vsel vm0, v49, v48;
	v11 =	vor.u32 v2, v27;
	v13 =	vld.idx.msk [tilespmem:v15+s15+$0x0], $0xffff;
	v15 =	vor.u32 s31, v32  }
0x1c1: {  	v39 =	vor.u32 v2, v21;
	[tilespmem:v25+s17+$0x0] =	vst.idx.msk $0xffff, v17;
	v17 =	vor.u32 v2, v23  }
0x1c2: {  	v2 =	vcombine.low v3, v1;
	v25 =	vld.idx.msk [tilespmem:v29+s15+$0x0], $0xffff;
	v29 =	vor.u32 s30, v32;
	[tilespmem:v31+s17+$0x0] =	vst.idx.msk $0xffff, v19  }
0x1c3: {  	v31 =	vor.u32 s28, v26;
	v19 =	vld.idx.msk [tilespmem:v5+s15+$0x0], $0xffff  }
0x1c4: {  	[tilespmem:v9+s17+$0x0] =	vst.idx.msk $0xffff, v7;
	v9 =	vor.u32 v2, v58  }
0x1c5: {  	v37 =	vor.u32 s26, v26;
	v7 =	vsel vm0, v20, v43;
	v11 =	vld.idx.msk [tilespmem:v11+s15+$0x0], $0xffff;
	[tilespmem:v15+s17+$0x0] =	vst.idx.msk $0xffff, v13  }
0x1c6: {  	[tilespmem:$0x1F930] =	vst v2;
	v5 =	vsel vm0, v36, v60;
	v13 =	vor.u32 v2, v27;
	v15 =	vld.idx.msk [tilespmem:v17+s15+$0x0], $0xffff;
	v17 =	vor.u32 s31, v26  }
0x1c7: {  	v43 =	vor.u32 v2, v21;
	[tilespmem:v29+s17+$0x0] =	vst.idx.msk $0xffff, v25;
	v25 =	vor.u32 v2, v23  }
0x1c8: {  	v2 =	vcombine.low v7, v5;
	v29 =	vld.idx.msk [tilespmem:v39+s15+$0x0], $0xffff;
	v39 =	vor.u32 s30, v26;
	[tilespmem:v31+s17+$0x0] =	vst.idx.msk $0xffff, v19  }
0x1c9: {  	v31 =	vor.u32 s28, v28;
	v19 =	vld.idx.msk [tilespmem:v9+s15+$0x0], $0xffff  }
0x1ca: {  	[tilespmem:v37+s17+$0x0] =	vst.idx.msk $0xffff, v11;
	v60 =	vor.u32 v2, v58  }
0x1cb: {  	v35 =	vor.u32 s26, v28;
	v9 =	vsel vm0, v45, v42;
	v13 =	vld.idx.msk [tilespmem:v13+s15+$0x0], $0xffff;
	[tilespmem:v17+s17+$0x0] =	vst.idx.msk $0xffff, v15  }
0x1cc: {  	[tilespmem:$0x1F940] =	vst v2;
	v11 =	vsel vm0, v47, v40;
	v15 =	vor.u32 v2, v27;
	v17 =	vld.idx.msk [tilespmem:v25+s15+$0x0], $0xffff;
	v25 =	vor.u32 s31, v28  }
0x1cd: {  	v45 =	vor.u32 v2, v21;
	[tilespmem:v39+s17+$0x0] =	vst.idx.msk $0xffff, v29;
	v29 =	vor.u32 v2, v23  }
0x1ce: {  	v2 =	vcombine.low v11, v9;
	v32 =	vld.idx.msk [tilespmem:v43+s15+$0x0], $0xffff;
	v43 =	vor.u32 s30, v28;
	[tilespmem:v31+s17+$0x0] =	vst.idx.msk $0xffff, v19  }
0x1cf: {  	v31 =	vor.u32 s28, v30;
	v19 =	vld.idx.msk [tilespmem:v60+s15+$0x0], $0xffff  }
0x1d0: {  	[tilespmem:v35+s17+$0x0] =	vst.idx.msk $0xffff, v13;
	v47 =	vor.u32 v2, v58;
	v60 =	vor.u32 s26, v30  }
0x1d1: {  	v40 =	vor.u32 v2, v23;
	v13 =	vsel vm0, v44, v54;
	v35 =	vld.idx.msk [tilespmem:v15+s15+$0x0], $0xffff;
	[tilespmem:v25+s17+$0x0] =	vst.idx.msk $0xffff, v17  }
0x1d2: {  	[tilespmem:$0x1F950] =	vst v2;
	v15 =	vsel vm0, v38, v4;
	v17 =	vor.u32 v2, v27;
	v25 =	vld.idx.msk [tilespmem:v29+s15+$0x0], $0xffff;
	v29 =	vor.u32 s31, v30  }
0x1d3: {  	[tilespmem:v43+s17+$0x0] =	vst.idx.msk $0xffff, v32;
	v43 =	vor.u32 v2, v21;
	v2 =	vcombine.low v15, v13  }
0x1d4: {  	[tilespmem:v31+s17+$0x0] =	vst.idx.msk $0xffff, v19  }
0x1d5: {  	v24 =	vmov v22;
	v22 =	vmov v33;
	v34 =	vld.idx.msk [tilespmem:v45+s15+$0x0], $0xffff;
	[tilespmem:$0x1F960] =	vst v2  }
0x1d6: {  	v19 =	vld.idx.msk [tilespmem:v47+s15+$0x0], $0xffff;
	[tilespmem:v60+s17+$0x0] =	vst.idx.msk $0xffff, v35;
	v33 =	vor.u32 v2, v58;
	v45 =	vor.u32 v2, v23  }
0x1d7: {  	v31 =	vor.u32 s28, v22;
	v60 =	vor.u32 v2, v21;
	[tilespmem:v29+s17+$0x0] =	vst.idx.msk $0xffff, v25;
	v25 =	vor.u32 v2, v27;
	v2 =	vld [tilespmem:$0x1FE10];
	_ =	sdelay $0x2  }
0x1d8: {  	v42 =	vor.u32 s30, v30;
	_ =	sdelay $0x1  }
0x1d9: {  	[tilespmem:v31+s17+$0x0] =	vst.idx.msk $0xffff, v19;
	v31 =	vor.u32 s28, v2;
	v2 =	vld [tilespmem:$0x1FE10];
	_ =	sdelay $0x2  }
0x1da: {  	v29 =	vld.idx.msk [tilespmem:v40+s15+$0x0], $0xffff;
	[tilespmem:v42+s17+$0x0] =	vst.idx.msk $0xffff, v34  }
0x1db: {  	v36 =	vld.idx.msk [tilespmem:v43+s15+$0x0], $0xffff  }
0x1dc: {  	v44 =	vor.u32 s31, v22;
	v43 =	vor.u32 s26, v2;
	v2 =	vld [tilespmem:$0x1FE10];
	_ =	sdelay $0x2  }
0x1dd: {  	v35 =	vor.u32 s26, v22;
	v17 =	vld.idx.msk [tilespmem:v17+s15+$0x0], $0xffff  }
0x1de: {  	v55 =	vsel vm0, v55, v49  }
0x1df: {  	v54 =	vsel vm0, v48, v41;
	v47 =	vor.u32 s30, v22;
	[tilespmem:v44+s17+$0x0] =	vst.idx.msk $0xffff, v29;
	v44 =	vor.u32 s31, v2;
	v2 =	vld [tilespmem:$0x1FE10]  }
0x1e0: {  	v4 =	vcombine.low v55, v54;
	_ =	sdelay $0x1  }
0x1e1: {  	v38 =	vor.u32 v4, v21;
	[tilespmem:v35+s17+$0x0] =	vst.idx.msk $0xffff, v17;
	v32 =	vld.idx.msk [tilespmem:v45+s15+$0x0], $0xffff  }
0x1e2: {  	[tilespmem:$0x1F970] =	vst v4;
	v17 =	vor.u32 v4, v58;
	v29 =	vor.u32 v4, v27;
	v45 =	vor.u32 v4, v23;
	v4 =	vld [tilespmem:$0x1FD20]  }
0x1e3: {  	[tilespmem:v47+s17+$0x0] =	vst.idx.msk $0xffff, v36;
	v47 =	vor.u32 s30, v2;
	v2 =	vld [tilespmem:$0x1FD10]  }
0x1e4: {  	v19 =	vld.idx.msk [tilespmem:v33+s15+$0x0], $0xffff  }
0x1e5: {  	v25 =	vld.idx.msk [tilespmem:v25+s15+$0x0], $0xffff;
	_ =	sdelay $0x2  }
0x1e6: {  	v2 =	vcombine.low v2, v4  }
0x1e7: {  	[tilespmem:v31+s17+$0x0] =	vst.idx.msk $0xffff, v19  }
0x1e8: {  	[tilespmem:v43+s17+$0x0] =	vst.idx.msk $0xffff, v25;
	v4 =	vld [tilespmem:$0x1FD40];
	v25 =	vor.u32 v2, v58  }
0x1e9: {  	[tilespmem:$0x1F980] =	vst v2;
	v48 =	vor.u32 v2, v27;
	v55 =	vor.u32 v2, v23;
	v40 =	vor.u32 v2, v21;
	v2 =	vld [tilespmem:$0x1FD30]  }
0x1ea: {  	v19 =	vor.u32 s28, v16;
	v17 =	vld.idx.msk [tilespmem:v17+s15+$0x0], $0xffff;
	_ =	sdelay $0x3  }
0x1eb: {  	v29 =	vld.idx.msk [tilespmem:v29+s15+$0x0], $0xffff;
	[tilespmem:v44+s17+$0x0] =	vst.idx.msk $0xffff, v32;
	v2 =	vcombine.low v2, v4  }
0x1ec: {  	v31 =	vor.u32 s26, v16;
	[tilespmem:v19+s17+$0x0] =	vst.idx.msk $0xffff, v17;
	v49 =	vld.idx.msk [tilespmem:v45+s15+$0x0], $0xffff  }
0x1ed: {  	v19 =	vor.u32 s28, v18;
	v17 =	vld.idx.msk [tilespmem:v25+s15+$0x0], $0xffff;
	v25 =	vor.u32 v2, v58  }
0x1ee: {  	[tilespmem:$0x1F990] =	vst v2;
	v41 =	vor.u32 v2, v27;
	v43 =	vor.u32 v2, v23;
	v45 =	vor.u32 v2, v21;
	v2 =	vld [tilespmem:$0x1FDD0];
	_ =	sdelay $0x2  }
0x1ef: {  	v36 =	vld.idx.msk [tilespmem:v60+s15+$0x0], $0xffff;
	[tilespmem:v31+s17+$0x0] =	vst.idx.msk $0xffff, v29  }
0x1f0: {  	v54 =	vor.u32 s31, v16;
	v29 =	vld.idx.msk [tilespmem:v48+s15+$0x0], $0xffff  }
0x1f1: {  	v31 =	vor.u32 s26, v18;
	[tilespmem:v19+s17+$0x0] =	vst.idx.msk $0xffff, v17;
	v17 =	vor.u32 s28, v2;
	v2 =	vld [tilespmem:$0x1FDD0];
	_ =	sdelay $0x2  }
0x1f2: {  	[tilespmem:v47+s17+$0x0] =	vst.idx.msk $0xffff, v36  }
0x1f3: {  	v36 =	vld.idx.msk [tilespmem:v38+s15+$0x0], $0xffff;
	[tilespmem:v54+s17+$0x0] =	vst.idx.msk $0xffff, v49  }
0x1f4: {  	v60 =	vor.u32 s30, v16;
	[tilespmem:v31+s17+$0x0] =	vst.idx.msk $0xffff, v29;
	v29 =	vor.u32 s26, v2;
	v2 =	vld [tilespmem:$0x1FDD0]  }
0x1f5: {  	v42 =	vor.u32 s31, v18;
	v33 =	vld.idx.msk [tilespmem:v55+s15+$0x0], $0xffff;
	v4 =	vcombine.low v8, v0  }
0x1f6: {  	v0 =	vld.idx.msk [tilespmem:v25+s15+$0x0], $0xffff  }
0x1f7: {  	v19 =	vor.u32 v4, v58;
	v25 =	vld.idx.msk [tilespmem:v41+s15+$0x0], $0xffff  }
0x1f8: {  	v31 =	vor.u32 v4, v27  }
0x1f9: {  	[tilespmem:v60+s17+$0x0] =	vst.idx.msk $0xffff, v36;
	v48 =	vor.u32 s31, v2;
	v2 =	vld [tilespmem:$0x1FDD0]  }
0x1fa: {  	v36 =	vld.idx.msk [tilespmem:v40+s15+$0x0], $0xffff;
	[tilespmem:v42+s17+$0x0] =	vst.idx.msk $0xffff, v33  }
0x1fb: {  	v44 =	vor.u32 s30, v18;
	v47 =	vld.idx.msk [tilespmem:v43+s15+$0x0], $0xffff;
	[tilespmem:v17+s17+$0x0] =	vst.idx.msk $0xffff, v0  }
0x1fc: {  	v0 =	vld.idx.msk [tilespmem:v19+s15+$0x0], $0xffff;
	[tilespmem:v29+s17+$0x0] =	vst.idx.msk $0xffff, v25  }
0x1fd: {  	v49 =	vor.u32 v4, v23;
	v19 =	vor.u32 s26, v14;
	v17 =	vld.idx.msk [tilespmem:v31+s15+$0x0], $0xffff  }
0x1fe: {  	v55 =	vor.u32 s30, v2;
	v2 =	vcombine.low v1, v3  }
0x1ff: {  	v1 =	vor.u32 s28, v14  }
0x200: {  	[tilespmem:v44+s17+$0x0] =	vst.idx.msk $0xffff, v36;
	v3 =	vor.u32 v2, v58  }
0x201: {  	v54 =	vld.idx.msk [tilespmem:v45+s15+$0x0], $0xffff;
	[tilespmem:v48+s17+$0x0] =	vst.idx.msk $0xffff, v47;
	v25 =	vor.u32 v2, v27  }
0x202: {  	v60 =	vor.u32 v4, v21;
	v31 =	vor.u32 s31, v14;
	v29 =	vld.idx.msk [tilespmem:v49+s15+$0x0], $0xffff;
	[tilespmem:v19+s17+$0x0] =	vst.idx.msk $0xffff, v17  }
0x203: {  	[tilespmem:$0x1F9B0] =	vst v2;
	v40 =	vor.u32 v2, v23;
	v43 =	vor.u32 v2, v21;
	v2 =	vcombine.low v5, v7  }
0x204: {  	[tilespmem:v1+s17+$0x0] =	vst.idx.msk $0xffff, v0  }
0x205: {  	[tilespmem:$0x1F9C0] =	vst v2;
	v1 =	vor.u32 s28, v24;
	v0 =	vld.idx.msk [tilespmem:v3+s15+$0x0], $0xffff  }
0x206: {  	v17 =	vor.u32 v2, v27;
	v45 =	vor.u32 v2, v21;
	[tilespmem:v55+s17+$0x0] =	vst.idx.msk $0xffff, v54;
	v5 =	vld.idx.msk [tilespmem:v25+s15+$0x0], $0xffff  }
0x207: {  	v7 =	vor.u32 s26, v24;
	[tilespmem:v31+s17+$0x0] =	vst.idx.msk $0xffff, v29;
	v29 =	vor.u32 v2, v23;
	v3 =	vor.u32 v2, v58;
	v2 =	vld [tilespmem:$0x1FDF0]  }
0x208: {  	v42 =	vor.u32 s30, v14;
	v41 =	vld.idx.msk [tilespmem:v60+s15+$0x0], $0xffff;
	_ =	sdelay $0x1  }
0x209: {  	[tilespmem:v1+s17+$0x0] =	vst.idx.msk $0xffff, v0;
	v1 =	vld [tilespmem:$0x1FDF0];
	_ =	sdelay $0x1  }
0x20a: {  	[tilespmem:v7+s17+$0x0] =	vst.idx.msk $0xffff, v5;
	v7 =	vor.u32 s26, v2;
	v2 =	vld [tilespmem:$0x1FDF0]  }
0x20b: {  	v19 =	vld.idx.msk [tilespmem:v40+s15+$0x0], $0xffff;
	[tilespmem:v42+s17+$0x0] =	vst.idx.msk $0xffff, v41  }
0x20c: {  	[tilespmem:$0x1F9A0] =	vst v4;
	v4 =	vcombine.low v9, v11;
	v25 =	vor.u32 s31, v24;
	v31 =	vld.idx.msk [tilespmem:v43+s15+$0x0], $0xffff  }
0x20d: {  	v0 =	vld.idx.msk [tilespmem:v3+s15+$0x0], $0xffff;
	v1 =	vor.u32 s28, v1  }
0x20e: {  	v44 =	vor.u32 s30, v24;
	v3 =	vor.u32 v4, v58;
	v5 =	vld.idx.msk [tilespmem:v17+s15+$0x0], $0xffff  }
0x20f: {  	v17 =	vor.u32 s31, v2;
	v2 =	vld [tilespmem:$0x1FDF0];
	_ =	sdelay $0x1  }
0x210: {  	[tilespmem:v25+s17+$0x0] =	vst.idx.msk $0xffff, v19  }
0x211: {  	v9 =	vor.u32 v4, v27;
	v11 =	vld.idx.msk [tilespmem:v29+s15+$0x0], $0xffff;
	[tilespmem:v1+s17+$0x0] =	vst.idx.msk $0xffff, v0  }
0x212: {  	[tilespmem:v44+s17+$0x0] =	vst.idx.msk $0xffff, v31;
	v1 =	vor.u32 s28, v12;
	v0 =	vld.idx.msk [tilespmem:v3+s15+$0x0], $0xffff  }
0x213: {  	v19 =	vor.u32 v4, v23;
	v25 =	vld.idx.msk [tilespmem:v45+s15+$0x0], $0xffff;
	v29 =	vor.u32 s30, v2  }
0x214: {  	v31 =	vor.u32 v4, v21  }
0x215: {  	[tilespmem:v7+s17+$0x0] =	vst.idx.msk $0xffff, v5  }
0x216: {  	v5 =	vld.idx.msk [tilespmem:v9+s15+$0x0], $0xffff;
	[tilespmem:v17+s17+$0x0] =	vst.idx.msk $0xffff, v11  }
0x217: {  	v7 =	vor.u32 s26, v12;
	[tilespmem:v1+s17+$0x0] =	vst.idx.msk $0xffff, v0;
	v0 =	vld [tilespmem:$0x1FE30]  }
0x218: {  	v2 =	vcombine.low v13, v15;
	v13 =	vor.u32 s31, v12;
	v11 =	vld.idx.msk [tilespmem:v19+s15+$0x0], $0xffff;
	[tilespmem:v29+s17+$0x0] =	vst.idx.msk $0xffff, v25  }
0x219: {  	v19 =	vor.u32 s30, v12;
	v17 =	vld.idx.msk [tilespmem:v31+s15+$0x0], $0xffff;
	_ =	sdelay $0x1  }
0x21a: {  	[tilespmem:$0x1F9E0] =	vst v2;
	v3 =	vor.u32 v2, v58  }
0x21b: {  	v9 =	vor.u32 v2, v27;
	[tilespmem:v7+s17+$0x0] =	vst.idx.msk $0xffff, v5;
	v29 =	vor.u32 s28, v0;
	v0 =	vlaneseq.u32  }
0x21c: {  	v15 =	vor.u32 v2, v23;
	v25 =	vor.u32 v2, v21;
	[tilespmem:v13+s17+$0x0] =	vst.idx.msk $0xffff, v11;
	v2 =	vor.u32 $0x20, v0;
	v0 =	vld [tilespmem:$0x1FE30]  }
0x21d: {  	[tilespmem:v19+s17+$0x0] =	vst.idx.msk $0xffff, v17;
	v5 =	vor.u32 v2, v58  }
0x21e: {  	[tilespmem:$0x1F9F0] =	vst v2;
	v11 =	vor.u32 v2, v27;
	v17 =	vor.u32 v2, v23;
	v31 =	vor.u32 v2, v21;
	v2 =	vld [tilespmem:$0x1FDA0];
	_ =	sdelay $0x1  }
0x21f: {  	v7 =	vld.idx.msk [tilespmem:v9+s15+$0x0], $0xffff  }
0x220: {  	v9 =	vor.u32 s26, v0;
	v0 =	vld [tilespmem:$0x1FE30]  }
0x221: {  	s26 =	sor.u32 $0x2000, s24  }
0x222: {  	v47 =	vor.u32 s26, v2;
	v2 =	vld [tilespmem:$0x1FDA0];
	_ =	sdelay $0x1  }
0x223: {  	v13 =	vld.idx.msk [tilespmem:v15+s15+$0x0], $0xffff  }
0x224: {  	v15 =	vor.u32 s31, v0;
	v0 =	vld [tilespmem:$0x1FE30];
	[tilespmem:v9+s17+$0x0] =	vst.idx.msk $0xffff, v7  }
0x225: {  	s28 =	sor.u32 $0x2010, s24;
	v9 =	vld.idx.msk [tilespmem:v11+s15+$0x0], $0xffff  }
0x226: {  	v11 =	vor.u32 s28, v2;
	v2 =	vld [tilespmem:$0x1FDA0];
	_ =	sdelay $0x2  }
0x227: {  	v19 =	vld.idx.msk [tilespmem:v25+s15+$0x0], $0xffff;
	v25 =	vor.u32 s30, v0;
	[tilespmem:v15+s17+$0x0] =	vst.idx.msk $0xffff, v13  }
0x228: {  	s29 =	sor.u32 $0x2020, s24;
	v15 =	vld.idx.msk [tilespmem:v17+s15+$0x0], $0xffff  }
0x229: {  	v17 =	vor.u32 s29, v2;
	v2 =	vld [tilespmem:$0x1FDA0];
	_ =	sdelay $0x2  }
0x22a: {  	[tilespmem:v25+s17+$0x0] =	vst.idx.msk $0xffff, v19  }
0x22b: {  	s31 =	sor.u32 $0x2030, s24;
	v25 =	vld.idx.msk [tilespmem:v31+s15+$0x0], $0xffff  }
0x22c: {  	v31 =	vor.u32 s31, v2;
	v2 =	vld [tilespmem:$0x1FD60];
	_ =	sdelay $0x4  }
0x22d: {  	v54 =	vor.u32 s26, v2;
	v2 =	vld [tilespmem:$0x1FD60]  }
0x22e: {  	v1 =	vsel vm0, v62, v52;
	v0 =	vsel vm0, v51, v46  }
0x22f: {  	[tilespmem:$0x1F9D0] =	vst v4;
	v4 =	vcombine.low v1, v0;
	_ =	sdelay $0x1  }
0x230: {  	v19 =	vor.u32 v4, v23  }
0x231: {  	v55 =	vor.u32 s28, v2;
	v2 =	vld [tilespmem:$0x1FD60];
	_ =	sdelay $0x1  }
0x232: {  	v3 =	vld.idx.msk [tilespmem:v3+s15+$0x0], $0xffff  }
0x233: {  	[tilespmem:v17+s17+$0x0] =	vst.idx.msk $0xffff, v15  }
0x234: {  	v17 =	vld.idx.msk [tilespmem:v19+s15+$0x0], $0xffff  }
0x235: {  	v19 =	vor.u32 s29, v2;
	v2 =	vld [tilespmem:$0x1FD60];
	_ =	sdelay $0x1  }
0x236: {  	[tilespmem:v29+s17+$0x0] =	vst.idx.msk $0xffff, v3  }
0x237: {  	v29 =	vld.idx.msk [tilespmem:v5+s15+$0x0], $0xffff  }
0x238: {  	v8 =	vld [tilespmem:$0x1FB80];
	v7 =	vor.u32 v4, v58  }
0x239: {  	v60 =	vor.u32 s31, v2;
	v2 =	vld [tilespmem:$0x1FD70]  }
0x23a: {  	v49 =	vld [tilespmem:$0x1FF70];
	_ =	sdelay $0x1  }
0x23b: {  	[tilespmem:v47+s17+$0x0] =	vst.idx.msk $0xffff, v29  }
0x23c: {  	v29 =	vld.idx.msk [tilespmem:v7+s15+$0x0], $0xffff  }
0x23d: {  	v47 =	vor.u32 s26, v2;
	v2 =	vld [tilespmem:$0x1FD70]  }
0x23e: {  	v3 =	vsel vm0, v50, v49;
	v5 =	vsel vm0, v8, v56  }
0x23f: {  	v10 =	vld [tilespmem:$0x1FB90];
	[tilespmem:$0x1FA00] =	vst v4;
	v13 =	vor.u32 v4, v27;
	v48 =	vor.u32 v4, v21;
	v4 =	vcombine.low v5, v3  }
0x240: {  	v20 =	vld [tilespmem:$0x1FBA0]  }
0x241: {  	v37 =	vld [tilespmem:$0x1FC00];
	[tilespmem:v31+s17+$0x0] =	vst.idx.msk $0xffff, v25;
	v25 =	vor.u32 v4, v23  }
0x242: {  	[tilespmem:v54+s17+$0x0] =	vst.idx.msk $0xffff, v29;
	v54 =	vor.u32 s28, v2;
	v2 =	vld [tilespmem:$0x1FD70]  }
0x243: {  	v34 =	vld [tilespmem:$0x1FBC0]  }
0x244: {  	v33 =	vld [tilespmem:$0x1FBB0];
	[tilespmem:v11+s17+$0x0] =	vst.idx.msk $0xffff, v9  }
0x245: {  	v13 =	vld.idx.msk [tilespmem:v13+s15+$0x0], $0xffff;
	[tilespmem:v19+s17+$0x0] =	vst.idx.msk $0xffff, v17  }
0x246: {  	v11 =	vor.u32 v4, v58;
	v19 =	vld.idx.msk [tilespmem:v25+s15+$0x0], $0xffff  }
0x247: {  	v25 =	vor.u32 s29, v2;
	v2 =	vld [tilespmem:$0x1FD70]  }
0x248: {  	v35 =	vld [tilespmem:$0x1FBE0]  }
0x249: {  	v15 =	vor.u32 v4, v27;
	v31 =	vld.idx.msk [tilespmem:v48+s15+$0x0], $0xffff  }
0x24a: {  	v36 =	vld [tilespmem:$0x1FBF0];
	v9 =	vsel vm0, v34, v33;
	v45 =	vor.u32 v4, v21;
	v7 =	vsel vm0, v20, v10  }
0x24b: {  	[tilespmem:$0x1FA10] =	vst v4;
	v4 =	vcombine.low v9, v7;
	v29 =	vld.idx.msk [tilespmem:v11+s15+$0x0], $0xffff  }
0x24c: {  	[tilespmem:v55+s17+$0x0] =	vst.idx.msk $0xffff, v13;
	v55 =	vor.u32 s31, v2;
	v2 =	vld [tilespmem:$0x1FBD0]  }
0x24d: {  	v48 =	vor.u32 v4, v58  }
0x24e: {  	v15 =	vld.idx.msk [tilespmem:v15+s15+$0x0], $0xffff;
	[tilespmem:v60+s17+$0x0] =	vst.idx.msk $0xffff, v31  }
0x24f: {  	v17 =	vor.u32 v4, v27;
	v39 =	vld.idx.msk [tilespmem:v45+s15+$0x0], $0xffff  }
0x250: {  	v60 =	vor.u32 v4, v21  }
0x251: {  	v13 =	vsel vm0, v37, v36;
	[tilespmem:v47+s17+$0x0] =	vst.idx.msk $0xffff, v29;
	v11 =	vsel vm0, v35, v2  }
0x252: {  	v38 =	vor.u32 s26, v26;
	[tilespmem:$0x1FA20] =	vst v4;
	v31 =	vor.u32 v4, v23;
	v29 =	vld.idx.msk [tilespmem:v48+s15+$0x0], $0xffff;
	v4 =	vcombine.low v13, v11  }
0x253: {  	[tilespmem:v54+s17+$0x0] =	vst.idx.msk $0xffff, v15  }
0x254: {  	v54 =	vor.u32 s28, v26;
	v42 =	vld.idx.msk [tilespmem:v17+s15+$0x0], $0xffff;
	[tilespmem:v55+s17+$0x0] =	vst.idx.msk $0xffff, v39;
	v48 =	vor.u32 v4, v58  }
0x255: {  	[tilespmem:v25+s17+$0x0] =	vst.idx.msk $0xffff, v19;
	v43 =	vld.idx.msk [tilespmem:v60+s15+$0x0], $0xffff;
	v60 =	vor.u32 s31, v26;
	v19 =	vor.u32 v4, v27  }
0x256: {  	v17 =	vsel vm0, v46, v62;
	v62 =	vor.u32 v4, v21  }
0x257: {  	v15 =	vsel vm0, v52, v51;
	[tilespmem:v38+s17+$0x0] =	vst.idx.msk $0xffff, v29;
	v25 =	vld.idx.msk [tilespmem:v31+s15+$0x0], $0xffff;
	v31 =	vor.u32 s29, v26  }
0x258: {  	[tilespmem:$0x1FA30] =	vst v4;
	v55 =	vor.u32 v4, v23;
	v4 =	vcombine.low v17, v15  }
0x259: {  	v32 =	vor.u32 s26, v28;
	[tilespmem:v54+s17+$0x0] =	vst.idx.msk $0xffff, v42;
	v29 =	vld.idx.msk [tilespmem:v48+s15+$0x0], $0xffff  }
0x25a: {  	v38 =	vor.u32 s28, v28;
	v41 =	vor.u32 v4, v58;
	[tilespmem:v60+s17+$0x0] =	vst.idx.msk $0xffff, v43;
	v42 =	vld.idx.msk [tilespmem:v19+s15+$0x0], $0xffff  }
0x25b: {  	v60 =	vor.u32 s31, v28;
	v45 =	vld.idx.msk [tilespmem:v62+s15+$0x0], $0xffff  }
0x25c: {  	v54 =	vor.u32 s29, v28;
	[tilespmem:v31+s17+$0x0] =	vst.idx.msk $0xffff, v25;
	v62 =	vor.u32 v4, v21  }
0x25d: {  	v25 =	vsel vm0, v49, v8;
	[tilespmem:$0x1FA40] =	vst v4;
	v31 =	vor.u32 v4, v27;
	v19 =	vsel vm0, v56, v50  }
0x25e: {  	v52 =	vld.idx.msk [tilespmem:v55+s15+$0x0], $0xffff;
	v55 =	vor.u32 v4, v23;
	v4 =	vcombine.low v25, v19;
	[tilespmem:v32+s17+$0x0] =	vst.idx.msk $0xffff, v29  }
0x25f: {  	[tilespmem:v38+s17+$0x0] =	vst.idx.msk $0xffff, v42;
	v32 =	vld.idx.msk [tilespmem:v41+s15+$0x0], $0xffff;
	v41 =	vor.u32 s26, v30  }
0x260: {  	v38 =	vor.u32 v4, v58;
	[tilespmem:v60+s17+$0x0] =	vst.idx.msk $0xffff, v45  }
0x261: {  	v60 =	vor.u32 s31, v30;
	v46 =	vld.idx.msk [tilespmem:v62+s15+$0x0], $0xffff  }
0x262: {  	[tilespmem:$0x1FA50] =	vst v4  }
0x263: {  	[tilespmem:v54+s17+$0x0] =	vst.idx.msk $0xffff, v52;
	v44 =	vld.idx.msk [tilespmem:v31+s15+$0x0], $0xffff  }
0x264: {  	v43 =	vld.idx.msk [tilespmem:v55+s15+$0x0], $0xffff;
	[tilespmem:v41+s17+$0x0] =	vst.idx.msk $0xffff, v32  }
0x265: {  	v32 =	vld.idx.msk [tilespmem:v38+s15+$0x0], $0xffff  }
0x266: {  	v29 =	vsel vm0, v33, v20;
	v33 =	vor.u32 s26, v22;
	[tilespmem:v60+s17+$0x0] =	vst.idx.msk $0xffff, v46;
	v60 =	vsel vm0, v2, v37;
	v2 =	vld [tilespmem:$0x1FE10]  }
0x267: {  	v39 =	vor.u32 s28, v30  }
0x268: {  	v54 =	vor.u32 v4, v27  }
0x269: {  	v55 =	vor.u32 s29, v30  }
0x26a: {  	v56 =	vor.u32 v4, v23  }
0x26b: {  	v31 =	vsel vm0, v10, v34;
	[tilespmem:v33+s17+$0x0] =	vst.idx.msk $0xffff, v32;
	v33 =	vor.u32 s26, v2;
	v2 =	vld [tilespmem:$0x1FE10]  }
0x26c: {  	v62 =	vor.u32 v4, v21;
	v4 =	vcombine.low v31, v29;
	[tilespmem:v39+s17+$0x0] =	vst.idx.msk $0xffff, v44  }
0x26d: {  	v50 =	vor.u32 s28, v22;
	v47 =	vld.idx.msk [tilespmem:v54+s15+$0x0], $0xffff  }
0x26e: {  	[tilespmem:v55+s17+$0x0] =	vst.idx.msk $0xffff, v43;
	v43 =	vor.u32 v4, v27  }
0x26f: {  	v34 =	vor.u32 v4, v58;
	v45 =	vld.idx.msk [tilespmem:v56+s15+$0x0], $0xffff  }
0x270: {  	v41 =	vsel vm0, v36, v35;
	v38 =	vor.u32 s29, v22;
	v35 =	vor.u32 s28, v2;
	v2 =	vld [tilespmem:$0x1FE10]  }
0x271: {  	[tilespmem:$0x1FA60] =	vst v4;
	v39 =	vor.u32 v4, v23  }
0x272: {  	v49 =	vld.idx.msk [tilespmem:v62+s15+$0x0], $0xffff;
	v62 =	vor.u32 v4, v21;
	v4 =	vcombine.low v60, v41;
	[tilespmem:v50+s17+$0x0] =	vst.idx.msk $0xffff, v47  }
0x273: {  	v50 =	vld.idx.msk [tilespmem:v43+s15+$0x0], $0xffff  }
0x274: {  	v40 =	vor.u32 s31, v22;
	v36 =	vor.u32 v4, v27;
	v32 =	vld.idx.msk [tilespmem:v34+s15+$0x0], $0xffff  }
0x275: {  	[tilespmem:v38+s17+$0x0] =	vst.idx.msk $0xffff, v45;
	v37 =	vor.u32 s29, v2;
	v2 =	vld [tilespmem:$0x1FE10]  }
0x276: {  	v34 =	vor.u32 v4, v58;
	v46 =	vld.idx.msk [tilespmem:v39+s15+$0x0], $0xffff  }
0x277: {  	v38 =	vor.u32 v4, v23  }
0x278: {  	[tilespmem:v35+s17+$0x0] =	vst.idx.msk $0xffff, v50  }
0x279: {  	v42 =	vor.u32 s28, v16;
	[tilespmem:v40+s17+$0x0] =	vst.idx.msk $0xffff, v49;
	v45 =	vld.idx.msk [tilespmem:v36+s15+$0x0], $0xffff  }
0x27a: {  	v51 =	vld.idx.msk [tilespmem:v62+s15+$0x0], $0xffff;
	[tilespmem:v33+s17+$0x0] =	vst.idx.msk $0xffff, v32;
	v39 =	vor.u32 s31, v2;
	v2 =	vcombine.low v0, v1  }
0x27b: {  	v60 =	vor.u32 s29, v16;
	v0 =	vld.idx.msk [tilespmem:v34+s15+$0x0], $0xffff;
	[tilespmem:v37+s17+$0x0] =	vst.idx.msk $0xffff, v46  }
0x27c: {  	v1 =	vor.u32 s26, v16;
	v48 =	vld.idx.msk [tilespmem:v38+s15+$0x0], $0xffff;
	v41 =	vor.u32 v2, v58;
	v43 =	vor.u32 v2, v27  }
0x27d: {  	[tilespmem:$0x1FA80] =	vst v2;
	v62 =	vor.u32 v2, v23;
	v37 =	vor.u32 v2, v21;
	v2 =	vcombine.low v3, v5  }
0x27e: {  	[tilespmem:v42+s17+$0x0] =	vst.idx.msk $0xffff, v45  }
0x27f: {  	[tilespmem:$0x1FA90] =	vst v2  }
0x280: {  	[tilespmem:v39+s17+$0x0] =	vst.idx.msk $0xffff, v51  }
0x281: {  	v3 =	vor.u32 v2, v58;
	v42 =	vor.u32 v2, v23;
	[tilespmem:v1+s17+$0x0] =	vst.idx.msk $0xffff, v0  }
0x282: {  	v39 =	vor.u32 v2, v27;
	[tilespmem:v60+s17+$0x0] =	vst.idx.msk $0xffff, v48;
	v60 =	vor.u32 v2, v21;
	v2 =	vld [tilespmem:$0x1FDD0]  }
0x283: {  	v1 =	vor.u32 s26, v18;
	v0 =	vld.idx.msk [tilespmem:v41+s15+$0x0], $0xffff  }
0x284: {  	v40 =	vor.u32 v4, v21  }
0x285: {  	v38 =	vor.u32 s28, v18;
	v5 =	vld.idx.msk [tilespmem:v43+s15+$0x0], $0xffff;
	_ =	sdelay $0x1  }
0x286: {  	[tilespmem:$0x1FA70] =	vst v4;
	v4 =	vcombine.low v7, v9;
	v7 =	vor.u32 s28, v2;
	v2 =	vld [tilespmem:$0x1FDD0]  }
0x287: {  	[tilespmem:v1+s17+$0x0] =	vst.idx.msk $0xffff, v0;
	v1 =	vld [tilespmem:$0x1FDD0]  }
0x288: {  	v36 =	vor.u32 s31, v16;
	v51 =	vld.idx.msk [tilespmem:v40+s15+$0x0], $0xffff  }
0x289: {  	v40 =	vld.idx.msk [tilespmem:v62+s15+$0x0], $0xffff;
	v41 =	vor.u32 s29, v18;
	[tilespmem:v38+s17+$0x0] =	vst.idx.msk $0xffff, v5  }
0x28a: {  	v5 =	vld.idx.msk [tilespmem:v39+s15+$0x0], $0xffff  }
0x28b: {  	v34 =	vor.u32 s29, v2;
	v2 =	vld [tilespmem:$0x1FDD0]  }
0x28c: {  	v9 =	vor.u32 v4, v27;
	v0 =	vld.idx.msk [tilespmem:v3+s15+$0x0], $0xffff;
	v1 =	vor.u32 s26, v1  }
0x28d: {  	[tilespmem:v36+s17+$0x0] =	vst.idx.msk $0xffff, v51;
	v3 =	vor.u32 v4, v58  }
0x28e: {  	v56 =	vor.u32 s31, v18;
	v43 =	vld.idx.msk [tilespmem:v37+s15+$0x0], $0xffff;
	[tilespmem:v41+s17+$0x0] =	vst.idx.msk $0xffff, v40  }
0x28f: {  	v62 =	vld.idx.msk [tilespmem:v42+s15+$0x0], $0xffff  }
0x290: {  	[tilespmem:v7+s17+$0x0] =	vst.idx.msk $0xffff, v5;
	v37 =	vor.u32 s31, v2;
	v2 =	vcombine.low v11, v13  }
0x291: {  	v35 =	vor.u32 v4, v23;
	v7 =	vor.u32 s28, v14;
	v5 =	vld.idx.msk [tilespmem:v9+s15+$0x0], $0xffff;
	[tilespmem:v1+s17+$0x0] =	vst.idx.msk $0xffff, v0  }
0x292: {  	v1 =	vor.u32 s26, v14;
	v0 =	vld.idx.msk [tilespmem:v3+s15+$0x0], $0xffff;
	v9 =	vor.u32 v2, v27  }
0x293: {  	[tilespmem:v56+s17+$0x0] =	vst.idx.msk $0xffff, v43;
	v3 =	vor.u32 v2, v58  }
0x294: {  	v36 =	vld.idx.msk [tilespmem:v60+s15+$0x0], $0xffff;
	[tilespmem:v34+s17+$0x0] =	vst.idx.msk $0xffff, v62  }
0x295: {  	v38 =	vor.u32 v4, v21;
	v13 =	vor.u32 s29, v14;
	[tilespmem:$0x1FAB0] =	vst v2;
	v39 =	vor.u32 v2, v23  }
0x296: {  	v11 =	vld.idx.msk [tilespmem:v35+s15+$0x0], $0xffff;
	v42 =	vor.u32 v2, v21;
	v2 =	vcombine.low v15, v17;
	[tilespmem:v7+s17+$0x0] =	vst.idx.msk $0xffff, v5  }
0x297: {  	[tilespmem:v1+s17+$0x0] =	vst.idx.msk $0xffff, v0;
	v5 =	vld.idx.msk [tilespmem:v9+s15+$0x0], $0xffff  }
0x298: {  	[tilespmem:$0x1FAC0] =	vst v2;
	v15 =	vor.u32 v2, v23;
	v52 =	vor.u32 v2, v21;
	v0 =	vld.idx.msk [tilespmem:v3+s15+$0x0], $0xffff  }
0x299: {  	v7 =	vor.u32 s28, v24;
	[tilespmem:v37+s17+$0x0] =	vst.idx.msk $0xffff, v36;
	v9 =	vor.u32 v2, v27;
	v3 =	vor.u32 v2, v58;
	v2 =	vld [tilespmem:$0x1FDF0]  }
0x29a: {  	v41 =	vor.u32 s31, v14;
	v40 =	vld.idx.msk [tilespmem:v38+s15+$0x0], $0xffff  }
0x29b: {  	[tilespmem:v13+s17+$0x0] =	vst.idx.msk $0xffff, v11  }
0x29c: {  	v13 =	vor.u32 s29, v24;
	v11 =	vld.idx.msk [tilespmem:v39+s15+$0x0], $0xffff;
	_ =	sdelay $0x1  }
0x29d: {  	[tilespmem:v7+s17+$0x0] =	vst.idx.msk $0xffff, v5;
	v7 =	vor.u32 s28, v2;
	v2 =	vld [tilespmem:$0x1FDF0]  }
0x29e: {  	[tilespmem:v41+s17+$0x0] =	vst.idx.msk $0xffff, v40  }
0x29f: {  	[tilespmem:$0x1FAA0] =	vst v4;
	v4 =	vcombine.low v19, v25;
	v17 =	vld.idx.msk [tilespmem:v42+s15+$0x0], $0xffff  }
0x2a0: {  	[tilespmem:v13+s17+$0x0] =	vst.idx.msk $0xffff, v11;
	v5 =	vld.idx.msk [tilespmem:v9+s15+$0x0], $0xffff  }
0x2a1: {  	v43 =	vor.u32 s31, v24;
	v9 =	vor.u32 v4, v27;
	v11 =	vld.idx.msk [tilespmem:v15+s15+$0x0], $0xffff  }
0x2a2: {  	v13 =	vor.u32 s29, v2;
	v2 =	vld [tilespmem:$0x1FDF0];
	_ =	sdelay $0x2  }
0x2a3: {  	v50 =	vcombine.low v29, v31;
	[tilespmem:v7+s17+$0x0] =	vst.idx.msk $0xffff, v5  }
0x2a4: {  	v15 =	vor.u32 v4, v23;
	[tilespmem:v43+s17+$0x0] =	vst.idx.msk $0xffff, v17;
	v5 =	vld.idx.msk [tilespmem:v9+s15+$0x0], $0xffff;
	v9 =	vor.u32 s28, v12  }
0x2a5: {  	v17 =	vld.idx.msk [tilespmem:v52+s15+$0x0], $0xffff;
	v19 =	vor.u32 s31, v2;
	[tilespmem:v13+s17+$0x0] =	vst.idx.msk $0xffff, v11;
	v11 =	vor.u32 v50, v27;
	v2 =	vlaneseq.u32  }
0x2a6: {  	v45 =	vor.u32 $0x30, v2;
	v2 =	vld [tilespmem:$0x1FE30]  }
0x2a7: {  	v1 =	vor.u32 s26, v24;
	_ =	sdelay $0x1  }
0x2a8: {  	v13 =	vld.idx.msk [tilespmem:v15+s15+$0x0], $0xffff;
	v15 =	vor.u32 s29, v12;
	[tilespmem:v9+s17+$0x0] =	vst.idx.msk $0xffff, v5  }
0x2a9: {  	[tilespmem:v19+s17+$0x0] =	vst.idx.msk $0xffff, v17;
	v17 =	vor.u32 v50, v23;
	v9 =	vld.idx.msk [tilespmem:v11+s15+$0x0], $0xffff  }
0x2aa: {  	v11 =	vor.u32 s28, v2;
	v2 =	vld [tilespmem:$0x1FE30]  }
0x2ab: {  	[tilespmem:v1+s17+$0x0] =	vst.idx.msk $0xffff, v0;
	v1 =	vld [tilespmem:$0x1FDF0];
	_ =	sdelay $0x1  }
0x2ac: {  	[tilespmem:v15+s17+$0x0] =	vst.idx.msk $0xffff, v13  }
0x2ad: {  	v25 =	vor.u32 v4, v21;
	v15 =	vld.idx.msk [tilespmem:v17+s15+$0x0], $0xffff  }
0x2ae: {  	v17 =	vor.u32 s29, v2;
	v2 =	vld [tilespmem:$0x1FE30]  }
0x2af: {  	v0 =	vld.idx.msk [tilespmem:v3+s15+$0x0], $0xffff;
	v1 =	vor.u32 s26, v1  }
0x2b0: {  	v3 =	vor.u32 v4, v58  }
0x2b1: {  	v8 =	vld [tilespmem:$0x1FC20]  }
0x2b2: {  	v19 =	vld.idx.msk [tilespmem:v25+s15+$0x0], $0xffff;
	v25 =	vor.u32 s31, v12;
	v13 =	vor.u32 v45, v27  }
0x2b3: {  	v54 =	vor.u32 s31, v2;
	v2 =	vld [tilespmem:$0x1FDA0]  }
0x2b4: {  	v20 =	vld [tilespmem:$0x1FC40];
	[tilespmem:v1+s17+$0x0] =	vst.idx.msk $0xffff, v0  }
0x2b5: {  	v1 =	vor.u32 s26, v12;
	v0 =	vld.idx.msk [tilespmem:v3+s15+$0x0], $0xffff  }
0x2b6: {  	v31 =	vld [tilespmem:$0x1FC10];
	[tilespmem:v11+s17+$0x0] =	vst.idx.msk $0xffff, v9  }
0x2b7: {  	[tilespmem:v25+s17+$0x0] =	vst.idx.msk $0xffff, v19;
	v19 =	vor.u32 v45, v23;
	s29 =	sor.u32 $0x3010, s24;
	v11 =	vld.idx.msk [tilespmem:v13+s15+$0x0], $0xffff  }
0x2b8: {  	v13 =	vor.u32 s29, v2;
	v2 =	vld [tilespmem:$0x1FDA0]  }
0x2b9: {  	v29 =	vor.u32 v50, v21;
	[tilespmem:$0x1FAD0] =	vst v4;
	v4 =	vld [tilespmem:$0x1FC30]  }
0x2ba: {  	v3 =	vor.u32 v50, v58;
	[tilespmem:v1+s17+$0x0] =	vst.idx.msk $0xffff, v0;
	v1 =	vld [tilespmem:$0x1FE30]  }
0x2bb: {  	[tilespmem:v17+s17+$0x0] =	vst.idx.msk $0xffff, v15  }
0x2bc: {  	s30 =	sor.u32 $0x3020, s24;
	v17 =	vld.idx.msk [tilespmem:v19+s15+$0x0], $0xffff  }
0x2bd: {  	v19 =	vor.u32 s30, v2;
	v2 =	vld [tilespmem:$0x1FDA0]  }
0x2be: {  	v47 =	vsel vm0, v20, v4;
	v25 =	vld.idx.msk [tilespmem:v29+s15+$0x0], $0xffff;
	v29 =	vsel vm0, v8, v31  }
0x2bf: {  	v0 =	vld.idx.msk [tilespmem:v3+s15+$0x0], $0xffff;
	v1 =	vor.u32 s26, v1;
	v46 =	vcombine.low v47, v29;
	_ =	sdelay $0x1  }
0x2c0: {  	v16 =	vld [tilespmem:$0x1FC70];
	v15 =	vor.u32 v46, v27;
	s31 =	sor.u32 $0x3030, s24  }
0x2c1: {  	v56 =	vor.u32 s31, v2;
	v2 =	vld [tilespmem:$0x1FD60]  }
0x2c2: {  	v35 =	vld [tilespmem:$0x1FC50]  }
0x2c3: {  	v14 =	vld [tilespmem:$0x1FC60];
	[tilespmem:v1+s17+$0x0] =	vst.idx.msk $0xffff, v0  }
0x2c4: {  	v3 =	vor.u32 v45, v58;
	v1 =	vld [tilespmem:$0x1FDA0];
	[tilespmem:v13+s17+$0x0] =	vst.idx.msk $0xffff, v11  }
0x2c5: {  	[tilespmem:v54+s17+$0x0] =	vst.idx.msk $0xffff, v25;
	v25 =	vor.u32 v46, v23;
	v13 =	vld.idx.msk [tilespmem:v15+s15+$0x0], $0xffff  }
0x2c6: {  	v15 =	vor.u32 s29, v2;
	v2 =	vld [tilespmem:$0x1FD60]  }
0x2c7: {  	v36 =	vmov v12;
	v12 =	vld [tilespmem:$0x1FC80]  }
0x2c8: {  	v10 =	vld [tilespmem:$0x1FC90];
	s28 =	sor.u32 $0x3000, s24  }
0x2c9: {  	v0 =	vld.idx.msk [tilespmem:v3+s15+$0x0], $0xffff;
	v1 =	vor.u32 s28, v1;
	[tilespmem:v19+s17+$0x0] =	vst.idx.msk $0xffff, v17  }
0x2ca: {  	v19 =	vld.idx.msk [tilespmem:v25+s15+$0x0], $0xffff  }
0x2cb: {  	v25 =	vor.u32 s30, v2;
	v2 =	vld [tilespmem:$0x1FD60]  }
0x2cc: {  	v32 =	vld [tilespmem:$0x1FCA0];
	v60 =	vsel vm0, v14, v35;
	v38 =	vmov v61;
	v61 =	vsel vm0, v12, v16  }
0x2cd: {  	v18 =	vld [tilespmem:$0x1FCD0];
	v55 =	vor.u32 v45, v21;
	v44 =	vcombine.low v61, v60  }
0x2ce: {  	v3 =	vor.u32 v46, v58;
	[tilespmem:v1+s17+$0x0] =	vst.idx.msk $0xffff, v0;
	v1 =	vld [tilespmem:$0x1FD60]  }
0x2cf: {  	v7 =	vld [tilespmem:$0x1FCC0];
	v17 =	vor.u32 v44, v27  }
0x2d0: {  	v37 =	vor.u32 s31, v2;
	v2 =	vld [tilespmem:$0x1FD70]  }
0x2d1: {  	v5 =	vld [tilespmem:$0x1FCB0]  }
0x2d2: {  	v48 =	vld.idx.msk [tilespmem:v55+s15+$0x0], $0xffff  }
0x2d3: {  	v0 =	vld.idx.msk [tilespmem:v3+s15+$0x0], $0xffff;
	v1 =	vor.u32 s28, v1;
	[tilespmem:v15+s17+$0x0] =	vst.idx.msk $0xffff, v13  }
0x2d4: {  	v34 =	vor.u32 v46, v21;
	v15 =	vld.idx.msk [tilespmem:v17+s15+$0x0], $0xffff  }
0x2d5: {  	v17 =	vor.u32 s29, v2;
	v2 =	vld [tilespmem:$0x1FD70]  }
0x2d6: {  	v9 =	vld [tilespmem:$0x1FCF0]  }
0x2d7: {  	v11 =	vld [tilespmem:$0x1FCE0];
	[tilespmem:v56+s17+$0x0] =	vst.idx.msk $0xffff, v48  }
0x2d8: {  	v49 =	vor.u32 v44, v23;
	[tilespmem:v1+s17+$0x0] =	vst.idx.msk $0xffff, v0;
	v1 =	vld [tilespmem:$0x1FD70]  }
0x2d9: {  	v40 =	vmov v59;
	v59 =	vsel vm0, v7, v5;
	v3 =	vor.u32 v44, v58;
	v51 =	vld.idx.msk [tilespmem:v34+s15+$0x0], $0xffff  }
0x2da: {  	v62 =	vor.u32 v44, v21;
	v48 =	vsel vm0, v32, v10;
	v33 =	vor.u32 s30, v2;
	v2 =	vld [tilespmem:$0x1FD70]  }
0x2db: {  	v43 =	vcombine.low v59, v48;
	v13 =	vld [tilespmem:$0x1FD00]  }
0x2dc: {  	[tilespmem:v25+s17+$0x0] =	vst.idx.msk $0xffff, v19  }
0x2dd: {  	v19 =	vor.u32 v43, v27;
	v25 =	vld.idx.msk [tilespmem:v49+s15+$0x0], $0xffff  }
0x2de: {  	v0 =	vld.idx.msk [tilespmem:v3+s15+$0x0], $0xffff;
	v34 =	vor.u32 v43, v23;
	v1 =	vor.u32 s28, v1;
	[tilespmem:v37+s17+$0x0] =	vst.idx.msk $0xffff, v51  }
0x2df: {  	v3 =	vor.u32 v43, v58;
	v52 =	vld.idx.msk [tilespmem:v62+s15+$0x0], $0xffff;
	v55 =	vor.u32 s31, v2  }
0x2e0: {  	v39 =	vmovc v57;
	v57 =	vsel vm0, v13, v9;
	v49 =	vsel vm0, v11, v18;
	v62 =	vor.u32 v43, v21  }
0x2e1: {  	v42 =	vcombine.low v57, v49;
	[tilespmem:v17+s17+$0x0] =	vst.idx.msk $0xffff, v15  }
0x2e2: {  	v17 =	vld.idx.msk [tilespmem:v19+s15+$0x0], $0xffff;
	v19 =	vor.u32 s29, v26;
	[tilespmem:v33+s17+$0x0] =	vst.idx.msk $0xffff, v25  }
0x2e3: {  	[tilespmem:v1+s17+$0x0] =	vst.idx.msk $0xffff, v0;
	v37 =	vmov v63;
	v63 =	vor.u32 s30, v26;
	v25 =	vor.u32 v42, v27;
	v15 =	vld.idx.msk [tilespmem:v34+s15+$0x0], $0xffff  }
0x2e4: {  	v1 =	vor.u32 s28, v26;
	v0 =	vld.idx.msk [tilespmem:v3+s15+$0x0], $0xffff;
	[tilespmem:v55+s17+$0x0] =	vst.idx.msk $0xffff, v52;
	v52 =	vor.u32 v42, v23  }
0x2e5: {  	v41 =	vor.u32 s31, v26;
	v55 =	vld.idx.msk [tilespmem:v62+s15+$0x0], $0xffff  }
0x2e6: {  	v56 =	vsel vm0, v31, v20;
	v3 =	vor.u32 v42, v58;
	v51 =	vsel vm0, v4, v8  }
0x2e7: {  	[tilespmem:v19+s17+$0x0] =	vst.idx.msk $0xffff, v17;
	v62 =	vcombine.low v56, v51  }
0x2e8: {  	v34 =	vmov v53;
	v53 =	vor.u32 v42, v21;
	v17 =	vor.u32 s29, v28;
	v25 =	vld.idx.msk [tilespmem:v25+s15+$0x0], $0xffff;
	[tilespmem:v63+s17+$0x0] =	vst.idx.msk $0xffff, v15  }
0x2e9: {  	[tilespmem:v1+s17+$0x0] =	vst.idx.msk $0xffff, v0;
	v15 =	vor.u32 s30, v28;
	v63 =	vor.u32 v62, v27;
	v52 =	vld.idx.msk [tilespmem:v52+s15+$0x0], $0xffff  }
0x2ea: {  	[tilespmem:v41+s17+$0x0] =	vst.idx.msk $0xffff, v55;
	v41 =	vor.u32 v62, v23  }
0x2eb: {  	v1 =	vor.u32 s28, v28;
	v0 =	vld.idx.msk [tilespmem:v3+s15+$0x0], $0xffff  }
0x2ec: {  	v31 =	vsel vm0, v16, v14;
	v19 =	vor.u32 v62, v58;
	v55 =	vsel vm0, v35, v12  }
0x2ed: {  	v4 =	vor.u32 s31, v28;
	[tilespmem:v17+s17+$0x0] =	vst.idx.msk $0xffff, v25;
	v2 =	vld.idx.msk [tilespmem:v53+s15+$0x0], $0xffff;
	v53 =	vcombine.low v55, v31  }
0x2ee: {  	v33 =	vmov v6;
	v6 =	vor.u32 v62, v21;
	v25 =	vld.idx.msk [tilespmem:v63+s15+$0x0], $0xffff;
	v63 =	vor.u32 s29, v30;
	[tilespmem:v15+s17+$0x0] =	vst.idx.msk $0xffff, v52  }
0x2ef: {  	v54 =	vor.u32 s30, v30;
	v15 =	vor.u32 v53, v27;
	v52 =	vld.idx.msk [tilespmem:v41+s15+$0x0], $0xffff  }
0x2f0: {  	[tilespmem:v1+s17+$0x0] =	vst.idx.msk $0xffff, v0  }
0x2f1: {  	v8 =	vor.u32 s28, v30;
	v19 =	vld.idx.msk [tilespmem:v19+s15+$0x0], $0xffff  }
0x2f2: {  	v1 =	vld [tilespmem:$0x1FE10];
	v17 =	vor.u32 v53, v58;
	[tilespmem:v4+s17+$0x0] =	vst.idx.msk $0xffff, v2  }
0x2f3: {  	v2 =	vor.u32 v53, v23;
	v4 =	vld.idx.msk [tilespmem:v6+s15+$0x0], $0xffff;
	v6 =	vor.u32 s31, v30;
	[tilespmem:v63+s17+$0x0] =	vst.idx.msk $0xffff, v25  }
0x2f4: {  	v15 =	vld.idx.msk [tilespmem:v15+s15+$0x0], $0xffff;
	[tilespmem:v54+s17+$0x0] =	vst.idx.msk $0xffff, v52;
	v54 =	vor.u32 s29, v22;
	_ =	sdelay $0x1  }
0x2f5: {  	[tilespmem:v8+s17+$0x0] =	vst.idx.msk $0xffff, v19  }
0x2f6: {  	v32 =	vsel vm0, v5, v32;
	v0 =	vsel vm0, v10, v7;
	v8 =	vld.idx.msk [tilespmem:v17+s15+$0x0], $0xffff;
	v17 =	vor.u32 s28, v22  }
0x2f7: {  	v10 =	vor.u32 v53, v21;
	v41 =	vcombine.low v0, v32;
	v2 =	vld.idx.msk [tilespmem:v2+s15+$0x0], $0xffff;
	[tilespmem:v6+s17+$0x0] =	vst.idx.msk $0xffff, v4  }
0x2f8: {  	v6 =	vor.u32 s30, v22;
	[tilespmem:v54+s17+$0x0] =	vst.idx.msk $0xffff, v15;
	v15 =	vor.u32 s28, v1;
	v1 =	vld [tilespmem:$0x1FE10]  }
0x2f9: {  	v4 =	vor.u32 v41, v27  }
0x2fa: {  	v14 =	vsel vm0, v18, v13;
	v13 =	vld [tilespmem:$0x1FFD0];
	v52 =	vor.u32 v41, v58  }
0x2fb: {  	[tilespmem:v17+s17+$0x0] =	vst.idx.msk $0xffff, v8;
	v8 =	vld [tilespmem:$0x1FAE0]  }
0x2fc: {  	v12 =	vsel vm0, v9, v11;
	v63 =	vor.u32 v41, v23;
	v25 =	vor.u32 s31, v22;
	v10 =	vld.idx.msk [tilespmem:v10+s15+$0x0], $0xffff  }
0x2fd: {  	v35 =	vcombine.low v14, v12;
	[tilespmem:v6+s17+$0x0] =	vst.idx.msk $0xffff, v2;
	v6 =	vor.u32 s29, v1;
	v1 =	vld [tilespmem:$0x1FE10]  }
0x2fe: {  	v2 =	vld.idx.msk [tilespmem:v4+s15+$0x0], $0xffff  }
0x2ff: {  	v17 =	vor.u32 v35, v27;
	v14 =	vld.idx.msk [tilespmem:v52+s15+$0x0], $0xffff;
	_ =	sdelay $0x1  }
0x300: {  	v4 =	vor.u32 v35, v58;
	[tilespmem:v25+s17+$0x0] =	vst.idx.msk $0xffff, v10;
	v10 =	vld.idx.msk [tilespmem:v63+s15+$0x0], $0xffff  }
0x301: {  	v16 =	vor.u32 v41, v21;
	v25 =	vor.u32 s30, v1;
	v1 =	vld [tilespmem:$0x1FE10]  }
0x302: {  	v29 =	vcombine.low v29, v47;
	v12 =	vld.idx.msk [tilespmem:v8+s25+$0x40 ss:$0x1], $0xffff;
	[tilespmem:v6+s17+$0x0] =	vst.idx.msk $0xffff, v2  }
0x303: {  	[tilespmem:v15+s17+$0x0] =	vst.idx.msk $0xffff, v14;
	v15 =	vor.u32 s29, v13;
	v6 =	vld.idx.msk [tilespmem:v17+s15+$0x0], $0xffff  }
0x304: {  	v19 =	vld [tilespmem:$0x1FFF0];
	v17 =	vor.u32 v29, v27  }
0x305: {  	v2 =	vld.idx.msk [tilespmem:v4+s15+$0x0], $0xffff;
	v4 =	vor.u32 s28, v13  }
0x306: {  	v54 =	vor.u32 v35, v23;
	v16 =	vld.idx.msk [tilespmem:v16+s15+$0x0], $0xffff;
	v63 =	vor.u32 s31, v1  }
0x307: {  	v7 =	vld [tilespmem:$0x1FDD0];
	[tilespmem:v25+s17+$0x0] =	vst.idx.msk $0xffff, v10;
	v10 =	vor.u32 v29, v58  }
0x308: {  	v9 =	vld [tilespmem:$0x1FD70];
	v52 =	vshll.u32 v12, $0x6;
	v12 =	vor.u32 v35, v21;
	[tilespmem:v15+s17+$0x0] =	vst.idx.msk $0xffff, v6  }
0x309: {  	v1 =	vlaneseq.u32;
	v15 =	vld.idx.msk [tilespmem:v17+s15+$0x0], $0xffff;
	v17 =	vor.u32 s29, v19  }
0x30a: {  	[tilespmem:v4+s17+$0x0] =	vst.idx.msk $0xffff, v2;
	v14 =	vor.u32 v1, v52;
	v1 =	vld [tilespmem:$0x1FDA0]  }
0x30b: {  	v25 =	vor.u32 s30, v13;
	[tilespmem:v63+s17+$0x0] =	vst.idx.msk $0xffff, v16;
	v16 =	vld.idx.msk [tilespmem:v54+s15+$0x0], $0xffff  }
0x30c: {  	v6 =	vld.idx.msk [tilespmem:v10+s15+$0x0], $0xffff;
	v10 =	vor.u32 s28, v19  }
0x30d: {  	v54 =	vor.u32 v29, v23;
	v63 =	vor.u32 s31, v13;
	v12 =	vld.idx.msk [tilespmem:v12+s15+$0x0], $0xffff  }
0x30e: {  	s26 =	sor.u32 $0x40, s24;
	[tilespmem:v17+s17+$0x0] =	vst.idx.msk $0xffff, v15;
	v15 =	vor.u32 s28, v7;
	v7 =	vld [tilespmem:$0x1FDD0]  }
0x30f: {  	v47 =	vor.u32 v29, v21;
	v2 =	vcombine.low v60, v61;
	v14 =	vld.idx.msk [tilespmem:v14+s15+$0x0], $0xffff;
	v18 =	vor.u32 s26, v1  }
0x310: {  	v4 =	vor.u32 v34, v52;
	v61 =	vld [tilespmem:$0x1FD60];
	[tilespmem:v25+s17+$0x0] =	vst.idx.msk $0xffff, v16  }
0x311: {  	v16 =	vor.u32 v2, v58;
	[tilespmem:v10+s17+$0x0] =	vst.idx.msk $0xffff, v6;
	v6 =	vld [tilespmem:$0x1FB00]  }
0x312: {  	v25 =	vor.u32 v2, v27;
	[tilespmem:v63+s17+$0x0] =	vst.idx.msk $0xffff, v12;
	v12 =	vld.idx.msk [tilespmem:v54+s15+$0x0], $0xffff;
	v54 =	vor.u32 s30, v19  }
0x313: {  	v17 =	vor.u32 s29, v7;
	v7 =	vld [tilespmem:$0x1FDD0]  }
0x314: {  	[tilespmem:v18+s17+$0x0] =	vst.idx.msk $0xffff, v14;
	v14 =	vld.idx.msk [tilespmem:v47+s15+$0x0], $0xffff  }
0x315: {  	v18 =	vor.u32 v2, v23;
	v47 =	vor.u32 s31, v19;
	v4 =	vld.idx.msk [tilespmem:v4+s15+$0x0], $0xffff  }
0x316: {  	v60 =	vor.u32 v2, v21;
	v61 =	vor.u32 s26, v61;
	v10 =	vld.idx.msk [tilespmem:v16+s15+$0x0], $0xffff  }
0x317: {  	v48 =	vcombine.low v48, v59;
	v6 =	vor.u32 v6, v52;
	[tilespmem:v54+s17+$0x0] =	vst.idx.msk $0xffff, v12;
	v12 =	vld.idx.msk [tilespmem:v25+s15+$0x0], $0xffff  }
0x318: {  	v25 =	vor.u32 s30, v7;
	v7 =	vld [tilespmem:$0x1FDD0]  }
0x319: {  	v3 =	vld [tilespmem:$0x1FFE0];
	v16 =	vor.u32 v48, v58  }
0x31a: {  	[tilespmem:v47+s17+$0x0] =	vst.idx.msk $0xffff, v14;
	v14 =	vld.idx.msk [tilespmem:v18+s15+$0x0], $0xffff;
	v18 =	vor.u32 v48, v27  }
0x31b: {  	[tilespmem:v61+s17+$0x0] =	vst.idx.msk $0xffff, v4;
	v47 =	vor.u32 v48, v23;
	v4 =	vld.idx.msk [tilespmem:v60+s15+$0x0], $0xffff  }
0x31c: {  	v60 =	vor.u32 s26, v9;
	v6 =	vld.idx.msk [tilespmem:v6+s15+$0x0], $0xffff  }
0x31d: {  	[tilespmem:v15+s17+$0x0] =	vst.idx.msk $0xffff, v10;
	v10 =	vld [tilespmem:$0x1FB10];
	v54 =	vor.u32 s31, v7  }
0x31e: {  	[tilespmem:v17+s17+$0x0] =	vst.idx.msk $0xffff, v12;
	v12 =	vld.idx.msk [tilespmem:v16+s15+$0x0], $0xffff  }
0x31f: {  	v49 =	vcombine.low v49, v57;
	[tilespmem:v25+s17+$0x0] =	vst.idx.msk $0xffff, v14;
	v16 =	vld.idx.msk [tilespmem:v18+s15+$0x0], $0xffff  }
0x320: {  	v25 =	vor.u32 s30, v3;
	v18 =	vld.idx.msk [tilespmem:v47+s15+$0x0], $0xffff  }
0x321: {  	v17 =	vor.u32 s29, v3;
	[tilespmem:v60+s17+$0x0] =	vst.idx.msk $0xffff, v6;
	v6 =	vor.u32 v49, v23  }
0x322: {  	[tilespmem:v54+s17+$0x0] =	vst.idx.msk $0xffff, v4;
	v4 =	vor.u32 v49, v27  }
0x323: {  	v59 =	vor.u32 v48, v21  }
0x324: {  	v15 =	vor.u32 s28, v3;
	v10 =	vor.u32 v10, v52  }
0x325: {  	v5 =	vld [tilespmem:$0x1FDF0];
	v14 =	vor.u32 v49, v58;
	[tilespmem:v25+s17+$0x0] =	vst.idx.msk $0xffff, v18  }
0x326: {  	[tilespmem:v17+s17+$0x0] =	vst.idx.msk $0xffff, v16;
	v25 =	vor.u32 s30, v24;
	v6 =	vld.idx.msk [tilespmem:v6+s15+$0x0], $0xffff  }
0x327: {  	v17 =	vor.u32 s29, v24;
	v4 =	vld.idx.msk [tilespmem:v4+s15+$0x0], $0xffff  }
0x328: {  	v57 =	vor.u32 v49, v21;
	v61 =	vor.u32 s31, v3;
	v60 =	vld.idx.msk [tilespmem:v59+s15+$0x0], $0xffff  }
0x329: {  	v51 =	vcombine.low v51, v56;
	v63 =	vor.u32 s26, v26;
	[tilespmem:v15+s17+$0x0] =	vst.idx.msk $0xffff, v12;
	v10 =	vld.idx.msk [tilespmem:v10+s15+$0x0], $0xffff  }
0x32a: {  	v12 =	vor.u32 v37, v52;
	v15 =	vor.u32 s28, v24;
	v14 =	vld.idx.msk [tilespmem:v14+s15+$0x0], $0xffff  }
0x32b: {  	v16 =	vor.u32 v51, v58;
	[tilespmem:v25+s17+$0x0] =	vst.idx.msk $0xffff, v6;
	v6 =	vor.u32 s29, v5;
	v5 =	vld [tilespmem:$0x1FDF0]  }
0x32c: {  	[tilespmem:v17+s17+$0x0] =	vst.idx.msk $0xffff, v4;
	v4 =	vld [tilespmem:$0x1FDF0]  }
0x32d: {  	v18 =	vor.u32 v51, v27;
	[tilespmem:v61+s17+$0x0] =	vst.idx.msk $0xffff, v60  }
0x32e: {  	v47 =	vld.idx.msk [tilespmem:v57+s15+$0x0], $0xffff;
	[tilespmem:v63+s17+$0x0] =	vst.idx.msk $0xffff, v10  }
0x32f: {  	[tilespmem:v15+s17+$0x0] =	vst.idx.msk $0xffff, v14;
	v57 =	vor.u32 s26, v28;
	v10 =	vor.u32 v51, v23;
	v12 =	vld.idx.msk [tilespmem:v12+s15+$0x0], $0xffff  }
0x330: {  	v14 =	vor.u32 v40, v52;
	v15 =	vld.idx.msk [tilespmem:v16+s15+$0x0], $0xffff;
	v63 =	vcombine.low v31, v55  }
0x331: {  	v25 =	vor.u32 s30, v5;
	v5 =	vld [tilespmem:$0x1FDF0];
	v4 =	vor.u32 s28, v4  }
0x332: {  	v16 =	vor.u32 v63, v58;
	v17 =	vld.idx.msk [tilespmem:v18+s15+$0x0], $0xffff;
	_ =	sdelay $0x1  }
0x333: {  	v54 =	vor.u32 s31, v24;
	v10 =	vld.idx.msk [tilespmem:v10+s15+$0x0], $0xffff;
	[tilespmem:v57+s17+$0x0] =	vst.idx.msk $0xffff, v12  }
0x334: {  	v14 =	vld.idx.msk [tilespmem:v14+s15+$0x0], $0xffff  }
0x335: {  	v61 =	vor.u32 s26, v30;
	v18 =	vor.u32 v63, v27;
	v12 =	vor.u32 s31, v5;
	v5 =	vld [tilespmem:$0x1FE30];
	[tilespmem:v4+s17+$0x0] =	vst.idx.msk $0xffff, v15  }
0x336: {  	[tilespmem:v6+s17+$0x0] =	vst.idx.msk $0xffff, v17;
	v6 =	vor.u32 s28, v36;
	v4 =	vld.idx.msk [tilespmem:v16+s15+$0x0], $0xffff  }
0x337: {  	v57 =	vcombine.low v32, v0;
	v0 =	vor.u32 v39, v52  }
0x338: {  	v56 =	vor.u32 v51, v21;
	[tilespmem:v54+s17+$0x0] =	vst.idx.msk $0xffff, v47  }
0x339: {  	v60 =	vor.u32 v63, v23;
	[tilespmem:v25+s17+$0x0] =	vst.idx.msk $0xffff, v10  }
0x33a: {  	v10 =	vor.u32 v57, v58;
	v15 =	vld.idx.msk [tilespmem:v18+s15+$0x0], $0xffff;
	[tilespmem:v61+s17+$0x0] =	vst.idx.msk $0xffff, v14  }
0x33b: {  	v55 =	vor.u32 v63, v21;
	v16 =	vor.u32 s29, v36;
	[tilespmem:v6+s17+$0x0] =	vst.idx.msk $0xffff, v4;
	v6 =	vor.u32 s28, v5;
	v5 =	vld [tilespmem:$0x1FE30]  }
0x33c: {  	v17 =	vor.u32 v57, v27;
	v14 =	vor.u32 v57, v21;
	v21 =	vor.u32 s26, v22;
	v0 =	vld.idx.msk [tilespmem:v0+s15+$0x0], $0xffff  }
0x33d: {  	v54 =	vld.idx.msk [tilespmem:v56+s15+$0x0], $0xffff;
	v4 =	vor.u32 v38, v52  }
0x33e: {  	v18 =	vld.idx.msk [tilespmem:v60+s15+$0x0], $0xffff  }
0x33f: {  	v10 =	vld.idx.msk [tilespmem:v10+s15+$0x0], $0xffff  }
0x340: {  	[tilespmem:v16+s17+$0x0] =	vst.idx.msk $0xffff, v15;
	v15 =	vor.u32 s29, v5;
	v5 =	vld [tilespmem:$0x1FE30]  }
0x341: {  	[tilespmem:v21+s17+$0x0] =	vst.idx.msk $0xffff, v0;
	v16 =	vld.idx.msk [tilespmem:v17+s15+$0x0], $0xffff  }
0x342: {  	v0 =	vld.idx.msk [tilespmem:v4+s15+$0x0], $0xffff  }
0x343: {  	v4 =	vld [tilespmem:$0x1FE10]  }
0x344: {  	[tilespmem:v6+s17+$0x0] =	vst.idx.msk $0xffff, v10;
	v6 =	vld.idx.msk [tilespmem:v8+s25+$0x70 ss:$0x1], $0xffff  }
0x345: {  	[tilespmem:v12+s17+$0x0] =	vst.idx.msk $0xffff, v54;
	v12 =	vor.u32 s30, v36;
	v17 =	vor.u32 s30, v5;
	v5 =	vld [tilespmem:$0x1FE30];
	_ =	sdelay $0x1  }
0x346: {  	v27 =	vor.u32 s31, v36;
	v25 =	vld.idx.msk [tilespmem:v55+s15+$0x0], $0xffff;
	_ =	sdelay $0x1  }
0x347: {  	v4 =	vor.u32 s26, v4  }
0x348: {  	[tilespmem:v12+s17+$0x0] =	vst.idx.msk $0xffff, v18;
	v21 =	vshll.u32 v6, $0x6;
	v18 =	vor.u32 s31, v5;
	v5 =	vlaneseq.u32  }
0x349: {  	v6 =	vor.u32 v5, v21;
	v5 =	vld [tilespmem:$0x1FDA0]  }
0x34a: {  	[tilespmem:v27+s17+$0x0] =	vst.idx.msk $0xffff, v25  }
0x34b: {  	v14 =	vld.idx.msk [tilespmem:v14+s15+$0x0], $0xffff  }
0x34c: {  	[tilespmem:v4+s17+$0x0] =	vst.idx.msk $0xffff, v0;
	v0 =	vld.idx.msk [tilespmem:v8+s25+$0x50 ss:$0x1], $0xffff  }
0x34d: {  	v4 =	vld.idx.msk [tilespmem:v8+s25+$0x60 ss:$0x1], $0xffff;
	s25 =	sor.u32 $0x50, s24  }
0x34e: {  	v10 =	vor.u32 s25, v5;
	v5 =	vld [tilespmem:$0x1FDA0]  }
0x34f: {  	v23 =	vor.u32 v57, v23;
	_ =	sdelay $0x1  }
0x350: {  	v27 =	vshll.u32 v0, $0x6;
	v0 =	vlaneseq.u32  }
0x351: {  	s30 =	sor.u32 $0x60, s24;
	v0 =	vor.u32 v0, v27  }
0x352: {  	[tilespmem:v18+s17+$0x0] =	vst.idx.msk $0xffff, v14;
	v14 =	vor.u32 s30, v5;
	v5 =	vld [tilespmem:$0x1FDA0]  }
0x353: {  	v12 =	vld.idx.msk [tilespmem:v23+s15+$0x0], $0xffff;
	v23 =	vshll.u32 v4, $0x6;
	v4 =	vlaneseq.u32  }
0x354: {  	v4 =	vor.u32 v4, v23;
	_ =	sdelay $0x1  }
0x355: {  	s31 =	sor.u32 $0x70, s24;
	v0 =	vld.idx.msk [tilespmem:v0+s15+$0x0], $0xffff  }
0x356: {  	[tilespmem:v15+s17+$0x0] =	vst.idx.msk $0xffff, v16;
	v16 =	vor.u32 s31, v5;
	v5 =	vld [tilespmem:$0x1FD60]  }
0x357: {  	v9 =	vld [tilespmem:$0x1FB00];
	[tilespmem:v17+s17+$0x0] =	vst.idx.msk $0xffff, v12;
	v12 =	vor.u32 v34, v27  }
0x358: {  	v4 =	vld.idx.msk [tilespmem:v4+s15+$0x0], $0xffff;
	_ =	sdelay $0x2  }
0x359: {  	[tilespmem:v10+s17+$0x0] =	vst.idx.msk $0xffff, v0;
	v10 =	vor.u32 s25, v5;
	v5 =	vld [tilespmem:$0x1FD60]  }
0x35a: {  	v0 =	vld.idx.msk [tilespmem:v12+s15+$0x0], $0xffff  }
0x35b: {  	[tilespmem:v14+s17+$0x0] =	vst.idx.msk $0xffff, v4;
	v4 =	vor.u32 v9, v27;
	_ =	sdelay $0x1  }
0x35c: {  	v15 =	vor.u32 v34, v23;
	v6 =	vld.idx.msk [tilespmem:v6+s15+$0x0], $0xffff  }
0x35d: {  	v14 =	vor.u32 s30, v5;
	v5 =	vld [tilespmem:$0x1FD60]  }
0x35e: {  	v11 =	vld [tilespmem:$0x1FB10];
	[tilespmem:v10+s17+$0x0] =	vst.idx.msk $0xffff, v0  }
0x35f: {  	v0 =	vld.idx.msk [tilespmem:v4+s15+$0x0], $0xffff  }
0x360: {  	v4 =	vld [tilespmem:$0x1FD70]  }
0x361: {  	v17 =	vor.u32 v34, v21;
	v12 =	vld.idx.msk [tilespmem:v15+s15+$0x0], $0xffff  }
0x362: {  	[tilespmem:v16+s17+$0x0] =	vst.idx.msk $0xffff, v6;
	v6 =	vor.u32 v9, v23;
	v16 =	vor.u32 s31, v5;
	v5 =	vld [tilespmem:$0x1FD70];
	_ =	sdelay $0x2  }
0x363: {  	v4 =	vor.u32 s25, v4  }
0x364: {  	v15 =	vld.idx.msk [tilespmem:v17+s15+$0x0], $0xffff;
	v10 =	vor.u32 v11, v27;
	[tilespmem:v14+s17+$0x0] =	vst.idx.msk $0xffff, v12  }
0x365: {  	v6 =	vld.idx.msk [tilespmem:v6+s15+$0x0], $0xffff;
	v12 =	vor.u32 s30, v5  }
0x366: {  	v17 =	vor.u32 v9, v21;
	v5 =	vld [tilespmem:$0x1FD70];
	_ =	sdelay $0x1  }
0x367: {  	v14 =	vor.u32 v11, v23;
	[tilespmem:v4+s17+$0x0] =	vst.idx.msk $0xffff, v0  }
0x368: {  	[tilespmem:v16+s17+$0x0] =	vst.idx.msk $0xffff, v15;
	v4 =	vor.u32 s25, v26;
	v0 =	vld.idx.msk [tilespmem:v10+s15+$0x0], $0xffff  }
0x369: {  	[tilespmem:v12+s17+$0x0] =	vst.idx.msk $0xffff, v6;
	v6 =	vor.u32 v37, v27  }
0x36a: {  	v15 =	vld.idx.msk [tilespmem:v17+s15+$0x0], $0xffff;
	v16 =	vor.u32 s31, v5  }
0x36b: {  	v17 =	vor.u32 v11, v21  }
0x36c: {  	v12 =	vor.u32 s30, v26;
	v10 =	vld.idx.msk [tilespmem:v14+s15+$0x0], $0xffff  }
0x36d: {  	v14 =	vor.u32 v37, v23;
	[tilespmem:v4+s17+$0x0] =	vst.idx.msk $0xffff, v0  }
0x36e: {  	v4 =	vor.u32 s25, v28;
	v0 =	vld.idx.msk [tilespmem:v6+s15+$0x0], $0xffff  }
0x36f: {  	[tilespmem:v16+s17+$0x0] =	vst.idx.msk $0xffff, v15;
	v6 =	vor.u32 v40, v27  }
0x370: {  	v16 =	vor.u32 s31, v26;
	v15 =	vld.idx.msk [tilespmem:v17+s15+$0x0], $0xffff  }
0x371: {  	v17 =	vor.u32 v37, v21;
	[tilespmem:v12+s17+$0x0] =	vst.idx.msk $0xffff, v10  }
0x372: {  	v12 =	vor.u32 s30, v28;
	v10 =	vld.idx.msk [tilespmem:v14+s15+$0x0], $0xffff  }
0x373: {  	v14 =	vor.u32 v40, v23;
	[tilespmem:v4+s17+$0x0] =	vst.idx.msk $0xffff, v0  }
0x374: {  	v4 =	vor.u32 s25, v30;
	v0 =	vld.idx.msk [tilespmem:v6+s15+$0x0], $0xffff  }
0x375: {  	[tilespmem:v16+s17+$0x0] =	vst.idx.msk $0xffff, v15;
	v6 =	vor.u32 v39, v27  }
0x376: {  	v16 =	vor.u32 s31, v28;
	v15 =	vld.idx.msk [tilespmem:v17+s15+$0x0], $0xffff  }
0x377: {  	v17 =	vor.u32 v40, v21;
	[tilespmem:v12+s17+$0x0] =	vst.idx.msk $0xffff, v10  }
0x378: {  	v12 =	vor.u32 s30, v30;
	v10 =	vld.idx.msk [tilespmem:v14+s15+$0x0], $0xffff  }
0x379: {  	v14 =	vor.u32 v39, v23;
	[tilespmem:v4+s17+$0x0] =	vst.idx.msk $0xffff, v0  }
0x37a: {  	v4 =	vor.u32 s25, v22;
	v0 =	vld.idx.msk [tilespmem:v6+s15+$0x0], $0xffff  }
0x37b: {  	v5 =	vld [tilespmem:$0x1FE10];
	[tilespmem:v16+s17+$0x0] =	vst.idx.msk $0xffff, v15;
	v6 =	vor.u32 v38, v27  }
0x37c: {  	v16 =	vor.u32 s31, v30;
	v15 =	vld.idx.msk [tilespmem:v17+s15+$0x0], $0xffff  }
0x37d: {  	v17 =	vor.u32 v39, v21;
	[tilespmem:v12+s17+$0x0] =	vst.idx.msk $0xffff, v10  }
0x37e: {  	v12 =	vor.u32 s30, v22;
	v10 =	vld.idx.msk [tilespmem:v14+s15+$0x0], $0xffff  }
0x37f: {  	[tilespmem:v4+s17+$0x0] =	vst.idx.msk $0xffff, v0  }
0x380: {  	v14 =	vor.u32 v38, v23;
	v4 =	vld.idx.msk [tilespmem:v6+s15+$0x0], $0xffff  }
0x381: {  	[tilespmem:v16+s17+$0x0] =	vst.idx.msk $0xffff, v15;
	v6 =	vor.u32 s25, v5;
	v5 =	vld [tilespmem:$0x1FE10]  }
0x382: {  	v16 =	vor.u32 s31, v22;
	v15 =	vld.idx.msk [tilespmem:v17+s15+$0x0], $0xffff  }
0x383: {  	[tilespmem:v12+s17+$0x0] =	vst.idx.msk $0xffff, v10;
	v10 =	vor.u32 v33, v27;
	_ =	sdelay $0x1  }
0x384: {  	v12 =	vld.idx.msk [tilespmem:v14+s15+$0x0], $0xffff  }
0x385: {  	v17 =	vor.u32 v38, v21;
	v14 =	vor.u32 s30, v5;
	v5 =	vld [tilespmem:$0x1FE10];
	[tilespmem:v6+s17+$0x0] =	vst.idx.msk $0xffff, v4  }
0x386: {  	v1 =	vld [tilespmem:$0x1FD90];
	[tilespmem:v16+s17+$0x0] =	vst.idx.msk $0xffff, v15;
	v15 =	vor.u32 v33, v23  }
0x387: {  	v6 =	vld.idx.msk [tilespmem:v10+s15+$0x0], $0xffff;
	v10 =	vor.u32 s25, v13;
	_ =	sdelay $0x2  }
0x388: {  	v16 =	vld.idx.msk [tilespmem:v17+s15+$0x0], $0xffff;
	v17 =	vor.u32 s31, v5;
	[tilespmem:v14+s17+$0x0] =	vst.idx.msk $0xffff, v12  }
0x389: {  	v18 =	vor.u32 v33, v21;
	v14 =	vld.idx.msk [tilespmem:v15+s15+$0x0], $0xffff  }
0x38a: {  	v15 =	vor.u32 s30, v13;
	[tilespmem:v10+s17+$0x0] =	vst.idx.msk $0xffff, v6;
	v6 =	vor.u32 v1, v52;
	v1 =	vld [tilespmem:$0x1FD90];
	_ =	sdelay $0x2  }
0x38b: {  	v0 =	vor.u32 v33, v52;
	v4 =	vld [tilespmem:$0x1FD80];
	[tilespmem:v17+s17+$0x0] =	vst.idx.msk $0xffff, v16  }
0x38c: {  	v17 =	vld.idx.msk [tilespmem:v18+s15+$0x0], $0xffff  }
0x38d: {  	v18 =	vor.u32 s31, v13;
	[tilespmem:v15+s17+$0x0] =	vst.idx.msk $0xffff, v14;
	v14 =	vor.u32 v1, v27;
	v1 =	vld [tilespmem:$0x1FD90];
	_ =	sdelay $0x2  }
0x38e: {  	v25 =	vor.u32 s26, v13;
	v0 =	vld.idx.msk [tilespmem:v0+s15+$0x0], $0xffff  }
0x38f: {  	v4 =	vor.u32 v4, v52  }
0x390: {  	[tilespmem:v18+s17+$0x0] =	vst.idx.msk $0xffff, v17;
	v17 =	vor.u32 v1, v23;
	v1 =	vld [tilespmem:$0x1FD90];
	_ =	sdelay $0x2  }
0x391: {  	[tilespmem:v25+s17+$0x0] =	vst.idx.msk $0xffff, v0;
	v5 =	vld [tilespmem:$0x1FD80]  }
0x392: {  	v0 =	vld.idx.msk [tilespmem:v4+s15+$0x0], $0xffff  }
0x393: {  	v4 =	vor.u32 s26, v19;
	v33 =	vor.u32 v1, v21;
	v1 =	vld [tilespmem:$0x1FDD0];
	_ =	sdelay $0x2  }
0x394: {  	v12 =	vor.u32 v5, v27;
	_ =	sdelay $0x1  }
0x395: {  	[tilespmem:v4+s17+$0x0] =	vst.idx.msk $0xffff, v0;
	v4 =	vor.u32 s26, v1;
	v1 =	vld [tilespmem:$0x1FDB0];
	_ =	sdelay $0x1  }
0x396: {  	v5 =	vld [tilespmem:$0x1FD80]  }
0x397: {  	v10 =	vld.idx.msk [tilespmem:v12+s15+$0x0], $0xffff  }
0x398: {  	v0 =	vld.idx.msk [tilespmem:v6+s15+$0x0], $0xffff  }
0x399: {  	v12 =	vor.u32 s25, v19;
	v6 =	vor.u32 v1, v52;
	v1 =	vld [tilespmem:$0x1FDD0];
	_ =	sdelay $0x2  }
0x39a: {  	v16 =	vor.u32 v5, v23;
	_ =	sdelay $0x1  }
0x39b: {  	[tilespmem:v12+s17+$0x0] =	vst.idx.msk $0xffff, v10;
	v12 =	vor.u32 s25, v1;
	v1 =	vld [tilespmem:$0x1FDB0];
	_ =	sdelay $0x1  }
0x39c: {  	v5 =	vld [tilespmem:$0x1FD80]  }
0x39d: {  	v15 =	vld.idx.msk [tilespmem:v16+s15+$0x0], $0xffff  }
0x39e: {  	v10 =	vld.idx.msk [tilespmem:v14+s15+$0x0], $0xffff  }
0x39f: {  	v16 =	vor.u32 s30, v19;
	v14 =	vor.u32 v1, v27;
	v1 =	vld [tilespmem:$0x1FDD0];
	_ =	sdelay $0x2  }
0x3a0: {  	v32 =	vor.u32 v5, v21;
	_ =	sdelay $0x1  }
0x3a1: {  	[tilespmem:v16+s17+$0x0] =	vst.idx.msk $0xffff, v15;
	v16 =	vor.u32 s30, v1;
	v1 =	vld [tilespmem:$0x1FDB0];
	_ =	sdelay $0x2  }
0x3a2: {  	v18 =	vld.idx.msk [tilespmem:v32+s15+$0x0], $0xffff  }
0x3a3: {  	v15 =	vld.idx.msk [tilespmem:v17+s15+$0x0], $0xffff  }
0x3a4: {  	v25 =	vor.u32 s31, v19;
	v17 =	vor.u32 v1, v23;
	v1 =	vld [tilespmem:$0x1FDD0];
	_ =	sdelay $0x4  }
0x3a5: {  	[tilespmem:v25+s17+$0x0] =	vst.idx.msk $0xffff, v18;
	v25 =	vor.u32 s31, v1;
	v1 =	vld [tilespmem:$0x1FDB0];
	_ =	sdelay $0x4  }
0x3a6: {  	v34 =	vor.u32 v1, v21;
	v1 =	vld [tilespmem:$0x1FDC0];
	_ =	sdelay $0x2  }
0x3a7: {  	[tilespmem:v4+s17+$0x0] =	vst.idx.msk $0xffff, v0  }
0x3a8: {  	v0 =	vld.idx.msk [tilespmem:v6+s15+$0x0], $0xffff  }
0x3a9: {  	v6 =	vor.u32 v1, v52;
	v1 =	vld [tilespmem:$0x1FDC0];
	_ =	sdelay $0x2  }
0x3aa: {  	[tilespmem:v12+s17+$0x0] =	vst.idx.msk $0xffff, v10  }
0x3ab: {  	v10 =	vld.idx.msk [tilespmem:v14+s15+$0x0], $0xffff  }
0x3ac: {  	v14 =	vor.u32 v1, v27;
	v1 =	vld [tilespmem:$0x1FDC0];
	_ =	sdelay $0x2  }
0x3ad: {  	[tilespmem:v16+s17+$0x0] =	vst.idx.msk $0xffff, v15  }
0x3ae: {  	v15 =	vld.idx.msk [tilespmem:v17+s15+$0x0], $0xffff  }
0x3af: {  	v17 =	vor.u32 v1, v23;
	v1 =	vld [tilespmem:$0x1FDC0];
	_ =	sdelay $0x2  }
0x3b0: {  	v4 =	vor.u32 s26, v3;
	_ =	sdelay $0x1  }
0x3b1: {  	v37 =	vor.u32 v1, v21;
	v1 =	vld [tilespmem:$0x1FDE0];
	_ =	sdelay $0x2  }
0x3b2: {  	v12 =	vor.u32 s25, v3;
	[tilespmem:v4+s17+$0x0] =	vst.idx.msk $0xffff, v0  }
0x3b3: {  	v0 =	vld.idx.msk [tilespmem:v6+s15+$0x0], $0xffff  }
0x3b4: {  	v6 =	vor.u32 v1, v52;
	v1 =	vld [tilespmem:$0x1FDE0];
	_ =	sdelay $0x2  }
0x3b5: {  	v16 =	vor.u32 s30, v3;
	[tilespmem:v12+s17+$0x0] =	vst.idx.msk $0xffff, v10  }
0x3b6: {  	v10 =	vld.idx.msk [tilespmem:v14+s15+$0x0], $0xffff  }
0x3b7: {  	v14 =	vor.u32 v1, v27;
	v1 =	vld [tilespmem:$0x1FDE0];
	_ =	sdelay $0x2  }
0x3b8: {  	[tilespmem:v16+s17+$0x0] =	vst.idx.msk $0xffff, v15  }
0x3b9: {  	v15 =	vld.idx.msk [tilespmem:v17+s15+$0x0], $0xffff  }
0x3ba: {  	v17 =	vor.u32 v1, v23;
	v1 =	vld [tilespmem:$0x1FDE0];
	_ =	sdelay $0x4  }
0x3bb: {  	v4 =	vor.u32 s26, v24;
	v38 =	vor.u32 v1, v21;
	v1 =	vld [tilespmem:$0x1FDF0];
	_ =	sdelay $0x4  }
0x3bc: {  	[tilespmem:v4+s17+$0x0] =	vst.idx.msk $0xffff, v0;
	v4 =	vor.u32 s26, v1;
	v1 =	vld [tilespmem:$0x1FE00];
	_ =	sdelay $0x3  }
0x3bd: {  	v0 =	vld.idx.msk [tilespmem:v6+s15+$0x0], $0xffff  }
0x3be: {  	v12 =	vor.u32 s25, v24;
	v6 =	vor.u32 v1, v52;
	v1 =	vld [tilespmem:$0x1FDF0];
	_ =	sdelay $0x4  }
0x3bf: {  	[tilespmem:v12+s17+$0x0] =	vst.idx.msk $0xffff, v10;
	v12 =	vor.u32 s25, v1;
	v1 =	vld [tilespmem:$0x1FE00]  }
0x3c0: {  	v18 =	vld.idx.msk [tilespmem:v33+s15+$0x0], $0xffff;
	_ =	sdelay $0x2  }
0x3c1: {  	v10 =	vld.idx.msk [tilespmem:v14+s15+$0x0], $0xffff  }
0x3c2: {  	v16 =	vor.u32 s30, v24;
	v14 =	vor.u32 v1, v27;
	v1 =	vld [tilespmem:$0x1FDF0]  }
0x3c3: {  	[tilespmem:v25+s17+$0x0] =	vst.idx.msk $0xffff, v18  }
0x3c4: {  	v25 =	vor.u32 s31, v3;
	v18 =	vld.idx.msk [tilespmem:v34+s15+$0x0], $0xffff;
	_ =	sdelay $0x2  }
0x3c5: {  	[tilespmem:v16+s17+$0x0] =	vst.idx.msk $0xffff, v15;
	v16 =	vor.u32 s30, v1;
	v1 =	vld [tilespmem:$0x1FE00];
	_ =	sdelay $0x1  }
0x3c6: {  	[tilespmem:v25+s17+$0x0] =	vst.idx.msk $0xffff, v18  }
0x3c7: {  	v18 =	vld.idx.msk [tilespmem:v37+s15+$0x0], $0xffff  }
0x3c8: {  	v15 =	vld.idx.msk [tilespmem:v17+s15+$0x0], $0xffff  }
0x3c9: {  	v25 =	vor.u32 s31, v24;
	v17 =	vor.u32 v1, v23;
	v1 =	vld [tilespmem:$0x1FDF0];
	_ =	sdelay $0x4  }
0x3ca: {  	[tilespmem:v25+s17+$0x0] =	vst.idx.msk $0xffff, v18;
	v25 =	vor.u32 s31, v1;
	v1 =	vld [tilespmem:$0x1FE00];
	_ =	sdelay $0x4  }
0x3cb: {  	v39 =	vor.u32 v1, v21;
	v1 =	vld [tilespmem:$0x1FE20];
	_ =	sdelay $0x2  }
0x3cc: {  	[tilespmem:v4+s17+$0x0] =	vst.idx.msk $0xffff, v0  }
0x3cd: {  	v0 =	vld.idx.msk [tilespmem:v6+s15+$0x0], $0xffff  }
0x3ce: {  	v6 =	vor.u32 v1, v52;
	v1 =	vld [tilespmem:$0x1FE20];
	_ =	sdelay $0x2  }
0x3cf: {  	[tilespmem:v12+s17+$0x0] =	vst.idx.msk $0xffff, v10  }
0x3d0: {  	v10 =	vld.idx.msk [tilespmem:v14+s15+$0x0], $0xffff  }
0x3d1: {  	v14 =	vor.u32 v1, v27;
	v1 =	vld [tilespmem:$0x1FE20];
	_ =	sdelay $0x2  }
0x3d2: {  	[tilespmem:v16+s17+$0x0] =	vst.idx.msk $0xffff, v15  }
0x3d3: {  	v15 =	vld.idx.msk [tilespmem:v17+s15+$0x0], $0xffff  }
0x3d4: {  	v17 =	vor.u32 v1, v23;
	v1 =	vld [tilespmem:$0x1FE20];
	_ =	sdelay $0x4  }
0x3d5: {  	v4 =	vor.u32 s26, v36;
	v40 =	vor.u32 v1, v21;
	v1 =	vld [tilespmem:$0x1FE30];
	_ =	sdelay $0x4  }
0x3d6: {  	[tilespmem:v4+s17+$0x0] =	vst.idx.msk $0xffff, v0;
	v4 =	vor.u32 s26, v1;
	v1 =	vld [tilespmem:$0x1FFA0];
	_ =	sdelay $0x3  }
0x3d7: {  	v0 =	vld.idx.msk [tilespmem:v6+s15+$0x0], $0xffff  }
0x3d8: {  	v12 =	vor.u32 s25, v36;
	v6 =	vor.u32 v1, v52;
	v1 =	vld [tilespmem:$0x1FE30];
	_ =	sdelay $0x4  }
0x3d9: {  	[tilespmem:v12+s17+$0x0] =	vst.idx.msk $0xffff, v10;
	v12 =	vor.u32 s25, v1;
	v1 =	vld [tilespmem:$0x1FFA0];
	_ =	sdelay $0x3  }
0x3da: {  	v10 =	vld.idx.msk [tilespmem:v14+s15+$0x0], $0xffff  }
0x3db: {  	v16 =	vor.u32 s30, v36;
	v14 =	vor.u32 v1, v27;
	v1 =	vld [tilespmem:$0x1FE30];
	_ =	sdelay $0x1  }
0x3dc: {  	v18 =	vld.idx.msk [tilespmem:v38+s15+$0x0], $0xffff;
	_ =	sdelay $0x2  }
0x3dd: {  	[tilespmem:v16+s17+$0x0] =	vst.idx.msk $0xffff, v15;
	v16 =	vor.u32 s30, v1;
	v1 =	vld [tilespmem:$0x1FFA0];
	_ =	sdelay $0x1  }
0x3de: {  	[tilespmem:v25+s17+$0x0] =	vst.idx.msk $0xffff, v18  }
0x3df: {  	v18 =	vld.idx.msk [tilespmem:v39+s15+$0x0], $0xffff  }
0x3e0: {  	v15 =	vld.idx.msk [tilespmem:v17+s15+$0x0], $0xffff  }
0x3e1: {  	v25 =	vor.u32 s31, v36;
	v17 =	vor.u32 v1, v23;
	v1 =	vld [tilespmem:$0x1FE30];
	_ =	sdelay $0x4  }
0x3e2: {  	[tilespmem:v25+s17+$0x0] =	vst.idx.msk $0xffff, v18;
	v25 =	vor.u32 s31, v1;
	v1 =	vld [tilespmem:$0x1FFA0];
	_ =	sdelay $0x4  }
0x3e3: {  	v54 =	vor.u32 v1, v21;
	v1 =	vld [tilespmem:$0x1FDA0];
	_ =	sdelay $0x3  }
0x3e4: {  	s25 =	sor.u32 $0x1040, s24  }
0x3e5: {  	[tilespmem:v4+s17+$0x0] =	vst.idx.msk $0xffff, v0;
	v4 =	vor.u32 s25, v1;
	v1 =	vld [tilespmem:$0x1FFB0];
	_ =	sdelay $0x3  }
0x3e6: {  	v0 =	vld.idx.msk [tilespmem:v6+s15+$0x0], $0xffff  }
0x3e7: {  	v6 =	vor.u32 v1, v52;
	v1 =	vld [tilespmem:$0x1FDA0];
	_ =	sdelay $0x3  }
0x3e8: {  	s26 =	sor.u32 $0x1050, s24  }
0x3e9: {  	[tilespmem:v12+s17+$0x0] =	vst.idx.msk $0xffff, v10;
	v12 =	vor.u32 s26, v1;
	v1 =	vld [tilespmem:$0x1FFB0];
	_ =	sdelay $0x3  }
0x3ea: {  	v10 =	vld.idx.msk [tilespmem:v14+s15+$0x0], $0xffff  }
0x3eb: {  	v14 =	vor.u32 v1, v27;
	v1 =	vld [tilespmem:$0x1FDA0];
	_ =	sdelay $0x3  }
0x3ec: {  	s30 =	sor.u32 $0x1060, s24  }
0x3ed: {  	[tilespmem:v16+s17+$0x0] =	vst.idx.msk $0xffff, v15;
	v16 =	vor.u32 s30, v1;
	v1 =	vld [tilespmem:$0x1FFB0];
	_ =	sdelay $0x2  }
0x3ee: {  	v18 =	vld.idx.msk [tilespmem:v40+s15+$0x0], $0xffff  }
0x3ef: {  	v15 =	vld.idx.msk [tilespmem:v17+s15+$0x0], $0xffff  }
0x3f0: {  	v17 =	vor.u32 v1, v23;
	v1 =	vld [tilespmem:$0x1FDA0];
	_ =	sdelay $0x3  }
0x3f1: {  	s31 =	sor.u32 $0x1070, s24  }
0x3f2: {  	[tilespmem:v25+s17+$0x0] =	vst.idx.msk $0xffff, v18;
	v25 =	vor.u32 s31, v1;
	v1 =	vld [tilespmem:$0x1FFB0];
	_ =	sdelay $0x3  }
0x3f3: {  	v5 =	vld [tilespmem:$0x1FD60]  }
0x3f4: {  	v55 =	vor.u32 v1, v21;
	v1 =	vld [tilespmem:$0x1FFC0]  }
0x3f5: {  	v18 =	vld.idx.msk [tilespmem:v54+s15+$0x0], $0xffff  }
0x3f6: {  	[tilespmem:v4+s17+$0x0] =	vst.idx.msk $0xffff, v0;
	v4 =	vld [tilespmem:$0x1FD60]  }
0x3f7: {  	v0 =	vld.idx.msk [tilespmem:v6+s15+$0x0], $0xffff;
	[tilespmem:v12+s17+$0x0] =	vst.idx.msk $0xffff, v10  }
0x3f8: {  	v10 =	vld.idx.msk [tilespmem:v14+s15+$0x0], $0xffff;
	[tilespmem:v16+s17+$0x0] =	vst.idx.msk $0xffff, v15  }
0x3f9: {  	v6 =	vor.u32 v1, v52;
	v1 =	vld [tilespmem:$0x1FFC0]  }
0x3fa: {  	v12 =	vor.u32 s26, v5;
	v5 =	vld [tilespmem:$0x1FD60];
	_ =	sdelay $0x3  }
0x3fb: {  	v14 =	vor.u32 v1, v27;
	v1 =	vld [tilespmem:$0x1FFC0]  }
0x3fc: {  	v16 =	vor.u32 s30, v5;
	v5 =	vld [tilespmem:$0x1FD60];
	_ =	sdelay $0x2  }
0x3fd: {  	v4 =	vor.u32 s25, v4;
	v15 =	vld.idx.msk [tilespmem:v17+s15+$0x0], $0xffff  }
0x3fe: {  	v17 =	vor.u32 v1, v23;
	v1 =	vld [tilespmem:$0x1FFC0]  }
0x3ff: {  	[tilespmem:v25+s17+$0x0] =	vst.idx.msk $0xffff, v18;
	v25 =	vor.u32 s31, v5;
	v5 =	vld [tilespmem:$0x1FD70];
	_ =	sdelay $0x2  }
0x400: {  	[tilespmem:v4+s17+$0x0] =	vst.idx.msk $0xffff, v0;
	v4 =	vld [tilespmem:$0x1FD70]  }
0x401: {  	v56 =	vor.u32 v1, v21;
	v1 =	vld [tilespmem:$0x1F920]  }
0x402: {  	[tilespmem:v12+s17+$0x0] =	vst.idx.msk $0xffff, v10;
	v12 =	vor.u32 s26, v5;
	v5 =	vld [tilespmem:$0x1FD70];
	_ =	sdelay $0x1  }
0x403: {  	v0 =	vld.idx.msk [tilespmem:v6+s15+$0x0], $0xffff  }
0x404: {  	v4 =	vor.u32 s25, v4;
	v10 =	vld.idx.msk [tilespmem:v14+s15+$0x0], $0xffff;
	[tilespmem:v16+s17+$0x0] =	vst.idx.msk $0xffff, v15  }
0x405: {  	v15 =	vld.idx.msk [tilespmem:v17+s15+$0x0], $0xffff;
	v6 =	vor.u32 v1, v52;
	v14 =	vor.u32 v1, v27  }
0x406: {  	v16 =	vor.u32 s30, v5;
	v17 =	vor.u32 v1, v23;
	v58 =	vor.u32 v1, v21;
	v1 =	vld [tilespmem:$0x1F930];
	_ =	sdelay $0x2  }
0x407: {  	[tilespmem:v4+s17+$0x0] =	vst.idx.msk $0xffff, v0  }
0x408: {  	v4 =	vor.u32 s25, v26;
	[tilespmem:v12+s17+$0x0] =	vst.idx.msk $0xffff, v10;
	v0 =	vld.idx.msk [tilespmem:v6+s15+$0x0], $0xffff  }
0x409: {  	v12 =	vor.u32 s26, v26;
	v6 =	vor.u32 v1, v52;
	v10 =	vld.idx.msk [tilespmem:v14+s15+$0x0], $0xffff;
	[tilespmem:v16+s17+$0x0] =	vst.idx.msk $0xffff, v15  }
0x40a: {  	v14 =	vor.u32 v1, v27;
	v16 =	vor.u32 s30, v26;
	v15 =	vld.idx.msk [tilespmem:v17+s15+$0x0], $0xffff  }
0x40b: {  	v59 =	vor.u32 v1, v21;
	v17 =	vor.u32 v1, v23;
	v1 =	vld [tilespmem:$0x1F940]  }
0x40c: {  	v18 =	vld.idx.msk [tilespmem:v55+s15+$0x0], $0xffff  }
0x40d: {  	v5 =	vld [tilespmem:$0x1FD70];
	[tilespmem:v4+s17+$0x0] =	vst.idx.msk $0xffff, v0  }
0x40e: {  	[tilespmem:v12+s17+$0x0] =	vst.idx.msk $0xffff, v10;
	v0 =	vld.idx.msk [tilespmem:v6+s15+$0x0], $0xffff  }
0x40f: {  	v4 =	vor.u32 s25, v28;
	v10 =	vld.idx.msk [tilespmem:v14+s15+$0x0], $0xffff;
	[tilespmem:v16+s17+$0x0] =	vst.idx.msk $0xffff, v15  }
0x410: {  	v12 =	vor.u32 s26, v28;
	v6 =	vor.u32 v1, v52;
	v14 =	vor.u32 v1, v27;
	v15 =	vld.idx.msk [tilespmem:v17+s15+$0x0], $0xffff  }
0x411: {  	v16 =	vor.u32 s30, v28;
	v60 =	vor.u32 v1, v21;
	v17 =	vor.u32 v1, v23;
	v1 =	vld [tilespmem:$0x1F950];
	_ =	sdelay $0x1  }
0x412: {  	[tilespmem:v25+s17+$0x0] =	vst.idx.msk $0xffff, v18  }
0x413: {  	v18 =	vld.idx.msk [tilespmem:v56+s15+$0x0], $0xffff;
	v25 =	vor.u32 s31, v5;
	[tilespmem:v4+s17+$0x0] =	vst.idx.msk $0xffff, v0  }
0x414: {  	v4 =	vor.u32 s25, v30;
	[tilespmem:v12+s17+$0x0] =	vst.idx.msk $0xffff, v10;
	v0 =	vld.idx.msk [tilespmem:v6+s15+$0x0], $0xffff  }
0x415: {  	v12 =	vor.u32 s26, v30;
	v6 =	vor.u32 v1, v52;
	v10 =	vld.idx.msk [tilespmem:v14+s15+$0x0], $0xffff;
	[tilespmem:v16+s17+$0x0] =	vst.idx.msk $0xffff, v15  }
0x416: {  	v14 =	vor.u32 v1, v27;
	v16 =	vor.u32 s30, v30;
	v15 =	vld.idx.msk [tilespmem:v17+s15+$0x0], $0xffff  }
0x417: {  	v61 =	vor.u32 v1, v21;
	v17 =	vor.u32 v1, v23;
	v1 =	vld [tilespmem:$0x1F960]  }
0x418: {  	[tilespmem:v25+s17+$0x0] =	vst.idx.msk $0xffff, v18  }
0x419: {  	v25 =	vor.u32 s31, v26;
	v18 =	vld.idx.msk [tilespmem:v58+s15+$0x0], $0xffff;
	[tilespmem:v4+s17+$0x0] =	vst.idx.msk $0xffff, v0  }
0x41a: {  	[tilespmem:v12+s17+$0x0] =	vst.idx.msk $0xffff, v10;
	v0 =	vld.idx.msk [tilespmem:v6+s15+$0x0], $0xffff  }
0x41b: {  	v10 =	vld.idx.msk [tilespmem:v14+s15+$0x0], $0xffff;
	[tilespmem:v16+s17+$0x0] =	vst.idx.msk $0xffff, v15  }
0x41c: {  	v4 =	vor.u32 s25, v22;
	v6 =	vor.u32 v1, v52;
	v15 =	vld.idx.msk [tilespmem:v17+s15+$0x0], $0xffff  }
0x41d: {  	v14 =	vor.u32 v1, v27;
	v32 =	vor.u32 v1, v21;
	v17 =	vor.u32 v1, v23;
	v1 =	vld [tilespmem:$0x1FE10]  }
0x41e: {  	[tilespmem:v25+s17+$0x0] =	vst.idx.msk $0xffff, v18  }
0x41f: {  	v25 =	vor.u32 s31, v28;
	v18 =	vld.idx.msk [tilespmem:v59+s15+$0x0], $0xffff;
	_ =	sdelay $0x2  }
0x420: {  	v12 =	vor.u32 s26, v22;
	[tilespmem:v4+s17+$0x0] =	vst.idx.msk $0xffff, v0;
	v4 =	vor.u32 s25, v1;
	v1 =	vld [tilespmem:$0x1FE10];
	_ =	sdelay $0x1  }
0x421: {  	[tilespmem:v25+s17+$0x0] =	vst.idx.msk $0xffff, v18  }
0x422: {  	v25 =	vor.u32 s31, v30;
	v18 =	vld.idx.msk [tilespmem:v60+s15+$0x0], $0xffff;
	_ =	sdelay $0x1  }
0x423: {  	v16 =	vor.u32 s30, v22;
	[tilespmem:v12+s17+$0x0] =	vst.idx.msk $0xffff, v10;
	v12 =	vor.u32 s26, v1;
	v1 =	vld [tilespmem:$0x1FE10];
	_ =	sdelay $0x2  }
0x424: {  	v5 =	vld [tilespmem:$0x1F970];
	[tilespmem:v25+s17+$0x0] =	vst.idx.msk $0xffff, v18  }
0x425: {  	v18 =	vld.idx.msk [tilespmem:v61+s15+$0x0], $0xffff  }
0x426: {  	v25 =	vor.u32 s31, v22;
	[tilespmem:v16+s17+$0x0] =	vst.idx.msk $0xffff, v15;
	v16 =	vor.u32 s30, v1;
	v1 =	vld [tilespmem:$0x1FE10];
	_ =	sdelay $0x1  }
0x427: {  	v0 =	vld.idx.msk [tilespmem:v6+s15+$0x0], $0xffff  }
0x428: {  	v10 =	vld.idx.msk [tilespmem:v14+s15+$0x0], $0xffff  }
0x429: {  	v6 =	vor.u32 v5, v52;
	v15 =	vld.idx.msk [tilespmem:v17+s15+$0x0], $0xffff  }
0x42a: {  	v14 =	vor.u32 v5, v27;
	[tilespmem:v25+s17+$0x0] =	vst.idx.msk $0xffff, v18;
	v25 =	vor.u32 s31, v1;
	v1 =	vld [tilespmem:$0x1F980]  }
0x42b: {  	v17 =	vor.u32 v5, v23;
	_ =	sdelay $0x1  }
0x42c: {  	[tilespmem:v4+s17+$0x0] =	vst.idx.msk $0xffff, v0  }
0x42d: {  	v4 =	vor.u32 s25, v13;
	v0 =	vld.idx.msk [tilespmem:v6+s15+$0x0], $0xffff;
	[tilespmem:v12+s17+$0x0] =	vst.idx.msk $0xffff, v10  }
0x42e: {  	v12 =	vor.u32 s26, v13;
	v10 =	vld.idx.msk [tilespmem:v14+s15+$0x0], $0xffff;
	[tilespmem:v16+s17+$0x0] =	vst.idx.msk $0xffff, v15;
	v6 =	vor.u32 v1, v52  }
0x42f: {  	v16 =	vor.u32 s30, v13;
	v15 =	vld.idx.msk [tilespmem:v17+s15+$0x0], $0xffff;
	v14 =	vor.u32 v1, v27  }
0x430: {  	v17 =	vor.u32 v1, v23;
	v34 =	vor.u32 v1, v21;
	v1 =	vld [tilespmem:$0x1F990];
	_ =	sdelay $0x1  }
0x431: {  	[tilespmem:v4+s17+$0x0] =	vst.idx.msk $0xffff, v0  }
0x432: {  	[tilespmem:v12+s17+$0x0] =	vst.idx.msk $0xffff, v10;
	v0 =	vld.idx.msk [tilespmem:v6+s15+$0x0], $0xffff  }
0x433: {  	[tilespmem:v16+s17+$0x0] =	vst.idx.msk $0xffff, v15;
	v10 =	vld.idx.msk [tilespmem:v14+s15+$0x0], $0xffff  }
0x434: {  	v4 =	vor.u32 s25, v19;
	v6 =	vor.u32 v1, v52;
	v15 =	vld.idx.msk [tilespmem:v17+s15+$0x0], $0xffff  }
0x435: {  	v14 =	vor.u32 v1, v27;
	v17 =	vor.u32 v1, v23;
	v37 =	vor.u32 v1, v21;
	v1 =	vld [tilespmem:$0x1FDD0];
	_ =	sdelay $0x1  }
0x436: {  	v18 =	vld.idx.msk [tilespmem:v32+s15+$0x0], $0xffff  }
0x437: {  	v33 =	vor.u32 v5, v21;
	_ =	sdelay $0x1  }
0x438: {  	v12 =	vor.u32 s26, v19;
	[tilespmem:v4+s17+$0x0] =	vst.idx.msk $0xffff, v0;
	v4 =	vor.u32 s25, v1;
	v1 =	vld [tilespmem:$0x1FDD0];
	_ =	sdelay $0x1  }
0x439: {  	[tilespmem:v25+s17+$0x0] =	vst.idx.msk $0xffff, v18  }
0x43a: {  	v25 =	vor.u32 s31, v13;
	v18 =	vld.idx.msk [tilespmem:v33+s15+$0x0], $0xffff;
	_ =	sdelay $0x1  }
0x43b: {  	v16 =	vor.u32 s30, v19;
	[tilespmem:v12+s17+$0x0] =	vst.idx.msk $0xffff, v10;
	v12 =	vor.u32 s26, v1;
	v1 =	vld [tilespmem:$0x1FDD0];
	_ =	sdelay $0x2  }
0x43c: {  	v5 =	vld [tilespmem:$0x1F9A0];
	[tilespmem:v25+s17+$0x0] =	vst.idx.msk $0xffff, v18  }
0x43d: {  	v18 =	vld.idx.msk [tilespmem:v34+s15+$0x0], $0xffff  }
0x43e: {  	v25 =	vor.u32 s31, v19;
	[tilespmem:v16+s17+$0x0] =	vst.idx.msk $0xffff, v15;
	v16 =	vor.u32 s30, v1;
	v1 =	vld [tilespmem:$0x1FDD0];
	_ =	sdelay $0x1  }
0x43f: {  	v0 =	vld.idx.msk [tilespmem:v6+s15+$0x0], $0xffff  }
0x440: {  	v10 =	vld.idx.msk [tilespmem:v14+s15+$0x0], $0xffff  }
0x441: {  	v6 =	vor.u32 v5, v52;
	v15 =	vld.idx.msk [tilespmem:v17+s15+$0x0], $0xffff  }
0x442: {  	v14 =	vor.u32 v5, v27;
	[tilespmem:v25+s17+$0x0] =	vst.idx.msk $0xffff, v18;
	v25 =	vor.u32 s31, v1;
	v1 =	vld [tilespmem:$0x1F9B0]  }
0x443: {  	v17 =	vor.u32 v5, v23;
	_ =	sdelay $0x1  }
0x444: {  	[tilespmem:v4+s17+$0x0] =	vst.idx.msk $0xffff, v0  }
0x445: {  	v4 =	vor.u32 s25, v3;
	v0 =	vld.idx.msk [tilespmem:v6+s15+$0x0], $0xffff;
	[tilespmem:v12+s17+$0x0] =	vst.idx.msk $0xffff, v10  }
0x446: {  	v12 =	vor.u32 s26, v3;
	v10 =	vld.idx.msk [tilespmem:v14+s15+$0x0], $0xffff;
	[tilespmem:v16+s17+$0x0] =	vst.idx.msk $0xffff, v15;
	v6 =	vor.u32 v1, v52  }
0x447: {  	v16 =	vor.u32 s30, v3;
	v15 =	vld.idx.msk [tilespmem:v17+s15+$0x0], $0xffff;
	v14 =	vor.u32 v1, v27  }
0x448: {  	v17 =	vor.u32 v1, v23;
	v39 =	vor.u32 v1, v21;
	v1 =	vld [tilespmem:$0x1F9C0];
	_ =	sdelay $0x1  }
0x449: {  	[tilespmem:v4+s17+$0x0] =	vst.idx.msk $0xffff, v0  }
0x44a: {  	[tilespmem:v12+s17+$0x0] =	vst.idx.msk $0xffff, v10;
	v0 =	vld.idx.msk [tilespmem:v6+s15+$0x0], $0xffff  }
0x44b: {  	[tilespmem:v16+s17+$0x0] =	vst.idx.msk $0xffff, v15;
	v10 =	vld.idx.msk [tilespmem:v14+s15+$0x0], $0xffff  }
0x44c: {  	v4 =	vor.u32 s25, v24;
	v6 =	vor.u32 v1, v52;
	v15 =	vld.idx.msk [tilespmem:v17+s15+$0x0], $0xffff  }
0x44d: {  	v14 =	vor.u32 v1, v27;
	v17 =	vor.u32 v1, v23;
	v40 =	vor.u32 v1, v21;
	v1 =	vld [tilespmem:$0x1FDF0];
	_ =	sdelay $0x1  }
0x44e: {  	v18 =	vld.idx.msk [tilespmem:v37+s15+$0x0], $0xffff  }
0x44f: {  	v38 =	vor.u32 v5, v21;
	_ =	sdelay $0x1  }
0x450: {  	v12 =	vor.u32 s26, v24;
	[tilespmem:v4+s17+$0x0] =	vst.idx.msk $0xffff, v0;
	v4 =	vor.u32 s25, v1;
	v1 =	vld [tilespmem:$0x1FDF0];
	_ =	sdelay $0x1  }
0x451: {  	[tilespmem:v25+s17+$0x0] =	vst.idx.msk $0xffff, v18  }
0x452: {  	v25 =	vor.u32 s31, v3;
	v18 =	vld.idx.msk [tilespmem:v38+s15+$0x0], $0xffff  }
0x453: {  	v5 =	vld [tilespmem:$0x1F9D0]  }
0x454: {  	v16 =	vor.u32 s30, v24;
	[tilespmem:v12+s17+$0x0] =	vst.idx.msk $0xffff, v10;
	v12 =	vor.u32 s26, v1;
	v1 =	vld [tilespmem:$0x1FDF0];
	_ =	sdelay $0x2  }
0x455: {  	[tilespmem:v25+s17+$0x0] =	vst.idx.msk $0xffff, v18;
	v0 =	vld.idx.msk [tilespmem:v6+s15+$0x0], $0xffff  }
0x456: {  	v18 =	vld.idx.msk [tilespmem:v39+s15+$0x0], $0xffff;
	v6 =	vor.u32 v5, v52  }
0x457: {  	v25 =	vor.u32 s31, v24;
	[tilespmem:v16+s17+$0x0] =	vst.idx.msk $0xffff, v15;
	v16 =	vor.u32 s30, v1;
	v1 =	vld [tilespmem:$0x1FDF0];
	_ =	sdelay $0x2  }
0x458: {  	v10 =	vld.idx.msk [tilespmem:v14+s15+$0x0], $0xffff;
	[tilespmem:v4+s17+$0x0] =	vst.idx.msk $0xffff, v0  }
0x459: {  	v14 =	vor.u32 v5, v27;
	v0 =	vld.idx.msk [tilespmem:v6+s15+$0x0], $0xffff  }
0x45a: {  	[tilespmem:v25+s17+$0x0] =	vst.idx.msk $0xffff, v18;
	v4 =	vor.u32 s25, v36;
	v25 =	vor.u32 s31, v1;
	v1 =	vld [tilespmem:$0x1FE30];
	_ =	sdelay $0x2  }
0x45b: {  	v15 =	vld.idx.msk [tilespmem:v17+s15+$0x0], $0xffff;
	[tilespmem:v12+s17+$0x0] =	vst.idx.msk $0xffff, v10  }
0x45c: {  	v17 =	vor.u32 v5, v23;
	v10 =	vld.idx.msk [tilespmem:v14+s15+$0x0], $0xffff  }
0x45d: {  	v12 =	vor.u32 s26, v36;
	[tilespmem:v4+s17+$0x0] =	vst.idx.msk $0xffff, v0;
	v4 =	vor.u32 s25, v1;
	v1 =	vld [tilespmem:$0x1FE30];
	_ =	sdelay $0x1  }
0x45e: {  	v54 =	vor.u32 v5, v21;
	v5 =	vld [tilespmem:$0x1F9E0]  }
0x45f: {  	v18 =	vld.idx.msk [tilespmem:v40+s15+$0x0], $0xffff;
	[tilespmem:v16+s17+$0x0] =	vst.idx.msk $0xffff, v15  }
0x460: {  	v15 =	vld.idx.msk [tilespmem:v17+s15+$0x0], $0xffff  }
0x461: {  	v16 =	vor.u32 s30, v36;
	[tilespmem:v12+s17+$0x0] =	vst.idx.msk $0xffff, v10;
	v12 =	vor.u32 s26, v1;
	v1 =	vld [tilespmem:$0x1FE30];
	_ =	sdelay $0x2  }
0x462: {  	[tilespmem:v25+s17+$0x0] =	vst.idx.msk $0xffff, v18  }
0x463: {  	v6 =	vor.u32 v5, v52;
	v18 =	vld.idx.msk [tilespmem:v54+s15+$0x0], $0xffff  }
0x464: {  	v25 =	vor.u32 s31, v36;
	[tilespmem:v16+s17+$0x0] =	vst.idx.msk $0xffff, v15;
	v16 =	vor.u32 s30, v1;
	v1 =	vld [tilespmem:$0x1FE30];
	_ =	sdelay $0x1  }
0x465: {  	v55 =	vor.u32 v5, v21;
	v14 =	vor.u32 v5, v27;
	v17 =	vor.u32 v5, v23;
	v5 =	vld [tilespmem:$0x1F9F0];
	_ =	sdelay $0x1  }
0x466: {  	v0 =	vld.idx.msk [tilespmem:v6+s15+$0x0], $0xffff  }
0x467: {  	[tilespmem:v25+s17+$0x0] =	vst.idx.msk $0xffff, v18;
	v25 =	vor.u32 s31, v1;
	v1 =	vld [tilespmem:$0x1FDA0];
	_ =	sdelay $0x1  }
0x468: {  	v10 =	vld.idx.msk [tilespmem:v14+s15+$0x0], $0xffff;
	v6 =	vor.u32 v5, v52  }
0x469: {  	v14 =	vor.u32 v5, v27;
	v15 =	vld.idx.msk [tilespmem:v17+s15+$0x0], $0xffff  }
0x46a: {  	v56 =	vor.u32 v5, v21;
	v17 =	vor.u32 v5, v23;
	v5 =	vld [tilespmem:$0x1FA00];
	s26 =	sor.u32 $0x2040, s24  }
0x46b: {  	[tilespmem:v4+s17+$0x0] =	vst.idx.msk $0xffff, v0;
	v4 =	vor.u32 s26, v1;
	v1 =	vld [tilespmem:$0x1FDA0];
	_ =	sdelay $0x1  }
0x46c: {  	v0 =	vld.idx.msk [tilespmem:v6+s15+$0x0], $0xffff;
	[tilespmem:v12+s17+$0x0] =	vst.idx.msk $0xffff, v10  }
0x46d: {  	v10 =	vld.idx.msk [tilespmem:v14+s15+$0x0], $0xffff;
	[tilespmem:v16+s17+$0x0] =	vst.idx.msk $0xffff, v15  }
0x46e: {  	s25 =	sor.u32 $0x2050, s24;
	v15 =	vld.idx.msk [tilespmem:v17+s15+$0x0], $0xffff  }
0x46f: {  	v6 =	vor.u32 v5, v52;
	v12 =	vor.u32 s25, v1;
	v1 =	vld [tilespmem:$0x1FDA0]  }
0x470: {  	v58 =	vor.u32 v5, v21;
	v14 =	vor.u32 v5, v27;
	v17 =	vor.u32 v5, v23;
	v5 =	vld [tilespmem:$0x1FD60];
	_ =	sdelay $0x2  }
0x471: {  	v18 =	vld.idx.msk [tilespmem:v55+s15+$0x0], $0xffff;
	s30 =	sor.u32 $0x2060, s24  }
0x472: {  	v16 =	vor.u32 s30, v1;
	v1 =	vld [tilespmem:$0x1FDA0]  }
0x473: {  	[tilespmem:v12+s17+$0x0] =	vst.idx.msk $0xffff, v10;
	v12 =	vor.u32 s25, v5;
	v5 =	vld [tilespmem:$0x1FD60];
	_ =	sdelay $0x1  }
0x474: {  	[tilespmem:v4+s17+$0x0] =	vst.idx.msk $0xffff, v0;
	v4 =	vld [tilespmem:$0x1FD60]  }
0x475: {  	[tilespmem:v25+s17+$0x0] =	vst.idx.msk $0xffff, v18  }
0x476: {  	s31 =	sor.u32 $0x2070, s24;
	v18 =	vld.idx.msk [tilespmem:v56+s15+$0x0], $0xffff  }
0x477: {  	v25 =	vor.u32 s31, v1;
	[tilespmem:v16+s17+$0x0] =	vst.idx.msk $0xffff, v15;
	v16 =	vor.u32 s30, v5;
	v5 =	vld [tilespmem:$0x1FD60]  }
0x478: {  	v0 =	vld.idx.msk [tilespmem:v6+s15+$0x0], $0xffff  }
0x479: {  	v4 =	vor.u32 s26, v4;
	v1 =	vld [tilespmem:$0x1FA10];
	_ =	sdelay $0x1  }
0x47a: {  	v10 =	vld.idx.msk [tilespmem:v14+s15+$0x0], $0xffff  }
0x47b: {  	[tilespmem:v25+s17+$0x0] =	vst.idx.msk $0xffff, v18;
	v25 =	vor.u32 s31, v5;
	v5 =	vld [tilespmem:$0x1FD70];
	_ =	sdelay $0x1  }
0x47c: {  	[tilespmem:v4+s17+$0x0] =	vst.idx.msk $0xffff, v0;
	v4 =	vld [tilespmem:$0x1FD70];
	v6 =	vor.u32 v1, v52  }
0x47d: {  	v15 =	vld.idx.msk [tilespmem:v17+s15+$0x0], $0xffff;
	v14 =	vor.u32 v1, v27  }
0x47e: {  	v17 =	vor.u32 v1, v23;
	v59 =	vor.u32 v1, v21;
	v1 =	vld [tilespmem:$0x1FA20]  }
0x47f: {  	[tilespmem:v12+s17+$0x0] =	vst.idx.msk $0xffff, v10;
	v12 =	vor.u32 s25, v5;
	v5 =	vld [tilespmem:$0x1FD70];
	_ =	sdelay $0x1  }
0x480: {  	v0 =	vld.idx.msk [tilespmem:v6+s15+$0x0], $0xffff  }
0x481: {  	v4 =	vor.u32 s26, v4;
	[tilespmem:v16+s17+$0x0] =	vst.idx.msk $0xffff, v15;
	v10 =	vld.idx.msk [tilespmem:v14+s15+$0x0], $0xffff  }
0x482: {  	v6 =	vor.u32 v1, v52;
	v14 =	vor.u32 v1, v27;
	v15 =	vld.idx.msk [tilespmem:v17+s15+$0x0], $0xffff  }
0x483: {  	v17 =	vor.u32 v1, v23;
	v60 =	vor.u32 v1, v21;
	v1 =	vld [tilespmem:$0x1FA30];
	v16 =	vor.u32 s30, v5;
	_ =	sdelay $0x2  }
0x484: {  	[tilespmem:v4+s17+$0x0] =	vst.idx.msk $0xffff, v0  }
0x485: {  	v4 =	vor.u32 s26, v26;
	[tilespmem:v12+s17+$0x0] =	vst.idx.msk $0xffff, v10;
	v0 =	vld.idx.msk [tilespmem:v6+s15+$0x0], $0xffff  }
0x486: {  	v12 =	vor.u32 s25, v26;
	v6 =	vor.u32 v1, v52;
	v10 =	vld.idx.msk [tilespmem:v14+s15+$0x0], $0xffff;
	[tilespmem:v16+s17+$0x0] =	vst.idx.msk $0xffff, v15  }
0x487: {  	v14 =	vor.u32 v1, v27;
	v16 =	vor.u32 s30, v26;
	v15 =	vld.idx.msk [tilespmem:v17+s15+$0x0], $0xffff  }
0x488: {  	v61 =	vor.u32 v1, v21;
	v17 =	vor.u32 v1, v23;
	v1 =	vld [tilespmem:$0x1FA40]  }
0x489: {  	v18 =	vld.idx.msk [tilespmem:v58+s15+$0x0], $0xffff  }
0x48a: {  	v5 =	vld [tilespmem:$0x1FD70];
	[tilespmem:v4+s17+$0x0] =	vst.idx.msk $0xffff, v0  }
0x48b: {  	[tilespmem:v12+s17+$0x0] =	vst.idx.msk $0xffff, v10;
	v0 =	vld.idx.msk [tilespmem:v6+s15+$0x0], $0xffff  }
0x48c: {  	v4 =	vor.u32 s26, v28;
	v10 =	vld.idx.msk [tilespmem:v14+s15+$0x0], $0xffff;
	[tilespmem:v16+s17+$0x0] =	vst.idx.msk $0xffff, v15  }
0x48d: {  	v12 =	vor.u32 s25, v28;
	v6 =	vor.u32 v1, v52;
	v14 =	vor.u32 v1, v27;
	v15 =	vld.idx.msk [tilespmem:v17+s15+$0x0], $0xffff  }
0x48e: {  	v16 =	vor.u32 s30, v28;
	v37 =	vor.u32 v1, v21;
	v17 =	vor.u32 v1, v23;
	v1 =	vld [tilespmem:$0x1FA50];
	_ =	sdelay $0x1  }
0x48f: {  	[tilespmem:v25+s17+$0x0] =	vst.idx.msk $0xffff, v18  }
0x490: {  	v18 =	vld.idx.msk [tilespmem:v59+s15+$0x0], $0xffff;
	v25 =	vor.u32 s31, v5;
	[tilespmem:v4+s17+$0x0] =	vst.idx.msk $0xffff, v0  }
0x491: {  	v4 =	vor.u32 s26, v30;
	[tilespmem:v12+s17+$0x0] =	vst.idx.msk $0xffff, v10;
	v0 =	vld.idx.msk [tilespmem:v6+s15+$0x0], $0xffff  }
0x492: {  	v12 =	vor.u32 s25, v30;
	v10 =	vld.idx.msk [tilespmem:v14+s15+$0x0], $0xffff;
	v6 =	vor.u32 v1, v52;
	[tilespmem:v16+s17+$0x0] =	vst.idx.msk $0xffff, v15  }
0x493: {  	v14 =	vor.u32 v1, v27;
	v16 =	vor.u32 s30, v30;
	v15 =	vld.idx.msk [tilespmem:v17+s15+$0x0], $0xffff  }
0x494: {  	v38 =	vor.u32 v1, v21;
	v17 =	vor.u32 v1, v23;
	v1 =	vld [tilespmem:$0x1FA60]  }
0x495: {  	[tilespmem:v25+s17+$0x0] =	vst.idx.msk $0xffff, v18  }
0x496: {  	v25 =	vor.u32 s31, v26;
	v18 =	vld.idx.msk [tilespmem:v60+s15+$0x0], $0xffff;
	[tilespmem:v4+s17+$0x0] =	vst.idx.msk $0xffff, v0  }
0x497: {  	[tilespmem:v12+s17+$0x0] =	vst.idx.msk $0xffff, v10;
	v0 =	vld.idx.msk [tilespmem:v6+s15+$0x0], $0xffff  }
0x498: {  	v10 =	vld.idx.msk [tilespmem:v14+s15+$0x0], $0xffff;
	[tilespmem:v16+s17+$0x0] =	vst.idx.msk $0xffff, v15  }
0x499: {  	v4 =	vor.u32 s26, v22;
	v6 =	vor.u32 v1, v52;
	v15 =	vld.idx.msk [tilespmem:v17+s15+$0x0], $0xffff  }
0x49a: {  	v14 =	vor.u32 v1, v27;
	v39 =	vor.u32 v1, v21;
	v17 =	vor.u32 v1, v23;
	v1 =	vld [tilespmem:$0x1FE10]  }
0x49b: {  	[tilespmem:v25+s17+$0x0] =	vst.idx.msk $0xffff, v18  }
0x49c: {  	v25 =	vor.u32 s31, v28;
	v18 =	vld.idx.msk [tilespmem:v61+s15+$0x0], $0xffff;
	_ =	sdelay $0x2  }
0x49d: {  	v12 =	vor.u32 s25, v22;
	[tilespmem:v4+s17+$0x0] =	vst.idx.msk $0xffff, v0;
	v4 =	vor.u32 s26, v1;
	v1 =	vld [tilespmem:$0x1FE10];
	_ =	sdelay $0x1  }
0x49e: {  	[tilespmem:v25+s17+$0x0] =	vst.idx.msk $0xffff, v18  }
0x49f: {  	v25 =	vor.u32 s31, v30;
	v18 =	vld.idx.msk [tilespmem:v37+s15+$0x0], $0xffff;
	_ =	sdelay $0x1  }
0x4a0: {  	v16 =	vor.u32 s30, v22;
	[tilespmem:v12+s17+$0x0] =	vst.idx.msk $0xffff, v10;
	v12 =	vor.u32 s25, v1;
	v1 =	vld [tilespmem:$0x1FE10];
	_ =	sdelay $0x2  }
0x4a1: {  	v5 =	vld [tilespmem:$0x1FA70];
	[tilespmem:v25+s17+$0x0] =	vst.idx.msk $0xffff, v18  }
0x4a2: {  	v18 =	vld.idx.msk [tilespmem:v38+s15+$0x0], $0xffff  }
0x4a3: {  	v25 =	vor.u32 s31, v22;
	[tilespmem:v16+s17+$0x0] =	vst.idx.msk $0xffff, v15;
	v16 =	vor.u32 s30, v1;
	v1 =	vld [tilespmem:$0x1FE10];
	_ =	sdelay $0x1  }
0x4a4: {  	v0 =	vld.idx.msk [tilespmem:v6+s15+$0x0], $0xffff  }
0x4a5: {  	v10 =	vld.idx.msk [tilespmem:v14+s15+$0x0], $0xffff  }
0x4a6: {  	v6 =	vor.u32 v5, v52;
	v15 =	vld.idx.msk [tilespmem:v17+s15+$0x0], $0xffff  }
0x4a7: {  	v14 =	vor.u32 v5, v27;
	[tilespmem:v25+s17+$0x0] =	vst.idx.msk $0xffff, v18;
	v25 =	vor.u32 s31, v1;
	v1 =	vld [tilespmem:$0x1FA80]  }
0x4a8: {  	v17 =	vor.u32 v5, v23;
	_ =	sdelay $0x1  }
0x4a9: {  	[tilespmem:v4+s17+$0x0] =	vst.idx.msk $0xffff, v0  }
0x4aa: {  	v4 =	vor.u32 s26, v13;
	v0 =	vld.idx.msk [tilespmem:v6+s15+$0x0], $0xffff;
	[tilespmem:v12+s17+$0x0] =	vst.idx.msk $0xffff, v10  }
0x4ab: {  	v12 =	vor.u32 s25, v13;
	v10 =	vld.idx.msk [tilespmem:v14+s15+$0x0], $0xffff;
	[tilespmem:v16+s17+$0x0] =	vst.idx.msk $0xffff, v15;
	v6 =	vor.u32 v1, v52  }
0x4ac: {  	v16 =	vor.u32 s30, v13;
	v15 =	vld.idx.msk [tilespmem:v17+s15+$0x0], $0xffff;
	v14 =	vor.u32 v1, v27  }
0x4ad: {  	v17 =	vor.u32 v1, v23;
	v47 =	vor.u32 v1, v21;
	v1 =	vld [tilespmem:$0x1FA90];
	_ =	sdelay $0x1  }
0x4ae: {  	[tilespmem:v4+s17+$0x0] =	vst.idx.msk $0xffff, v0  }
0x4af: {  	[tilespmem:v12+s17+$0x0] =	vst.idx.msk $0xffff, v10;
	v0 =	vld.idx.msk [tilespmem:v6+s15+$0x0], $0xffff  }
0x4b0: {  	[tilespmem:v16+s17+$0x0] =	vst.idx.msk $0xffff, v15;
	v10 =	vld.idx.msk [tilespmem:v14+s15+$0x0], $0xffff  }
0x4b1: {  	v4 =	vor.u32 s26, v19;
	v6 =	vor.u32 v1, v52;
	v15 =	vld.idx.msk [tilespmem:v17+s15+$0x0], $0xffff  }
0x4b2: {  	v14 =	vor.u32 v1, v27;
	v17 =	vor.u32 v1, v23;
	v56 =	vor.u32 v1, v21;
	v1 =	vld [tilespmem:$0x1FDD0];
	_ =	sdelay $0x1  }
0x4b3: {  	v18 =	vld.idx.msk [tilespmem:v39+s15+$0x0], $0xffff  }
0x4b4: {  	v40 =	vor.u32 v5, v21;
	_ =	sdelay $0x1  }
0x4b5: {  	v12 =	vor.u32 s25, v19;
	[tilespmem:v4+s17+$0x0] =	vst.idx.msk $0xffff, v0;
	v4 =	vor.u32 s26, v1;
	v1 =	vld [tilespmem:$0x1FDD0];
	_ =	sdelay $0x1  }
0x4b6: {  	[tilespmem:v25+s17+$0x0] =	vst.idx.msk $0xffff, v18  }
0x4b7: {  	v25 =	vor.u32 s31, v13;
	v18 =	vld.idx.msk [tilespmem:v40+s15+$0x0], $0xffff;
	_ =	sdelay $0x1  }
0x4b8: {  	v16 =	vor.u32 s30, v19;
	[tilespmem:v12+s17+$0x0] =	vst.idx.msk $0xffff, v10;
	v12 =	vor.u32 s25, v1;
	v1 =	vld [tilespmem:$0x1FDD0];
	_ =	sdelay $0x2  }
0x4b9: {  	v5 =	vld [tilespmem:$0x1FAA0];
	[tilespmem:v25+s17+$0x0] =	vst.idx.msk $0xffff, v18  }
0x4ba: {  	v18 =	vld.idx.msk [tilespmem:v47+s15+$0x0], $0xffff  }
0x4bb: {  	v25 =	vor.u32 s31, v19;
	[tilespmem:v16+s17+$0x0] =	vst.idx.msk $0xffff, v15;
	v16 =	vor.u32 s30, v1;
	v1 =	vld [tilespmem:$0x1FDD0];
	_ =	sdelay $0x1  }
0x4bc: {  	v0 =	vld.idx.msk [tilespmem:v6+s15+$0x0], $0xffff  }
0x4bd: {  	v10 =	vld.idx.msk [tilespmem:v14+s15+$0x0], $0xffff  }
0x4be: {  	v6 =	vor.u32 v5, v52;
	v15 =	vld.idx.msk [tilespmem:v17+s15+$0x0], $0xffff  }
0x4bf: {  	v14 =	vor.u32 v5, v27;
	[tilespmem:v25+s17+$0x0] =	vst.idx.msk $0xffff, v18;
	v25 =	vor.u32 s31, v1;
	v1 =	vld [tilespmem:$0x1FAB0]  }
0x4c0: {  	v17 =	vor.u32 v5, v23;
	_ =	sdelay $0x1  }
0x4c1: {  	[tilespmem:v4+s17+$0x0] =	vst.idx.msk $0xffff, v0  }
0x4c2: {  	v4 =	vor.u32 s26, v3;
	v0 =	vld.idx.msk [tilespmem:v6+s15+$0x0], $0xffff;
	[tilespmem:v12+s17+$0x0] =	vst.idx.msk $0xffff, v10  }
0x4c3: {  	v12 =	vor.u32 s25, v3;
	v10 =	vld.idx.msk [tilespmem:v14+s15+$0x0], $0xffff;
	[tilespmem:v16+s17+$0x0] =	vst.idx.msk $0xffff, v15;
	v6 =	vor.u32 v1, v52  }
0x4c4: {  	v16 =	vor.u32 s30, v3;
	v15 =	vld.idx.msk [tilespmem:v17+s15+$0x0], $0xffff;
	v14 =	vor.u32 v1, v27  }
0x4c5: {  	v17 =	vor.u32 v1, v23;
	v59 =	vor.u32 v1, v21;
	v1 =	vld [tilespmem:$0x1FAC0];
	_ =	sdelay $0x1  }
0x4c6: {  	[tilespmem:v4+s17+$0x0] =	vst.idx.msk $0xffff, v0  }
0x4c7: {  	[tilespmem:v12+s17+$0x0] =	vst.idx.msk $0xffff, v10;
	v0 =	vld.idx.msk [tilespmem:v6+s15+$0x0], $0xffff  }
0x4c8: {  	[tilespmem:v16+s17+$0x0] =	vst.idx.msk $0xffff, v15;
	v10 =	vld.idx.msk [tilespmem:v14+s15+$0x0], $0xffff  }
0x4c9: {  	v4 =	vor.u32 s26, v24;
	v6 =	vor.u32 v1, v52;
	v15 =	vld.idx.msk [tilespmem:v17+s15+$0x0], $0xffff  }
0x4ca: {  	v14 =	vor.u32 v1, v27;
	v17 =	vor.u32 v1, v23;
	v60 =	vor.u32 v1, v21;
	v1 =	vld [tilespmem:$0x1FDF0];
	_ =	sdelay $0x1  }
0x4cb: {  	v18 =	vld.idx.msk [tilespmem:v56+s15+$0x0], $0xffff  }
0x4cc: {  	v58 =	vor.u32 v5, v21;
	_ =	sdelay $0x1  }
0x4cd: {  	v12 =	vor.u32 s25, v24;
	[tilespmem:v4+s17+$0x0] =	vst.idx.msk $0xffff, v0;
	v4 =	vor.u32 s26, v1;
	v1 =	vld [tilespmem:$0x1FDF0];
	_ =	sdelay $0x1  }
0x4ce: {  	[tilespmem:v25+s17+$0x0] =	vst.idx.msk $0xffff, v18  }
0x4cf: {  	v25 =	vor.u32 s31, v3;
	v18 =	vld.idx.msk [tilespmem:v58+s15+$0x0], $0xffff  }
0x4d0: {  	v5 =	vld [tilespmem:$0x1FAD0]  }
0x4d1: {  	v16 =	vor.u32 s30, v24;
	[tilespmem:v12+s17+$0x0] =	vst.idx.msk $0xffff, v10;
	v12 =	vor.u32 s25, v1;
	v1 =	vld [tilespmem:$0x1FDF0];
	_ =	sdelay $0x2  }
0x4d2: {  	[tilespmem:v25+s17+$0x0] =	vst.idx.msk $0xffff, v18;
	v10 =	vld.idx.msk [tilespmem:v14+s15+$0x0], $0xffff  }
0x4d3: {  	v18 =	vld.idx.msk [tilespmem:v59+s15+$0x0], $0xffff;
	v14 =	vor.u32 v5, v27  }
0x4d4: {  	v25 =	vor.u32 s31, v24;
	[tilespmem:v16+s17+$0x0] =	vst.idx.msk $0xffff, v15;
	v16 =	vor.u32 s30, v1;
	v1 =	vld [tilespmem:$0x1FDF0]  }
0x4d5: {  	v0 =	vld.idx.msk [tilespmem:v6+s15+$0x0], $0xffff  }
0x4d6: {  	v6 =	vor.u32 v5, v52  }
0x4d7: {  	v15 =	vld.idx.msk [tilespmem:v17+s15+$0x0], $0xffff;
	[tilespmem:v12+s17+$0x0] =	vst.idx.msk $0xffff, v10  }
0x4d8: {  	v17 =	vor.u32 v5, v23;
	v10 =	vld.idx.msk [tilespmem:v14+s15+$0x0], $0xffff  }
0x4d9: {  	[tilespmem:v25+s17+$0x0] =	vst.idx.msk $0xffff, v18;
	v12 =	vor.u32 s25, v36;
	v25 =	vor.u32 s31, v1;
	v1 =	vld [tilespmem:$0x1FE30]  }
0x4da: {  	[tilespmem:v4+s17+$0x0] =	vst.idx.msk $0xffff, v0  }
0x4db: {  	v4 =	vor.u32 s26, v36;
	v0 =	vld.idx.msk [tilespmem:v6+s15+$0x0], $0xffff  }
0x4dc: {  	v18 =	vld.idx.msk [tilespmem:v60+s15+$0x0], $0xffff;
	[tilespmem:v16+s17+$0x0] =	vst.idx.msk $0xffff, v15  }
0x4dd: {  	v61 =	vor.u32 v5, v21;
	v15 =	vld.idx.msk [tilespmem:v17+s15+$0x0], $0xffff  }
0x4de: {  	v16 =	vor.u32 s30, v36;
	[tilespmem:v12+s17+$0x0] =	vst.idx.msk $0xffff, v10;
	v12 =	vor.u32 s25, v1;
	v1 =	vld [tilespmem:$0x1FE30];
	_ =	sdelay $0x1  }
0x4df: {  	[tilespmem:v4+s17+$0x0] =	vst.idx.msk $0xffff, v0  }
0x4e0: {  	v0 =	vld [tilespmem:$0x1FE30];
	[tilespmem:v25+s17+$0x0] =	vst.idx.msk $0xffff, v18  }
0x4e1: {  	v6 =	vor.u32 v50, v52;
	v18 =	vld.idx.msk [tilespmem:v61+s15+$0x0], $0xffff  }
0x4e2: {  	v25 =	vor.u32 s31, v36;
	[tilespmem:v16+s17+$0x0] =	vst.idx.msk $0xffff, v15;
	v16 =	vor.u32 s30, v1;
	v1 =	vld [tilespmem:$0x1FE30];
	_ =	sdelay $0x3  }
0x4e3: {  	v14 =	vor.u32 v50, v27;
	v4 =	vld.idx.msk [tilespmem:v6+s15+$0x0], $0xffff  }
0x4e4: {  	v0 =	vor.u32 s26, v0;
	[tilespmem:v25+s17+$0x0] =	vst.idx.msk $0xffff, v18;
	v25 =	vor.u32 s31, v1;
	v1 =	vld [tilespmem:$0x1FDA0]  }
0x4e5: {  	v31 =	vor.u32 v50, v21;
	_ =	sdelay $0x2  }
0x4e6: {  	s29 =	sor.u32 $0x3040, s24;
	v17 =	vor.u32 v50, v23;
	v10 =	vld.idx.msk [tilespmem:v14+s15+$0x0], $0xffff  }
0x4e7: {  	[tilespmem:v0+s17+$0x0] =	vst.idx.msk $0xffff, v4;
	v4 =	vor.u32 s29, v1;
	v1 =	vld [tilespmem:$0x1FDA0]  }
0x4e8: {  	v18 =	vld.idx.msk [tilespmem:v31+s15+$0x0], $0xffff  }
0x4e9: {  	v6 =	vor.u32 v45, v52;
	_ =	sdelay $0x1  }
0x4ea: {  	v14 =	vor.u32 v45, v27;
	v15 =	vld.idx.msk [tilespmem:v17+s15+$0x0], $0xffff;
	s30 =	sor.u32 $0x3050, s24  }
0x4eb: {  	v17 =	vor.u32 v45, v23;
	[tilespmem:v12+s17+$0x0] =	vst.idx.msk $0xffff, v10;
	v12 =	vor.u32 s30, v1;
	v1 =	vld [tilespmem:$0x1FDA0]  }
0x4ec: {  	v7 =	vor.u32 v45, v21;
	[tilespmem:v25+s17+$0x0] =	vst.idx.msk $0xffff, v18;
	v25 =	vld [tilespmem:$0x1FDA0]  }
0x4ed: {  	v0 =	vld.idx.msk [tilespmem:v6+s15+$0x0], $0xffff  }
0x4ee: {  	v6 =	vor.u32 v46, v52;
	v31 =	vld [tilespmem:$0x1FD60]  }
0x4ef: {  	v10 =	vld.idx.msk [tilespmem:v14+s15+$0x0], $0xffff;
	[tilespmem:v16+s17+$0x0] =	vst.idx.msk $0xffff, v15;
	s31 =	sor.u32 $0x3060, s24  }
0x4f0: {  	v14 =	vor.u32 v46, v27;
	s24 =	sor.u32 $0x3070, s24;
	v15 =	vld.idx.msk [tilespmem:v17+s15+$0x0], $0xffff;
	v16 =	vor.u32 s31, v1  }
0x4f1: {  	v17 =	vor.u32 v46, v23;
	v7 =	vld.idx.msk [tilespmem:v7+s15+$0x0], $0xffff;
	v18 =	vor.u32 s24, v25  }
0x4f2: {  	v5 =	vor.u32 v46, v21;
	[tilespmem:v4+s17+$0x0] =	vst.idx.msk $0xffff, v0  }
0x4f3: {  	v4 =	vor.u32 s29, v31;
	v0 =	vld.idx.msk [tilespmem:v6+s15+$0x0], $0xffff  }
0x4f4: {  	v32 =	vld [tilespmem:$0x1FD70];
	v6 =	vor.u32 v44, v52;
	[tilespmem:v12+s17+$0x0] =	vst.idx.msk $0xffff, v10  }
0x4f5: {  	v12 =	vor.u32 s30, v31;
	v10 =	vld.idx.msk [tilespmem:v14+s15+$0x0], $0xffff;
	[tilespmem:v16+s17+$0x0] =	vst.idx.msk $0xffff, v15  }
0x4f6: {  	[tilespmem:v18+s17+$0x0] =	vst.idx.msk $0xffff, v7;
	v14 =	vor.u32 v44, v27;
	v16 =	vor.u32 s31, v31;
	v15 =	vld.idx.msk [tilespmem:v17+s15+$0x0], $0xffff  }
0x4f7: {  	v7 =	vor.u32 v44, v23;
	v5 =	vld.idx.msk [tilespmem:v5+s15+$0x0], $0xffff;
	v17 =	vor.u32 s24, v31  }
0x4f8: {  	v9 =	vor.u32 v44, v21;
	[tilespmem:v4+s17+$0x0] =	vst.idx.msk $0xffff, v0  }
0x4f9: {  	v4 =	vor.u32 s29, v32;
	v0 =	vld.idx.msk [tilespmem:v6+s15+$0x0], $0xffff  }
0x4fa: {  	v6 =	vor.u32 v43, v52;
	[tilespmem:v12+s17+$0x0] =	vst.idx.msk $0xffff, v10  }
0x4fb: {  	v12 =	vor.u32 s30, v32;
	v10 =	vld.idx.msk [tilespmem:v14+s15+$0x0], $0xffff;
	[tilespmem:v16+s17+$0x0] =	vst.idx.msk $0xffff, v15  }
0x4fc: {  	v14 =	vor.u32 v43, v27;
	v15 =	vor.u32 s31, v32;
	[tilespmem:v17+s17+$0x0] =	vst.idx.msk $0xffff, v5;
	v7 =	vld.idx.msk [tilespmem:v7+s15+$0x0], $0xffff  }
0x4fd: {  	v5 =	vor.u32 v43, v23;
	v16 =	vor.u32 s24, v32;
	v9 =	vld.idx.msk [tilespmem:v9+s15+$0x0], $0xffff  }
0x4fe: {  	v11 =	vor.u32 v43, v21;
	v34 =	vld [tilespmem:$0x1FE10];
	[tilespmem:v4+s17+$0x0] =	vst.idx.msk $0xffff, v0  }
0x4ff: {  	v4 =	vor.u32 s29, v26;
	v0 =	vld.idx.msk [tilespmem:v6+s15+$0x0], $0xffff  }
0x500: {  	v54 =	vld [tilespmem:$0x1FED0];
	v6 =	vor.u32 v42, v52;
	[tilespmem:v12+s17+$0x0] =	vst.idx.msk $0xffff, v10  }
0x501: {  	v12 =	vor.u32 s30, v26;
	v10 =	vld.idx.msk [tilespmem:v14+s15+$0x0], $0xffff;
	[tilespmem:v15+s17+$0x0] =	vst.idx.msk $0xffff, v7  }
0x502: {  	v14 =	vor.u32 s31, v26;
	v7 =	vor.u32 v42, v27;
	[tilespmem:v16+s17+$0x0] =	vst.idx.msk $0xffff, v9;
	v5 =	vld.idx.msk [tilespmem:v5+s15+$0x0], $0xffff  }
0x503: {  	v9 =	vor.u32 v42, v23;
	v15 =	vor.u32 s24, v26;
	v11 =	vld.idx.msk [tilespmem:v11+s15+$0x0], $0xffff  }
0x504: {  	v55 =	vld [tilespmem:$0x1FF00];
	v1 =	vmov v13;
	v13 =	vor.u32 v42, v21;
	[tilespmem:v4+s17+$0x0] =	vst.idx.msk $0xffff, v0  }
0x505: {  	v4 =	vor.u32 s29, v28;
	v0 =	vld.idx.msk [tilespmem:v6+s15+$0x0], $0xffff  }
0x506: {  	v37 =	vld [tilespmem:$0x1FEE0];
	v6 =	vor.u32 v62, v52;
	[tilespmem:v12+s17+$0x0] =	vst.idx.msk $0xffff, v10  }
0x507: {  	v10 =	vor.u32 s30, v28;
	v7 =	vld.idx.msk [tilespmem:v7+s15+$0x0], $0xffff;
	[tilespmem:v14+s17+$0x0] =	vst.idx.msk $0xffff, v5  }
0x508: {  	v12 =	vor.u32 s31, v28;
	v5 =	vor.u32 v62, v27;
	[tilespmem:v15+s17+$0x0] =	vst.idx.msk $0xffff, v11;
	v9 =	vld.idx.msk [tilespmem:v9+s15+$0x0], $0xffff  }
0x509: {  	v11 =	vor.u32 v62, v23;
	v14 =	vor.u32 s24, v28;
	v13 =	vld.idx.msk [tilespmem:v13+s15+$0x0], $0xffff  }
0x50a: {  	v38 =	vld [tilespmem:$0x1FF30];
	[tilespmem:v4+s17+$0x0] =	vst.idx.msk $0xffff, v0;
	v15 =	vor.u32 v62, v21  }
0x50b: {  	v4 =	vor.u32 s29, v30;
	v0 =	vld.idx.msk [tilespmem:v6+s15+$0x0], $0xffff  }
0x50c: {  	v39 =	vld [tilespmem:$0x1FEB0];
	v6 =	vor.u32 v53, v52;
	[tilespmem:v10+s17+$0x0] =	vst.idx.msk $0xffff, v7  }
0x50d: {  	v7 =	vor.u32 s30, v30;
	v5 =	vld.idx.msk [tilespmem:v5+s15+$0x0], $0xffff;
	[tilespmem:v12+s17+$0x0] =	vst.idx.msk $0xffff, v9  }
0x50e: {  	v9 =	vor.u32 v53, v27;
	[tilespmem:v14+s17+$0x0] =	vst.idx.msk $0xffff, v13;
	v10 =	vld.idx.msk [tilespmem:v11+s15+$0x0], $0xffff;
	v11 =	vor.u32 s31, v30  }
0x50f: {  	v12 =	vor.u32 v53, v23;
	v14 =	vor.u32 s24, v30;
	v13 =	vld.idx.msk [tilespmem:v15+s15+$0x0], $0xffff  }
0x510: {  	v33 =	vmov v22;
	v47 =	vld [tilespmem:$0x1FE80];
	[tilespmem:v4+s17+$0x0] =	vst.idx.msk $0xffff, v0;
	v15 =	vor.u32 v53, v21  }
0x511: {  	v4 =	vor.u32 s29, v33;
	v0 =	vld.idx.msk [tilespmem:v6+s15+$0x0], $0xffff  }
0x512: {  	v56 =	vld [tilespmem:$0x1FF90];
	[tilespmem:v7+s17+$0x0] =	vst.idx.msk $0xffff, v5;
	v5 =	vor.u32 v41, v52  }
0x513: {  	v7 =	vor.u32 s30, v33;
	v6 =	vld.idx.msk [tilespmem:v9+s15+$0x0], $0xffff;
	[tilespmem:v11+s17+$0x0] =	vst.idx.msk $0xffff, v10  }
0x514: {  	v9 =	vor.u32 v41, v27;
	v11 =	vor.u32 s31, v33;
	[tilespmem:v14+s17+$0x0] =	vst.idx.msk $0xffff, v13;
	v10 =	vld.idx.msk [tilespmem:v12+s15+$0x0], $0xffff  }
0x515: {  	v14 =	vor.u32 s24, v33;
	v12 =	vor.u32 v41, v23;
	v13 =	vld.idx.msk [tilespmem:v15+s15+$0x0], $0xffff  }
0x516: {  	v58 =	vld [tilespmem:$0x1FEC0];
	[tilespmem:v4+s17+$0x0] =	vst.idx.msk $0xffff, v0;
	v15 =	vor.u32 v41, v21  }
0x517: {  	v4 =	vor.u32 s29, v34;
	v0 =	vld.idx.msk [tilespmem:v5+s15+$0x0], $0xffff  }
0x518: {  	v22 =	vmov v24;
	v24 =	vld [tilespmem:$0x1FFB0];
	v5 =	vor.u32 v35, v52;
	[tilespmem:v7+s17+$0x0] =	vst.idx.msk $0xffff, v6  }
0x519: {  	v7 =	vor.u32 s30, v34;
	v6 =	vld.idx.msk [tilespmem:v9+s15+$0x0], $0xffff;
	[tilespmem:v11+s17+$0x0] =	vst.idx.msk $0xffff, v10  }
0x51a: {  	v9 =	vor.u32 v35, v27;
	v11 =	vor.u32 s31, v34;
	[tilespmem:v14+s17+$0x0] =	vst.idx.msk $0xffff, v13;
	v10 =	vld.idx.msk [tilespmem:v12+s15+$0x0], $0xffff  }
0x51b: {  	v14 =	vor.u32 s24, v34;
	v12 =	vor.u32 v35, v23;
	v13 =	vld.idx.msk [tilespmem:v15+s15+$0x0], $0xffff  }
0x51c: {  	v8 =	vor.u32 v35, v21;
	v59 =	vld [tilespmem:$0x1FEF0];
	[tilespmem:v4+s17+$0x0] =	vst.idx.msk $0xffff, v0  }
0x51d: {  	v4 =	vor.u32 s29, v1;
	v0 =	vld.idx.msk [tilespmem:v5+s15+$0x0], $0xffff  }
0x51e: {  	v60 =	vld [tilespmem:$0x1FE50];
	v5 =	vor.u32 v29, v52;
	[tilespmem:v7+s17+$0x0] =	vst.idx.msk $0xffff, v6  }
0x51f: {  	v7 =	vor.u32 s30, v1;
	v6 =	vld.idx.msk [tilespmem:v9+s15+$0x0], $0xffff;
	[tilespmem:v11+s17+$0x0] =	vst.idx.msk $0xffff, v10  }
0x520: {  	v9 =	vor.u32 v29, v27;
	v11 =	vor.u32 s31, v1;
	[tilespmem:v14+s17+$0x0] =	vst.idx.msk $0xffff, v13;
	v10 =	vld.idx.msk [tilespmem:v12+s15+$0x0], $0xffff  }
0x521: {  	v13 =	vor.u32 s24, v1;
	v12 =	vor.u32 v29, v23;
	v8 =	vld.idx.msk [tilespmem:v8+s15+$0x0], $0xffff  }
0x522: {  	v50 =	vld [tilespmem:$0x1FF80];
	v14 =	vor.u32 v29, v21;
	[tilespmem:v4+s17+$0x0] =	vst.idx.msk $0xffff, v0  }
0x523: {  	v4 =	vor.u32 s29, v19;
	v0 =	vld.idx.msk [tilespmem:v5+s15+$0x0], $0xffff  }
0x524: {  	v17 =	vld [tilespmem:$0x1FDD0];
	v5 =	vor.u32 v2, v52;
	[tilespmem:v7+s17+$0x0] =	vst.idx.msk $0xffff, v6  }
0x525: {  	v16 =	vmov v1;
	v7 =	vor.u32 s30, v19;
	v6 =	vld.idx.msk [tilespmem:v9+s15+$0x0], $0xffff;
	[tilespmem:v11+s17+$0x0] =	vst.idx.msk $0xffff, v10  }
0x526: {  	v1 =	vmov v19;
	v9 =	vor.u32 v2, v27;
	v11 =	vor.u32 s31, v19;
	[tilespmem:v13+s17+$0x0] =	vst.idx.msk $0xffff, v8;
	v10 =	vld.idx.msk [tilespmem:v12+s15+$0x0], $0xffff  }
0x527: {  	v8 =	vor.u32 v2, v23;
	v13 =	vor.u32 s24, v1;
	v12 =	vld.idx.msk [tilespmem:v14+s15+$0x0], $0xffff  }
0x528: {  	v20 =	vmov v36;
	v36 =	vld [tilespmem:$0x1FE60];
	v2 =	vor.u32 v2, v21;
	[tilespmem:v4+s17+$0x0] =	vst.idx.msk $0xffff, v0  }
0x529: {  	v4 =	vor.u32 s29, v17;
	v0 =	vld.idx.msk [tilespmem:v5+s15+$0x0], $0xffff  }
0x52a: {  	v61 =	vld [tilespmem:$0x1FE90];
	v5 =	vor.u32 v48, v52;
	[tilespmem:v7+s17+$0x0] =	vst.idx.msk $0xffff, v6  }
0x52b: {  	v7 =	vor.u32 s30, v17;
	v6 =	vld.idx.msk [tilespmem:v9+s15+$0x0], $0xffff;
	[tilespmem:v11+s17+$0x0] =	vst.idx.msk $0xffff, v10  }
0x52c: {  	v9 =	vor.u32 v48, v27;
	v10 =	vor.u32 s31, v17;
	[tilespmem:v13+s17+$0x0] =	vst.idx.msk $0xffff, v12;
	v8 =	vld.idx.msk [tilespmem:v8+s15+$0x0], $0xffff  }
0x52d: {  	v11 =	vor.u32 v48, v23;
	v12 =	vor.u32 s24, v17;
	v2 =	vld.idx.msk [tilespmem:v2+s15+$0x0], $0xffff  }
0x52e: {  	v45 =	vld [tilespmem:$0x1FEA0];
	v13 =	vor.u32 v48, v21;
	[tilespmem:v4+s17+$0x0] =	vst.idx.msk $0xffff, v0  }
0x52f: {  	v4 =	vor.u32 s29, v3;
	v0 =	vld.idx.msk [tilespmem:v5+s15+$0x0], $0xffff  }
0x530: {  	v43 =	vld [tilespmem:$0x1FE70];
	v5 =	vor.u32 v49, v52;
	[tilespmem:v7+s17+$0x0] =	vst.idx.msk $0xffff, v6  }
0x531: {  	v6 =	vld.idx.msk [tilespmem:v9+s15+$0x0], $0xffff;
	[tilespmem:v10+s17+$0x0] =	vst.idx.msk $0xffff, v8  }
0x532: {  	v7 =	vor.u32 s30, v3;
	[tilespmem:v12+s17+$0x0] =	vst.idx.msk $0xffff, v2;
	v9 =	vld.idx.msk [tilespmem:v11+s15+$0x0], $0xffff  }
0x533: {  	v8 =	vor.u32 v49, v27;
	v12 =	vor.u32 s24, v3;
	v11 =	vld.idx.msk [tilespmem:v13+s15+$0x0], $0xffff  }
0x534: {  	v18 =	vmov v1;
	v1 =	vld [tilespmem:$0x1FDF0];
	v13 =	vor.u32 v49, v21;
	[tilespmem:v4+s17+$0x0] =	vst.idx.msk $0xffff, v0  }
0x535: {  	v4 =	vor.u32 s29, v22;
	v0 =	vld.idx.msk [tilespmem:v5+s15+$0x0], $0xffff  }
0x536: {  	v62 =	vld [tilespmem:$0x1FF60]  }
0x537: {  	v15 =	vld [tilespmem:$0x1FE30];
	v10 =	vor.u32 s31, v3;
	[tilespmem:v7+s17+$0x0] =	vst.idx.msk $0xffff, v6  }
0x538: {  	v2 =	vor.u32 v49, v23;
	v6 =	vld.idx.msk [tilespmem:v8+s15+$0x0], $0xffff;
	[tilespmem:v12+s17+$0x0] =	vst.idx.msk $0xffff, v11  }
0x539: {  	v5 =	vor.u32 v51, v52;
	v7 =	vor.u32 s30, v22;
	v11 =	vld.idx.msk [tilespmem:v13+s15+$0x0], $0xffff  }
0x53a: {  	v12 =	vor.u32 s24, v22;
	[tilespmem:v4+s17+$0x0] =	vst.idx.msk $0xffff, v0;
	v4 =	vor.u32 s29, v1;
	v1 =	vld [tilespmem:$0x1FDF0]  }
0x53b: {  	v29 =	vld [tilespmem:$0x1FFC0];
	v13 =	vor.u32 v51, v21  }
0x53c: {  	v19 =	vld [tilespmem:$0x1FFA0];
	[tilespmem:v10+s17+$0x0] =	vst.idx.msk $0xffff, v9  }
0x53d: {  	v8 =	vor.u32 v51, v27;
	v2 =	vld.idx.msk [tilespmem:v2+s15+$0x0], $0xffff  }
0x53e: {  	v9 =	vor.u32 s31, v22;
	v0 =	vld.idx.msk [tilespmem:v5+s15+$0x0], $0xffff;
	[tilespmem:v7+s17+$0x0] =	vst.idx.msk $0xffff, v6  }
0x53f: {  	v10 =	vor.u32 v51, v23;
	[tilespmem:v12+s17+$0x0] =	vst.idx.msk $0xffff, v11;
	v7 =	vor.u32 s30, v1;
	v1 =	vld [tilespmem:$0x1FDF0]  }
0x540: {  	v11 =	vld.idx.msk [tilespmem:v13+s15+$0x0], $0xffff  }
0x541: {  	v13 =	vld [tilespmem:$0x1FDF0]  }
0x542: {  	v5 =	vor.u32 v63, v52;
	v6 =	vld.idx.msk [tilespmem:v8+s15+$0x0], $0xffff  }
0x543: {  	v48 =	vld [tilespmem:$0x1FF10];
	[tilespmem:v9+s17+$0x0] =	vst.idx.msk $0xffff, v2;
	v2 =	vor.u32 v63, v27  }
0x544: {  	v8 =	vld.idx.msk [tilespmem:v10+s15+$0x0], $0xffff;
	v9 =	vor.u32 s31, v1  }
0x545: {  	v49 =	vld [tilespmem:$0x1FF20];
	v10 =	vor.u32 v63, v23  }
0x546: {  	v51 =	vld [tilespmem:$0x1FF40];
	[tilespmem:v4+s17+$0x0] =	vst.idx.msk $0xffff, v0;
	v12 =	vor.u32 s24, v13  }
0x547: {  	v14 =	vmov v3;
	v3 =	vor.u32 v63, v21;
	v4 =	vor.u32 s29, v20;
	v0 =	vld.idx.msk [tilespmem:v5+s15+$0x0], $0xffff;
	[tilespmem:v7+s17+$0x0] =	vst.idx.msk $0xffff, v6  }
0x548: {  	v5 =	vor.u32 v57, v52;
	v6 =	vor.u32 s30, v20;
	v2 =	vld.idx.msk [tilespmem:v2+s15+$0x0], $0xffff  }
0x549: {  	v52 =	vld [tilespmem:$0x1FF50];
	v7 =	vor.u32 v57, v27;
	v1 =	vmov v20;
	[tilespmem:v9+s17+$0x0] =	vst.idx.msk $0xffff, v8  }
0x54a: {  	v9 =	vor.u32 s31, v1;
	v8 =	vld.idx.msk [tilespmem:v10+s15+$0x0], $0xffff  }
0x54b: {  	v20 =	vld [tilespmem:$0x1FE40];
	[tilespmem:v12+s17+$0x0] =	vst.idx.msk $0xffff, v11  }
0x54c: {  	[tilespmem:v4+s17+$0x0] =	vst.idx.msk $0xffff, v0;
	v11 =	vor.u32 s24, v1;
	v10 =	vor.u32 v57, v23;
	v3 =	vld.idx.msk [tilespmem:v3+s15+$0x0], $0xffff  }
0x54d: {  	v12 =	vmov v1;
	v1 =	vor.u32 v57, v21;
	[tilespmem:v6+s17+$0x0] =	vst.idx.msk $0xffff, v2;
	v2 =	vld.idx.msk [tilespmem:v5+s15+$0x0], $0xffff  }
0x54e: {  	v4 =	vld.idx.msk [tilespmem:v7+s15+$0x0], $0xffff  }
0x54f: {  	v0 =	vor.u32 s29, v15;
	[tilespmem:v9+s17+$0x0] =	vst.idx.msk $0xffff, v8;
	v9 =	vld [tilespmem:$0x1FDC0]  }
0x550: {  	v5 =	vor.u32 s30, v15;
	v8 =	vld [tilespmem:$0x1FD90]  }
0x551: {  	[tilespmem:v11+s17+$0x0] =	vst.idx.msk $0xffff, v3;
	v3 =	vor.u32 s31, v15;
	v6 =	vld.idx.msk [tilespmem:v10+s15+$0x0], $0xffff  }
0x552: {  	p1 =	por p0, p0;
	v7 =	vor.u32 s24, v15;
	v1 =	vld.idx.msk [tilespmem:v1+s15+$0x0], $0xffff  }
.Ltmp0:
0x553: {  	v11 =	vld [tilespmem:$0x1FE20];
	(pc) =	sbr.rel @p1 .LBB2_3-.Ltmp0, $4  }
0x554: {  	[tilespmem:v0+s17+$0x0] =	vst.idx.msk $0xffff, v2;
	v2 =	vld [tilespmem:$0x1FD80]  }
0x555: {  	v10 =	vld [tilespmem:$0x1FDB0];
	[tilespmem:v5+s17+$0x0] =	vst.idx.msk $0xffff, v4  }
0x556: {  	v5 =	vld [tilespmem:$0x1FE00];
	[tilespmem:v3+s17+$0x0] =	vst.idx.msk $0xffff, v6  }
0x557: {  	p0 =	por $0x0, $0x0;
	s24 =	simm.s32 $0x8;
	[tilespmem:v7+s17+$0x0] =	vst.idx.msk $0xffff, v1;
	v1 =	vlaneseq.u32;
	v7 =	vld [tilespmem:$0x1FDE0]  }
0x558: {  	s24 =	sshll.u32 s21, $0x1  }
0x559: {  	s24 =	sadd.s32 s5, s24  }
0x55a: {  	s25 =	sshll.u32 s24, $0xA;
	s24 =	sshll.u32 s24, $0x7  }
0x55b: {  	s25 =	sand.u32 $0xFFF8000, s25;
	s24 =	sand.u32 $0xF00, s24  }
0x55c: {  	s24 =	sor.u32 s24, s25  }
0x55d: {  	s22 =	sadd.s32 $0x1, s22;
	s26 =	sadd.s32 $0x15E00, s23;
	s25 =	sadd.s32 s2, s24  }
0x55e: {  	[hbm4b:s25+s3] =	stream.linear.scatter [tilespmem:s26], [sflag:s22], $0x800, $0x38;
	[tilespmem:$0x1DE00] =	vst v63  }
0x55f: {  	s29 =	sadd.s32 $0x16600, s23;
	s28 =	sadd.s32 s24, s7  }
0x560: {  	[hbm4b:s28+s3] =	stream.linear.scatter [tilespmem:s29], [sflag:s22], $0x800, $0x38;
	[tilespmem:$0x1DE00] =	vst v63  }
0x561: {  	s31 =	sadd.s32 $0x16E00, s23;
	s30 =	sadd.s32 s24, s8  }
0x562: {  	[hbm4b:s30+s3] =	stream.linear.scatter [tilespmem:s31], [sflag:s22], $0x800, $0x38;
	[tilespmem:$0x1DE00] =	vst v63  }
0x563: {  	s28 =	sadd.s32 s24, s9;
	s29 =	sadd.s32 $0x17600, s23  }
0x564: {  	[hbm4b:s28+s3] =	stream.linear.scatter [tilespmem:s29], [sflag:s22], $0x800, $0x38;
	[tilespmem:$0x1DE00] =	vst v63  }
0x565: {  	s21 =	sadd.s32 $0x1, s21;
	s30 =	sadd.s32 s24, s10;
	s31 =	sadd.s32 $0x17E00, s23  }
0x566: {  	[hbm4b:s30+s3] =	stream.linear.scatter [tilespmem:s31], [sflag:s22], $0x800, $0x38;
	[tilespmem:$0x1DE00] =	vst v63  }
0x567: {  	p0 =	sne.s32 s21, $0x64;
	s26 =	sadd.s32 s24, s11;
	s28 =	sadd.s32 $0x18600, s23  }
0x568: {  	[hbm4b:s26+s3] =	stream.linear.scatter [tilespmem:s28], [sflag:s22], $0x800, $0x38;
	[tilespmem:$0x1DE00] =	vst v63  }
.Ltmp1:
0x569: {  	_ = 	snop;
	(pc) =	sbr.rel @p0 .LBB2_2-.Ltmp1, $4  }
0x56a: {  	s29 =	sadd.s32 s24, s12;
	s30 =	sadd.s32 $0x18E00, s23  }
0x56b: {  	[hbm4b:s29+s3] =	stream.linear.scatter [tilespmem:s30], [sflag:s22], $0x800, $0x38;
	[tilespmem:$0x1DE00] =	vst v63  }
0x56c: {  	s24 =	sadd.s32 s24, s13;
	s31 =	sadd.s32 $0x19600, s23  }
0x56d: {  	[hbm4b:s24+s3] =	stream.linear.scatter [tilespmem:s31], [sflag:s22], $0x800, $0x38;
	[tilespmem:$0x1DE00] =	vst v63  }
0x56e: {  	_ =	swait.ge [sflag:s18], $0x800  }
0x56f: {  	[sflag:s18] =	ssyncset.done $0x0  }
0x570: {  	[sflag:s18] =	ssyncadd.s32 $0xFFFFF800  }
0x571: {  	_ =	swait.ge [sflag:s18], $0x800  }
0x572: {  	[sflag:s18] =	ssyncset.done $0x0  }
0x573: {  	[sflag:s18] =	ssyncadd.s32 $0xFFFFF800  }
0x574: {  	_ =	swait.ge [sflag:s18], $0x800  }
0x575: {  	[sflag:s18] =	ssyncset.done $0x0  }
0x576: {  	[sflag:s18] =	ssyncadd.s32 $0xFFFFF800  }
0x577: {  	_ =	swait.ge [sflag:s18], $0x800  }
0x578: {  	[sflag:s18] =	ssyncset.done $0x0  }
0x579: {  	[sflag:s18] =	ssyncadd.s32 $0xFFFFF800  }
0x57a: {  	_ =	swait.ge [sflag:s18], $0x800  }
0x57b: {  	[sflag:s18] =	ssyncset.done $0x0  }
0x57c: {  	[sflag:s18] =	ssyncadd.s32 $0xFFFFF800  }
0x57d: {  	_ =	swait.ge [sflag:s18], $0x800  }
0x57e: {  	[sflag:s18] =	ssyncset.done $0x0  }
0x57f: {  	[sflag:s18] =	ssyncadd.s32 $0xFFFFF800  }
0x580: {  	_ =	swait.ge [sflag:s18], $0x800  }
0x581: {  	[sflag:s18] =	ssyncset.done $0x0  }
0x582: {  	[sflag:s18] =	ssyncadd.s32 $0xFFFFF800  }
0x583: {  	_ =	swait.ge [sflag:s18], $0x800  }
0x584: {  	[sflag:s18] =	ssyncset.done $0x0  }
0x585: {  	[sflag:s18] =	ssyncadd.s32 $0xFFFFF800  }
0x586: {  	_ =	swait.ge [sflag:s19], $0x800  }
0x587: {  	[sflag:s19] =	ssyncset.done $0x0  }
0x588: {  	[sflag:s19] =	ssyncadd.s32 $0xFFFFF800  }
0x589: {  	_ =	swait.ge [sflag:s19], $0x800  }
0x58a: {  	[sflag:s19] =	ssyncset.done $0x0  }
0x58b: {  	[sflag:s19] =	ssyncadd.s32 $0xFFFFF800  }
0x58c: {  	_ =	swait.ge [sflag:s19], $0x800  }
0x58d: {  	[sflag:s19] =	ssyncset.done $0x0  }
0x58e: {  	[sflag:s19] =	ssyncadd.s32 $0xFFFFF800  }
0x58f: {  	_ =	swait.ge [sflag:s19], $0x800  }
0x590: {  	[sflag:s19] =	ssyncset.done $0x0  }
0x591: {  	[sflag:s19] =	ssyncadd.s32 $0xFFFFF800  }
0x592: {  	_ =	swait.ge [sflag:s19], $0x800  }
0x593: {  	[sflag:s19] =	ssyncset.done $0x0  }
0x594: {  	[sflag:s19] =	ssyncadd.s32 $0xFFFFF800  }
0x595: {  	_ =	swait.ge [sflag:s19], $0x800  }
0x596: {  	[sflag:s19] =	ssyncset.done $0x0  }
0x597: {  	s20 =	sadd.s32 $0x1, s20;
	[sflag:s19] =	ssyncadd.s32 $0xFFFFF800  }
0x598: {  	p0 =	sne.s32 s20, s14;
	_ =	swait.ge [sflag:s19], $0x800  }
.Ltmp2:
0x599: {  	[sflag:s19] =	ssyncset.done $0x0;
	(pc) =	sbr.rel @p0 .LBB2_1-.Ltmp2, $4  }
0x59a: {  	[sflag:s19] =	ssyncadd.s32 $0xFFFFF800  }
0x59b: {  	_ =	swait.ge [sflag:s19], $0x800  }
0x59c: {  	[sflag:s19] =	ssyncset.done $0x0  }
0x59d: {  	[sflag:s19] =	ssyncadd.s32 $0xFFFFF800  }
0x59e: {  	_ =	sfence.sel $0x180000  }
0x59f: {  	[bflag:$0x0] =	sbarrier.arrive $0xFFFF  }
0x5a0: {  	p0 =	sne.s32 s0, $0x0;
	_ =	strace $0x90000047  }
0x5a1: {  	s0 =	sadd.s32 @!p0 $0x100000, s1;
	[bflag:$0x2] =	sbarrier.arrive $0xFFFF  }
0x5a2: {  	[sflag:s0] =	ssyncadd.tile.s32 @!p0 $0x1;
	_ =	shalt  }
.Lfunc_end2:
_tile_overlayer_lowered:
.L_overlay_start_2:
0x5a3: {  	(tag) =	ssettag $0x2  }
0x5a4: {  	s0 =	rddreg [dreg:$0x0];
	s2 =	stileid.u32  }
0x5a5: {  	s1 =	rddreg [dreg:$0x1];
	p0 =	sne.s32 s2, $0x0  }
0x5a6: {  	s3 =	rddreg [dreg:$0x2];
	[bflag:$0x3] =	sbarrier.arrive $0xFFFF;
	s2 =	simm.s32 @!p0 $0x1C03  }
0x5a7: {  	[timem:s3], [sflag:s2] =	dma.local @!p0 [hbm:s0], s1  }
0x5a8: {  	s0 =	simm.s32 @!p0 $0x3  }
0x5a9: {  	_ =	swait.ge @!p0 [sflag:s0], s1  }
0x5aa: {  	s1 =	ssub.s32 @!p0 $0x0, s1;
	[sflag:s0] =	ssyncset.done @!p0 $0x0  }
0x5ab: {  	[sflag:s0] =	ssyncadd.s32 @!p0 s1  }
0x5ac: {  	[bflag:$0x3] =	sbarrier.arrive $0xFFFF  }
0x5ad: {  	_ =	shalt  }

</sc_bundles>
